<compile_context>
chip_gen: v7x
topology: tpu7x:2x2x1
jax: 0.10.2.dev20260603
libtpu: 0.0.44.dev20260713+nightly
codegen_flags: <defaults>
</compile_context>

<pallas_src>
import functools

import jax
import jax.numpy as jnp
from jax import lax
from jax.experimental import pallas as pl
from jax.experimental.pallas import tpu as pltpu
from jax.experimental.pallas import tpu_sc as plsc

B = 64
N = 20000
NP = 20480
NCHUNK = 80
CS = 256
Q = 200
K = 256
ROWS_PER_STEP = 8
D_FEAT = 16
MODEL_DIM = 256
NUM_CLASSES = 10
INT_MIN = -(2 ** 31)


def _order_first(ka, ia, kb, ib):
    return (ka > kb) | ((ka == kb) & (ia < ib))


def _stage(key, idx, j, dm):
    s = key.shape
    if j == 128:
        sub = lax.broadcasted_iota(jnp.int32, s, 1)
        first = (sub & 1) == 0
        nsub = s[1]
        pk = jnp.where(first, pltpu.roll(key, nsub - 1, 1), pltpu.roll(key, 1, 1))
        pi = jnp.where(first, pltpu.roll(idx, nsub - 1, 1), pltpu.roll(idx, 1, 1))
    else:
        lane = lax.broadcasted_iota(jnp.int32, s, 2)
        first = (lane & j) == 0
        pk = jnp.where(first, pltpu.roll(key, 128 - j, 2), pltpu.roll(key, j, 2))
        pi = jnp.where(first, pltpu.roll(idx, 128 - j, 2), pltpu.roll(idx, j, 2))
    take_mine = _order_first(key, idx, pk, pi) == (first == dm)
    return jnp.where(take_mine, key, pk), jnp.where(take_mine, idx, pi)


def _desc_mask(shape, nlists):
    sub = lax.broadcasted_iota(jnp.int32, shape, 1)
    return sub < 2 * ((nlists + 1) // 2)


def _sort_lists(key, idx):
    s = key.shape
    nlists = s[1] // 2
    cdesc = _desc_mask(s, nlists)
    sub = lax.broadcasted_iota(jnp.int32, s, 1)
    lane = lax.broadcasted_iota(jnp.int32, s, 2)
    k = 2
    while k <= 256:
        if k == 256:
            kbit = jnp.ones(s, dtype=bool)
        elif k == 128:
            kbit = (sub & 1) == 0
        else:
            kbit = (lane & k) == 0
        dm = kbit == cdesc
        j = k // 2
        while j >= 1:
            key, idx = _stage(key, idx, j, dm)
            j //= 2
        k *= 2
    return key, idx


def _sort_lists_grp(key, idx, desc):
    s = key.shape
    cdesc = jnp.broadcast_to(desc, s)
    sub = lax.broadcasted_iota(jnp.int32, s, 1)
    lane = lax.broadcasted_iota(jnp.int32, s, 2)
    k = 2
    while k <= 256:
        if k == 256:
            kbit = jnp.ones(s, dtype=bool)
        elif k == 128:
            kbit = (sub & 1) == 0
        else:
            kbit = (lane & k) == 0
        dm = kbit == cdesc
        j = k // 2
        while j >= 1:
            key, idx = _stage(key, idx, j, dm)
            j //= 2
        k *= 2
    return key, idx


def _pad_lists(key, idx, want_sub):
    extra = want_sub - key.shape[1]
    if extra <= 0:
        return key, idx
    shp = (key.shape[0], extra, key.shape[2])
    return (jnp.concatenate([key, jnp.full(shp, INT_MIN, jnp.int32)], axis=1),
            jnp.concatenate([idx, jnp.zeros(shp, jnp.int32)], axis=1))


def _merge_level(key, idx):
    s1 = key.shape[1]
    half = s1 // 2
    ak, ai = key[:, :half], idx[:, :half]
    bk, bi = key[:, half:], idx[:, half:]
    a_wins = _order_first(ak, ai, bk, bi)
    mk = jnp.where(a_wins, ak, bk)
    mi = jnp.where(a_wins, ai, bi)
    nlists = half // 2
    dm = _desc_mask(mk.shape, nlists)
    j = 128
    while j >= 1:
        mk, mi = _stage(mk, mi, j, dm)
        j //= 2
    return mk, mi


def _topk_body(scores_ref, valid_ref, out_scores_ref, out_flat_ref):
    sc = scores_ref[...]
    v = valid_ref[...]
    y = lax.bitcast_convert_type(sc, jnp.int32)
    z = y ^ jnp.right_shift(y, 31).astype(jnp.int32) & jnp.int32(0x7FFFFFFF)
    key = jnp.where(v > 0, z, jnp.int32(INT_MIN))
    idx = (lax.broadcasted_iota(jnp.int32, key.shape, 1) * 128
           + lax.broadcasted_iota(jnp.int32, key.shape, 2))
    key, idx = _sort_lists(key, idx)
    nlists = NCHUNK
    while nlists > 1:
        if nlists % 2:
            key, idx = _pad_lists(key, idx, (nlists + 1) * 2)
            nlists += 1
        key, idx = _merge_level(key, idx)
        nlists //= 2
    kk = key[:, 0:2, :].reshape(ROWS_PER_STEP, K)
    ii = idx[:, 0:2, :].reshape(ROWS_PER_STEP, K)
    yk = kk ^ jnp.right_shift(kk, 31).astype(jnp.int32) & jnp.int32(0x7FFFFFFF)
    out_scores_ref[...] = lax.bitcast_convert_type(yk, jnp.float32)
    row = (pl.program_id(0) * ROWS_PER_STEP
           + lax.broadcasted_iota(jnp.int32, ii.shape, 0))
    out_flat_ref[...] = row * N + ii


def _topk_call(scores3, valid3):
    grid = B // ROWS_PER_STEP
    return pl.pallas_call(
        _topk_body,
        grid=(grid,),
        in_specs=[
            pl.BlockSpec((ROWS_PER_STEP, 2 * NCHUNK, 128), lambda i: (i, 0, 0)),
            pl.BlockSpec((ROWS_PER_STEP, 2 * NCHUNK, 128), lambda i: (i, 0, 0)),
        ],
        out_specs=[
            pl.BlockSpec((ROWS_PER_STEP, K), lambda i: (i, 0)),
            pl.BlockSpec((ROWS_PER_STEP, K), lambda i: (i, 0)),
        ],
        out_shape=[
            jax.ShapeDtypeStruct((B, K), jnp.float32),
            jax.ShapeDtypeStruct((B, K), jnp.int32),
        ],
    )(scores3, valid3)


_NW = 32
_BPW = (B * K) // _NW
_ICH = 128
_NCH = _BPW // _ICH


def _sc_gather_body(table_hbm, idx_hbm, out_hbm, idx_v, rows_v, sem):
    wid = lax.axis_index("s") * 2 + lax.axis_index("c")
    pltpu.sync_copy(idx_hbm.at[wid], idx_v)
    copies = [
        pltpu.async_copy(
            table_hbm.at[idx_v.at[ch]],
            rows_v.at[pl.ds(ch * _ICH, _ICH)],
            sem,
        )
        for ch in range(_NCH)
    ]
    for cp in copies:
        cp.wait()
    pltpu.sync_copy(rows_v, out_hbm.at[pl.ds(wid * _BPW, _BPW)])


def _sc_gather(table, idx3):
    mesh = plsc.VectorSubcoreMesh(core_axis_name="c", subcore_axis_name="s")
    return pl.kernel(
        _sc_gather_body,
        out_type=jax.ShapeDtypeStruct((B * K, D_FEAT), jnp.float32),
        mesh=mesh,
        compiler_params=pltpu.CompilerParams(use_tc_tiling_on_sc=False),
        scratch_types=[
            pltpu.VMEM((_NCH, _ICH), jnp.int32),
            pltpu.VMEM((_BPW, D_FEAT), jnp.float32),
            pltpu.SemaphoreType.DMA,
        ],
    )(table, idx3)


def _mlp_body(g_ref, w1t_ref, b1_ref, w2t_ref, b2_ref, q_ref, r_ref):
    g = g_ref[...].reshape(ROWS_PER_STEP * K, D_FEAT)
    boxes9 = g[:, 0:9]
    score1 = g[:, 9:10]
    label1 = g[:, 10:11]
    oh = jnp.where(
        label1.astype(jnp.int32)
        == lax.broadcasted_iota(jnp.int32, (ROWS_PER_STEP * K, NUM_CLASSES), 1),
        jnp.float32(1.0), jnp.float32(0.0))
    feat = jnp.concatenate([boxes9, score1, oh], axis=1)
    h = jnp.maximum(
        jnp.dot(feat, w1t_ref[...], preferred_element_type=jnp.float32)
        + b1_ref[...], 0.0)
    o = (jnp.dot(h, w2t_ref[...], preferred_element_type=jnp.float32)
         + b2_ref[...])
    q_ref[...] = o.reshape(ROWS_PER_STEP, K, MODEL_DIM)[:, :Q, :]
    r_ref[...] = boxes9.reshape(ROWS_PER_STEP, K, 9)[:, :Q, :3]


def _mlp_call(g3, w1t, b1r, w2t, b2r):
    grid = B // ROWS_PER_STEP
    return pl.pallas_call(
        _mlp_body,
        grid=(grid,),
        in_specs=[
            pl.BlockSpec((ROWS_PER_STEP, K, D_FEAT), lambda i: (i, 0, 0)),
            pl.BlockSpec((20, MODEL_DIM), lambda i: (0, 0)),
            pl.BlockSpec((1, MODEL_DIM), lambda i: (0, 0)),
            pl.BlockSpec((MODEL_DIM, MODEL_DIM), lambda i: (0, 0)),
            pl.BlockSpec((1, MODEL_DIM), lambda i: (0, 0)),
        ],
        out_specs=[
            pl.BlockSpec((ROWS_PER_STEP, Q, MODEL_DIM), lambda i: (i, 0, 0)),
            pl.BlockSpec((ROWS_PER_STEP, Q, 3), lambda i: (i, 0, 0)),
        ],
        out_shape=[
            jax.ShapeDtypeStruct((B, Q, MODEL_DIM), jnp.float32),
            jax.ShapeDtypeStruct((B, Q, 3), jnp.float32),
        ],
    )(g3, w1t, b1r, w2t, b2r)


def kernel(object_boxes, object_scores, object_labels, valid_mask, W1, b1, W2, b2):
    scores3 = jnp.pad(object_scores, ((0, 0), (0, NP - N))).reshape(B, 2 * NCHUNK, 128)
    valid3 = jnp.pad(valid_mask.astype(jnp.int32),
                     ((0, 0), (0, NP - N))).reshape(B, 2 * NCHUNK, 128)
    scores_k, flat_idx = _topk_call(scores3, valid3)

    table = jnp.concatenate(
        [object_boxes,
         object_scores[..., None],
         object_labels.astype(jnp.float32)[..., None],
         jnp.zeros((B, N, D_FEAT - 11), jnp.float32)],
        axis=-1).reshape(B * N, D_FEAT)
    g = _sc_gather(table, flat_idx.reshape(_NW, _NCH, _ICH))

    queries, refs = _mlp_call(
        g.reshape(B, K, D_FEAT), W1.T, b1.reshape(1, -1), W2.T, b2.reshape(1, -1))
    return (queries, refs, scores_k[:, :Q])

# --- scband reference (transcript-rebuilt; emitter-appended) ---
"""Pipeline reference for scband-teacher-seed-encoder-40699110097148 (READ-ONLY COPY).

The authoritative reference and input builder live on the scoring server;
editing this copy changes nothing except your own understanding.
"""

import jax, jax.numpy as jnp
import numpy as np

B, N = 64, 20000
Q_LIDAR = 200
NUM_CLASSES = 10
MODEL_DIM = 256
INPUT_DIM = 9 + 1 + NUM_CLASSES


def setup_inputs(seed: int = 0) -> dict:
    key = jax.random.key(seed)
    k1, k2, k3, k4, k5 = jax.random.split(key, 5)
    object_boxes = jax.random.normal(k1, (B, N, 9), dtype=jnp.float32)
    object_scores = jax.random.uniform(k2, (B, N), dtype=jnp.float32)
    object_labels = jax.random.randint(k3, (B, N), 0, NUM_CLASSES)
    valid_mask = jnp.ones((B, N), dtype=bool)
    W1 = jax.random.normal(k4, (MODEL_DIM, INPUT_DIM), dtype=jnp.float32) * 0.02
    b1 = jnp.zeros((MODEL_DIM,), dtype=jnp.float32)
    W2 = jax.random.normal(k5, (MODEL_DIM, MODEL_DIM), dtype=jnp.float32) * 0.02
    b2 = jnp.zeros((MODEL_DIM,), dtype=jnp.float32)
    return {
        "object_boxes": object_boxes,
        "object_scores": object_scores,
        "object_labels": object_labels,
        "valid_mask": valid_mask,
        "W1": W1,
        "b1": b1,
        "W2": W2,
        "b2": b2,
    }


def reference(object_boxes, object_scores, object_labels, valid_mask, W1, b1, W2, b2):
    # mask invalid detections out of the ranking (torch code drops them before argsort)
    masked_scores = jnp.where(valid_mask, object_scores, -jnp.inf)
    # per-batch descending sort by score, keep top q_lidar
    _, top_idx = jax.lax.top_k(masked_scores, Q_LIDAR)  # [B, Q]
    boxes_k = jnp.take_along_axis(object_boxes, top_idx[:, :, None], axis=1)  # [B, Q, 9]
    labels_k = jnp.take_along_axis(object_labels, top_idx, axis=1)            # [B, Q]
    scores_k = jnp.take_along_axis(object_scores, top_idx, axis=1)            # [B, Q]
    valid_k = jnp.take_along_axis(valid_mask, top_idx, axis=1).astype(jnp.float32)  # [B, Q]
    one_hot = jax.nn.one_hot(labels_k, NUM_CLASSES, dtype=jnp.float32)        # [B, Q, C]
    features = jnp.concatenate([boxes_k, scores_k[..., None], one_hot], axis=-1)  # [B, Q, 20]
    h = jax.nn.relu(jnp.einsum('bqi,oi->bqo', features, W1) + b1)
    projected = jnp.einsum('bqi,oi->bqo', h, W2) + b2                         # [B, Q, D]
    # slots beyond the valid count stay zero (mimics the zeros-initialized buffers)
    queries = projected * valid_k[..., None]
    refs = boxes_k[:, :, :3] * valid_k[..., None]
    scores_out = scores_k * valid_k
    return (queries, refs, scores_out)

if __name__ == "__main__":
    import jax
    _d = setup_inputs()
    print(jax.jit(kernel)(*tuple(_d.values())))

</pallas_src>

<mosaic_0001>
#map = affine_map<(d0, d1) -> (0, 0)>
#map1 = affine_map<(d0, d1) -> (0, 0, 0)>
module attributes {stable_mosaic.version = 14 : i64} {
  func.func @_sc_gather_body(%arg0: i32, %arg1: i32, %arg2: memref<1280000x16xf32, #tpu.memory_space<hbm>>, %arg3: memref<32x4x128xi32, #tpu.memory_space<hbm>>, %arg4: memref<16384x16xf32, #tpu.memory_space<hbm>>, %arg5: memref<4x128xi32, #tpu.memory_space<vmem>>, %arg6: memref<512x16xf32, #tpu.memory_space<vmem>>, %arg7: memref<!tpu.dma_semaphore, #tpu.memory_space<semaphore_mem>>) attributes {dimension_semantics = [#tpu.dimension_semantics<core_parallel>, #tpu.dimension_semantics<subcore_parallel>], iteration_bounds = array<i64: 2, 16>, scalar_prefetch = 0 : i64, scratch_operands = 3 : i64, tpu.core_type = #tpu.core_type<sc_vector_subcore>, window_params = [{transform_indices = #map}, {transform_indices = #map1}, {transform_indices = #map}]} {
    %mul3A = arith.constant 2 : i32
    %mul3A_0 = arith.muli %arg1, %mul3A : i32
    %add3A = arith.addi %mul3A_0, %arg0 : i32
    "tpu.region"() ({
      %run_scoped3A = tpu.sem_alloc : memref<!tpu.dma_semaphore, #tpu.memory_space<semaphore_mem>>
      %dma_start3A_81 = arith.constant 0 : i32
      %dma_start3A_82 = arith.constant 0 : i32
      %dma_start3A_83 = tpu.memref_slice %arg3[%add3A, %dma_start3A_81, %dma_start3A_82] : memref<32x4x128xi32, #tpu.memory_space<hbm>> -> memref<1x4x128xi32, #tpu.memory_space<hbm>>
      %dma_start3A_84 = tpu.memref_squeeze %dma_start3A_83 : memref<1x4x128xi32, #tpu.memory_space<hbm>> -> memref<4x128xi32, #tpu.memory_space<hbm>>
      %dma_start3A_85 = arith.constant 0 : i32
      %dma_start3A_86 = arith.constant 0 : i32
      %dma_start3A_87 = tpu.memref_slice %arg3[%add3A, %dma_start3A_85, %dma_start3A_86] : memref<32x4x128xi32, #tpu.memory_space<hbm>> -> memref<1x4x128xi32, #tpu.memory_space<hbm>>
      %dma_start3A_88 = tpu.memref_squeeze %dma_start3A_87 : memref<1x4x128xi32, #tpu.memory_space<hbm>> -> memref<4x128xi32, #tpu.memory_space<hbm>>
      tpu.enqueue_dma source(%dma_start3A_88 : memref<4x128xi32, #tpu.memory_space<hbm>>) target(%arg5 : memref<4x128xi32, #tpu.memory_space<vmem>>) target_semaphore(%run_scoped3A : memref<!tpu.dma_semaphore, #tpu.memory_space<semaphore_mem>>)
      %dma_wait3A_89 = arith.constant 0 : i32
      %dma_wait3A_90 = arith.constant 0 : i32
      %dma_wait3A_91 = tpu.memref_slice %arg3[%add3A, %dma_wait3A_89, %dma_wait3A_90] : memref<32x4x128xi32, #tpu.memory_space<hbm>> -> memref<1x4x128xi32, #tpu.memory_space<hbm>>
      %dma_wait3A_92 = tpu.memref_squeeze %dma_wait3A_91 : memref<1x4x128xi32, #tpu.memory_space<hbm>> -> memref<4x128xi32, #tpu.memory_space<hbm>>
      %dma_wait3A_93 = arith.constant 0 : i32
      %dma_wait3A_94 = arith.constant 0 : i32
      %dma_wait3A_95 = tpu.memref_slice %arg3[%add3A, %dma_wait3A_93, %dma_wait3A_94] : memref<32x4x128xi32, #tpu.memory_space<hbm>> -> memref<1x4x128xi32, #tpu.memory_space<hbm>>
      %dma_wait3A_96 = tpu.memref_squeeze %dma_wait3A_95 : memref<1x4x128xi32, #tpu.memory_space<hbm>> -> memref<4x128xi32, #tpu.memory_space<hbm>>
      tpu.wait_dma2 semaphore(%run_scoped3A : memref<!tpu.dma_semaphore, #tpu.memory_space<semaphore_mem>>) src(%dma_wait3A_96 : memref<4x128xi32, #tpu.memory_space<hbm>>) dst(%arg5 : memref<4x128xi32, #tpu.memory_space<vmem>>)
      tpu.yield
    }) : () -> ()
    %dma_start3A = arith.constant 0 : i32
    %dma_start3A_1 = arith.constant 0 : i32
    %dma_start3A_2 = arith.constant 0 : i32
    %dma_start3A_3 = tpu.memref_slice %arg6[%dma_start3A_1, %dma_start3A_2] : memref<512x16xf32, #tpu.memory_space<vmem>> -> memref<128x16xf32, #tpu.memory_space<vmem>>
    %dma_start3A_4 = arith.constant 0 : i32
    %dma_start3A_5 = tpu.memref_slice %arg5[%dma_start3A, %dma_start3A_4] : memref<4x128xi32, #tpu.memory_space<vmem>> -> memref<1x128xi32, #tpu.memory_space<vmem>>
    %dma_start3A_6 = tpu.memref_squeeze %dma_start3A_5 : memref<1x128xi32, #tpu.memory_space<vmem>> -> memref<128xi32, #tpu.memory_space<vmem>>
    %dma_start3A_7 = arith.constant 0 : i32
    %dma_start3A_8 = arith.constant 0 : i32
    %dma_start3A_9 = tpu.memref_slice %arg2[%dma_start3A_7, %dma_start3A_8] : memref<1280000x16xf32, #tpu.memory_space<hbm>> -> memref<1280000x16xf32, #tpu.memory_space<hbm>>
    tpu.enqueue_indirect_dma source(%dma_start3A_9 : memref<1280000x16xf32, #tpu.memory_space<hbm>>) target(%dma_start3A_3 : memref<128x16xf32, #tpu.memory_space<vmem>>) offsets(%dma_start3A_6 : memref<128xi32, #tpu.memory_space<vmem>>) semaphore(%arg7 : memref<!tpu.dma_semaphore, #tpu.memory_space<semaphore_mem>>)
    %dma_start3A_10 = arith.constant 1 : i32
    %dma_start3A_11 = arith.constant 128 : i32
    %dma_start3A_12 = arith.constant 0 : i32
    %dma_start3A_13 = tpu.memref_slice %arg6[%dma_start3A_11, %dma_start3A_12] : memref<512x16xf32, #tpu.memory_space<vmem>> -> memref<128x16xf32, #tpu.memory_space<vmem>>
    %dma_start3A_14 = arith.constant 0 : i32
    %dma_start3A_15 = tpu.memref_slice %arg5[%dma_start3A_10, %dma_start3A_14] : memref<4x128xi32, #tpu.memory_space<vmem>> -> memref<1x128xi32, #tpu.memory_space<vmem>>
    %dma_start3A_16 = tpu.memref_squeeze %dma_start3A_15 : memref<1x128xi32, #tpu.memory_space<vmem>> -> memref<128xi32, #tpu.memory_space<vmem>>
    %dma_start3A_17 = arith.constant 0 : i32
    %dma_start3A_18 = arith.constant 0 : i32
    %dma_start3A_19 = tpu.memref_slice %arg2[%dma_start3A_17, %dma_start3A_18] : memref<1280000x16xf32, #tpu.memory_space<hbm>> -> memref<1280000x16xf32, #tpu.memory_space<hbm>>
    tpu.enqueue_indirect_dma source(%dma_start3A_19 : memref<1280000x16xf32, #tpu.memory_space<hbm>>) target(%dma_start3A_13 : memref<128x16xf32, #tpu.memory_space<vmem>>) offsets(%dma_start3A_16 : memref<128xi32, #tpu.memory_space<vmem>>) semaphore(%arg7 : memref<!tpu.dma_semaphore, #tpu.memory_space<semaphore_mem>>)
    %dma_start3A_20 = arith.constant 2 : i32
    %dma_start3A_21 = arith.constant 256 : i32
    %dma_start3A_22 = arith.constant 0 : i32
    %dma_start3A_23 = tpu.memref_slice %arg6[%dma_start3A_21, %dma_start3A_22] : memref<512x16xf32, #tpu.memory_space<vmem>> -> memref<128x16xf32, #tpu.memory_space<vmem>>
    %dma_start3A_24 = arith.constant 0 : i32
    %dma_start3A_25 = tpu.memref_slice %arg5[%dma_start3A_20, %dma_start3A_24] : memref<4x128xi32, #tpu.memory_space<vmem>> -> memref<1x128xi32, #tpu.memory_space<vmem>>
    %dma_start3A_26 = tpu.memref_squeeze %dma_start3A_25 : memref<1x128xi32, #tpu.memory_space<vmem>> -> memref<128xi32, #tpu.memory_space<vmem>>
    %dma_start3A_27 = arith.constant 0 : i32
    %dma_start3A_28 = arith.constant 0 : i32
    %dma_start3A_29 = tpu.memref_slice %arg2[%dma_start3A_27, %dma_start3A_28] : memref<1280000x16xf32, #tpu.memory_space<hbm>> -> memref<1280000x16xf32, #tpu.memory_space<hbm>>
    tpu.enqueue_indirect_dma source(%dma_start3A_29 : memref<1280000x16xf32, #tpu.memory_space<hbm>>) target(%dma_start3A_23 : memref<128x16xf32, #tpu.memory_space<vmem>>) offsets(%dma_start3A_26 : memref<128xi32, #tpu.memory_space<vmem>>) semaphore(%arg7 : memref<!tpu.dma_semaphore, #tpu.memory_space<semaphore_mem>>)
    %dma_start3A_30 = arith.constant 3 : i32
    %dma_start3A_31 = arith.constant 384 : i32
    %dma_start3A_32 = arith.constant 0 : i32
    %dma_start3A_33 = tpu.memref_slice %arg6[%dma_start3A_31, %dma_start3A_32] : memref<512x16xf32, #tpu.memory_space<vmem>> -> memref<128x16xf32, #tpu.memory_space<vmem>>
    %dma_start3A_34 = arith.constant 0 : i32
    %dma_start3A_35 = tpu.memref_slice %arg5[%dma_start3A_30, %dma_start3A_34] : memref<4x128xi32, #tpu.memory_space<vmem>> -> memref<1x128xi32, #tpu.memory_space<vmem>>
    %dma_start3A_36 = tpu.memref_squeeze %dma_start3A_35 : memref<1x128xi32, #tpu.memory_space<vmem>> -> memref<128xi32, #tpu.memory_space<vmem>>
    %dma_start3A_37 = arith.constant 0 : i32
    %dma_start3A_38 = arith.constant 0 : i32
    %dma_start3A_39 = tpu.memref_slice %arg2[%dma_start3A_37, %dma_start3A_38] : memref<1280000x16xf32, #tpu.memory_space<hbm>> -> memref<1280000x16xf32, #tpu.memory_space<hbm>>
    tpu.enqueue_indirect_dma source(%dma_start3A_39 : memref<1280000x16xf32, #tpu.memory_space<hbm>>) target(%dma_start3A_33 : memref<128x16xf32, #tpu.memory_space<vmem>>) offsets(%dma_start3A_36 : memref<128xi32, #tpu.memory_space<vmem>>) semaphore(%arg7 : memref<!tpu.dma_semaphore, #tpu.memory_space<semaphore_mem>>)
    %dma_wait3A = arith.constant 0 : i32
    %dma_wait3A_40 = arith.constant 0 : i32
    %dma_wait3A_41 = arith.constant 0 : i32
    %dma_wait3A_42 = tpu.memref_slice %arg6[%dma_wait3A_40, %dma_wait3A_41] : memref<512x16xf32, #tpu.memory_space<vmem>> -> memref<128x16xf32, #tpu.memory_space<vmem>>
    %dma_wait3A_43 = arith.constant 0 : i32
    %dma_wait3A_44 = tpu.memref_slice %arg5[%dma_wait3A, %dma_wait3A_43] : memref<4x128xi32, #tpu.memory_space<vmem>> -> memref<1x128xi32, #tpu.memory_space<vmem>>
    %dma_wait3A_45 = tpu.memref_squeeze %dma_wait3A_44 : memref<1x128xi32, #tpu.memory_space<vmem>> -> memref<128xi32, #tpu.memory_space<vmem>>
    %dma_wait3A_46 = arith.constant 0 : i32
    %dma_wait3A_47 = arith.constant 0 : i32
    %dma_wait3A_48 = tpu.memref_slice %arg2[%dma_wait3A_46, %dma_wait3A_47] : memref<1280000x16xf32, #tpu.memory_space<hbm>> -> memref<1280000x16xf32, #tpu.memory_space<hbm>>
    tpu.wait_indirect_dma semaphore(%arg7 : memref<!tpu.dma_semaphore, #tpu.memory_space<semaphore_mem>>) src(%dma_wait3A_48 : memref<1280000x16xf32, #tpu.memory_space<hbm>>) dst(%dma_wait3A_42 : memref<128x16xf32, #tpu.memory_space<vmem>>)
    %dma_wait3A_49 = arith.constant 1 : i32
    %dma_wait3A_50 = arith.constant 128 : i32
    %dma_wait3A_51 = arith.constant 0 : i32
    %dma_wait3A_52 = tpu.memref_slice %arg6[%dma_wait3A_50, %dma_wait3A_51] : memref<512x16xf32, #tpu.memory_space<vmem>> -> memref<128x16xf32, #tpu.memory_space<vmem>>
    %dma_wait3A_53 = arith.constant 0 : i32
    %dma_wait3A_54 = tpu.memref_slice %arg5[%dma_wait3A_49, %dma_wait3A_53] : memref<4x128xi32, #tpu.memory_space<vmem>> -> memref<1x128xi32, #tpu.memory_space<vmem>>
    %dma_wait3A_55 = tpu.memref_squeeze %dma_wait3A_54 : memref<1x128xi32, #tpu.memory_space<vmem>> -> memref<128xi32, #tpu.memory_space<vmem>>
    %dma_wait3A_56 = arith.constant 0 : i32
    %dma_wait3A_57 = arith.constant 0 : i32
    %dma_wait3A_58 = tpu.memref_slice %arg2[%dma_wait3A_56, %dma_wait3A_57] : memref<1280000x16xf32, #tpu.memory_space<hbm>> -> memref<1280000x16xf32, #tpu.memory_space<hbm>>
    tpu.wait_indirect_dma semaphore(%arg7 : memref<!tpu.dma_semaphore, #tpu.memory_space<semaphore_mem>>) src(%dma_wait3A_58 : memref<1280000x16xf32, #tpu.memory_space<hbm>>) dst(%dma_wait3A_52 : memref<128x16xf32, #tpu.memory_space<vmem>>)
    %dma_wait3A_59 = arith.constant 2 : i32
    %dma_wait3A_60 = arith.constant 256 : i32
    %dma_wait3A_61 = arith.constant 0 : i32
    %dma_wait3A_62 = tpu.memref_slice %arg6[%dma_wait3A_60, %dma_wait3A_61] : memref<512x16xf32, #tpu.memory_space<vmem>> -> memref<128x16xf32, #tpu.memory_space<vmem>>
    %dma_wait3A_63 = arith.constant 0 : i32
    %dma_wait3A_64 = tpu.memref_slice %arg5[%dma_wait3A_59, %dma_wait3A_63] : memref<4x128xi32, #tpu.memory_space<vmem>> -> memref<1x128xi32, #tpu.memory_space<vmem>>
    %dma_wait3A_65 = tpu.memref_squeeze %dma_wait3A_64 : memref<1x128xi32, #tpu.memory_space<vmem>> -> memref<128xi32, #tpu.memory_space<vmem>>
    %dma_wait3A_66 = arith.constant 0 : i32
    %dma_wait3A_67 = arith.constant 0 : i32
    %dma_wait3A_68 = tpu.memref_slice %arg2[%dma_wait3A_66, %dma_wait3A_67] : memref<1280000x16xf32, #tpu.memory_space<hbm>> -> memref<1280000x16xf32, #tpu.memory_space<hbm>>
    tpu.wait_indirect_dma semaphore(%arg7 : memref<!tpu.dma_semaphore, #tpu.memory_space<semaphore_mem>>) src(%dma_wait3A_68 : memref<1280000x16xf32, #tpu.memory_space<hbm>>) dst(%dma_wait3A_62 : memref<128x16xf32, #tpu.memory_space<vmem>>)
    %dma_wait3A_69 = arith.constant 3 : i32
    %dma_wait3A_70 = arith.constant 384 : i32
    %dma_wait3A_71 = arith.constant 0 : i32
    %dma_wait3A_72 = tpu.memref_slice %arg6[%dma_wait3A_70, %dma_wait3A_71] : memref<512x16xf32, #tpu.memory_space<vmem>> -> memref<128x16xf32, #tpu.memory_space<vmem>>
    %dma_wait3A_73 = arith.constant 0 : i32
    %dma_wait3A_74 = tpu.memref_slice %arg5[%dma_wait3A_69, %dma_wait3A_73] : memref<4x128xi32, #tpu.memory_space<vmem>> -> memref<1x128xi32, #tpu.memory_space<vmem>>
    %dma_wait3A_75 = tpu.memref_squeeze %dma_wait3A_74 : memref<1x128xi32, #tpu.memory_space<vmem>> -> memref<128xi32, #tpu.memory_space<vmem>>
    %dma_wait3A_76 = arith.constant 0 : i32
    %dma_wait3A_77 = arith.constant 0 : i32
    %dma_wait3A_78 = tpu.memref_slice %arg2[%dma_wait3A_76, %dma_wait3A_77] : memref<1280000x16xf32, #tpu.memory_space<hbm>> -> memref<1280000x16xf32, #tpu.memory_space<hbm>>
    tpu.wait_indirect_dma semaphore(%arg7 : memref<!tpu.dma_semaphore, #tpu.memory_space<semaphore_mem>>) src(%dma_wait3A_78 : memref<1280000x16xf32, #tpu.memory_space<hbm>>) dst(%dma_wait3A_72 : memref<128x16xf32, #tpu.memory_space<vmem>>)
    %mul3A_79 = arith.constant 512 : i32
    %mul3A_80 = arith.muli %add3A, %mul3A_79 : i32
    "tpu.region"() ({
      %run_scoped3A = tpu.sem_alloc : memref<!tpu.dma_semaphore, #tpu.memory_space<semaphore_mem>>
      %dma_start3A_81 = arith.constant 0 : i32
      %dma_start3A_82 = tpu.memref_slice %arg4[%mul3A_80, %dma_start3A_81] : memref<16384x16xf32, #tpu.memory_space<hbm>> -> memref<512x16xf32, #tpu.memory_space<hbm>>
      %dma_start3A_83 = arith.constant 0 : i32
      %dma_start3A_84 = tpu.memref_slice %arg4[%mul3A_80, %dma_start3A_83] : memref<16384x16xf32, #tpu.memory_space<hbm>> -> memref<512x16xf32, #tpu.memory_space<hbm>>
      tpu.enqueue_dma source(%arg6 : memref<512x16xf32, #tpu.memory_space<vmem>>) target(%dma_start3A_84 : memref<512x16xf32, #tpu.memory_space<hbm>>) target_semaphore(%run_scoped3A : memref<!tpu.dma_semaphore, #tpu.memory_space<semaphore_mem>>)
      %dma_wait3A_85 = arith.constant 0 : i32
      %dma_wait3A_86 = tpu.memref_slice %arg4[%mul3A_80, %dma_wait3A_85] : memref<16384x16xf32, #tpu.memory_space<hbm>> -> memref<512x16xf32, #tpu.memory_space<hbm>>
      %dma_wait3A_87 = arith.constant 0 : i32
      %dma_wait3A_88 = tpu.memref_slice %arg4[%mul3A_80, %dma_wait3A_87] : memref<16384x16xf32, #tpu.memory_space<hbm>> -> memref<512x16xf32, #tpu.memory_space<hbm>>
      tpu.wait_dma2 semaphore(%run_scoped3A : memref<!tpu.dma_semaphore, #tpu.memory_space<semaphore_mem>>) src(%arg6 : memref<512x16xf32, #tpu.memory_space<vmem>>) dst(%dma_wait3A_88 : memref<512x16xf32, #tpu.memory_space<hbm>>)
      tpu.yield
    }) : () -> ()
    return
  }
}

module attributes {stable_mosaic.version = 14 : i64} {
  func.func @_topk_body(%arg0: i32, %arg1: memref<8x160x128xf32, #tpu.memory_space<vmem>>, %arg2: memref<8x160x128xi32, #tpu.memory_space<vmem>>, %arg3: memref<8x256xf32, #tpu.memory_space<vmem>>, %arg4: memref<8x256xi32, #tpu.memory_space<vmem>>) attributes {dimension_semantics = [#tpu.dimension_semantics<arbitrary>], iteration_bounds = array<i64: 8>, scalar_prefetch = 0 : i64, scratch_operands = 0 : i64, tpu.core_type = #tpu.core_type<tc>, window_params = [{transform_indices = @transform_0, window_bounds = array<i64: 8, 160, 128>}, {transform_indices = @transform_1, window_bounds = array<i64: 8, 160, 128>}, {transform_indices = @transform_2, window_bounds = array<i64: 8, 256>}, {transform_indices = @transform_3, window_bounds = array<i64: 8, 256>}]} {
    %get3A = arith.constant 0 : index
    %get3A_0 = arith.constant 0 : index
    %get3A_1 = arith.constant 0 : index
    %get3A_2 = vector.load %arg1[%get3A, %get3A_0, %get3A_1] : memref<8x160x128xf32, #tpu.memory_space<vmem>>, vector<8x160x128xf32>
    %get3A_3 = arith.constant 0 : index
    %get3A_4 = arith.constant 0 : index
    %get3A_5 = arith.constant 0 : index
    %get3A_6 = vector.load %arg2[%get3A_3, %get3A_4, %get3A_5] : memref<8x160x128xi32, #tpu.memory_space<vmem>>, vector<8x160x128xi32>
    %bitcast_convert_type3A = tpu.bitcast %get3A_2 : vector<8x160x128xf32> -> vector<8x160x128xi32>
    %shift_right_arithmetic3A = arith.constant 31 : i32
    %shift_right_arithmetic3A_7 = vector.broadcast %shift_right_arithmetic3A : i32 to vector<8x160x128xi32>
    %shift_right_arithmetic3A_8 = arith.shrsi %bitcast_convert_type3A, %shift_right_arithmetic3A_7 : vector<8x160x128xi32>
    %and3A = arith.constant 2147483647 : i32
    %and3A_9 = vector.broadcast %and3A : i32 to vector<8x160x128xi32>
    %and3A_10 = arith.andi %shift_right_arithmetic3A_8, %and3A_9 : vector<8x160x128xi32>
    %xor3A = arith.xori %bitcast_convert_type3A, %and3A_10 : vector<8x160x128xi32>
    %gt3A = arith.constant 0 : i32
    %gt3A_11 = vector.broadcast %gt3A : i32 to vector<8x160x128xi32>
    %gt3A_12 = arith.cmpi sgt, %get3A_6, %gt3A_11 : vector<8x160x128xi32>
    %jit3A = arith.constant -2147483648 : i32
    %broadcast_in_dim3A = vector.broadcast %jit3A : i32 to vector<8x160x128xi32>
    %select_n3A = arith.select %gt3A_12, %xor3A, %broadcast_in_dim3A : vector<8x160x128xi1>, vector<8x160x128xi32>
    %iota3A = tpu.iota {dimensions = array<i32: 1>} : vector<8x160x128xi32>
    %mul3A = arith.constant 128 : i32
    %mul3A_13 = vector.broadcast %mul3A : i32 to vector<8x160x128xi32>
    %mul3A_14 = arith.muli %iota3A, %mul3A_13 : vector<8x160x128xi32>
    %iota3A_15 = tpu.iota {dimensions = array<i32: 2>} : vector<8x160x128xi32>
    %add3A = arith.addi %mul3A_14, %iota3A_15 : vector<8x160x128xi32>
    %iota3A_16 = tpu.iota {dimensions = array<i32: 1>} : vector<8x160x128xi32>
    %lt3A = arith.constant 80 : i32
    %lt3A_17 = vector.broadcast %lt3A : i32 to vector<8x160x128xi32>
    %lt3A_18 = arith.cmpi slt, %iota3A_16, %lt3A_17 : vector<8x160x128xi32>
    %iota3A_19 = tpu.iota {dimensions = array<i32: 1>} : vector<8x160x128xi32>
    %iota3A_20 = tpu.iota {dimensions = array<i32: 2>} : vector<8x160x128xi32>
    %and3A_21 = arith.constant 2 : i32
    %and3A_22 = vector.broadcast %and3A_21 : i32 to vector<8x160x128xi32>
    %and3A_23 = arith.andi %iota3A_20, %and3A_22 : vector<8x160x128xi32>
    %eq3A = arith.constant 0 : i32
    %eq3A_24 = vector.broadcast %eq3A : i32 to vector<8x160x128xi32>
    %eq3A_25 = arith.cmpi eq, %and3A_23, %eq3A_24 : vector<8x160x128xi32>
    %eq3A_26 = arith.xori %eq3A_25, %lt3A_18 : vector<8x160x128xi1>
    %eq3A_27 = arith.constant dense<true> : vector<8x160x128xi1>
    %eq3A_28 = arith.xori %eq3A_26, %eq3A_27 : vector<8x160x128xi1>
    %iota3A_29 = tpu.iota {dimensions = array<i32: 2>} : vector<8x160x128xi32>
    %and3A_30 = arith.constant 1 : i32
    %and3A_31 = vector.broadcast %and3A_30 : i32 to vector<8x160x128xi32>
    %and3A_32 = arith.andi %iota3A_29, %and3A_31 : vector<8x160x128xi32>
    %eq3A_33 = arith.constant 0 : i32
    %eq3A_34 = vector.broadcast %eq3A_33 : i32 to vector<8x160x128xi32>
    %eq3A_35 = arith.cmpi eq, %and3A_32, %eq3A_34 : vector<8x160x128xi32>
    %roll3A = arith.constant 127 : i32
    %roll3A_36 = tpu.dynamic_rotate %select_n3A by %roll3A dim 2 : vector<8x160x128xi32>, i32 -> vector<8x160x128xi32>
    %roll3A_37 = arith.constant 1 : i32
    %roll3A_38 = tpu.dynamic_rotate %select_n3A by %roll3A_37 dim 2 : vector<8x160x128xi32>, i32 -> vector<8x160x128xi32>
    %select_n3A_39 = arith.select %eq3A_35, %roll3A_36, %roll3A_38 : vector<8x160x128xi1>, vector<8x160x128xi32>
    %roll3A_40 = arith.constant 127 : i32
    %roll3A_41 = tpu.dynamic_rotate %add3A by %roll3A_40 dim 2 : vector<8x160x128xi32>, i32 -> vector<8x160x128xi32>
    %roll3A_42 = arith.constant 1 : i32
    %roll3A_43 = tpu.dynamic_rotate %add3A by %roll3A_42 dim 2 : vector<8x160x128xi32>, i32 -> vector<8x160x128xi32>
    %select_n3A_44 = arith.select %eq3A_35, %roll3A_41, %roll3A_43 : vector<8x160x128xi1>, vector<8x160x128xi32>
    %gt3A_45 = arith.cmpi sgt, %select_n3A, %select_n3A_39 : vector<8x160x128xi32>
    %eq3A_46 = arith.cmpi eq, %select_n3A, %select_n3A_39 : vector<8x160x128xi32>
    %lt3A_47 = arith.cmpi slt, %add3A, %select_n3A_44 : vector<8x160x128xi32>
    %and3A_48 = arith.andi %eq3A_46, %lt3A_47 : vector<8x160x128xi1>
    %or3A = arith.ori %gt3A_45, %and3A_48 : vector<8x160x128xi1>
    %eq3A_49 = arith.xori %eq3A_35, %eq3A_28 : vector<8x160x128xi1>
    %eq3A_50 = arith.constant dense<true> : vector<8x160x128xi1>
    %eq3A_51 = arith.xori %eq3A_49, %eq3A_50 : vector<8x160x128xi1>
    %eq3A_52 = arith.xori %or3A, %eq3A_51 : vector<8x160x128xi1>
    %eq3A_53 = arith.constant dense<true> : vector<8x160x128xi1>
    %eq3A_54 = arith.xori %eq3A_52, %eq3A_53 : vector<8x160x128xi1>
    %select_n3A_55 = arith.select %eq3A_54, %select_n3A, %select_n3A_39 : vector<8x160x128xi1>, vector<8x160x128xi32>
    %select_n3A_56 = arith.select %eq3A_54, %add3A, %select_n3A_44 : vector<8x160x128xi1>, vector<8x160x128xi32>
    %and3A_57 = arith.constant 4 : i32
    %and3A_58 = vector.broadcast %and3A_57 : i32 to vector<8x160x128xi32>
    %and3A_59 = arith.andi %iota3A_20, %and3A_58 : vector<8x160x128xi32>
    %eq3A_60 = arith.constant 0 : i32
    %eq3A_61 = vector.broadcast %eq3A_60 : i32 to vector<8x160x128xi32>
    %eq3A_62 = arith.cmpi eq, %and3A_59, %eq3A_61 : vector<8x160x128xi32>
    %eq3A_63 = arith.xori %eq3A_62, %lt3A_18 : vector<8x160x128xi1>
    %eq3A_64 = arith.constant dense<true> : vector<8x160x128xi1>
    %eq3A_65 = arith.xori %eq3A_63, %eq3A_64 : vector<8x160x128xi1>
    %iota3A_66 = tpu.iota {dimensions = array<i32: 2>} : vector<8x160x128xi32>
    %and3A_67 = arith.constant 2 : i32
    %and3A_68 = vector.broadcast %and3A_67 : i32 to vector<8x160x128xi32>
    %and3A_69 = arith.andi %iota3A_66, %and3A_68 : vector<8x160x128xi32>
    %eq3A_70 = arith.constant 0 : i32
    %eq3A_71 = vector.broadcast %eq3A_70 : i32 to vector<8x160x128xi32>
    %eq3A_72 = arith.cmpi eq, %and3A_69, %eq3A_71 : vector<8x160x128xi32>
    %roll3A_73 = arith.constant 126 : i32
    %roll3A_74 = tpu.dynamic_rotate %select_n3A_55 by %roll3A_73 dim 2 : vector<8x160x128xi32>, i32 -> vector<8x160x128xi32>
    %roll3A_75 = arith.constant 2 : i32
    %roll3A_76 = tpu.dynamic_rotate %select_n3A_55 by %roll3A_75 dim 2 : vector<8x160x128xi32>, i32 -> vector<8x160x128xi32>
    %select_n3A_77 = arith.select %eq3A_72, %roll3A_74, %roll3A_76 : vector<8x160x128xi1>, vector<8x160x128xi32>
    %roll3A_78 = arith.constant 126 : i32
    %roll3A_79 = tpu.dynamic_rotate %select_n3A_56 by %roll3A_78 dim 2 : vector<8x160x128xi32>, i32 -> vector<8x160x128xi32>
    %roll3A_80 = arith.constant 2 : i32
    %roll3A_81 = tpu.dynamic_rotate %select_n3A_56 by %roll3A_80 dim 2 : vector<8x160x128xi32>, i32 -> vector<8x160x128xi32>
    %select_n3A_82 = arith.select %eq3A_72, %roll3A_79, %roll3A_81 : vector<8x160x128xi1>, vector<8x160x128xi32>
    %gt3A_83 = arith.cmpi sgt, %select_n3A_55, %select_n3A_77 : vector<8x160x128xi32>
    %eq3A_84 = arith.cmpi eq, %select_n3A_55, %select_n3A_77 : vector<8x160x128xi32>
    %lt3A_85 = arith.cmpi slt, %select_n3A_56, %select_n3A_82 : vector<8x160x128xi32>
    %and3A_86 = arith.andi %eq3A_84, %lt3A_85 : vector<8x160x128xi1>
    %or3A_87 = arith.ori %gt3A_83, %and3A_86 : vector<8x160x128xi1>
    %eq3A_88 = arith.xori %eq3A_72, %eq3A_65 : vector<8x160x128xi1>
    %eq3A_89 = arith.constant dense<true> : vector<8x160x128xi1>
    %eq3A_90 = arith.xori %eq3A_88, %eq3A_89 : vector<8x160x128xi1>
    %eq3A_91 = arith.xori %or3A_87, %eq3A_90 : vector<8x160x128xi1>
    %eq3A_92 = arith.constant dense<true> : vector<8x160x128xi1>
    %eq3A_93 = arith.xori %eq3A_91, %eq3A_92 : vector<8x160x128xi1>
    %select_n3A_94 = arith.select %eq3A_93, %select_n3A_55, %select_n3A_77 : vector<8x160x128xi1>, vector<8x160x128xi32>
    %select_n3A_95 = arith.select %eq3A_93, %select_n3A_56, %select_n3A_82 : vector<8x160x128xi1>, vector<8x160x128xi32>
    %iota3A_96 = tpu.iota {dimensions = array<i32: 2>} : vector<8x160x128xi32>
    %and3A_97 = arith.constant 1 : i32
    %and3A_98 = vector.broadcast %and3A_97 : i32 to vector<8x160x128xi32>
    %and3A_99 = arith.andi %iota3A_96, %and3A_98 : vector<8x160x128xi32>
    %eq3A_100 = arith.constant 0 : i32
    %eq3A_101 = vector.broadcast %eq3A_100 : i32 to vector<8x160x128xi32>
    %eq3A_102 = arith.cmpi eq, %and3A_99, %eq3A_101 : vector<8x160x128xi32>
    %roll3A_103 = arith.constant 127 : i32
    %roll3A_104 = tpu.dynamic_rotate %select_n3A_94 by %roll3A_103 dim 2 : vector<8x160x128xi32>, i32 -> vector<8x160x128xi32>
    %roll3A_105 = arith.constant 1 : i32
    %roll3A_106 = tpu.dynamic_rotate %select_n3A_94 by %roll3A_105 dim 2 : vector<8x160x128xi32>, i32 -> vector<8x160x128xi32>
    %select_n3A_107 = arith.select %eq3A_102, %roll3A_104, %roll3A_106 : vector<8x160x128xi1>, vector<8x160x128xi32>
    %roll3A_108 = arith.constant 127 : i32
    %roll3A_109 = tpu.dynamic_rotate %select_n3A_95 by %roll3A_108 dim 2 : vector<8x160x128xi32>, i32 -> vector<8x160x128xi32>
    %roll3A_110 = arith.constant 1 : i32
    %roll3A_111 = tpu.dynamic_rotate %select_n3A_95 by %roll3A_110 dim 2 : vector<8x160x128xi32>, i32 -> vector<8x160x128xi32>
    %select_n3A_112 = arith.select %eq3A_102, %roll3A_109, %roll3A_111 : vector<8x160x128xi1>, vector<8x160x128xi32>
    %gt3A_113 = arith.cmpi sgt, %select_n3A_94, %select_n3A_107 : vector<8x160x128xi32>
    %eq3A_114 = arith.cmpi eq, %select_n3A_94, %select_n3A_107 : vector<8x160x128xi32>
    %lt3A_115 = arith.cmpi slt, %select_n3A_95, %select_n3A_112 : vector<8x160x128xi32>
    %and3A_116 = arith.andi %eq3A_114, %lt3A_115 : vector<8x160x128xi1>
    %or3A_117 = arith.ori %gt3A_113, %and3A_116 : vector<8x160x128xi1>
    %eq3A_118 = arith.xori %eq3A_102, %eq3A_65 : vector<8x160x128xi1>
    %eq3A_119 = arith.constant dense<true> : vector<8x160x128xi1>
    %eq3A_120 = arith.xori %eq3A_118, %eq3A_119 : vector<8x160x128xi1>
    %eq3A_121 = arith.xori %or3A_117, %eq3A_120 : vector<8x160x128xi1>
    %eq3A_122 = arith.constant dense<true> : vector<8x160x128xi1>
    %eq3A_123 = arith.xori %eq3A_121, %eq3A_122 : vector<8x160x128xi1>
    %select_n3A_124 = arith.select %eq3A_123, %select_n3A_94, %select_n3A_107 : vector<8x160x128xi1>, vector<8x160x128xi32>
    %select_n3A_125 = arith.select %eq3A_123, %select_n3A_95, %select_n3A_112 : vector<8x160x128xi1>, vector<8x160x128xi32>
    %and3A_126 = arith.constant 8 : i32
    %and3A_127 = vector.broadcast %and3A_126 : i32 to vector<8x160x128xi32>
    %and3A_128 = arith.andi %iota3A_20, %and3A_127 : vector<8x160x128xi32>
    %eq3A_129 = arith.constant 0 : i32
    %eq3A_130 = vector.broadcast %eq3A_129 : i32 to vector<8x160x128xi32>
    %eq3A_131 = arith.cmpi eq, %and3A_128, %eq3A_130 : vector<8x160x128xi32>
    %eq3A_132 = arith.xori %eq3A_131, %lt3A_18 : vector<8x160x128xi1>
    %eq3A_133 = arith.constant dense<true> : vector<8x160x128xi1>
    %eq3A_134 = arith.xori %eq3A_132, %eq3A_133 : vector<8x160x128xi1>
    %iota3A_135 = tpu.iota {dimensions = array<i32: 2>} : vector<8x160x128xi32>
    %and3A_136 = arith.constant 4 : i32
    %and3A_137 = vector.broadcast %and3A_136 : i32 to vector<8x160x128xi32>
    %and3A_138 = arith.andi %iota3A_135, %and3A_137 : vector<8x160x128xi32>
    %eq3A_139 = arith.constant 0 : i32
    %eq3A_140 = vector.broadcast %eq3A_139 : i32 to vector<8x160x128xi32>
    %eq3A_141 = arith.cmpi eq, %and3A_138, %eq3A_140 : vector<8x160x128xi32>
    %roll3A_142 = arith.constant 124 : i32
    %roll3A_143 = tpu.dynamic_rotate %select_n3A_124 by %roll3A_142 dim 2 : vector<8x160x128xi32>, i32 -> vector<8x160x128xi32>
    %roll3A_144 = arith.constant 4 : i32
    %roll3A_145 = tpu.dynamic_rotate %select_n3A_124 by %roll3A_144 dim 2 : vector<8x160x128xi32>, i32 -> vector<8x160x128xi32>
    %select_n3A_146 = arith.select %eq3A_141, %roll3A_143, %roll3A_145 : vector<8x160x128xi1>, vector<8x160x128xi32>
    %roll3A_147 = arith.constant 124 : i32
    %roll3A_148 = tpu.dynamic_rotate %select_n3A_125 by %roll3A_147 dim 2 : vector<8x160x128xi32>, i32 -> vector<8x160x128xi32>
    %roll3A_149 = arith.constant 4 : i32
    %roll3A_150 = tpu.dynamic_rotate %select_n3A_125 by %roll3A_149 dim 2 : vector<8x160x128xi32>, i32 -> vector<8x160x128xi32>
    %select_n3A_151 = arith.select %eq3A_141, %roll3A_148, %roll3A_150 : vector<8x160x128xi1>, vector<8x160x128xi32>
    %gt3A_152 = arith.cmpi sgt, %select_n3A_124, %select_n3A_146 : vector<8x160x128xi32>
    %eq3A_153 = arith.cmpi eq, %select_n3A_124, %select_n3A_146 : vector<8x160x128xi32>
    %lt3A_154 = arith.cmpi slt, %select_n3A_125, %select_n3A_151 : vector<8x160x128xi32>
    %and3A_155 = arith.andi %eq3A_153, %lt3A_154 : vector<8x160x128xi1>
    %or3A_156 = arith.ori %gt3A_152, %and3A_155 : vector<8x160x128xi1>
    %eq3A_157 = arith.xori %eq3A_141, %eq3A_134 : vector<8x160x128xi1>
    %eq3A_158 = arith.constant dense<true> : vector<8x160x128xi1>
    %eq3A_159 = arith.xori %eq3A_157, %eq3A_158 : vector<8x160x128xi1>
    %eq3A_160 = arith.xori %or3A_156, %eq3A_159 : vector<8x160x128xi1>
    %eq3A_161 = arith.constant dense<true> : vector<8x160x128xi1>
    %eq3A_162 = arith.xori %eq3A_160, %eq3A_161 : vector<8x160x128xi1>
    %select_n3A_163 = arith.select %eq3A_162, %select_n3A_124, %select_n3A_146 : vector<8x160x128xi1>, vector<8x160x128xi32>
    %select_n3A_164 = arith.select %eq3A_162, %select_n3A_125, %select_n3A_151 : vector<8x160x128xi1>, vector<8x160x128xi32>
    %iota3A_165 = tpu.iota {dimensions = array<i32: 2>} : vector<8x160x128xi32>
    %and3A_166 = arith.constant 2 : i32
    %and3A_167 = vector.broadcast %and3A_166 : i32 to vector<8x160x128xi32>
    %and3A_168 = arith.andi %iota3A_165, %and3A_167 : vector<8x160x128xi32>
    %eq3A_169 = arith.constant 0 : i32
    %eq3A_170 = vector.broadcast %eq3A_169 : i32 to vector<8x160x128xi32>
    %eq3A_171 = arith.cmpi eq, %and3A_168, %eq3A_170 : vector<8x160x128xi32>
    %roll3A_172 = arith.constant 126 : i32
    %roll3A_173 = tpu.dynamic_rotate %select_n3A_163 by %roll3A_172 dim 2 : vector<8x160x128xi32>, i32 -> vector<8x160x128xi32>
    %roll3A_174 = arith.constant 2 : i32
    %roll3A_175 = tpu.dynamic_rotate %select_n3A_163 by %roll3A_174 dim 2 : vector<8x160x128xi32>, i32 -> vector<8x160x128xi32>
    %select_n3A_176 = arith.select %eq3A_171, %roll3A_173, %roll3A_175 : vector<8x160x128xi1>, vector<8x160x128xi32>
    %roll3A_177 = arith.constant 126 : i32
    %roll3A_178 = tpu.dynamic_rotate %select_n3A_164 by %roll3A_177 dim 2 : vector<8x160x128xi32>, i32 -> vector<8x160x128xi32>
    %roll3A_179 = arith.constant 2 : i32
    %roll3A_180 = tpu.dynamic_rotate %select_n3A_164 by %roll3A_179 dim 2 : vector<8x160x128xi32>, i32 -> vector<8x160x128xi32>
    %select_n3A_181 = arith.select %eq3A_171, %roll3A_178, %roll3A_180 : vector<8x160x128xi1>, vector<8x160x128xi32>
    %gt3A_182 = arith.cmpi sgt, %select_n3A_163, %select_n3A_176 : vector<8x160x128xi32>
    %eq3A_183 = arith.cmpi eq, %select_n3A_163, %select_n3A_176 : vector<8x160x128xi32>
    %lt3A_184 = arith.cmpi slt, %select_n3A_164, %select_n3A_181 : vector<8x160x128xi32>
    %and3A_185 = arith.andi %eq3A_183, %lt3A_184 : vector<8x160x128xi1>
    %or3A_186 = arith.ori %gt3A_182, %and3A_185 : vector<8x160x128xi1>
    %eq3A_187 = arith.xori %eq3A_171, %eq3A_134 : vector<8x160x128xi1>
    %eq3A_188 = arith.constant dense<true> : vector<8x160x128xi1>
    %eq3A_189 = arith.xori %eq3A_187, %eq3A_188 : vector<8x160x128xi1>
    %eq3A_190 = arith.xori %or3A_186, %eq3A_189 : vector<8x160x128xi1>
    %eq3A_191 = arith.constant dense<true> : vector<8x160x128xi1>
    %eq3A_192 = arith.xori %eq3A_190, %eq3A_191 : vector<8x160x128xi1>
    %select_n3A_193 = arith.select %eq3A_192, %select_n3A_163, %select_n3A_176 : vector<8x160x128xi1>, vector<8x160x128xi32>
    %select_n3A_194 = arith.select %eq3A_192, %select_n3A_164, %select_n3A_181 : vector<8x160x128xi1>, vector<8x160x128xi32>
    %iota3A_195 = tpu.iota {dimensions = array<i32: 2>} : vector<8x160x128xi32>
    %and3A_196 = arith.constant 1 : i32
    %and3A_197 = vector.broadcast %and3A_196 : i32 to vector<8x160x128xi32>
    %and3A_198 = arith.andi %iota3A_195, %and3A_197 : vector<8x160x128xi32>
    %eq3A_199 = arith.constant 0 : i32
    %eq3A_200 = vector.broadcast %eq3A_199 : i32 to vector<8x160x128xi32>
    %eq3A_201 = arith.cmpi eq, %and3A_198, %eq3A_200 : vector<8x160x128xi32>
    %roll3A_202 = arith.constant 127 : i32
    %roll3A_203 = tpu.dynamic_rotate %select_n3A_193 by %roll3A_202 dim 2 : vector<8x160x128xi32>, i32 -> vector<8x160x128xi32>
    %roll3A_204 = arith.constant 1 : i32
    %roll3A_205 = tpu.dynamic_rotate %select_n3A_193 by %roll3A_204 dim 2 : vector<8x160x128xi32>, i32 -> vector<8x160x128xi32>
    %select_n3A_206 = arith.select %eq3A_201, %roll3A_203, %roll3A_205 : vector<8x160x128xi1>, vector<8x160x128xi32>
    %roll3A_207 = arith.constant 127 : i32
    %roll3A_208 = tpu.dynamic_rotate %select_n3A_194 by %roll3A_207 dim 2 : vector<8x160x128xi32>, i32 -> vector<8x160x128xi32>
    %roll3A_209 = arith.constant 1 : i32
    %roll3A_210 = tpu.dynamic_rotate %select_n3A_194 by %roll3A_209 dim 2 : vector<8x160x128xi32>, i32 -> vector<8x160x128xi32>
    %select_n3A_211 = arith.select %eq3A_201, %roll3A_208, %roll3A_210 : vector<8x160x128xi1>, vector<8x160x128xi32>
    %gt3A_212 = arith.cmpi sgt, %select_n3A_193, %select_n3A_206 : vector<8x160x128xi32>
    %eq3A_213 = arith.cmpi eq, %select_n3A_193, %select_n3A_206 : vector<8x160x128xi32>
    %lt3A_214 = arith.cmpi slt, %select_n3A_194, %select_n3A_211 : vector<8x160x128xi32>
    %and3A_215 = arith.andi %eq3A_213, %lt3A_214 : vector<8x160x128xi1>
    %or3A_216 = arith.ori %gt3A_212, %and3A_215 : vector<8x160x128xi1>
    %eq3A_217 = arith.xori %eq3A_201, %eq3A_134 : vector<8x160x128xi1>
    %eq3A_218 = arith.constant dense<true> : vector<8x160x128xi1>
    %eq3A_219 = arith.xori %eq3A_217, %eq3A_218 : vector<8x160x128xi1>
    %eq3A_220 = arith.xori %or3A_216, %eq3A_219 : vector<8x160x128xi1>
    %eq3A_221 = arith.constant dense<true> : vector<8x160x128xi1>
    %eq3A_222 = arith.xori %eq3A_220, %eq3A_221 : vector<8x160x128xi1>
    %select_n3A_223 = arith.select %eq3A_222, %select_n3A_193, %select_n3A_206 : vector<8x160x128xi1>, vector<8x160x128xi32>
    %select_n3A_224 = arith.select %eq3A_222, %select_n3A_194, %select_n3A_211 : vector<8x160x128xi1>, vector<8x160x128xi32>
    %and3A_225 = arith.constant 16 : i32
    %and3A_226 = vector.broadcast %and3A_225 : i32 to vector<8x160x128xi32>
    %and3A_227 = arith.andi %iota3A_20, %and3A_226 : vector<8x160x128xi32>
    %eq3A_228 = arith.constant 0 : i32
    %eq3A_229 = vector.broadcast %eq3A_228 : i32 to vector<8x160x128xi32>
    %eq3A_230 = arith.cmpi eq, %and3A_227, %eq3A_229 : vector<8x160x128xi32>
    %eq3A_231 = arith.xori %eq3A_230, %lt3A_18 : vector<8x160x128xi1>
    %eq3A_232 = arith.constant dense<true> : vector<8x160x128xi1>
    %eq3A_233 = arith.xori %eq3A_231, %eq3A_232 : vector<8x160x128xi1>
    %iota3A_234 = tpu.iota {dimensions = array<i32: 2>} : vector<8x160x128xi32>
    %and3A_235 = arith.constant 8 : i32
    %and3A_236 = vector.broadcast %and3A_235 : i32 to vector<8x160x128xi32>
    %and3A_237 = arith.andi %iota3A_234, %and3A_236 : vector<8x160x128xi32>
    %eq3A_238 = arith.constant 0 : i32
    %eq3A_239 = vector.broadcast %eq3A_238 : i32 to vector<8x160x128xi32>
    %eq3A_240 = arith.cmpi eq, %and3A_237, %eq3A_239 : vector<8x160x128xi32>
    %roll3A_241 = arith.constant 120 : i32
    %roll3A_242 = tpu.dynamic_rotate %select_n3A_223 by %roll3A_241 dim 2 : vector<8x160x128xi32>, i32 -> vector<8x160x128xi32>
    %roll3A_243 = arith.constant 8 : i32
    %roll3A_244 = tpu.dynamic_rotate %select_n3A_223 by %roll3A_243 dim 2 : vector<8x160x128xi32>, i32 -> vector<8x160x128xi32>
    %select_n3A_245 = arith.select %eq3A_240, %roll3A_242, %roll3A_244 : vector<8x160x128xi1>, vector<8x160x128xi32>
    %roll3A_246 = arith.constant 120 : i32
    %roll3A_247 = tpu.dynamic_rotate %select_n3A_224 by %roll3A_246 dim 2 : vector<8x160x128xi32>, i32 -> vector<8x160x128xi32>
    %roll3A_248 = arith.constant 8 : i32
    %roll3A_249 = tpu.dynamic_rotate %select_n3A_224 by %roll3A_248 dim 2 : vector<8x160x128xi32>, i32 -> vector<8x160x128xi32>
    %select_n3A_250 = arith.select %eq3A_240, %roll3A_247, %roll3A_249 : vector<8x160x128xi1>, vector<8x160x128xi32>
    %gt3A_251 = arith.cmpi sgt, %select_n3A_223, %select_n3A_245 : vector<8x160x128xi32>
    %eq3A_252 = arith.cmpi eq, %select_n3A_223, %select_n3A_245 : vector<8x160x128xi32>
    %lt3A_253 = arith.cmpi slt, %select_n3A_224, %select_n3A_250 : vector<8x160x128xi32>
    %and3A_254 = arith.andi %eq3A_252, %lt3A_253 : vector<8x160x128xi1>
    %or3A_255 = arith.ori %gt3A_251, %and3A_254 : vector<8x160x128xi1>
    %eq3A_256 = arith.xori %eq3A_240, %eq3A_233 : vector<8x160x128xi1>
    %eq3A_257 = arith.constant dense<true> : vector<8x160x128xi1>
    %eq3A_258 = arith.xori %eq3A_256, %eq3A_257 : vector<8x160x128xi1>
    %eq3A_259 = arith.xori %or3A_255, %eq3A_258 : vector<8x160x128xi1>
    %eq3A_260 = arith.constant dense<true> : vector<8x160x128xi1>
    %eq3A_261 = arith.xori %eq3A_259, %eq3A_260 : vector<8x160x128xi1>
    %select_n3A_262 = arith.select %eq3A_261, %select_n3A_223, %select_n3A_245 : vector<8x160x128xi1>, vector<8x160x128xi32>
    %select_n3A_263 = arith.select %eq3A_261, %select_n3A_224, %select_n3A_250 : vector<8x160x128xi1>, vector<8x160x128xi32>
    %iota3A_264 = tpu.iota {dimensions = array<i32: 2>} : vector<8x160x128xi32>
    %and3A_265 = arith.constant 4 : i32
    %and3A_266 = vector.broadcast %and3A_265 : i32 to vector<8x160x128xi32>
    %and3A_267 = arith.andi %iota3A_264, %and3A_266 : vector<8x160x128xi32>
    %eq3A_268 = arith.constant 0 : i32
    %eq3A_269 = vector.broadcast %eq3A_268 : i32 to vector<8x160x128xi32>
    %eq3A_270 = arith.cmpi eq, %and3A_267, %eq3A_269 : vector<8x160x128xi32>
    %roll3A_271 = arith.constant 124 : i32
    %roll3A_272 = tpu.dynamic_rotate %select_n3A_262 by %roll3A_271 dim 2 : vector<8x160x128xi32>, i32 -> vector<8x160x128xi32>
    %roll3A_273 = arith.constant 4 : i32
    %roll3A_274 = tpu.dynamic_rotate %select_n3A_262 by %roll3A_273 dim 2 : vector<8x160x128xi32>, i32 -> vector<8x160x128xi32>
    %select_n3A_275 = arith.select %eq3A_270, %roll3A_272, %roll3A_274 : vector<8x160x128xi1>, vector<8x160x128xi32>
    %roll3A_276 = arith.constant 124 : i32
    %roll3A_277 = tpu.dynamic_rotate %select_n3A_263 by %roll3A_276 dim 2 : vector<8x160x128xi32>, i32 -> vector<8x160x128xi32>
    %roll3A_278 = arith.constant 4 : i32
    %roll3A_279 = tpu.dynamic_rotate %select_n3A_263 by %roll3A_278 dim 2 : vector<8x160x128xi32>, i32 -> vector<8x160x128xi32>
    %select_n3A_280 = arith.select %eq3A_270, %roll3A_277, %roll3A_279 : vector<8x160x128xi1>, vector<8x160x128xi32>
    %gt3A_281 = arith.cmpi sgt, %select_n3A_262, %select_n3A_275 : vector<8x160x128xi32>
    %eq3A_282 = arith.cmpi eq, %select_n3A_262, %select_n3A_275 : vector<8x160x128xi32>
    %lt3A_283 = arith.cmpi slt, %select_n3A_263, %select_n3A_280 : vector<8x160x128xi32>
    %and3A_284 = arith.andi %eq3A_282, %lt3A_283 : vector<8x160x128xi1>
    %or3A_285 = arith.ori %gt3A_281, %and3A_284 : vector<8x160x128xi1>
    %eq3A_286 = arith.xori %eq3A_270, %eq3A_233 : vector<8x160x128xi1>
    %eq3A_287 = arith.constant dense<true> : vector<8x160x128xi1>
    %eq3A_288 = arith.xori %eq3A_286, %eq3A_287 : vector<8x160x128xi1>
    %eq3A_289 = arith.xori %or3A_285, %eq3A_288 : vector<8x160x128xi1>
    %eq3A_290 = arith.constant dense<true> : vector<8x160x128xi1>
    %eq3A_291 = arith.xori %eq3A_289, %eq3A_290 : vector<8x160x128xi1>
    %select_n3A_292 = arith.select %eq3A_291, %select_n3A_262, %select_n3A_275 : vector<8x160x128xi1>, vector<8x160x128xi32>
    %select_n3A_293 = arith.select %eq3A_291, %select_n3A_263, %select_n3A_280 : vector<8x160x128xi1>, vector<8x160x128xi32>
    %iota3A_294 = tpu.iota {dimensions = array<i32: 2>} : vector<8x160x128xi32>
    %and3A_295 = arith.constant 2 : i32
    %and3A_296 = vector.broadcast %and3A_295 : i32 to vector<8x160x128xi32>
    %and3A_297 = arith.andi %iota3A_294, %and3A_296 : vector<8x160x128xi32>
    %eq3A_298 = arith.constant 0 : i32
    %eq3A_299 = vector.broadcast %eq3A_298 : i32 to vector<8x160x128xi32>
    %eq3A_300 = arith.cmpi eq, %and3A_297, %eq3A_299 : vector<8x160x128xi32>
    %roll3A_301 = arith.constant 126 : i32
    %roll3A_302 = tpu.dynamic_rotate %select_n3A_292 by %roll3A_301 dim 2 : vector<8x160x128xi32>, i32 -> vector<8x160x128xi32>
    %roll3A_303 = arith.constant 2 : i32
    %roll3A_304 = tpu.dynamic_rotate %select_n3A_292 by %roll3A_303 dim 2 : vector<8x160x128xi32>, i32 -> vector<8x160x128xi32>
    %select_n3A_305 = arith.select %eq3A_300, %roll3A_302, %roll3A_304 : vector<8x160x128xi1>, vector<8x160x128xi32>
    %roll3A_306 = arith.constant 126 : i32
    %roll3A_307 = tpu.dynamic_rotate %select_n3A_293 by %roll3A_306 dim 2 : vector<8x160x128xi32>, i32 -> vector<8x160x128xi32>
    %roll3A_308 = arith.constant 2 : i32
    %roll3A_309 = tpu.dynamic_rotate %select_n3A_293 by %roll3A_308 dim 2 : vector<8x160x128xi32>, i32 -> vector<8x160x128xi32>
    %select_n3A_310 = arith.select %eq3A_300, %roll3A_307, %roll3A_309 : vector<8x160x128xi1>, vector<8x160x128xi32>
    %gt3A_311 = arith.cmpi sgt, %select_n3A_292, %select_n3A_305 : vector<8x160x128xi32>
    %eq3A_312 = arith.cmpi eq, %select_n3A_292, %select_n3A_305 : vector<8x160x128xi32>
    %lt3A_313 = arith.cmpi slt, %select_n3A_293, %select_n3A_310 : vector<8x160x128xi32>
    %and3A_314 = arith.andi %eq3A_312, %lt3A_313 : vector<8x160x128xi1>
    %or3A_315 = arith.ori %gt3A_311, %and3A_314 : vector<8x160x128xi1>
    %eq3A_316 = arith.xori %eq3A_300, %eq3A_233 : vector<8x160x128xi1>
    %eq3A_317 = arith.constant dense<true> : vector<8x160x128xi1>
    %eq3A_318 = arith.xori %eq3A_316, %eq3A_317 : vector<8x160x128xi1>
    %eq3A_319 = arith.xori %or3A_315, %eq3A_318 : vector<8x160x128xi1>
    %eq3A_320 = arith.constant dense<true> : vector<8x160x128xi1>
    %eq3A_321 = arith.xori %eq3A_319, %eq3A_320 : vector<8x160x128xi1>
    %select_n3A_322 = arith.select %eq3A_321, %select_n3A_292, %select_n3A_305 : vector<8x160x128xi1>, vector<8x160x128xi32>
    %select_n3A_323 = arith.select %eq3A_321, %select_n3A_293, %select_n3A_310 : vector<8x160x128xi1>, vector<8x160x128xi32>
    %iota3A_324 = tpu.iota {dimensions = array<i32: 2>} : vector<8x160x128xi32>
    %and3A_325 = arith.constant 1 : i32
    %and3A_326 = vector.broadcast %and3A_325 : i32 to vector<8x160x128xi32>
    %and3A_327 = arith.andi %iota3A_324, %and3A_326 : vector<8x160x128xi32>
    %eq3A_328 = arith.constant 0 : i32
    %eq3A_329 = vector.broadcast %eq3A_328 : i32 to vector<8x160x128xi32>
    %eq3A_330 = arith.cmpi eq, %and3A_327, %eq3A_329 : vector<8x160x128xi32>
    %roll3A_331 = arith.constant 127 : i32
    %roll3A_332 = tpu.dynamic_rotate %select_n3A_322 by %roll3A_331 dim 2 : vector<8x160x128xi32>, i32 -> vector<8x160x128xi32>
    %roll3A_333 = arith.constant 1 : i32
    %roll3A_334 = tpu.dynamic_rotate %select_n3A_322 by %roll3A_333 dim 2 : vector<8x160x128xi32>, i32 -> vector<8x160x128xi32>
    %select_n3A_335 = arith.select %eq3A_330, %roll3A_332, %roll3A_334 : vector<8x160x128xi1>, vector<8x160x128xi32>
    %roll3A_336 = arith.constant 127 : i32
    %roll3A_337 = tpu.dynamic_rotate %select_n3A_323 by %roll3A_336 dim 2 : vector<8x160x128xi32>, i32 -> vector<8x160x128xi32>
    %roll3A_338 = arith.constant 1 : i32
    %roll3A_339 = tpu.dynamic_rotate %select_n3A_323 by %roll3A_338 dim 2 : vector<8x160x128xi32>, i32 -> vector<8x160x128xi32>
    %select_n3A_340 = arith.select %eq3A_330, %roll3A_337, %roll3A_339 : vector<8x160x128xi1>, vector<8x160x128xi32>
    %gt3A_341 = arith.cmpi sgt, %select_n3A_322, %select_n3A_335 : vector<8x160x128xi32>
    %eq3A_342 = arith.cmpi eq, %select_n3A_322, %select_n3A_335 : vector<8x160x128xi32>
    %lt3A_343 = arith.cmpi slt, %select_n3A_323, %select_n3A_340 : vector<8x160x128xi32>
    %and3A_344 = arith.andi %eq3A_342, %lt3A_343 : vector<8x160x128xi1>
    %or3A_345 = arith.ori %gt3A_341, %and3A_344 : vector<8x160x128xi1>
    %eq3A_346 = arith.xori %eq3A_330, %eq3A_233 : vector<8x160x128xi1>
    %eq3A_347 = arith.constant dense<true> : vector<8x160x128xi1>
    %eq3A_348 = arith.xori %eq3A_346, %eq3A_347 : vector<8x160x128xi1>
    %eq3A_349 = arith.xori %or3A_345, %eq3A_348 : vector<8x160x128xi1>
    %eq3A_350 = arith.constant dense<true> : vector<8x160x128xi1>
    %eq3A_351 = arith.xori %eq3A_349, %eq3A_350 : vector<8x160x128xi1>
    %select_n3A_352 = arith.select %eq3A_351, %select_n3A_322, %select_n3A_335 : vector<8x160x128xi1>, vector<8x160x128xi32>
    %select_n3A_353 = arith.select %eq3A_351, %select_n3A_323, %select_n3A_340 : vector<8x160x128xi1>, vector<8x160x128xi32>
    %and3A_354 = arith.constant 32 : i32
    %and3A_355 = vector.broadcast %and3A_354 : i32 to vector<8x160x128xi32>
    %and3A_356 = arith.andi %iota3A_20, %and3A_355 : vector<8x160x128xi32>
    %eq3A_357 = arith.constant 0 : i32
    %eq3A_358 = vector.broadcast %eq3A_357 : i32 to vector<8x160x128xi32>
    %eq3A_359 = arith.cmpi eq, %and3A_356, %eq3A_358 : vector<8x160x128xi32>
    %eq3A_360 = arith.xori %eq3A_359, %lt3A_18 : vector<8x160x128xi1>
    %eq3A_361 = arith.constant dense<true> : vector<8x160x128xi1>
    %eq3A_362 = arith.xori %eq3A_360, %eq3A_361 : vector<8x160x128xi1>
    %iota3A_363 = tpu.iota {dimensions = array<i32: 2>} : vector<8x160x128xi32>
    %and3A_364 = arith.constant 16 : i32
    %and3A_365 = vector.broadcast %and3A_364 : i32 to vector<8x160x128xi32>
    %and3A_366 = arith.andi %iota3A_363, %and3A_365 : vector<8x160x128xi32>
    %eq3A_367 = arith.constant 0 : i32
    %eq3A_368 = vector.broadcast %eq3A_367 : i32 to vector<8x160x128xi32>
    %eq3A_369 = arith.cmpi eq, %and3A_366, %eq3A_368 : vector<8x160x128xi32>
    %roll3A_370 = arith.constant 112 : i32
    %roll3A_371 = tpu.dynamic_rotate %select_n3A_352 by %roll3A_370 dim 2 : vector<8x160x128xi32>, i32 -> vector<8x160x128xi32>
    %roll3A_372 = arith.constant 16 : i32
    %roll3A_373 = tpu.dynamic_rotate %select_n3A_352 by %roll3A_372 dim 2 : vector<8x160x128xi32>, i32 -> vector<8x160x128xi32>
    %select_n3A_374 = arith.select %eq3A_369, %roll3A_371, %roll3A_373 : vector<8x160x128xi1>, vector<8x160x128xi32>
    %roll3A_375 = arith.constant 112 : i32
    %roll3A_376 = tpu.dynamic_rotate %select_n3A_353 by %roll3A_375 dim 2 : vector<8x160x128xi32>, i32 -> vector<8x160x128xi32>
    %roll3A_377 = arith.constant 16 : i32
    %roll3A_378 = tpu.dynamic_rotate %select_n3A_353 by %roll3A_377 dim 2 : vector<8x160x128xi32>, i32 -> vector<8x160x128xi32>
    %select_n3A_379 = arith.select %eq3A_369, %roll3A_376, %roll3A_378 : vector<8x160x128xi1>, vector<8x160x128xi32>
    %gt3A_380 = arith.cmpi sgt, %select_n3A_352, %select_n3A_374 : vector<8x160x128xi32>
    %eq3A_381 = arith.cmpi eq, %select_n3A_352, %select_n3A_374 : vector<8x160x128xi32>
    %lt3A_382 = arith.cmpi slt, %select_n3A_353, %select_n3A_379 : vector<8x160x128xi32>
    %and3A_383 = arith.andi %eq3A_381, %lt3A_382 : vector<8x160x128xi1>
    %or3A_384 = arith.ori %gt3A_380, %and3A_383 : vector<8x160x128xi1>
    %eq3A_385 = arith.xori %eq3A_369, %eq3A_362 : vector<8x160x128xi1>
    %eq3A_386 = arith.constant dense<true> : vector<8x160x128xi1>
    %eq3A_387 = arith.xori %eq3A_385, %eq3A_386 : vector<8x160x128xi1>
    %eq3A_388 = arith.xori %or3A_384, %eq3A_387 : vector<8x160x128xi1>
    %eq3A_389 = arith.constant dense<true> : vector<8x160x128xi1>
    %eq3A_390 = arith.xori %eq3A_388, %eq3A_389 : vector<8x160x128xi1>
    %select_n3A_391 = arith.select %eq3A_390, %select_n3A_352, %select_n3A_374 : vector<8x160x128xi1>, vector<8x160x128xi32>
    %select_n3A_392 = arith.select %eq3A_390, %select_n3A_353, %select_n3A_379 : vector<8x160x128xi1>, vector<8x160x128xi32>
    %iota3A_393 = tpu.iota {dimensions = array<i32: 2>} : vector<8x160x128xi32>
    %and3A_394 = arith.constant 8 : i32
    %and3A_395 = vector.broadcast %and3A_394 : i32 to vector<8x160x128xi32>
    %and3A_396 = arith.andi %iota3A_393, %and3A_395 : vector<8x160x128xi32>
    %eq3A_397 = arith.constant 0 : i32
    %eq3A_398 = vector.broadcast %eq3A_397 : i32 to vector<8x160x128xi32>
    %eq3A_399 = arith.cmpi eq, %and3A_396, %eq3A_398 : vector<8x160x128xi32>
    %roll3A_400 = arith.constant 120 : i32
    %roll3A_401 = tpu.dynamic_rotate %select_n3A_391 by %roll3A_400 dim 2 : vector<8x160x128xi32>, i32 -> vector<8x160x128xi32>
    %roll3A_402 = arith.constant 8 : i32
    %roll3A_403 = tpu.dynamic_rotate %select_n3A_391 by %roll3A_402 dim 2 : vector<8x160x128xi32>, i32 -> vector<8x160x128xi32>
    %select_n3A_404 = arith.select %eq3A_399, %roll3A_401, %roll3A_403 : vector<8x160x128xi1>, vector<8x160x128xi32>
    %roll3A_405 = arith.constant 120 : i32
    %roll3A_406 = tpu.dynamic_rotate %select_n3A_392 by %roll3A_405 dim 2 : vector<8x160x128xi32>, i32 -> vector<8x160x128xi32>
    %roll3A_407 = arith.constant 8 : i32
    %roll3A_408 = tpu.dynamic_rotate %select_n3A_392 by %roll3A_407 dim 2 : vector<8x160x128xi32>, i32 -> vector<8x160x128xi32>
    %select_n3A_409 = arith.select %eq3A_399, %roll3A_406, %roll3A_408 : vector<8x160x128xi1>, vector<8x160x128xi32>
    %gt3A_410 = arith.cmpi sgt, %select_n3A_391, %select_n3A_404 : vector<8x160x128xi32>
    %eq3A_411 = arith.cmpi eq, %select_n3A_391, %select_n3A_404 : vector<8x160x128xi32>
    %lt3A_412 = arith.cmpi slt, %select_n3A_392, %select_n3A_409 : vector<8x160x128xi32>
    %and3A_413 = arith.andi %eq3A_411, %lt3A_412 : vector<8x160x128xi1>
    %or3A_414 = arith.ori %gt3A_410, %and3A_413 : vector<8x160x128xi1>
    %eq3A_415 = arith.xori %eq3A_399, %eq3A_362 : vector<8x160x128xi1>
    %eq3A_416 = arith.constant dense<true> : vector<8x160x128xi1>
    %eq3A_417 = arith.xori %eq3A_415, %eq3A_416 : vector<8x160x128xi1>
    %eq3A_418 = arith.xori %or3A_414, %eq3A_417 : vector<8x160x128xi1>
    %eq3A_419 = arith.constant dense<true> : vector<8x160x128xi1>
    %eq3A_420 = arith.xori %eq3A_418, %eq3A_419 : vector<8x160x128xi1>
    %select_n3A_421 = arith.select %eq3A_420, %select_n3A_391, %select_n3A_404 : vector<8x160x128xi1>, vector<8x160x128xi32>
    %select_n3A_422 = arith.select %eq3A_420, %select_n3A_392, %select_n3A_409 : vector<8x160x128xi1>, vector<8x160x128xi32>
    %iota3A_423 = tpu.iota {dimensions = array<i32: 2>} : vector<8x160x128xi32>
    %and3A_424 = arith.constant 4 : i32
    %and3A_425 = vector.broadcast %and3A_424 : i32 to vector<8x160x128xi32>
    %and3A_426 = arith.andi %iota3A_423, %and3A_425 : vector<8x160x128xi32>
    %eq3A_427 = arith.constant 0 : i32
    %eq3A_428 = vector.broadcast %eq3A_427 : i32 to vector<8x160x128xi32>
    %eq3A_429 = arith.cmpi eq, %and3A_426, %eq3A_428 : vector<8x160x128xi32>
    %roll3A_430 = arith.constant 124 : i32
    %roll3A_431 = tpu.dynamic_rotate %select_n3A_421 by %roll3A_430 dim 2 : vector<8x160x128xi32>, i32 -> vector<8x160x128xi32>
    %roll3A_432 = arith.constant 4 : i32
    %roll3A_433 = tpu.dynamic_rotate %select_n3A_421 by %roll3A_432 dim 2 : vector<8x160x128xi32>, i32 -> vector<8x160x128xi32>
    %select_n3A_434 = arith.select %eq3A_429, %roll3A_431, %roll3A_433 : vector<8x160x128xi1>, vector<8x160x128xi32>
    %roll3A_435 = arith.constant 124 : i32
    %roll3A_436 = tpu.dynamic_rotate %select_n3A_422 by %roll3A_435 dim 2 : vector<8x160x128xi32>, i32 -> vector<8x160x128xi32>
    %roll3A_437 = arith.constant 4 : i32
    %roll3A_438 = tpu.dynamic_rotate %select_n3A_422 by %roll3A_437 dim 2 : vector<8x160x128xi32>, i32 -> vector<8x160x128xi32>
    %select_n3A_439 = arith.select %eq3A_429, %roll3A_436, %roll3A_438 : vector<8x160x128xi1>, vector<8x160x128xi32>
    %gt3A_440 = arith.cmpi sgt, %select_n3A_421, %select_n3A_434 : vector<8x160x128xi32>
    %eq3A_441 = arith.cmpi eq, %select_n3A_421, %select_n3A_434 : vector<8x160x128xi32>
    %lt3A_442 = arith.cmpi slt, %select_n3A_422, %select_n3A_439 : vector<8x160x128xi32>
    %and3A_443 = arith.andi %eq3A_441, %lt3A_442 : vector<8x160x128xi1>
    %or3A_444 = arith.ori %gt3A_440, %and3A_443 : vector<8x160x128xi1>
    %eq3A_445 = arith.xori %eq3A_429, %eq3A_362 : vector<8x160x128xi1>
    %eq3A_446 = arith.constant dense<true> : vector<8x160x128xi1>
    %eq3A_447 = arith.xori %eq3A_445, %eq3A_446 : vector<8x160x128xi1>
    %eq3A_448 = arith.xori %or3A_444, %eq3A_447 : vector<8x160x128xi1>
    %eq3A_449 = arith.constant dense<true> : vector<8x160x128xi1>
    %eq3A_450 = arith.xori %eq3A_448, %eq3A_449 : vector<8x160x128xi1>
    %select_n3A_451 = arith.select %eq3A_450, %select_n3A_421, %select_n3A_434 : vector<8x160x128xi1>, vector<8x160x128xi32>
    %select_n3A_452 = arith.select %eq3A_450, %select_n3A_422, %select_n3A_439 : vector<8x160x128xi1>, vector<8x160x128xi32>
    %iota3A_453 = tpu.iota {dimensions = array<i32: 2>} : vector<8x160x128xi32>
    %and3A_454 = arith.constant 2 : i32
    %and3A_455 = vector.broadcast %and3A_454 : i32 to vector<8x160x128xi32>
    %and3A_456 = arith.andi %iota3A_453, %and3A_455 : vector<8x160x128xi32>
    %eq3A_457 = arith.constant 0 : i32
    %eq3A_458 = vector.broadcast %eq3A_457 : i32 to vector<8x160x128xi32>
    %eq3A_459 = arith.cmpi eq, %and3A_456, %eq3A_458 : vector<8x160x128xi32>
    %roll3A_460 = arith.constant 126 : i32
    %roll3A_461 = tpu.dynamic_rotate %select_n3A_451 by %roll3A_460 dim 2 : vector<8x160x128xi32>, i32 -> vector<8x160x128xi32>
    %roll3A_462 = arith.constant 2 : i32
    %roll3A_463 = tpu.dynamic_rotate %select_n3A_451 by %roll3A_462 dim 2 : vector<8x160x128xi32>, i32 -> vector<8x160x128xi32>
    %select_n3A_464 = arith.select %eq3A_459, %roll3A_461, %roll3A_463 : vector<8x160x128xi1>, vector<8x160x128xi32>
    %roll3A_465 = arith.constant 126 : i32
    %roll3A_466 = tpu.dynamic_rotate %select_n3A_452 by %roll3A_465 dim 2 : vector<8x160x128xi32>, i32 -> vector<8x160x128xi32>
    %roll3A_467 = arith.constant 2 : i32
    %roll3A_468 = tpu.dynamic_rotate %select_n3A_452 by %roll3A_467 dim 2 : vector<8x160x128xi32>, i32 -> vector<8x160x128xi32>
    %select_n3A_469 = arith.select %eq3A_459, %roll3A_466, %roll3A_468 : vector<8x160x128xi1>, vector<8x160x128xi32>
    %gt3A_470 = arith.cmpi sgt, %select_n3A_451, %select_n3A_464 : vector<8x160x128xi32>
    %eq3A_471 = arith.cmpi eq, %select_n3A_451, %select_n3A_464 : vector<8x160x128xi32>
    %lt3A_472 = arith.cmpi slt, %select_n3A_452, %select_n3A_469 : vector<8x160x128xi32>
    %and3A_473 = arith.andi %eq3A_471, %lt3A_472 : vector<8x160x128xi1>
    %or3A_474 = arith.ori %gt3A_470, %and3A_473 : vector<8x160x128xi1>
    %eq3A_475 = arith.xori %eq3A_459, %eq3A_362 : vector<8x160x128xi1>
    %eq3A_476 = arith.constant dense<true> : vector<8x160x128xi1>
    %eq3A_477 = arith.xori %eq3A_475, %eq3A_476 : vector<8x160x128xi1>
    %eq3A_478 = arith.xori %or3A_474, %eq3A_477 : vector<8x160x128xi1>
    %eq3A_479 = arith.constant dense<true> : vector<8x160x128xi1>
    %eq3A_480 = arith.xori %eq3A_478, %eq3A_479 : vector<8x160x128xi1>
    %select_n3A_481 = arith.select %eq3A_480, %select_n3A_451, %select_n3A_464 : vector<8x160x128xi1>, vector<8x160x128xi32>
    %select_n3A_482 = arith.select %eq3A_480, %select_n3A_452, %select_n3A_469 : vector<8x160x128xi1>, vector<8x160x128xi32>
    %iota3A_483 = tpu.iota {dimensions = array<i32: 2>} : vector<8x160x128xi32>
    %and3A_484 = arith.constant 1 : i32
    %and3A_485 = vector.broadcast %and3A_484 : i32 to vector<8x160x128xi32>
    %and3A_486 = arith.andi %iota3A_483, %and3A_485 : vector<8x160x128xi32>
    %eq3A_487 = arith.constant 0 : i32
    %eq3A_488 = vector.broadcast %eq3A_487 : i32 to vector<8x160x128xi32>
    %eq3A_489 = arith.cmpi eq, %and3A_486, %eq3A_488 : vector<8x160x128xi32>
    %roll3A_490 = arith.constant 127 : i32
    %roll3A_491 = tpu.dynamic_rotate %select_n3A_481 by %roll3A_490 dim 2 : vector<8x160x128xi32>, i32 -> vector<8x160x128xi32>
    %roll3A_492 = arith.constant 1 : i32
    %roll3A_493 = tpu.dynamic_rotate %select_n3A_481 by %roll3A_492 dim 2 : vector<8x160x128xi32>, i32 -> vector<8x160x128xi32>
    %select_n3A_494 = arith.select %eq3A_489, %roll3A_491, %roll3A_493 : vector<8x160x128xi1>, vector<8x160x128xi32>
    %roll3A_495 = arith.constant 127 : i32
    %roll3A_496 = tpu.dynamic_rotate %select_n3A_482 by %roll3A_495 dim 2 : vector<8x160x128xi32>, i32 -> vector<8x160x128xi32>
    %roll3A_497 = arith.constant 1 : i32
    %roll3A_498 = tpu.dynamic_rotate %select_n3A_482 by %roll3A_497 dim 2 : vector<8x160x128xi32>, i32 -> vector<8x160x128xi32>
    %select_n3A_499 = arith.select %eq3A_489, %roll3A_496, %roll3A_498 : vector<8x160x128xi1>, vector<8x160x128xi32>
    %gt3A_500 = arith.cmpi sgt, %select_n3A_481, %select_n3A_494 : vector<8x160x128xi32>
    %eq3A_501 = arith.cmpi eq, %select_n3A_481, %select_n3A_494 : vector<8x160x128xi32>
    %lt3A_502 = arith.cmpi slt, %select_n3A_482, %select_n3A_499 : vector<8x160x128xi32>
    %and3A_503 = arith.andi %eq3A_501, %lt3A_502 : vector<8x160x128xi1>
    %or3A_504 = arith.ori %gt3A_500, %and3A_503 : vector<8x160x128xi1>
    %eq3A_505 = arith.xori %eq3A_489, %eq3A_362 : vector<8x160x128xi1>
    %eq3A_506 = arith.constant dense<true> : vector<8x160x128xi1>
    %eq3A_507 = arith.xori %eq3A_505, %eq3A_506 : vector<8x160x128xi1>
    %eq3A_508 = arith.xori %or3A_504, %eq3A_507 : vector<8x160x128xi1>
    %eq3A_509 = arith.constant dense<true> : vector<8x160x128xi1>
    %eq3A_510 = arith.xori %eq3A_508, %eq3A_509 : vector<8x160x128xi1>
    %select_n3A_511 = arith.select %eq3A_510, %select_n3A_481, %select_n3A_494 : vector<8x160x128xi1>, vector<8x160x128xi32>
    %select_n3A_512 = arith.select %eq3A_510, %select_n3A_482, %select_n3A_499 : vector<8x160x128xi1>, vector<8x160x128xi32>
    %and3A_513 = arith.constant 64 : i32
    %and3A_514 = vector.broadcast %and3A_513 : i32 to vector<8x160x128xi32>
    %and3A_515 = arith.andi %iota3A_20, %and3A_514 : vector<8x160x128xi32>
    %eq3A_516 = arith.constant 0 : i32
    %eq3A_517 = vector.broadcast %eq3A_516 : i32 to vector<8x160x128xi32>
    %eq3A_518 = arith.cmpi eq, %and3A_515, %eq3A_517 : vector<8x160x128xi32>
    %eq3A_519 = arith.xori %eq3A_518, %lt3A_18 : vector<8x160x128xi1>
    %eq3A_520 = arith.constant dense<true> : vector<8x160x128xi1>
    %eq3A_521 = arith.xori %eq3A_519, %eq3A_520 : vector<8x160x128xi1>
    %iota3A_522 = tpu.iota {dimensions = array<i32: 2>} : vector<8x160x128xi32>
    %and3A_523 = arith.constant 32 : i32
    %and3A_524 = vector.broadcast %and3A_523 : i32 to vector<8x160x128xi32>
    %and3A_525 = arith.andi %iota3A_522, %and3A_524 : vector<8x160x128xi32>
    %eq3A_526 = arith.constant 0 : i32
    %eq3A_527 = vector.broadcast %eq3A_526 : i32 to vector<8x160x128xi32>
    %eq3A_528 = arith.cmpi eq, %and3A_525, %eq3A_527 : vector<8x160x128xi32>
    %roll3A_529 = arith.constant 96 : i32
    %roll3A_530 = tpu.dynamic_rotate %select_n3A_511 by %roll3A_529 dim 2 : vector<8x160x128xi32>, i32 -> vector<8x160x128xi32>
    %roll3A_531 = arith.constant 32 : i32
    %roll3A_532 = tpu.dynamic_rotate %select_n3A_511 by %roll3A_531 dim 2 : vector<8x160x128xi32>, i32 -> vector<8x160x128xi32>
    %select_n3A_533 = arith.select %eq3A_528, %roll3A_530, %roll3A_532 : vector<8x160x128xi1>, vector<8x160x128xi32>
    %roll3A_534 = arith.constant 96 : i32
    %roll3A_535 = tpu.dynamic_rotate %select_n3A_512 by %roll3A_534 dim 2 : vector<8x160x128xi32>, i32 -> vector<8x160x128xi32>
    %roll3A_536 = arith.constant 32 : i32
    %roll3A_537 = tpu.dynamic_rotate %select_n3A_512 by %roll3A_536 dim 2 : vector<8x160x128xi32>, i32 -> vector<8x160x128xi32>
    %select_n3A_538 = arith.select %eq3A_528, %roll3A_535, %roll3A_537 : vector<8x160x128xi1>, vector<8x160x128xi32>
    %gt3A_539 = arith.cmpi sgt, %select_n3A_511, %select_n3A_533 : vector<8x160x128xi32>
    %eq3A_540 = arith.cmpi eq, %select_n3A_511, %select_n3A_533 : vector<8x160x128xi32>
    %lt3A_541 = arith.cmpi slt, %select_n3A_512, %select_n3A_538 : vector<8x160x128xi32>
    %and3A_542 = arith.andi %eq3A_540, %lt3A_541 : vector<8x160x128xi1>
    %or3A_543 = arith.ori %gt3A_539, %and3A_542 : vector<8x160x128xi1>
    %eq3A_544 = arith.xori %eq3A_528, %eq3A_521 : vector<8x160x128xi1>
    %eq3A_545 = arith.constant dense<true> : vector<8x160x128xi1>
    %eq3A_546 = arith.xori %eq3A_544, %eq3A_545 : vector<8x160x128xi1>
    %eq3A_547 = arith.xori %or3A_543, %eq3A_546 : vector<8x160x128xi1>
    %eq3A_548 = arith.constant dense<true> : vector<8x160x128xi1>
    %eq3A_549 = arith.xori %eq3A_547, %eq3A_548 : vector<8x160x128xi1>
    %select_n3A_550 = arith.select %eq3A_549, %select_n3A_511, %select_n3A_533 : vector<8x160x128xi1>, vector<8x160x128xi32>
    %select_n3A_551 = arith.select %eq3A_549, %select_n3A_512, %select_n3A_538 : vector<8x160x128xi1>, vector<8x160x128xi32>
    %iota3A_552 = tpu.iota {dimensions = array<i32: 2>} : vector<8x160x128xi32>
    %and3A_553 = arith.constant 16 : i32
    %and3A_554 = vector.broadcast %and3A_553 : i32 to vector<8x160x128xi32>
    %and3A_555 = arith.andi %iota3A_552, %and3A_554 : vector<8x160x128xi32>
    %eq3A_556 = arith.constant 0 : i32
    %eq3A_557 = vector.broadcast %eq3A_556 : i32 to vector<8x160x128xi32>
    %eq3A_558 = arith.cmpi eq, %and3A_555, %eq3A_557 : vector<8x160x128xi32>
    %roll3A_559 = arith.constant 112 : i32
    %roll3A_560 = tpu.dynamic_rotate %select_n3A_550 by %roll3A_559 dim 2 : vector<8x160x128xi32>, i32 -> vector<8x160x128xi32>
    %roll3A_561 = arith.constant 16 : i32
    %roll3A_562 = tpu.dynamic_rotate %select_n3A_550 by %roll3A_561 dim 2 : vector<8x160x128xi32>, i32 -> vector<8x160x128xi32>
    %select_n3A_563 = arith.select %eq3A_558, %roll3A_560, %roll3A_562 : vector<8x160x128xi1>, vector<8x160x128xi32>
    %roll3A_564 = arith.constant 112 : i32
    %roll3A_565 = tpu.dynamic_rotate %select_n3A_551 by %roll3A_564 dim 2 : vector<8x160x128xi32>, i32 -> vector<8x160x128xi32>
    %roll3A_566 = arith.constant 16 : i32
    %roll3A_567 = tpu.dynamic_rotate %select_n3A_551 by %roll3A_566 dim 2 : vector<8x160x128xi32>, i32 -> vector<8x160x128xi32>
    %select_n3A_568 = arith.select %eq3A_558, %roll3A_565, %roll3A_567 : vector<8x160x128xi1>, vector<8x160x128xi32>
    %gt3A_569 = arith.cmpi sgt, %select_n3A_550, %select_n3A_563 : vector<8x160x128xi32>
    %eq3A_570 = arith.cmpi eq, %select_n3A_550, %select_n3A_563 : vector<8x160x128xi32>
    %lt3A_571 = arith.cmpi slt, %select_n3A_551, %select_n3A_568 : vector<8x160x128xi32>
    %and3A_572 = arith.andi %eq3A_570, %lt3A_571 : vector<8x160x128xi1>
    %or3A_573 = arith.ori %gt3A_569, %and3A_572 : vector<8x160x128xi1>
    %eq3A_574 = arith.xori %eq3A_558, %eq3A_521 : vector<8x160x128xi1>
    %eq3A_575 = arith.constant dense<true> : vector<8x160x128xi1>
    %eq3A_576 = arith.xori %eq3A_574, %eq3A_575 : vector<8x160x128xi1>
    %eq3A_577 = arith.xori %or3A_573, %eq3A_576 : vector<8x160x128xi1>
    %eq3A_578 = arith.constant dense<true> : vector<8x160x128xi1>
    %eq3A_579 = arith.xori %eq3A_577, %eq3A_578 : vector<8x160x128xi1>
    %select_n3A_580 = arith.select %eq3A_579, %select_n3A_550, %select_n3A_563 : vector<8x160x128xi1>, vector<8x160x128xi32>
    %select_n3A_581 = arith.select %eq3A_579, %select_n3A_551, %select_n3A_568 : vector<8x160x128xi1>, vector<8x160x128xi32>
    %iota3A_582 = tpu.iota {dimensions = array<i32: 2>} : vector<8x160x128xi32>
    %and3A_583 = arith.constant 8 : i32
    %and3A_584 = vector.broadcast %and3A_583 : i32 to vector<8x160x128xi32>
    %and3A_585 = arith.andi %iota3A_582, %and3A_584 : vector<8x160x128xi32>
    %eq3A_586 = arith.constant 0 : i32
    %eq3A_587 = vector.broadcast %eq3A_586 : i32 to vector<8x160x128xi32>
    %eq3A_588 = arith.cmpi eq, %and3A_585, %eq3A_587 : vector<8x160x128xi32>
    %roll3A_589 = arith.constant 120 : i32
    %roll3A_590 = tpu.dynamic_rotate %select_n3A_580 by %roll3A_589 dim 2 : vector<8x160x128xi32>, i32 -> vector<8x160x128xi32>
    %roll3A_591 = arith.constant 8 : i32
    %roll3A_592 = tpu.dynamic_rotate %select_n3A_580 by %roll3A_591 dim 2 : vector<8x160x128xi32>, i32 -> vector<8x160x128xi32>
    %select_n3A_593 = arith.select %eq3A_588, %roll3A_590, %roll3A_592 : vector<8x160x128xi1>, vector<8x160x128xi32>
    %roll3A_594 = arith.constant 120 : i32
    %roll3A_595 = tpu.dynamic_rotate %select_n3A_581 by %roll3A_594 dim 2 : vector<8x160x128xi32>, i32 -> vector<8x160x128xi32>
    %roll3A_596 = arith.constant 8 : i32
    %roll3A_597 = tpu.dynamic_rotate %select_n3A_581 by %roll3A_596 dim 2 : vector<8x160x128xi32>, i32 -> vector<8x160x128xi32>
    %select_n3A_598 = arith.select %eq3A_588, %roll3A_595, %roll3A_597 : vector<8x160x128xi1>, vector<8x160x128xi32>
    %gt3A_599 = arith.cmpi sgt, %select_n3A_580, %select_n3A_593 : vector<8x160x128xi32>
    %eq3A_600 = arith.cmpi eq, %select_n3A_580, %select_n3A_593 : vector<8x160x128xi32>
    %lt3A_601 = arith.cmpi slt, %select_n3A_581, %select_n3A_598 : vector<8x160x128xi32>
    %and3A_602 = arith.andi %eq3A_600, %lt3A_601 : vector<8x160x128xi1>
    %or3A_603 = arith.ori %gt3A_599, %and3A_602 : vector<8x160x128xi1>
    %eq3A_604 = arith.xori %eq3A_588, %eq3A_521 : vector<8x160x128xi1>
    %eq3A_605 = arith.constant dense<true> : vector<8x160x128xi1>
    %eq3A_606 = arith.xori %eq3A_604, %eq3A_605 : vector<8x160x128xi1>
    %eq3A_607 = arith.xori %or3A_603, %eq3A_606 : vector<8x160x128xi1>
    %eq3A_608 = arith.constant dense<true> : vector<8x160x128xi1>
    %eq3A_609 = arith.xori %eq3A_607, %eq3A_608 : vector<8x160x128xi1>
    %select_n3A_610 = arith.select %eq3A_609, %select_n3A_580, %select_n3A_593 : vector<8x160x128xi1>, vector<8x160x128xi32>
    %select_n3A_611 = arith.select %eq3A_609, %select_n3A_581, %select_n3A_598 : vector<8x160x128xi1>, vector<8x160x128xi32>
    %iota3A_612 = tpu.iota {dimensions = array<i32: 2>} : vector<8x160x128xi32>
    %and3A_613 = arith.constant 4 : i32
    %and3A_614 = vector.broadcast %and3A_613 : i32 to vector<8x160x128xi32>
    %and3A_615 = arith.andi %iota3A_612, %and3A_614 : vector<8x160x128xi32>
    %eq3A_616 = arith.constant 0 : i32
    %eq3A_617 = vector.broadcast %eq3A_616 : i32 to vector<8x160x128xi32>
    %eq3A_618 = arith.cmpi eq, %and3A_615, %eq3A_617 : vector<8x160x128xi32>
    %roll3A_619 = arith.constant 124 : i32
    %roll3A_620 = tpu.dynamic_rotate %select_n3A_610 by %roll3A_619 dim 2 : vector<8x160x128xi32>, i32 -> vector<8x160x128xi32>
    %roll3A_621 = arith.constant 4 : i32
    %roll3A_622 = tpu.dynamic_rotate %select_n3A_610 by %roll3A_621 dim 2 : vector<8x160x128xi32>, i32 -> vector<8x160x128xi32>
    %select_n3A_623 = arith.select %eq3A_618, %roll3A_620, %roll3A_622 : vector<8x160x128xi1>, vector<8x160x128xi32>
    %roll3A_624 = arith.constant 124 : i32
    %roll3A_625 = tpu.dynamic_rotate %select_n3A_611 by %roll3A_624 dim 2 : vector<8x160x128xi32>, i32 -> vector<8x160x128xi32>
    %roll3A_626 = arith.constant 4 : i32
    %roll3A_627 = tpu.dynamic_rotate %select_n3A_611 by %roll3A_626 dim 2 : vector<8x160x128xi32>, i32 -> vector<8x160x128xi32>
    %select_n3A_628 = arith.select %eq3A_618, %roll3A_625, %roll3A_627 : vector<8x160x128xi1>, vector<8x160x128xi32>
    %gt3A_629 = arith.cmpi sgt, %select_n3A_610, %select_n3A_623 : vector<8x160x128xi32>
    %eq3A_630 = arith.cmpi eq, %select_n3A_610, %select_n3A_623 : vector<8x160x128xi32>
    %lt3A_631 = arith.cmpi slt, %select_n3A_611, %select_n3A_628 : vector<8x160x128xi32>
    %and3A_632 = arith.andi %eq3A_630, %lt3A_631 : vector<8x160x128xi1>
    %or3A_633 = arith.ori %gt3A_629, %and3A_632 : vector<8x160x128xi1>
    %eq3A_634 = arith.xori %eq3A_618, %eq3A_521 : vector<8x160x128xi1>
    %eq3A_635 = arith.constant dense<true> : vector<8x160x128xi1>
    %eq3A_636 = arith.xori %eq3A_634, %eq3A_635 : vector<8x160x128xi1>
    %eq3A_637 = arith.xori %or3A_633, %eq3A_636 : vector<8x160x128xi1>
    %eq3A_638 = arith.constant dense<true> : vector<8x160x128xi1>
    %eq3A_639 = arith.xori %eq3A_637, %eq3A_638 : vector<8x160x128xi1>
    %select_n3A_640 = arith.select %eq3A_639, %select_n3A_610, %select_n3A_623 : vector<8x160x128xi1>, vector<8x160x128xi32>
    %select_n3A_641 = arith.select %eq3A_639, %select_n3A_611, %select_n3A_628 : vector<8x160x128xi1>, vector<8x160x128xi32>
    %iota3A_642 = tpu.iota {dimensions = array<i32: 2>} : vector<8x160x128xi32>
    %and3A_643 = arith.constant 2 : i32
    %and3A_644 = vector.broadcast %and3A_643 : i32 to vector<8x160x128xi32>
    %and3A_645 = arith.andi %iota3A_642, %and3A_644 : vector<8x160x128xi32>
    %eq3A_646 = arith.constant 0 : i32
    %eq3A_647 = vector.broadcast %eq3A_646 : i32 to vector<8x160x128xi32>
    %eq3A_648 = arith.cmpi eq, %and3A_645, %eq3A_647 : vector<8x160x128xi32>
    %roll3A_649 = arith.constant 126 : i32
    %roll3A_650 = tpu.dynamic_rotate %select_n3A_640 by %roll3A_649 dim 2 : vector<8x160x128xi32>, i32 -> vector<8x160x128xi32>
    %roll3A_651 = arith.constant 2 : i32
    %roll3A_652 = tpu.dynamic_rotate %select_n3A_640 by %roll3A_651 dim 2 : vector<8x160x128xi32>, i32 -> vector<8x160x128xi32>
    %select_n3A_653 = arith.select %eq3A_648, %roll3A_650, %roll3A_652 : vector<8x160x128xi1>, vector<8x160x128xi32>
    %roll3A_654 = arith.constant 126 : i32
    %roll3A_655 = tpu.dynamic_rotate %select_n3A_641 by %roll3A_654 dim 2 : vector<8x160x128xi32>, i32 -> vector<8x160x128xi32>
    %roll3A_656 = arith.constant 2 : i32
    %roll3A_657 = tpu.dynamic_rotate %select_n3A_641 by %roll3A_656 dim 2 : vector<8x160x128xi32>, i32 -> vector<8x160x128xi32>
    %select_n3A_658 = arith.select %eq3A_648, %roll3A_655, %roll3A_657 : vector<8x160x128xi1>, vector<8x160x128xi32>
    %gt3A_659 = arith.cmpi sgt, %select_n3A_640, %select_n3A_653 : vector<8x160x128xi32>
    %eq3A_660 = arith.cmpi eq, %select_n3A_640, %select_n3A_653 : vector<8x160x128xi32>
    %lt3A_661 = arith.cmpi slt, %select_n3A_641, %select_n3A_658 : vector<8x160x128xi32>
    %and3A_662 = arith.andi %eq3A_660, %lt3A_661 : vector<8x160x128xi1>
    %or3A_663 = arith.ori %gt3A_659, %and3A_662 : vector<8x160x128xi1>
    %eq3A_664 = arith.xori %eq3A_648, %eq3A_521 : vector<8x160x128xi1>
    %eq3A_665 = arith.constant dense<true> : vector<8x160x128xi1>
    %eq3A_666 = arith.xori %eq3A_664, %eq3A_665 : vector<8x160x128xi1>
    %eq3A_667 = arith.xori %or3A_663, %eq3A_666 : vector<8x160x128xi1>
    %eq3A_668 = arith.constant dense<true> : vector<8x160x128xi1>
    %eq3A_669 = arith.xori %eq3A_667, %eq3A_668 : vector<8x160x128xi1>
    %select_n3A_670 = arith.select %eq3A_669, %select_n3A_640, %select_n3A_653 : vector<8x160x128xi1>, vector<8x160x128xi32>
    %select_n3A_671 = arith.select %eq3A_669, %select_n3A_641, %select_n3A_658 : vector<8x160x128xi1>, vector<8x160x128xi32>
    %iota3A_672 = tpu.iota {dimensions = array<i32: 2>} : vector<8x160x128xi32>
    %and3A_673 = arith.constant 1 : i32
    %and3A_674 = vector.broadcast %and3A_673 : i32 to vector<8x160x128xi32>
    %and3A_675 = arith.andi %iota3A_672, %and3A_674 : vector<8x160x128xi32>
    %eq3A_676 = arith.constant 0 : i32
    %eq3A_677 = vector.broadcast %eq3A_676 : i32 to vector<8x160x128xi32>
    %eq3A_678 = arith.cmpi eq, %and3A_675, %eq3A_677 : vector<8x160x128xi32>
    %roll3A_679 = arith.constant 127 : i32
    %roll3A_680 = tpu.dynamic_rotate %select_n3A_670 by %roll3A_679 dim 2 : vector<8x160x128xi32>, i32 -> vector<8x160x128xi32>
    %roll3A_681 = arith.constant 1 : i32
    %roll3A_682 = tpu.dynamic_rotate %select_n3A_670 by %roll3A_681 dim 2 : vector<8x160x128xi32>, i32 -> vector<8x160x128xi32>
    %select_n3A_683 = arith.select %eq3A_678, %roll3A_680, %roll3A_682 : vector<8x160x128xi1>, vector<8x160x128xi32>
    %roll3A_684 = arith.constant 127 : i32
    %roll3A_685 = tpu.dynamic_rotate %select_n3A_671 by %roll3A_684 dim 2 : vector<8x160x128xi32>, i32 -> vector<8x160x128xi32>
    %roll3A_686 = arith.constant 1 : i32
    %roll3A_687 = tpu.dynamic_rotate %select_n3A_671 by %roll3A_686 dim 2 : vector<8x160x128xi32>, i32 -> vector<8x160x128xi32>
    %select_n3A_688 = arith.select %eq3A_678, %roll3A_685, %roll3A_687 : vector<8x160x128xi1>, vector<8x160x128xi32>
    %gt3A_689 = arith.cmpi sgt, %select_n3A_670, %select_n3A_683 : vector<8x160x128xi32>
    %eq3A_690 = arith.cmpi eq, %select_n3A_670, %select_n3A_683 : vector<8x160x128xi32>
    %lt3A_691 = arith.cmpi slt, %select_n3A_671, %select_n3A_688 : vector<8x160x128xi32>
    %and3A_692 = arith.andi %eq3A_690, %lt3A_691 : vector<8x160x128xi1>
    %or3A_693 = arith.ori %gt3A_689, %and3A_692 : vector<8x160x128xi1>
    %eq3A_694 = arith.xori %eq3A_678, %eq3A_521 : vector<8x160x128xi1>
    %eq3A_695 = arith.constant dense<true> : vector<8x160x128xi1>
    %eq3A_696 = arith.xori %eq3A_694, %eq3A_695 : vector<8x160x128xi1>
    %eq3A_697 = arith.xori %or3A_693, %eq3A_696 : vector<8x160x128xi1>
    %eq3A_698 = arith.constant dense<true> : vector<8x160x128xi1>
    %eq3A_699 = arith.xori %eq3A_697, %eq3A_698 : vector<8x160x128xi1>
    %select_n3A_700 = arith.select %eq3A_699, %select_n3A_670, %select_n3A_683 : vector<8x160x128xi1>, vector<8x160x128xi32>
    %select_n3A_701 = arith.select %eq3A_699, %select_n3A_671, %select_n3A_688 : vector<8x160x128xi1>, vector<8x160x128xi32>
    %and3A_702 = arith.constant 1 : i32
    %and3A_703 = vector.broadcast %and3A_702 : i32 to vector<8x160x128xi32>
    %and3A_704 = arith.andi %iota3A_19, %and3A_703 : vector<8x160x128xi32>
    %eq3A_705 = arith.constant 0 : i32
    %eq3A_706 = vector.broadcast %eq3A_705 : i32 to vector<8x160x128xi32>
    %eq3A_707 = arith.cmpi eq, %and3A_704, %eq3A_706 : vector<8x160x128xi32>
    %eq3A_708 = arith.xori %eq3A_707, %lt3A_18 : vector<8x160x128xi1>
    %eq3A_709 = arith.constant dense<true> : vector<8x160x128xi1>
    %eq3A_710 = arith.xori %eq3A_708, %eq3A_709 : vector<8x160x128xi1>
    %iota3A_711 = tpu.iota {dimensions = array<i32: 2>} : vector<8x160x128xi32>
    %and3A_712 = arith.constant 64 : i32
    %and3A_713 = vector.broadcast %and3A_712 : i32 to vector<8x160x128xi32>
    %and3A_714 = arith.andi %iota3A_711, %and3A_713 : vector<8x160x128xi32>
    %eq3A_715 = arith.constant 0 : i32
    %eq3A_716 = vector.broadcast %eq3A_715 : i32 to vector<8x160x128xi32>
    %eq3A_717 = arith.cmpi eq, %and3A_714, %eq3A_716 : vector<8x160x128xi32>
    %roll3A_718 = arith.constant 64 : i32
    %roll3A_719 = tpu.dynamic_rotate %select_n3A_700 by %roll3A_718 dim 2 : vector<8x160x128xi32>, i32 -> vector<8x160x128xi32>
    %roll3A_720 = arith.constant 64 : i32
    %roll3A_721 = tpu.dynamic_rotate %select_n3A_700 by %roll3A_720 dim 2 : vector<8x160x128xi32>, i32 -> vector<8x160x128xi32>
    %select_n3A_722 = arith.select %eq3A_717, %roll3A_719, %roll3A_721 : vector<8x160x128xi1>, vector<8x160x128xi32>
    %roll3A_723 = arith.constant 64 : i32
    %roll3A_724 = tpu.dynamic_rotate %select_n3A_701 by %roll3A_723 dim 2 : vector<8x160x128xi32>, i32 -> vector<8x160x128xi32>
    %roll3A_725 = arith.constant 64 : i32
    %roll3A_726 = tpu.dynamic_rotate %select_n3A_701 by %roll3A_725 dim 2 : vector<8x160x128xi32>, i32 -> vector<8x160x128xi32>
    %select_n3A_727 = arith.select %eq3A_717, %roll3A_724, %roll3A_726 : vector<8x160x128xi1>, vector<8x160x128xi32>
    %gt3A_728 = arith.cmpi sgt, %select_n3A_700, %select_n3A_722 : vector<8x160x128xi32>
    %eq3A_729 = arith.cmpi eq, %select_n3A_700, %select_n3A_722 : vector<8x160x128xi32>
    %lt3A_730 = arith.cmpi slt, %select_n3A_701, %select_n3A_727 : vector<8x160x128xi32>
    %and3A_731 = arith.andi %eq3A_729, %lt3A_730 : vector<8x160x128xi1>
    %or3A_732 = arith.ori %gt3A_728, %and3A_731 : vector<8x160x128xi1>
    %eq3A_733 = arith.xori %eq3A_717, %eq3A_710 : vector<8x160x128xi1>
    %eq3A_734 = arith.constant dense<true> : vector<8x160x128xi1>
    %eq3A_735 = arith.xori %eq3A_733, %eq3A_734 : vector<8x160x128xi1>
    %eq3A_736 = arith.xori %or3A_732, %eq3A_735 : vector<8x160x128xi1>
    %eq3A_737 = arith.constant dense<true> : vector<8x160x128xi1>
    %eq3A_738 = arith.xori %eq3A_736, %eq3A_737 : vector<8x160x128xi1>
    %select_n3A_739 = arith.select %eq3A_738, %select_n3A_700, %select_n3A_722 : vector<8x160x128xi1>, vector<8x160x128xi32>
    %select_n3A_740 = arith.select %eq3A_738, %select_n3A_701, %select_n3A_727 : vector<8x160x128xi1>, vector<8x160x128xi32>
    %iota3A_741 = tpu.iota {dimensions = array<i32: 2>} : vector<8x160x128xi32>
    %and3A_742 = arith.constant 32 : i32
    %and3A_743 = vector.broadcast %and3A_742 : i32 to vector<8x160x128xi32>
    %and3A_744 = arith.andi %iota3A_741, %and3A_743 : vector<8x160x128xi32>
    %eq3A_745 = arith.constant 0 : i32
    %eq3A_746 = vector.broadcast %eq3A_745 : i32 to vector<8x160x128xi32>
    %eq3A_747 = arith.cmpi eq, %and3A_744, %eq3A_746 : vector<8x160x128xi32>
    %roll3A_748 = arith.constant 96 : i32
    %roll3A_749 = tpu.dynamic_rotate %select_n3A_739 by %roll3A_748 dim 2 : vector<8x160x128xi32>, i32 -> vector<8x160x128xi32>
    %roll3A_750 = arith.constant 32 : i32
    %roll3A_751 = tpu.dynamic_rotate %select_n3A_739 by %roll3A_750 dim 2 : vector<8x160x128xi32>, i32 -> vector<8x160x128xi32>
    %select_n3A_752 = arith.select %eq3A_747, %roll3A_749, %roll3A_751 : vector<8x160x128xi1>, vector<8x160x128xi32>
    %roll3A_753 = arith.constant 96 : i32
    %roll3A_754 = tpu.dynamic_rotate %select_n3A_740 by %roll3A_753 dim 2 : vector<8x160x128xi32>, i32 -> vector<8x160x128xi32>
    %roll3A_755 = arith.constant 32 : i32
    %roll3A_756 = tpu.dynamic_rotate %select_n3A_740 by %roll3A_755 dim 2 : vector<8x160x128xi32>, i32 -> vector<8x160x128xi32>
    %select_n3A_757 = arith.select %eq3A_747, %roll3A_754, %roll3A_756 : vector<8x160x128xi1>, vector<8x160x128xi32>
    %gt3A_758 = arith.cmpi sgt, %select_n3A_739, %select_n3A_752 : vector<8x160x128xi32>
    %eq3A_759 = arith.cmpi eq, %select_n3A_739, %select_n3A_752 : vector<8x160x128xi32>
    %lt3A_760 = arith.cmpi slt, %select_n3A_740, %select_n3A_757 : vector<8x160x128xi32>
    %and3A_761 = arith.andi %eq3A_759, %lt3A_760 : vector<8x160x128xi1>
    %or3A_762 = arith.ori %gt3A_758, %and3A_761 : vector<8x160x128xi1>
    %eq3A_763 = arith.xori %eq3A_747, %eq3A_710 : vector<8x160x128xi1>
    %eq3A_764 = arith.constant dense<true> : vector<8x160x128xi1>
    %eq3A_765 = arith.xori %eq3A_763, %eq3A_764 : vector<8x160x128xi1>
    %eq3A_766 = arith.xori %or3A_762, %eq3A_765 : vector<8x160x128xi1>
    %eq3A_767 = arith.constant dense<true> : vector<8x160x128xi1>
    %eq3A_768 = arith.xori %eq3A_766, %eq3A_767 : vector<8x160x128xi1>
    %select_n3A_769 = arith.select %eq3A_768, %select_n3A_739, %select_n3A_752 : vector<8x160x128xi1>, vector<8x160x128xi32>
    %select_n3A_770 = arith.select %eq3A_768, %select_n3A_740, %select_n3A_757 : vector<8x160x128xi1>, vector<8x160x128xi32>
    %iota3A_771 = tpu.iota {dimensions = array<i32: 2>} : vector<8x160x128xi32>
    %and3A_772 = arith.constant 16 : i32
    %and3A_773 = vector.broadcast %and3A_772 : i32 to vector<8x160x128xi32>
    %and3A_774 = arith.andi %iota3A_771, %and3A_773 : vector<8x160x128xi32>
    %eq3A_775 = arith.constant 0 : i32
    %eq3A_776 = vector.broadcast %eq3A_775 : i32 to vector<8x160x128xi32>
    %eq3A_777 = arith.cmpi eq, %and3A_774, %eq3A_776 : vector<8x160x128xi32>
    %roll3A_778 = arith.constant 112 : i32
    %roll3A_779 = tpu.dynamic_rotate %select_n3A_769 by %roll3A_778 dim 2 : vector<8x160x128xi32>, i32 -> vector<8x160x128xi32>
    %roll3A_780 = arith.constant 16 : i32
    %roll3A_781 = tpu.dynamic_rotate %select_n3A_769 by %roll3A_780 dim 2 : vector<8x160x128xi32>, i32 -> vector<8x160x128xi32>
    %select_n3A_782 = arith.select %eq3A_777, %roll3A_779, %roll3A_781 : vector<8x160x128xi1>, vector<8x160x128xi32>
    %roll3A_783 = arith.constant 112 : i32
    %roll3A_784 = tpu.dynamic_rotate %select_n3A_770 by %roll3A_783 dim 2 : vector<8x160x128xi32>, i32 -> vector<8x160x128xi32>
    %roll3A_785 = arith.constant 16 : i32
    %roll3A_786 = tpu.dynamic_rotate %select_n3A_770 by %roll3A_785 dim 2 : vector<8x160x128xi32>, i32 -> vector<8x160x128xi32>
    %select_n3A_787 = arith.select %eq3A_777, %roll3A_784, %roll3A_786 : vector<8x160x128xi1>, vector<8x160x128xi32>
    %gt3A_788 = arith.cmpi sgt, %select_n3A_769, %select_n3A_782 : vector<8x160x128xi32>
    %eq3A_789 = arith.cmpi eq, %select_n3A_769, %select_n3A_782 : vector<8x160x128xi32>
    %lt3A_790 = arith.cmpi slt, %select_n3A_770, %select_n3A_787 : vector<8x160x128xi32>
    %and3A_791 = arith.andi %eq3A_789, %lt3A_790 : vector<8x160x128xi1>
    %or3A_792 = arith.ori %gt3A_788, %and3A_791 : vector<8x160x128xi1>
    %eq3A_793 = arith.xori %eq3A_777, %eq3A_710 : vector<8x160x128xi1>
    %eq3A_794 = arith.constant dense<true> : vector<8x160x128xi1>
    %eq3A_795 = arith.xori %eq3A_793, %eq3A_794 : vector<8x160x128xi1>
    %eq3A_796 = arith.xori %or3A_792, %eq3A_795 : vector<8x160x128xi1>
    %eq3A_797 = arith.constant dense<true> : vector<8x160x128xi1>
    %eq3A_798 = arith.xori %eq3A_796, %eq3A_797 : vector<8x160x128xi1>
    %select_n3A_799 = arith.select %eq3A_798, %select_n3A_769, %select_n3A_782 : vector<8x160x128xi1>, vector<8x160x128xi32>
    %select_n3A_800 = arith.select %eq3A_798, %select_n3A_770, %select_n3A_787 : vector<8x160x128xi1>, vector<8x160x128xi32>
    %iota3A_801 = tpu.iota {dimensions = array<i32: 2>} : vector<8x160x128xi32>
    %and3A_802 = arith.constant 8 : i32
    %and3A_803 = vector.broadcast %and3A_802 : i32 to vector<8x160x128xi32>
    %and3A_804 = arith.andi %iota3A_801, %and3A_803 : vector<8x160x128xi32>
    %eq3A_805 = arith.constant 0 : i32
    %eq3A_806 = vector.broadcast %eq3A_805 : i32 to vector<8x160x128xi32>
    %eq3A_807 = arith.cmpi eq, %and3A_804, %eq3A_806 : vector<8x160x128xi32>
    %roll3A_808 = arith.constant 120 : i32
    %roll3A_809 = tpu.dynamic_rotate %select_n3A_799 by %roll3A_808 dim 2 : vector<8x160x128xi32>, i32 -> vector<8x160x128xi32>
    %roll3A_810 = arith.constant 8 : i32
    %roll3A_811 = tpu.dynamic_rotate %select_n3A_799 by %roll3A_810 dim 2 : vector<8x160x128xi32>, i32 -> vector<8x160x128xi32>
    %select_n3A_812 = arith.select %eq3A_807, %roll3A_809, %roll3A_811 : vector<8x160x128xi1>, vector<8x160x128xi32>
    %roll3A_813 = arith.constant 120 : i32
    %roll3A_814 = tpu.dynamic_rotate %select_n3A_800 by %roll3A_813 dim 2 : vector<8x160x128xi32>, i32 -> vector<8x160x128xi32>
    %roll3A_815 = arith.constant 8 : i32
    %roll3A_816 = tpu.dynamic_rotate %select_n3A_800 by %roll3A_815 dim 2 : vector<8x160x128xi32>, i32 -> vector<8x160x128xi32>
    %select_n3A_817 = arith.select %eq3A_807, %roll3A_814, %roll3A_816 : vector<8x160x128xi1>, vector<8x160x128xi32>
    %gt3A_818 = arith.cmpi sgt, %select_n3A_799, %select_n3A_812 : vector<8x160x128xi32>
    %eq3A_819 = arith.cmpi eq, %select_n3A_799, %select_n3A_812 : vector<8x160x128xi32>
    %lt3A_820 = arith.cmpi slt, %select_n3A_800, %select_n3A_817 : vector<8x160x128xi32>
    %and3A_821 = arith.andi %eq3A_819, %lt3A_820 : vector<8x160x128xi1>
    %or3A_822 = arith.ori %gt3A_818, %and3A_821 : vector<8x160x128xi1>
    %eq3A_823 = arith.xori %eq3A_807, %eq3A_710 : vector<8x160x128xi1>
    %eq3A_824 = arith.constant dense<true> : vector<8x160x128xi1>
    %eq3A_825 = arith.xori %eq3A_823, %eq3A_824 : vector<8x160x128xi1>
    %eq3A_826 = arith.xori %or3A_822, %eq3A_825 : vector<8x160x128xi1>
    %eq3A_827 = arith.constant dense<true> : vector<8x160x128xi1>
    %eq3A_828 = arith.xori %eq3A_826, %eq3A_827 : vector<8x160x128xi1>
    %select_n3A_829 = arith.select %eq3A_828, %select_n3A_799, %select_n3A_812 : vector<8x160x128xi1>, vector<8x160x128xi32>
    %select_n3A_830 = arith.select %eq3A_828, %select_n3A_800, %select_n3A_817 : vector<8x160x128xi1>, vector<8x160x128xi32>
    %iota3A_831 = tpu.iota {dimensions = array<i32: 2>} : vector<8x160x128xi32>
    %and3A_832 = arith.constant 4 : i32
    %and3A_833 = vector.broadcast %and3A_832 : i32 to vector<8x160x128xi32>
    %and3A_834 = arith.andi %iota3A_831, %and3A_833 : vector<8x160x128xi32>
    %eq3A_835 = arith.constant 0 : i32
    %eq3A_836 = vector.broadcast %eq3A_835 : i32 to vector<8x160x128xi32>
    %eq3A_837 = arith.cmpi eq, %and3A_834, %eq3A_836 : vector<8x160x128xi32>
    %roll3A_838 = arith.constant 124 : i32
    %roll3A_839 = tpu.dynamic_rotate %select_n3A_829 by %roll3A_838 dim 2 : vector<8x160x128xi32>, i32 -> vector<8x160x128xi32>
    %roll3A_840 = arith.constant 4 : i32
    %roll3A_841 = tpu.dynamic_rotate %select_n3A_829 by %roll3A_840 dim 2 : vector<8x160x128xi32>, i32 -> vector<8x160x128xi32>
    %select_n3A_842 = arith.select %eq3A_837, %roll3A_839, %roll3A_841 : vector<8x160x128xi1>, vector<8x160x128xi32>
    %roll3A_843 = arith.constant 124 : i32
    %roll3A_844 = tpu.dynamic_rotate %select_n3A_830 by %roll3A_843 dim 2 : vector<8x160x128xi32>, i32 -> vector<8x160x128xi32>
    %roll3A_845 = arith.constant 4 : i32
    %roll3A_846 = tpu.dynamic_rotate %select_n3A_830 by %roll3A_845 dim 2 : vector<8x160x128xi32>, i32 -> vector<8x160x128xi32>
    %select_n3A_847 = arith.select %eq3A_837, %roll3A_844, %roll3A_846 : vector<8x160x128xi1>, vector<8x160x128xi32>
    %gt3A_848 = arith.cmpi sgt, %select_n3A_829, %select_n3A_842 : vector<8x160x128xi32>
    %eq3A_849 = arith.cmpi eq, %select_n3A_829, %select_n3A_842 : vector<8x160x128xi32>
    %lt3A_850 = arith.cmpi slt, %select_n3A_830, %select_n3A_847 : vector<8x160x128xi32>
    %and3A_851 = arith.andi %eq3A_849, %lt3A_850 : vector<8x160x128xi1>
    %or3A_852 = arith.ori %gt3A_848, %and3A_851 : vector<8x160x128xi1>
    %eq3A_853 = arith.xori %eq3A_837, %eq3A_710 : vector<8x160x128xi1>
    %eq3A_854 = arith.constant dense<true> : vector<8x160x128xi1>
    %eq3A_855 = arith.xori %eq3A_853, %eq3A_854 : vector<8x160x128xi1>
    %eq3A_856 = arith.xori %or3A_852, %eq3A_855 : vector<8x160x128xi1>
    %eq3A_857 = arith.constant dense<true> : vector<8x160x128xi1>
    %eq3A_858 = arith.xori %eq3A_856, %eq3A_857 : vector<8x160x128xi1>
    %select_n3A_859 = arith.select %eq3A_858, %select_n3A_829, %select_n3A_842 : vector<8x160x128xi1>, vector<8x160x128xi32>
    %select_n3A_860 = arith.select %eq3A_858, %select_n3A_830, %select_n3A_847 : vector<8x160x128xi1>, vector<8x160x128xi32>
    %iota3A_861 = tpu.iota {dimensions = array<i32: 2>} : vector<8x160x128xi32>
    %and3A_862 = arith.constant 2 : i32
    %and3A_863 = vector.broadcast %and3A_862 : i32 to vector<8x160x128xi32>
    %and3A_864 = arith.andi %iota3A_861, %and3A_863 : vector<8x160x128xi32>
    %eq3A_865 = arith.constant 0 : i32
    %eq3A_866 = vector.broadcast %eq3A_865 : i32 to vector<8x160x128xi32>
    %eq3A_867 = arith.cmpi eq, %and3A_864, %eq3A_866 : vector<8x160x128xi32>
    %roll3A_868 = arith.constant 126 : i32
    %roll3A_869 = tpu.dynamic_rotate %select_n3A_859 by %roll3A_868 dim 2 : vector<8x160x128xi32>, i32 -> vector<8x160x128xi32>
    %roll3A_870 = arith.constant 2 : i32
    %roll3A_871 = tpu.dynamic_rotate %select_n3A_859 by %roll3A_870 dim 2 : vector<8x160x128xi32>, i32 -> vector<8x160x128xi32>
    %select_n3A_872 = arith.select %eq3A_867, %roll3A_869, %roll3A_871 : vector<8x160x128xi1>, vector<8x160x128xi32>
    %roll3A_873 = arith.constant 126 : i32
    %roll3A_874 = tpu.dynamic_rotate %select_n3A_860 by %roll3A_873 dim 2 : vector<8x160x128xi32>, i32 -> vector<8x160x128xi32>
    %roll3A_875 = arith.constant 2 : i32
    %roll3A_876 = tpu.dynamic_rotate %select_n3A_860 by %roll3A_875 dim 2 : vector<8x160x128xi32>, i32 -> vector<8x160x128xi32>
    %select_n3A_877 = arith.select %eq3A_867, %roll3A_874, %roll3A_876 : vector<8x160x128xi1>, vector<8x160x128xi32>
    %gt3A_878 = arith.cmpi sgt, %select_n3A_859, %select_n3A_872 : vector<8x160x128xi32>
    %eq3A_879 = arith.cmpi eq, %select_n3A_859, %select_n3A_872 : vector<8x160x128xi32>
    %lt3A_880 = arith.cmpi slt, %select_n3A_860, %select_n3A_877 : vector<8x160x128xi32>
    %and3A_881 = arith.andi %eq3A_879, %lt3A_880 : vector<8x160x128xi1>
    %or3A_882 = arith.ori %gt3A_878, %and3A_881 : vector<8x160x128xi1>
    %eq3A_883 = arith.xori %eq3A_867, %eq3A_710 : vector<8x160x128xi1>
    %eq3A_884 = arith.constant dense<true> : vector<8x160x128xi1>
    %eq3A_885 = arith.xori %eq3A_883, %eq3A_884 : vector<8x160x128xi1>
    %eq3A_886 = arith.xori %or3A_882, %eq3A_885 : vector<8x160x128xi1>
    %eq3A_887 = arith.constant dense<true> : vector<8x160x128xi1>
    %eq3A_888 = arith.xori %eq3A_886, %eq3A_887 : vector<8x160x128xi1>
    %select_n3A_889 = arith.select %eq3A_888, %select_n3A_859, %select_n3A_872 : vector<8x160x128xi1>, vector<8x160x128xi32>
    %select_n3A_890 = arith.select %eq3A_888, %select_n3A_860, %select_n3A_877 : vector<8x160x128xi1>, vector<8x160x128xi32>
    %iota3A_891 = tpu.iota {dimensions = array<i32: 2>} : vector<8x160x128xi32>
    %and3A_892 = arith.constant 1 : i32
    %and3A_893 = vector.broadcast %and3A_892 : i32 to vector<8x160x128xi32>
    %and3A_894 = arith.andi %iota3A_891, %and3A_893 : vector<8x160x128xi32>
    %eq3A_895 = arith.constant 0 : i32
    %eq3A_896 = vector.broadcast %eq3A_895 : i32 to vector<8x160x128xi32>
    %eq3A_897 = arith.cmpi eq, %and3A_894, %eq3A_896 : vector<8x160x128xi32>
    %roll3A_898 = arith.constant 127 : i32
    %roll3A_899 = tpu.dynamic_rotate %select_n3A_889 by %roll3A_898 dim 2 : vector<8x160x128xi32>, i32 -> vector<8x160x128xi32>
    %roll3A_900 = arith.constant 1 : i32
    %roll3A_901 = tpu.dynamic_rotate %select_n3A_889 by %roll3A_900 dim 2 : vector<8x160x128xi32>, i32 -> vector<8x160x128xi32>
    %select_n3A_902 = arith.select %eq3A_897, %roll3A_899, %roll3A_901 : vector<8x160x128xi1>, vector<8x160x128xi32>
    %roll3A_903 = arith.constant 127 : i32
    %roll3A_904 = tpu.dynamic_rotate %select_n3A_890 by %roll3A_903 dim 2 : vector<8x160x128xi32>, i32 -> vector<8x160x128xi32>
    %roll3A_905 = arith.constant 1 : i32
    %roll3A_906 = tpu.dynamic_rotate %select_n3A_890 by %roll3A_905 dim 2 : vector<8x160x128xi32>, i32 -> vector<8x160x128xi32>
    %select_n3A_907 = arith.select %eq3A_897, %roll3A_904, %roll3A_906 : vector<8x160x128xi1>, vector<8x160x128xi32>
    %gt3A_908 = arith.cmpi sgt, %select_n3A_889, %select_n3A_902 : vector<8x160x128xi32>
    %eq3A_909 = arith.cmpi eq, %select_n3A_889, %select_n3A_902 : vector<8x160x128xi32>
    %lt3A_910 = arith.cmpi slt, %select_n3A_890, %select_n3A_907 : vector<8x160x128xi32>
    %and3A_911 = arith.andi %eq3A_909, %lt3A_910 : vector<8x160x128xi1>
    %or3A_912 = arith.ori %gt3A_908, %and3A_911 : vector<8x160x128xi1>
    %eq3A_913 = arith.xori %eq3A_897, %eq3A_710 : vector<8x160x128xi1>
    %eq3A_914 = arith.constant dense<true> : vector<8x160x128xi1>
    %eq3A_915 = arith.xori %eq3A_913, %eq3A_914 : vector<8x160x128xi1>
    %eq3A_916 = arith.xori %or3A_912, %eq3A_915 : vector<8x160x128xi1>
    %eq3A_917 = arith.constant dense<true> : vector<8x160x128xi1>
    %eq3A_918 = arith.xori %eq3A_916, %eq3A_917 : vector<8x160x128xi1>
    %select_n3A_919 = arith.select %eq3A_918, %select_n3A_889, %select_n3A_902 : vector<8x160x128xi1>, vector<8x160x128xi32>
    %select_n3A_920 = arith.select %eq3A_918, %select_n3A_890, %select_n3A_907 : vector<8x160x128xi1>, vector<8x160x128xi32>
    %broadcast_in_dim3A_921 = arith.constant true
    %broadcast_in_dim3A_922 = vector.broadcast %broadcast_in_dim3A_921 : i1 to vector<8x160x128xi1>
    %eq3A_923 = arith.xori %broadcast_in_dim3A_922, %lt3A_18 : vector<8x160x128xi1>
    %eq3A_924 = arith.constant dense<true> : vector<8x160x128xi1>
    %eq3A_925 = arith.xori %eq3A_923, %eq3A_924 : vector<8x160x128xi1>
    %iota3A_926 = tpu.iota {dimensions = array<i32: 1>} : vector<8x160x128xi32>
    %and3A_927 = arith.constant 1 : i32
    %and3A_928 = vector.broadcast %and3A_927 : i32 to vector<8x160x128xi32>
    %and3A_929 = arith.andi %iota3A_926, %and3A_928 : vector<8x160x128xi32>
    %eq3A_930 = arith.constant 0 : i32
    %eq3A_931 = vector.broadcast %eq3A_930 : i32 to vector<8x160x128xi32>
    %eq3A_932 = arith.cmpi eq, %and3A_929, %eq3A_931 : vector<8x160x128xi32>
    %roll3A_933 = arith.constant 159 : i32
    %roll3A_934 = tpu.dynamic_rotate %select_n3A_919 by %roll3A_933 dim 1 : vector<8x160x128xi32>, i32 -> vector<8x160x128xi32>
    %roll3A_935 = arith.constant 1 : i32
    %roll3A_936 = tpu.dynamic_rotate %select_n3A_919 by %roll3A_935 dim 1 : vector<8x160x128xi32>, i32 -> vector<8x160x128xi32>
    %select_n3A_937 = arith.select %eq3A_932, %roll3A_934, %roll3A_936 : vector<8x160x128xi1>, vector<8x160x128xi32>
    %roll3A_938 = arith.constant 159 : i32
    %roll3A_939 = tpu.dynamic_rotate %select_n3A_920 by %roll3A_938 dim 1 : vector<8x160x128xi32>, i32 -> vector<8x160x128xi32>
    %roll3A_940 = arith.constant 1 : i32
    %roll3A_941 = tpu.dynamic_rotate %select_n3A_920 by %roll3A_940 dim 1 : vector<8x160x128xi32>, i32 -> vector<8x160x128xi32>
    %select_n3A_942 = arith.select %eq3A_932, %roll3A_939, %roll3A_941 : vector<8x160x128xi1>, vector<8x160x128xi32>
    %gt3A_943 = arith.cmpi sgt, %select_n3A_919, %select_n3A_937 : vector<8x160x128xi32>
    %eq3A_944 = arith.cmpi eq, %select_n3A_919, %select_n3A_937 : vector<8x160x128xi32>
    %lt3A_945 = arith.cmpi slt, %select_n3A_920, %select_n3A_942 : vector<8x160x128xi32>
    %and3A_946 = arith.andi %eq3A_944, %lt3A_945 : vector<8x160x128xi1>
    %or3A_947 = arith.ori %gt3A_943, %and3A_946 : vector<8x160x128xi1>
    %eq3A_948 = arith.xori %eq3A_932, %eq3A_925 : vector<8x160x128xi1>
    %eq3A_949 = arith.constant dense<true> : vector<8x160x128xi1>
    %eq3A_950 = arith.xori %eq3A_948, %eq3A_949 : vector<8x160x128xi1>
    %eq3A_951 = arith.xori %or3A_947, %eq3A_950 : vector<8x160x128xi1>
    %eq3A_952 = arith.constant dense<true> : vector<8x160x128xi1>
    %eq3A_953 = arith.xori %eq3A_951, %eq3A_952 : vector<8x160x128xi1>
    %select_n3A_954 = arith.select %eq3A_953, %select_n3A_919, %select_n3A_937 : vector<8x160x128xi1>, vector<8x160x128xi32>
    %select_n3A_955 = arith.select %eq3A_953, %select_n3A_920, %select_n3A_942 : vector<8x160x128xi1>, vector<8x160x128xi32>
    %iota3A_956 = tpu.iota {dimensions = array<i32: 2>} : vector<8x160x128xi32>
    %and3A_957 = arith.constant 64 : i32
    %and3A_958 = vector.broadcast %and3A_957 : i32 to vector<8x160x128xi32>
    %and3A_959 = arith.andi %iota3A_956, %and3A_958 : vector<8x160x128xi32>
    %eq3A_960 = arith.constant 0 : i32
    %eq3A_961 = vector.broadcast %eq3A_960 : i32 to vector<8x160x128xi32>
    %eq3A_962 = arith.cmpi eq, %and3A_959, %eq3A_961 : vector<8x160x128xi32>
    %roll3A_963 = arith.constant 64 : i32
    %roll3A_964 = tpu.dynamic_rotate %select_n3A_954 by %roll3A_963 dim 2 : vector<8x160x128xi32>, i32 -> vector<8x160x128xi32>
    %roll3A_965 = arith.constant 64 : i32
    %roll3A_966 = tpu.dynamic_rotate %select_n3A_954 by %roll3A_965 dim 2 : vector<8x160x128xi32>, i32 -> vector<8x160x128xi32>
    %select_n3A_967 = arith.select %eq3A_962, %roll3A_964, %roll3A_966 : vector<8x160x128xi1>, vector<8x160x128xi32>
    %roll3A_968 = arith.constant 64 : i32
    %roll3A_969 = tpu.dynamic_rotate %select_n3A_955 by %roll3A_968 dim 2 : vector<8x160x128xi32>, i32 -> vector<8x160x128xi32>
    %roll3A_970 = arith.constant 64 : i32
    %roll3A_971 = tpu.dynamic_rotate %select_n3A_955 by %roll3A_970 dim 2 : vector<8x160x128xi32>, i32 -> vector<8x160x128xi32>
    %select_n3A_972 = arith.select %eq3A_962, %roll3A_969, %roll3A_971 : vector<8x160x128xi1>, vector<8x160x128xi32>
    %gt3A_973 = arith.cmpi sgt, %select_n3A_954, %select_n3A_967 : vector<8x160x128xi32>
    %eq3A_974 = arith.cmpi eq, %select_n3A_954, %select_n3A_967 : vector<8x160x128xi32>
    %lt3A_975 = arith.cmpi slt, %select_n3A_955, %select_n3A_972 : vector<8x160x128xi32>
    %and3A_976 = arith.andi %eq3A_974, %lt3A_975 : vector<8x160x128xi1>
    %or3A_977 = arith.ori %gt3A_973, %and3A_976 : vector<8x160x128xi1>
    %eq3A_978 = arith.xori %eq3A_962, %eq3A_925 : vector<8x160x128xi1>
    %eq3A_979 = arith.constant dense<true> : vector<8x160x128xi1>
    %eq3A_980 = arith.xori %eq3A_978, %eq3A_979 : vector<8x160x128xi1>
    %eq3A_981 = arith.xori %or3A_977, %eq3A_980 : vector<8x160x128xi1>
    %eq3A_982 = arith.constant dense<true> : vector<8x160x128xi1>
    %eq3A_983 = arith.xori %eq3A_981, %eq3A_982 : vector<8x160x128xi1>
    %select_n3A_984 = arith.select %eq3A_983, %select_n3A_954, %select_n3A_967 : vector<8x160x128xi1>, vector<8x160x128xi32>
    %select_n3A_985 = arith.select %eq3A_983, %select_n3A_955, %select_n3A_972 : vector<8x160x128xi1>, vector<8x160x128xi32>
    %iota3A_986 = tpu.iota {dimensions = array<i32: 2>} : vector<8x160x128xi32>
    %and3A_987 = arith.constant 32 : i32
    %and3A_988 = vector.broadcast %and3A_987 : i32 to vector<8x160x128xi32>
    %and3A_989 = arith.andi %iota3A_986, %and3A_988 : vector<8x160x128xi32>
    %eq3A_990 = arith.constant 0 : i32
    %eq3A_991 = vector.broadcast %eq3A_990 : i32 to vector<8x160x128xi32>
    %eq3A_992 = arith.cmpi eq, %and3A_989, %eq3A_991 : vector<8x160x128xi32>
    %roll3A_993 = arith.constant 96 : i32
    %roll3A_994 = tpu.dynamic_rotate %select_n3A_984 by %roll3A_993 dim 2 : vector<8x160x128xi32>, i32 -> vector<8x160x128xi32>
    %roll3A_995 = arith.constant 32 : i32
    %roll3A_996 = tpu.dynamic_rotate %select_n3A_984 by %roll3A_995 dim 2 : vector<8x160x128xi32>, i32 -> vector<8x160x128xi32>
    %select_n3A_997 = arith.select %eq3A_992, %roll3A_994, %roll3A_996 : vector<8x160x128xi1>, vector<8x160x128xi32>
    %roll3A_998 = arith.constant 96 : i32
    %roll3A_999 = tpu.dynamic_rotate %select_n3A_985 by %roll3A_998 dim 2 : vector<8x160x128xi32>, i32 -> vector<8x160x128xi32>
    %roll3A_1000 = arith.constant 32 : i32
    %roll3A_1001 = tpu.dynamic_rotate %select_n3A_985 by %roll3A_1000 dim 2 : vector<8x160x128xi32>, i32 -> vector<8x160x128xi32>
    %select_n3A_1002 = arith.select %eq3A_992, %roll3A_999, %roll3A_1001 : vector<8x160x128xi1>, vector<8x160x128xi32>
    %gt3A_1003 = arith.cmpi sgt, %select_n3A_984, %select_n3A_997 : vector<8x160x128xi32>
    %eq3A_1004 = arith.cmpi eq, %select_n3A_984, %select_n3A_997 : vector<8x160x128xi32>
    %lt3A_1005 = arith.cmpi slt, %select_n3A_985, %select_n3A_1002 : vector<8x160x128xi32>
    %and3A_1006 = arith.andi %eq3A_1004, %lt3A_1005 : vector<8x160x128xi1>
    %or3A_1007 = arith.ori %gt3A_1003, %and3A_1006 : vector<8x160x128xi1>
    %eq3A_1008 = arith.xori %eq3A_992, %eq3A_925 : vector<8x160x128xi1>
    %eq3A_1009 = arith.constant dense<true> : vector<8x160x128xi1>
    %eq3A_1010 = arith.xori %eq3A_1008, %eq3A_1009 : vector<8x160x128xi1>
    %eq3A_1011 = arith.xori %or3A_1007, %eq3A_1010 : vector<8x160x128xi1>
    %eq3A_1012 = arith.constant dense<true> : vector<8x160x128xi1>
    %eq3A_1013 = arith.xori %eq3A_1011, %eq3A_1012 : vector<8x160x128xi1>
    %select_n3A_1014 = arith.select %eq3A_1013, %select_n3A_984, %select_n3A_997 : vector<8x160x128xi1>, vector<8x160x128xi32>
    %select_n3A_1015 = arith.select %eq3A_1013, %select_n3A_985, %select_n3A_1002 : vector<8x160x128xi1>, vector<8x160x128xi32>
    %iota3A_1016 = tpu.iota {dimensions = array<i32: 2>} : vector<8x160x128xi32>
    %and3A_1017 = arith.constant 16 : i32
    %and3A_1018 = vector.broadcast %and3A_1017 : i32 to vector<8x160x128xi32>
    %and3A_1019 = arith.andi %iota3A_1016, %and3A_1018 : vector<8x160x128xi32>
    %eq3A_1020 = arith.constant 0 : i32
    %eq3A_1021 = vector.broadcast %eq3A_1020 : i32 to vector<8x160x128xi32>
    %eq3A_1022 = arith.cmpi eq, %and3A_1019, %eq3A_1021 : vector<8x160x128xi32>
    %roll3A_1023 = arith.constant 112 : i32
    %roll3A_1024 = tpu.dynamic_rotate %select_n3A_1014 by %roll3A_1023 dim 2 : vector<8x160x128xi32>, i32 -> vector<8x160x128xi32>
    %roll3A_1025 = arith.constant 16 : i32
    %roll3A_1026 = tpu.dynamic_rotate %select_n3A_1014 by %roll3A_1025 dim 2 : vector<8x160x128xi32>, i32 -> vector<8x160x128xi32>
    %select_n3A_1027 = arith.select %eq3A_1022, %roll3A_1024, %roll3A_1026 : vector<8x160x128xi1>, vector<8x160x128xi32>
    %roll3A_1028 = arith.constant 112 : i32
    %roll3A_1029 = tpu.dynamic_rotate %select_n3A_1015 by %roll3A_1028 dim 2 : vector<8x160x128xi32>, i32 -> vector<8x160x128xi32>
    %roll3A_1030 = arith.constant 16 : i32
    %roll3A_1031 = tpu.dynamic_rotate %select_n3A_1015 by %roll3A_1030 dim 2 : vector<8x160x128xi32>, i32 -> vector<8x160x128xi32>
    %select_n3A_1032 = arith.select %eq3A_1022, %roll3A_1029, %roll3A_1031 : vector<8x160x128xi1>, vector<8x160x128xi32>
    %gt3A_1033 = arith.cmpi sgt, %select_n3A_1014, %select_n3A_1027 : vector<8x160x128xi32>
    %eq3A_1034 = arith.cmpi eq, %select_n3A_1014, %select_n3A_1027 : vector<8x160x128xi32>
    %lt3A_1035 = arith.cmpi slt, %select_n3A_1015, %select_n3A_1032 : vector<8x160x128xi32>
    %and3A_1036 = arith.andi %eq3A_1034, %lt3A_1035 : vector<8x160x128xi1>
    %or3A_1037 = arith.ori %gt3A_1033, %and3A_1036 : vector<8x160x128xi1>
    %eq3A_1038 = arith.xori %eq3A_1022, %eq3A_925 : vector<8x160x128xi1>
    %eq3A_1039 = arith.constant dense<true> : vector<8x160x128xi1>
    %eq3A_1040 = arith.xori %eq3A_1038, %eq3A_1039 : vector<8x160x128xi1>
    %eq3A_1041 = arith.xori %or3A_1037, %eq3A_1040 : vector<8x160x128xi1>
    %eq3A_1042 = arith.constant dense<true> : vector<8x160x128xi1>
    %eq3A_1043 = arith.xori %eq3A_1041, %eq3A_1042 : vector<8x160x128xi1>
    %select_n3A_1044 = arith.select %eq3A_1043, %select_n3A_1014, %select_n3A_1027 : vector<8x160x128xi1>, vector<8x160x128xi32>
    %select_n3A_1045 = arith.select %eq3A_1043, %select_n3A_1015, %select_n3A_1032 : vector<8x160x128xi1>, vector<8x160x128xi32>
    %iota3A_1046 = tpu.iota {dimensions = array<i32: 2>} : vector<8x160x128xi32>
    %and3A_1047 = arith.constant 8 : i32
    %and3A_1048 = vector.broadcast %and3A_1047 : i32 to vector<8x160x128xi32>
    %and3A_1049 = arith.andi %iota3A_1046, %and3A_1048 : vector<8x160x128xi32>
    %eq3A_1050 = arith.constant 0 : i32
    %eq3A_1051 = vector.broadcast %eq3A_1050 : i32 to vector<8x160x128xi32>
    %eq3A_1052 = arith.cmpi eq, %and3A_1049, %eq3A_1051 : vector<8x160x128xi32>
    %roll3A_1053 = arith.constant 120 : i32
    %roll3A_1054 = tpu.dynamic_rotate %select_n3A_1044 by %roll3A_1053 dim 2 : vector<8x160x128xi32>, i32 -> vector<8x160x128xi32>
    %roll3A_1055 = arith.constant 8 : i32
    %roll3A_1056 = tpu.dynamic_rotate %select_n3A_1044 by %roll3A_1055 dim 2 : vector<8x160x128xi32>, i32 -> vector<8x160x128xi32>
    %select_n3A_1057 = arith.select %eq3A_1052, %roll3A_1054, %roll3A_1056 : vector<8x160x128xi1>, vector<8x160x128xi32>
    %roll3A_1058 = arith.constant 120 : i32
    %roll3A_1059 = tpu.dynamic_rotate %select_n3A_1045 by %roll3A_1058 dim 2 : vector<8x160x128xi32>, i32 -> vector<8x160x128xi32>
    %roll3A_1060 = arith.constant 8 : i32
    %roll3A_1061 = tpu.dynamic_rotate %select_n3A_1045 by %roll3A_1060 dim 2 : vector<8x160x128xi32>, i32 -> vector<8x160x128xi32>
    %select_n3A_1062 = arith.select %eq3A_1052, %roll3A_1059, %roll3A_1061 : vector<8x160x128xi1>, vector<8x160x128xi32>
    %gt3A_1063 = arith.cmpi sgt, %select_n3A_1044, %select_n3A_1057 : vector<8x160x128xi32>
    %eq3A_1064 = arith.cmpi eq, %select_n3A_1044, %select_n3A_1057 : vector<8x160x128xi32>
    %lt3A_1065 = arith.cmpi slt, %select_n3A_1045, %select_n3A_1062 : vector<8x160x128xi32>
    %and3A_1066 = arith.andi %eq3A_1064, %lt3A_1065 : vector<8x160x128xi1>
    %or3A_1067 = arith.ori %gt3A_1063, %and3A_1066 : vector<8x160x128xi1>
    %eq3A_1068 = arith.xori %eq3A_1052, %eq3A_925 : vector<8x160x128xi1>
    %eq3A_1069 = arith.constant dense<true> : vector<8x160x128xi1>
    %eq3A_1070 = arith.xori %eq3A_1068, %eq3A_1069 : vector<8x160x128xi1>
    %eq3A_1071 = arith.xori %or3A_1067, %eq3A_1070 : vector<8x160x128xi1>
    %eq3A_1072 = arith.constant dense<true> : vector<8x160x128xi1>
    %eq3A_1073 = arith.xori %eq3A_1071, %eq3A_1072 : vector<8x160x128xi1>
    %select_n3A_1074 = arith.select %eq3A_1073, %select_n3A_1044, %select_n3A_1057 : vector<8x160x128xi1>, vector<8x160x128xi32>
    %select_n3A_1075 = arith.select %eq3A_1073, %select_n3A_1045, %select_n3A_1062 : vector<8x160x128xi1>, vector<8x160x128xi32>
    %iota3A_1076 = tpu.iota {dimensions = array<i32: 2>} : vector<8x160x128xi32>
    %and3A_1077 = arith.constant 4 : i32
    %and3A_1078 = vector.broadcast %and3A_1077 : i32 to vector<8x160x128xi32>
    %and3A_1079 = arith.andi %iota3A_1076, %and3A_1078 : vector<8x160x128xi32>
    %eq3A_1080 = arith.constant 0 : i32
    %eq3A_1081 = vector.broadcast %eq3A_1080 : i32 to vector<8x160x128xi32>
    %eq3A_1082 = arith.cmpi eq, %and3A_1079, %eq3A_1081 : vector<8x160x128xi32>
    %roll3A_1083 = arith.constant 124 : i32
    %roll3A_1084 = tpu.dynamic_rotate %select_n3A_1074 by %roll3A_1083 dim 2 : vector<8x160x128xi32>, i32 -> vector<8x160x128xi32>
    %roll3A_1085 = arith.constant 4 : i32
    %roll3A_1086 = tpu.dynamic_rotate %select_n3A_1074 by %roll3A_1085 dim 2 : vector<8x160x128xi32>, i32 -> vector<8x160x128xi32>
    %select_n3A_1087 = arith.select %eq3A_1082, %roll3A_1084, %roll3A_1086 : vector<8x160x128xi1>, vector<8x160x128xi32>
    %roll3A_1088 = arith.constant 124 : i32
    %roll3A_1089 = tpu.dynamic_rotate %select_n3A_1075 by %roll3A_1088 dim 2 : vector<8x160x128xi32>, i32 -> vector<8x160x128xi32>
    %roll3A_1090 = arith.constant 4 : i32
    %roll3A_1091 = tpu.dynamic_rotate %select_n3A_1075 by %roll3A_1090 dim 2 : vector<8x160x128xi32>, i32 -> vector<8x160x128xi32>
    %select_n3A_1092 = arith.select %eq3A_1082, %roll3A_1089, %roll3A_1091 : vector<8x160x128xi1>, vector<8x160x128xi32>
    %gt3A_1093 = arith.cmpi sgt, %select_n3A_1074, %select_n3A_1087 : vector<8x160x128xi32>
    %eq3A_1094 = arith.cmpi eq, %select_n3A_1074, %select_n3A_1087 : vector<8x160x128xi32>
    %lt3A_1095 = arith.cmpi slt, %select_n3A_1075, %select_n3A_1092 : vector<8x160x128xi32>
    %and3A_1096 = arith.andi %eq3A_1094, %lt3A_1095 : vector<8x160x128xi1>
    %or3A_1097 = arith.ori %gt3A_1093, %and3A_1096 : vector<8x160x128xi1>
    %eq3A_1098 = arith.xori %eq3A_1082, %eq3A_925 : vector<8x160x128xi1>
    %eq3A_1099 = arith.constant dense<true> : vector<8x160x128xi1>
    %eq3A_1100 = arith.xori %eq3A_1098, %eq3A_1099 : vector<8x160x128xi1>
    %eq3A_1101 = arith.xori %or3A_1097, %eq3A_1100 : vector<8x160x128xi1>
    %eq3A_1102 = arith.constant dense<true> : vector<8x160x128xi1>
    %eq3A_1103 = arith.xori %eq3A_1101, %eq3A_1102 : vector<8x160x128xi1>
    %select_n3A_1104 = arith.select %eq3A_1103, %select_n3A_1074, %select_n3A_1087 : vector<8x160x128xi1>, vector<8x160x128xi32>
    %select_n3A_1105 = arith.select %eq3A_1103, %select_n3A_1075, %select_n3A_1092 : vector<8x160x128xi1>, vector<8x160x128xi32>
    %iota3A_1106 = tpu.iota {dimensions = array<i32: 2>} : vector<8x160x128xi32>
    %and3A_1107 = arith.constant 2 : i32
    %and3A_1108 = vector.broadcast %and3A_1107 : i32 to vector<8x160x128xi32>
    %and3A_1109 = arith.andi %iota3A_1106, %and3A_1108 : vector<8x160x128xi32>
    %eq3A_1110 = arith.constant 0 : i32
    %eq3A_1111 = vector.broadcast %eq3A_1110 : i32 to vector<8x160x128xi32>
    %eq3A_1112 = arith.cmpi eq, %and3A_1109, %eq3A_1111 : vector<8x160x128xi32>
    %roll3A_1113 = arith.constant 126 : i32
    %roll3A_1114 = tpu.dynamic_rotate %select_n3A_1104 by %roll3A_1113 dim 2 : vector<8x160x128xi32>, i32 -> vector<8x160x128xi32>
    %roll3A_1115 = arith.constant 2 : i32
    %roll3A_1116 = tpu.dynamic_rotate %select_n3A_1104 by %roll3A_1115 dim 2 : vector<8x160x128xi32>, i32 -> vector<8x160x128xi32>
    %select_n3A_1117 = arith.select %eq3A_1112, %roll3A_1114, %roll3A_1116 : vector<8x160x128xi1>, vector<8x160x128xi32>
    %roll3A_1118 = arith.constant 126 : i32
    %roll3A_1119 = tpu.dynamic_rotate %select_n3A_1105 by %roll3A_1118 dim 2 : vector<8x160x128xi32>, i32 -> vector<8x160x128xi32>
    %roll3A_1120 = arith.constant 2 : i32
    %roll3A_1121 = tpu.dynamic_rotate %select_n3A_1105 by %roll3A_1120 dim 2 : vector<8x160x128xi32>, i32 -> vector<8x160x128xi32>
    %select_n3A_1122 = arith.select %eq3A_1112, %roll3A_1119, %roll3A_1121 : vector<8x160x128xi1>, vector<8x160x128xi32>
    %gt3A_1123 = arith.cmpi sgt, %select_n3A_1104, %select_n3A_1117 : vector<8x160x128xi32>
    %eq3A_1124 = arith.cmpi eq, %select_n3A_1104, %select_n3A_1117 : vector<8x160x128xi32>
    %lt3A_1125 = arith.cmpi slt, %select_n3A_1105, %select_n3A_1122 : vector<8x160x128xi32>
    %and3A_1126 = arith.andi %eq3A_1124, %lt3A_1125 : vector<8x160x128xi1>
    %or3A_1127 = arith.ori %gt3A_1123, %and3A_1126 : vector<8x160x128xi1>
    %eq3A_1128 = arith.xori %eq3A_1112, %eq3A_925 : vector<8x160x128xi1>
    %eq3A_1129 = arith.constant dense<true> : vector<8x160x128xi1>
    %eq3A_1130 = arith.xori %eq3A_1128, %eq3A_1129 : vector<8x160x128xi1>
    %eq3A_1131 = arith.xori %or3A_1127, %eq3A_1130 : vector<8x160x128xi1>
    %eq3A_1132 = arith.constant dense<true> : vector<8x160x128xi1>
    %eq3A_1133 = arith.xori %eq3A_1131, %eq3A_1132 : vector<8x160x128xi1>
    %select_n3A_1134 = arith.select %eq3A_1133, %select_n3A_1104, %select_n3A_1117 : vector<8x160x128xi1>, vector<8x160x128xi32>
    %select_n3A_1135 = arith.select %eq3A_1133, %select_n3A_1105, %select_n3A_1122 : vector<8x160x128xi1>, vector<8x160x128xi32>
    %iota3A_1136 = tpu.iota {dimensions = array<i32: 2>} : vector<8x160x128xi32>
    %and3A_1137 = arith.constant 1 : i32
    %and3A_1138 = vector.broadcast %and3A_1137 : i32 to vector<8x160x128xi32>
    %and3A_1139 = arith.andi %iota3A_1136, %and3A_1138 : vector<8x160x128xi32>
    %eq3A_1140 = arith.constant 0 : i32
    %eq3A_1141 = vector.broadcast %eq3A_1140 : i32 to vector<8x160x128xi32>
    %eq3A_1142 = arith.cmpi eq, %and3A_1139, %eq3A_1141 : vector<8x160x128xi32>
    %roll3A_1143 = arith.constant 127 : i32
    %roll3A_1144 = tpu.dynamic_rotate %select_n3A_1134 by %roll3A_1143 dim 2 : vector<8x160x128xi32>, i32 -> vector<8x160x128xi32>
    %roll3A_1145 = arith.constant 1 : i32
    %roll3A_1146 = tpu.dynamic_rotate %select_n3A_1134 by %roll3A_1145 dim 2 : vector<8x160x128xi32>, i32 -> vector<8x160x128xi32>
    %select_n3A_1147 = arith.select %eq3A_1142, %roll3A_1144, %roll3A_1146 : vector<8x160x128xi1>, vector<8x160x128xi32>
    %roll3A_1148 = arith.constant 127 : i32
    %roll3A_1149 = tpu.dynamic_rotate %select_n3A_1135 by %roll3A_1148 dim 2 : vector<8x160x128xi32>, i32 -> vector<8x160x128xi32>
    %roll3A_1150 = arith.constant 1 : i32
    %roll3A_1151 = tpu.dynamic_rotate %select_n3A_1135 by %roll3A_1150 dim 2 : vector<8x160x128xi32>, i32 -> vector<8x160x128xi32>
    %select_n3A_1152 = arith.select %eq3A_1142, %roll3A_1149, %roll3A_1151 : vector<8x160x128xi1>, vector<8x160x128xi32>
    %gt3A_1153 = arith.cmpi sgt, %select_n3A_1134, %select_n3A_1147 : vector<8x160x128xi32>
    %eq3A_1154 = arith.cmpi eq, %select_n3A_1134, %select_n3A_1147 : vector<8x160x128xi32>
    %lt3A_1155 = arith.cmpi slt, %select_n3A_1135, %select_n3A_1152 : vector<8x160x128xi32>
    %and3A_1156 = arith.andi %eq3A_1154, %lt3A_1155 : vector<8x160x128xi1>
    %or3A_1157 = arith.ori %gt3A_1153, %and3A_1156 : vector<8x160x128xi1>
    %eq3A_1158 = arith.xori %eq3A_1142, %eq3A_925 : vector<8x160x128xi1>
    %eq3A_1159 = arith.constant dense<true> : vector<8x160x128xi1>
    %eq3A_1160 = arith.xori %eq3A_1158, %eq3A_1159 : vector<8x160x128xi1>
    %eq3A_1161 = arith.xori %or3A_1157, %eq3A_1160 : vector<8x160x128xi1>
    %eq3A_1162 = arith.constant dense<true> : vector<8x160x128xi1>
    %eq3A_1163 = arith.xori %eq3A_1161, %eq3A_1162 : vector<8x160x128xi1>
    %select_n3A_1164 = arith.select %eq3A_1163, %select_n3A_1134, %select_n3A_1147 : vector<8x160x128xi1>, vector<8x160x128xi32>
    %select_n3A_1165 = arith.select %eq3A_1163, %select_n3A_1135, %select_n3A_1152 : vector<8x160x128xi1>, vector<8x160x128xi32>
    %slice3A = vector.extract_strided_slice %select_n3A_1164 {offsets = [0, 0, 0], sizes = [8, 80, 128], strides = [1, 1, 1]} : vector<8x160x128xi32> to vector<8x80x128xi32>
    %slice3A_1166 = vector.extract_strided_slice %select_n3A_1165 {offsets = [0, 0, 0], sizes = [8, 80, 128], strides = [1, 1, 1]} : vector<8x160x128xi32> to vector<8x80x128xi32>
    %slice3A_1167 = vector.extract_strided_slice %select_n3A_1164 {offsets = [0, 80, 0], sizes = [8, 80, 128], strides = [1, 1, 1]} : vector<8x160x128xi32> to vector<8x80x128xi32>
    %slice3A_1168 = vector.extract_strided_slice %select_n3A_1165 {offsets = [0, 80, 0], sizes = [8, 80, 128], strides = [1, 1, 1]} : vector<8x160x128xi32> to vector<8x80x128xi32>
    %gt3A_1169 = arith.cmpi sgt, %slice3A, %slice3A_1167 : vector<8x80x128xi32>
    %eq3A_1170 = arith.cmpi eq, %slice3A, %slice3A_1167 : vector<8x80x128xi32>
    %lt3A_1171 = arith.cmpi slt, %slice3A_1166, %slice3A_1168 : vector<8x80x128xi32>
    %and3A_1172 = arith.andi %eq3A_1170, %lt3A_1171 : vector<8x80x128xi1>
    %or3A_1173 = arith.ori %gt3A_1169, %and3A_1172 : vector<8x80x128xi1>
    %select_n3A_1174 = arith.select %or3A_1173, %slice3A, %slice3A_1167 : vector<8x80x128xi1>, vector<8x80x128xi32>
    %select_n3A_1175 = arith.select %or3A_1173, %slice3A_1166, %slice3A_1168 : vector<8x80x128xi1>, vector<8x80x128xi32>
    %iota3A_1176 = tpu.iota {dimensions = array<i32: 1>} : vector<8x80x128xi32>
    %lt3A_1177 = arith.constant 40 : i32
    %lt3A_1178 = vector.broadcast %lt3A_1177 : i32 to vector<8x80x128xi32>
    %lt3A_1179 = arith.cmpi slt, %iota3A_1176, %lt3A_1178 : vector<8x80x128xi32>
    %iota3A_1180 = tpu.iota {dimensions = array<i32: 1>} : vector<8x80x128xi32>
    %and3A_1181 = arith.constant 1 : i32
    %and3A_1182 = vector.broadcast %and3A_1181 : i32 to vector<8x80x128xi32>
    %and3A_1183 = arith.andi %iota3A_1180, %and3A_1182 : vector<8x80x128xi32>
    %eq3A_1184 = arith.constant 0 : i32
    %eq3A_1185 = vector.broadcast %eq3A_1184 : i32 to vector<8x80x128xi32>
    %eq3A_1186 = arith.cmpi eq, %and3A_1183, %eq3A_1185 : vector<8x80x128xi32>
    %roll3A_1187 = arith.constant 79 : i32
    %roll3A_1188 = tpu.dynamic_rotate %select_n3A_1174 by %roll3A_1187 dim 1 : vector<8x80x128xi32>, i32 -> vector<8x80x128xi32>
    %roll3A_1189 = arith.constant 1 : i32
    %roll3A_1190 = tpu.dynamic_rotate %select_n3A_1174 by %roll3A_1189 dim 1 : vector<8x80x128xi32>, i32 -> vector<8x80x128xi32>
    %select_n3A_1191 = arith.select %eq3A_1186, %roll3A_1188, %roll3A_1190 : vector<8x80x128xi1>, vector<8x80x128xi32>
    %roll3A_1192 = arith.constant 79 : i32
    %roll3A_1193 = tpu.dynamic_rotate %select_n3A_1175 by %roll3A_1192 dim 1 : vector<8x80x128xi32>, i32 -> vector<8x80x128xi32>
    %roll3A_1194 = arith.constant 1 : i32
    %roll3A_1195 = tpu.dynamic_rotate %select_n3A_1175 by %roll3A_1194 dim 1 : vector<8x80x128xi32>, i32 -> vector<8x80x128xi32>
    %select_n3A_1196 = arith.select %eq3A_1186, %roll3A_1193, %roll3A_1195 : vector<8x80x128xi1>, vector<8x80x128xi32>
    %gt3A_1197 = arith.cmpi sgt, %select_n3A_1174, %select_n3A_1191 : vector<8x80x128xi32>
    %eq3A_1198 = arith.cmpi eq, %select_n3A_1174, %select_n3A_1191 : vector<8x80x128xi32>
    %lt3A_1199 = arith.cmpi slt, %select_n3A_1175, %select_n3A_1196 : vector<8x80x128xi32>
    %and3A_1200 = arith.andi %eq3A_1198, %lt3A_1199 : vector<8x80x128xi1>
    %or3A_1201 = arith.ori %gt3A_1197, %and3A_1200 : vector<8x80x128xi1>
    %eq3A_1202 = arith.xori %eq3A_1186, %lt3A_1179 : vector<8x80x128xi1>
    %eq3A_1203 = arith.constant dense<true> : vector<8x80x128xi1>
    %eq3A_1204 = arith.xori %eq3A_1202, %eq3A_1203 : vector<8x80x128xi1>
    %eq3A_1205 = arith.xori %or3A_1201, %eq3A_1204 : vector<8x80x128xi1>
    %eq3A_1206 = arith.constant dense<true> : vector<8x80x128xi1>
    %eq3A_1207 = arith.xori %eq3A_1205, %eq3A_1206 : vector<8x80x128xi1>
    %select_n3A_1208 = arith.select %eq3A_1207, %select_n3A_1174, %select_n3A_1191 : vector<8x80x128xi1>, vector<8x80x128xi32>
    %select_n3A_1209 = arith.select %eq3A_1207, %select_n3A_1175, %select_n3A_1196 : vector<8x80x128xi1>, vector<8x80x128xi32>
    %iota3A_1210 = tpu.iota {dimensions = array<i32: 2>} : vector<8x80x128xi32>
    %and3A_1211 = arith.constant 64 : i32
    %and3A_1212 = vector.broadcast %and3A_1211 : i32 to vector<8x80x128xi32>
    %and3A_1213 = arith.andi %iota3A_1210, %and3A_1212 : vector<8x80x128xi32>
    %eq3A_1214 = arith.constant 0 : i32
    %eq3A_1215 = vector.broadcast %eq3A_1214 : i32 to vector<8x80x128xi32>
    %eq3A_1216 = arith.cmpi eq, %and3A_1213, %eq3A_1215 : vector<8x80x128xi32>
    %roll3A_1217 = arith.constant 64 : i32
    %roll3A_1218 = tpu.dynamic_rotate %select_n3A_1208 by %roll3A_1217 dim 2 : vector<8x80x128xi32>, i32 -> vector<8x80x128xi32>
    %roll3A_1219 = arith.constant 64 : i32
    %roll3A_1220 = tpu.dynamic_rotate %select_n3A_1208 by %roll3A_1219 dim 2 : vector<8x80x128xi32>, i32 -> vector<8x80x128xi32>
    %select_n3A_1221 = arith.select %eq3A_1216, %roll3A_1218, %roll3A_1220 : vector<8x80x128xi1>, vector<8x80x128xi32>
    %roll3A_1222 = arith.constant 64 : i32
    %roll3A_1223 = tpu.dynamic_rotate %select_n3A_1209 by %roll3A_1222 dim 2 : vector<8x80x128xi32>, i32 -> vector<8x80x128xi32>
    %roll3A_1224 = arith.constant 64 : i32
    %roll3A_1225 = tpu.dynamic_rotate %select_n3A_1209 by %roll3A_1224 dim 2 : vector<8x80x128xi32>, i32 -> vector<8x80x128xi32>
    %select_n3A_1226 = arith.select %eq3A_1216, %roll3A_1223, %roll3A_1225 : vector<8x80x128xi1>, vector<8x80x128xi32>
    %gt3A_1227 = arith.cmpi sgt, %select_n3A_1208, %select_n3A_1221 : vector<8x80x128xi32>
    %eq3A_1228 = arith.cmpi eq, %select_n3A_1208, %select_n3A_1221 : vector<8x80x128xi32>
    %lt3A_1229 = arith.cmpi slt, %select_n3A_1209, %select_n3A_1226 : vector<8x80x128xi32>
    %and3A_1230 = arith.andi %eq3A_1228, %lt3A_1229 : vector<8x80x128xi1>
    %or3A_1231 = arith.ori %gt3A_1227, %and3A_1230 : vector<8x80x128xi1>
    %eq3A_1232 = arith.xori %eq3A_1216, %lt3A_1179 : vector<8x80x128xi1>
    %eq3A_1233 = arith.constant dense<true> : vector<8x80x128xi1>
    %eq3A_1234 = arith.xori %eq3A_1232, %eq3A_1233 : vector<8x80x128xi1>
    %eq3A_1235 = arith.xori %or3A_1231, %eq3A_1234 : vector<8x80x128xi1>
    %eq3A_1236 = arith.constant dense<true> : vector<8x80x128xi1>
    %eq3A_1237 = arith.xori %eq3A_1235, %eq3A_1236 : vector<8x80x128xi1>
    %select_n3A_1238 = arith.select %eq3A_1237, %select_n3A_1208, %select_n3A_1221 : vector<8x80x128xi1>, vector<8x80x128xi32>
    %select_n3A_1239 = arith.select %eq3A_1237, %select_n3A_1209, %select_n3A_1226 : vector<8x80x128xi1>, vector<8x80x128xi32>
    %iota3A_1240 = tpu.iota {dimensions = array<i32: 2>} : vector<8x80x128xi32>
    %and3A_1241 = arith.constant 32 : i32
    %and3A_1242 = vector.broadcast %and3A_1241 : i32 to vector<8x80x128xi32>
    %and3A_1243 = arith.andi %iota3A_1240, %and3A_1242 : vector<8x80x128xi32>
    %eq3A_1244 = arith.constant 0 : i32
    %eq3A_1245 = vector.broadcast %eq3A_1244 : i32 to vector<8x80x128xi32>
    %eq3A_1246 = arith.cmpi eq, %and3A_1243, %eq3A_1245 : vector<8x80x128xi32>
    %roll3A_1247 = arith.constant 96 : i32
    %roll3A_1248 = tpu.dynamic_rotate %select_n3A_1238 by %roll3A_1247 dim 2 : vector<8x80x128xi32>, i32 -> vector<8x80x128xi32>
    %roll3A_1249 = arith.constant 32 : i32
    %roll3A_1250 = tpu.dynamic_rotate %select_n3A_1238 by %roll3A_1249 dim 2 : vector<8x80x128xi32>, i32 -> vector<8x80x128xi32>
    %select_n3A_1251 = arith.select %eq3A_1246, %roll3A_1248, %roll3A_1250 : vector<8x80x128xi1>, vector<8x80x128xi32>
    %roll3A_1252 = arith.constant 96 : i32
    %roll3A_1253 = tpu.dynamic_rotate %select_n3A_1239 by %roll3A_1252 dim 2 : vector<8x80x128xi32>, i32 -> vector<8x80x128xi32>
    %roll3A_1254 = arith.constant 32 : i32
    %roll3A_1255 = tpu.dynamic_rotate %select_n3A_1239 by %roll3A_1254 dim 2 : vector<8x80x128xi32>, i32 -> vector<8x80x128xi32>
    %select_n3A_1256 = arith.select %eq3A_1246, %roll3A_1253, %roll3A_1255 : vector<8x80x128xi1>, vector<8x80x128xi32>
    %gt3A_1257 = arith.cmpi sgt, %select_n3A_1238, %select_n3A_1251 : vector<8x80x128xi32>
    %eq3A_1258 = arith.cmpi eq, %select_n3A_1238, %select_n3A_1251 : vector<8x80x128xi32>
    %lt3A_1259 = arith.cmpi slt, %select_n3A_1239, %select_n3A_1256 : vector<8x80x128xi32>
    %and3A_1260 = arith.andi %eq3A_1258, %lt3A_1259 : vector<8x80x128xi1>
    %or3A_1261 = arith.ori %gt3A_1257, %and3A_1260 : vector<8x80x128xi1>
    %eq3A_1262 = arith.xori %eq3A_1246, %lt3A_1179 : vector<8x80x128xi1>
    %eq3A_1263 = arith.constant dense<true> : vector<8x80x128xi1>
    %eq3A_1264 = arith.xori %eq3A_1262, %eq3A_1263 : vector<8x80x128xi1>
    %eq3A_1265 = arith.xori %or3A_1261, %eq3A_1264 : vector<8x80x128xi1>
    %eq3A_1266 = arith.constant dense<true> : vector<8x80x128xi1>
    %eq3A_1267 = arith.xori %eq3A_1265, %eq3A_1266 : vector<8x80x128xi1>
    %select_n3A_1268 = arith.select %eq3A_1267, %select_n3A_1238, %select_n3A_1251 : vector<8x80x128xi1>, vector<8x80x128xi32>
    %select_n3A_1269 = arith.select %eq3A_1267, %select_n3A_1239, %select_n3A_1256 : vector<8x80x128xi1>, vector<8x80x128xi32>
    %iota3A_1270 = tpu.iota {dimensions = array<i32: 2>} : vector<8x80x128xi32>
    %and3A_1271 = arith.constant 16 : i32
    %and3A_1272 = vector.broadcast %and3A_1271 : i32 to vector<8x80x128xi32>
    %and3A_1273 = arith.andi %iota3A_1270, %and3A_1272 : vector<8x80x128xi32>
    %eq3A_1274 = arith.constant 0 : i32
    %eq3A_1275 = vector.broadcast %eq3A_1274 : i32 to vector<8x80x128xi32>
    %eq3A_1276 = arith.cmpi eq, %and3A_1273, %eq3A_1275 : vector<8x80x128xi32>
    %roll3A_1277 = arith.constant 112 : i32
    %roll3A_1278 = tpu.dynamic_rotate %select_n3A_1268 by %roll3A_1277 dim 2 : vector<8x80x128xi32>, i32 -> vector<8x80x128xi32>
    %roll3A_1279 = arith.constant 16 : i32
    %roll3A_1280 = tpu.dynamic_rotate %select_n3A_1268 by %roll3A_1279 dim 2 : vector<8x80x128xi32>, i32 -> vector<8x80x128xi32>
    %select_n3A_1281 = arith.select %eq3A_1276, %roll3A_1278, %roll3A_1280 : vector<8x80x128xi1>, vector<8x80x128xi32>
    %roll3A_1282 = arith.constant 112 : i32
    %roll3A_1283 = tpu.dynamic_rotate %select_n3A_1269 by %roll3A_1282 dim 2 : vector<8x80x128xi32>, i32 -> vector<8x80x128xi32>
    %roll3A_1284 = arith.constant 16 : i32
    %roll3A_1285 = tpu.dynamic_rotate %select_n3A_1269 by %roll3A_1284 dim 2 : vector<8x80x128xi32>, i32 -> vector<8x80x128xi32>
    %select_n3A_1286 = arith.select %eq3A_1276, %roll3A_1283, %roll3A_1285 : vector<8x80x128xi1>, vector<8x80x128xi32>
    %gt3A_1287 = arith.cmpi sgt, %select_n3A_1268, %select_n3A_1281 : vector<8x80x128xi32>
    %eq3A_1288 = arith.cmpi eq, %select_n3A_1268, %select_n3A_1281 : vector<8x80x128xi32>
    %lt3A_1289 = arith.cmpi slt, %select_n3A_1269, %select_n3A_1286 : vector<8x80x128xi32>
    %and3A_1290 = arith.andi %eq3A_1288, %lt3A_1289 : vector<8x80x128xi1>
    %or3A_1291 = arith.ori %gt3A_1287, %and3A_1290 : vector<8x80x128xi1>
    %eq3A_1292 = arith.xori %eq3A_1276, %lt3A_1179 : vector<8x80x128xi1>
    %eq3A_1293 = arith.constant dense<true> : vector<8x80x128xi1>
    %eq3A_1294 = arith.xori %eq3A_1292, %eq3A_1293 : vector<8x80x128xi1>
    %eq3A_1295 = arith.xori %or3A_1291, %eq3A_1294 : vector<8x80x128xi1>
    %eq3A_1296 = arith.constant dense<true> : vector<8x80x128xi1>
    %eq3A_1297 = arith.xori %eq3A_1295, %eq3A_1296 : vector<8x80x128xi1>
    %select_n3A_1298 = arith.select %eq3A_1297, %select_n3A_1268, %select_n3A_1281 : vector<8x80x128xi1>, vector<8x80x128xi32>
    %select_n3A_1299 = arith.select %eq3A_1297, %select_n3A_1269, %select_n3A_1286 : vector<8x80x128xi1>, vector<8x80x128xi32>
    %iota3A_1300 = tpu.iota {dimensions = array<i32: 2>} : vector<8x80x128xi32>
    %and3A_1301 = arith.constant 8 : i32
    %and3A_1302 = vector.broadcast %and3A_1301 : i32 to vector<8x80x128xi32>
    %and3A_1303 = arith.andi %iota3A_1300, %and3A_1302 : vector<8x80x128xi32>
    %eq3A_1304 = arith.constant 0 : i32
    %eq3A_1305 = vector.broadcast %eq3A_1304 : i32 to vector<8x80x128xi32>
    %eq3A_1306 = arith.cmpi eq, %and3A_1303, %eq3A_1305 : vector<8x80x128xi32>
    %roll3A_1307 = arith.constant 120 : i32
    %roll3A_1308 = tpu.dynamic_rotate %select_n3A_1298 by %roll3A_1307 dim 2 : vector<8x80x128xi32>, i32 -> vector<8x80x128xi32>
    %roll3A_1309 = arith.constant 8 : i32
    %roll3A_1310 = tpu.dynamic_rotate %select_n3A_1298 by %roll3A_1309 dim 2 : vector<8x80x128xi32>, i32 -> vector<8x80x128xi32>
    %select_n3A_1311 = arith.select %eq3A_1306, %roll3A_1308, %roll3A_1310 : vector<8x80x128xi1>, vector<8x80x128xi32>
    %roll3A_1312 = arith.constant 120 : i32
    %roll3A_1313 = tpu.dynamic_rotate %select_n3A_1299 by %roll3A_1312 dim 2 : vector<8x80x128xi32>, i32 -> vector<8x80x128xi32>
    %roll3A_1314 = arith.constant 8 : i32
    %roll3A_1315 = tpu.dynamic_rotate %select_n3A_1299 by %roll3A_1314 dim 2 : vector<8x80x128xi32>, i32 -> vector<8x80x128xi32>
    %select_n3A_1316 = arith.select %eq3A_1306, %roll3A_1313, %roll3A_1315 : vector<8x80x128xi1>, vector<8x80x128xi32>
    %gt3A_1317 = arith.cmpi sgt, %select_n3A_1298, %select_n3A_1311 : vector<8x80x128xi32>
    %eq3A_1318 = arith.cmpi eq, %select_n3A_1298, %select_n3A_1311 : vector<8x80x128xi32>
    %lt3A_1319 = arith.cmpi slt, %select_n3A_1299, %select_n3A_1316 : vector<8x80x128xi32>
    %and3A_1320 = arith.andi %eq3A_1318, %lt3A_1319 : vector<8x80x128xi1>
    %or3A_1321 = arith.ori %gt3A_1317, %and3A_1320 : vector<8x80x128xi1>
    %eq3A_1322 = arith.xori %eq3A_1306, %lt3A_1179 : vector<8x80x128xi1>
    %eq3A_1323 = arith.constant dense<true> : vector<8x80x128xi1>
    %eq3A_1324 = arith.xori %eq3A_1322, %eq3A_1323 : vector<8x80x128xi1>
    %eq3A_1325 = arith.xori %or3A_1321, %eq3A_1324 : vector<8x80x128xi1>
    %eq3A_1326 = arith.constant dense<true> : vector<8x80x128xi1>
    %eq3A_1327 = arith.xori %eq3A_1325, %eq3A_1326 : vector<8x80x128xi1>
    %select_n3A_1328 = arith.select %eq3A_1327, %select_n3A_1298, %select_n3A_1311 : vector<8x80x128xi1>, vector<8x80x128xi32>
    %select_n3A_1329 = arith.select %eq3A_1327, %select_n3A_1299, %select_n3A_1316 : vector<8x80x128xi1>, vector<8x80x128xi32>
    %iota3A_1330 = tpu.iota {dimensions = array<i32: 2>} : vector<8x80x128xi32>
    %and3A_1331 = arith.constant 4 : i32
    %and3A_1332 = vector.broadcast %and3A_1331 : i32 to vector<8x80x128xi32>
    %and3A_1333 = arith.andi %iota3A_1330, %and3A_1332 : vector<8x80x128xi32>
    %eq3A_1334 = arith.constant 0 : i32
    %eq3A_1335 = vector.broadcast %eq3A_1334 : i32 to vector<8x80x128xi32>
    %eq3A_1336 = arith.cmpi eq, %and3A_1333, %eq3A_1335 : vector<8x80x128xi32>
    %roll3A_1337 = arith.constant 124 : i32
    %roll3A_1338 = tpu.dynamic_rotate %select_n3A_1328 by %roll3A_1337 dim 2 : vector<8x80x128xi32>, i32 -> vector<8x80x128xi32>
    %roll3A_1339 = arith.constant 4 : i32
    %roll3A_1340 = tpu.dynamic_rotate %select_n3A_1328 by %roll3A_1339 dim 2 : vector<8x80x128xi32>, i32 -> vector<8x80x128xi32>
    %select_n3A_1341 = arith.select %eq3A_1336, %roll3A_1338, %roll3A_1340 : vector<8x80x128xi1>, vector<8x80x128xi32>
    %roll3A_1342 = arith.constant 124 : i32
    %roll3A_1343 = tpu.dynamic_rotate %select_n3A_1329 by %roll3A_1342 dim 2 : vector<8x80x128xi32>, i32 -> vector<8x80x128xi32>
    %roll3A_1344 = arith.constant 4 : i32
    %roll3A_1345 = tpu.dynamic_rotate %select_n3A_1329 by %roll3A_1344 dim 2 : vector<8x80x128xi32>, i32 -> vector<8x80x128xi32>
    %select_n3A_1346 = arith.select %eq3A_1336, %roll3A_1343, %roll3A_1345 : vector<8x80x128xi1>, vector<8x80x128xi32>
    %gt3A_1347 = arith.cmpi sgt, %select_n3A_1328, %select_n3A_1341 : vector<8x80x128xi32>
    %eq3A_1348 = arith.cmpi eq, %select_n3A_1328, %select_n3A_1341 : vector<8x80x128xi32>
    %lt3A_1349 = arith.cmpi slt, %select_n3A_1329, %select_n3A_1346 : vector<8x80x128xi32>
    %and3A_1350 = arith.andi %eq3A_1348, %lt3A_1349 : vector<8x80x128xi1>
    %or3A_1351 = arith.ori %gt3A_1347, %and3A_1350 : vector<8x80x128xi1>
    %eq3A_1352 = arith.xori %eq3A_1336, %lt3A_1179 : vector<8x80x128xi1>
    %eq3A_1353 = arith.constant dense<true> : vector<8x80x128xi1>
    %eq3A_1354 = arith.xori %eq3A_1352, %eq3A_1353 : vector<8x80x128xi1>
    %eq3A_1355 = arith.xori %or3A_1351, %eq3A_1354 : vector<8x80x128xi1>
    %eq3A_1356 = arith.constant dense<true> : vector<8x80x128xi1>
    %eq3A_1357 = arith.xori %eq3A_1355, %eq3A_1356 : vector<8x80x128xi1>
    %select_n3A_1358 = arith.select %eq3A_1357, %select_n3A_1328, %select_n3A_1341 : vector<8x80x128xi1>, vector<8x80x128xi32>
    %select_n3A_1359 = arith.select %eq3A_1357, %select_n3A_1329, %select_n3A_1346 : vector<8x80x128xi1>, vector<8x80x128xi32>
    %iota3A_1360 = tpu.iota {dimensions = array<i32: 2>} : vector<8x80x128xi32>
    %and3A_1361 = arith.constant 2 : i32
    %and3A_1362 = vector.broadcast %and3A_1361 : i32 to vector<8x80x128xi32>
    %and3A_1363 = arith.andi %iota3A_1360, %and3A_1362 : vector<8x80x128xi32>
    %eq3A_1364 = arith.constant 0 : i32
    %eq3A_1365 = vector.broadcast %eq3A_1364 : i32 to vector<8x80x128xi32>
    %eq3A_1366 = arith.cmpi eq, %and3A_1363, %eq3A_1365 : vector<8x80x128xi32>
    %roll3A_1367 = arith.constant 126 : i32
    %roll3A_1368 = tpu.dynamic_rotate %select_n3A_1358 by %roll3A_1367 dim 2 : vector<8x80x128xi32>, i32 -> vector<8x80x128xi32>
    %roll3A_1369 = arith.constant 2 : i32
    %roll3A_1370 = tpu.dynamic_rotate %select_n3A_1358 by %roll3A_1369 dim 2 : vector<8x80x128xi32>, i32 -> vector<8x80x128xi32>
    %select_n3A_1371 = arith.select %eq3A_1366, %roll3A_1368, %roll3A_1370 : vector<8x80x128xi1>, vector<8x80x128xi32>
    %roll3A_1372 = arith.constant 126 : i32
    %roll3A_1373 = tpu.dynamic_rotate %select_n3A_1359 by %roll3A_1372 dim 2 : vector<8x80x128xi32>, i32 -> vector<8x80x128xi32>
    %roll3A_1374 = arith.constant 2 : i32
    %roll3A_1375 = tpu.dynamic_rotate %select_n3A_1359 by %roll3A_1374 dim 2 : vector<8x80x128xi32>, i32 -> vector<8x80x128xi32>
    %select_n3A_1376 = arith.select %eq3A_1366, %roll3A_1373, %roll3A_1375 : vector<8x80x128xi1>, vector<8x80x128xi32>
    %gt3A_1377 = arith.cmpi sgt, %select_n3A_1358, %select_n3A_1371 : vector<8x80x128xi32>
    %eq3A_1378 = arith.cmpi eq, %select_n3A_1358, %select_n3A_1371 : vector<8x80x128xi32>
    %lt3A_1379 = arith.cmpi slt, %select_n3A_1359, %select_n3A_1376 : vector<8x80x128xi32>
    %and3A_1380 = arith.andi %eq3A_1378, %lt3A_1379 : vector<8x80x128xi1>
    %or3A_1381 = arith.ori %gt3A_1377, %and3A_1380 : vector<8x80x128xi1>
    %eq3A_1382 = arith.xori %eq3A_1366, %lt3A_1179 : vector<8x80x128xi1>
    %eq3A_1383 = arith.constant dense<true> : vector<8x80x128xi1>
    %eq3A_1384 = arith.xori %eq3A_1382, %eq3A_1383 : vector<8x80x128xi1>
    %eq3A_1385 = arith.xori %or3A_1381, %eq3A_1384 : vector<8x80x128xi1>
    %eq3A_1386 = arith.constant dense<true> : vector<8x80x128xi1>
    %eq3A_1387 = arith.xori %eq3A_1385, %eq3A_1386 : vector<8x80x128xi1>
    %select_n3A_1388 = arith.select %eq3A_1387, %select_n3A_1358, %select_n3A_1371 : vector<8x80x128xi1>, vector<8x80x128xi32>
    %select_n3A_1389 = arith.select %eq3A_1387, %select_n3A_1359, %select_n3A_1376 : vector<8x80x128xi1>, vector<8x80x128xi32>
    %iota3A_1390 = tpu.iota {dimensions = array<i32: 2>} : vector<8x80x128xi32>
    %and3A_1391 = arith.constant 1 : i32
    %and3A_1392 = vector.broadcast %and3A_1391 : i32 to vector<8x80x128xi32>
    %and3A_1393 = arith.andi %iota3A_1390, %and3A_1392 : vector<8x80x128xi32>
    %eq3A_1394 = arith.constant 0 : i32
    %eq3A_1395 = vector.broadcast %eq3A_1394 : i32 to vector<8x80x128xi32>
    %eq3A_1396 = arith.cmpi eq, %and3A_1393, %eq3A_1395 : vector<8x80x128xi32>
    %roll3A_1397 = arith.constant 127 : i32
    %roll3A_1398 = tpu.dynamic_rotate %select_n3A_1388 by %roll3A_1397 dim 2 : vector<8x80x128xi32>, i32 -> vector<8x80x128xi32>
    %roll3A_1399 = arith.constant 1 : i32
    %roll3A_1400 = tpu.dynamic_rotate %select_n3A_1388 by %roll3A_1399 dim 2 : vector<8x80x128xi32>, i32 -> vector<8x80x128xi32>
    %select_n3A_1401 = arith.select %eq3A_1396, %roll3A_1398, %roll3A_1400 : vector<8x80x128xi1>, vector<8x80x128xi32>
    %roll3A_1402 = arith.constant 127 : i32
    %roll3A_1403 = tpu.dynamic_rotate %select_n3A_1389 by %roll3A_1402 dim 2 : vector<8x80x128xi32>, i32 -> vector<8x80x128xi32>
    %roll3A_1404 = arith.constant 1 : i32
    %roll3A_1405 = tpu.dynamic_rotate %select_n3A_1389 by %roll3A_1404 dim 2 : vector<8x80x128xi32>, i32 -> vector<8x80x128xi32>
    %select_n3A_1406 = arith.select %eq3A_1396, %roll3A_1403, %roll3A_1405 : vector<8x80x128xi1>, vector<8x80x128xi32>
    %gt3A_1407 = arith.cmpi sgt, %select_n3A_1388, %select_n3A_1401 : vector<8x80x128xi32>
    %eq3A_1408 = arith.cmpi eq, %select_n3A_1388, %select_n3A_1401 : vector<8x80x128xi32>
    %lt3A_1409 = arith.cmpi slt, %select_n3A_1389, %select_n3A_1406 : vector<8x80x128xi32>
    %and3A_1410 = arith.andi %eq3A_1408, %lt3A_1409 : vector<8x80x128xi1>
    %or3A_1411 = arith.ori %gt3A_1407, %and3A_1410 : vector<8x80x128xi1>
    %eq3A_1412 = arith.xori %eq3A_1396, %lt3A_1179 : vector<8x80x128xi1>
    %eq3A_1413 = arith.constant dense<true> : vector<8x80x128xi1>
    %eq3A_1414 = arith.xori %eq3A_1412, %eq3A_1413 : vector<8x80x128xi1>
    %eq3A_1415 = arith.xori %or3A_1411, %eq3A_1414 : vector<8x80x128xi1>
    %eq3A_1416 = arith.constant dense<true> : vector<8x80x128xi1>
    %eq3A_1417 = arith.xori %eq3A_1415, %eq3A_1416 : vector<8x80x128xi1>
    %select_n3A_1418 = arith.select %eq3A_1417, %select_n3A_1388, %select_n3A_1401 : vector<8x80x128xi1>, vector<8x80x128xi32>
    %select_n3A_1419 = arith.select %eq3A_1417, %select_n3A_1389, %select_n3A_1406 : vector<8x80x128xi1>, vector<8x80x128xi32>
    %slice3A_1420 = vector.extract_strided_slice %select_n3A_1418 {offsets = [0, 0, 0], sizes = [8, 40, 128], strides = [1, 1, 1]} : vector<8x80x128xi32> to vector<8x40x128xi32>
    %slice3A_1421 = vector.extract_strided_slice %select_n3A_1419 {offsets = [0, 0, 0], sizes = [8, 40, 128], strides = [1, 1, 1]} : vector<8x80x128xi32> to vector<8x40x128xi32>
    %slice3A_1422 = vector.extract_strided_slice %select_n3A_1418 {offsets = [0, 40, 0], sizes = [8, 40, 128], strides = [1, 1, 1]} : vector<8x80x128xi32> to vector<8x40x128xi32>
    %slice3A_1423 = vector.extract_strided_slice %select_n3A_1419 {offsets = [0, 40, 0], sizes = [8, 40, 128], strides = [1, 1, 1]} : vector<8x80x128xi32> to vector<8x40x128xi32>
    %gt3A_1424 = arith.cmpi sgt, %slice3A_1420, %slice3A_1422 : vector<8x40x128xi32>
    %eq3A_1425 = arith.cmpi eq, %slice3A_1420, %slice3A_1422 : vector<8x40x128xi32>
    %lt3A_1426 = arith.cmpi slt, %slice3A_1421, %slice3A_1423 : vector<8x40x128xi32>
    %and3A_1427 = arith.andi %eq3A_1425, %lt3A_1426 : vector<8x40x128xi1>
    %or3A_1428 = arith.ori %gt3A_1424, %and3A_1427 : vector<8x40x128xi1>
    %select_n3A_1429 = arith.select %or3A_1428, %slice3A_1420, %slice3A_1422 : vector<8x40x128xi1>, vector<8x40x128xi32>
    %select_n3A_1430 = arith.select %or3A_1428, %slice3A_1421, %slice3A_1423 : vector<8x40x128xi1>, vector<8x40x128xi32>
    %iota3A_1431 = tpu.iota {dimensions = array<i32: 1>} : vector<8x40x128xi32>
    %lt3A_1432 = arith.constant 20 : i32
    %lt3A_1433 = vector.broadcast %lt3A_1432 : i32 to vector<8x40x128xi32>
    %lt3A_1434 = arith.cmpi slt, %iota3A_1431, %lt3A_1433 : vector<8x40x128xi32>
    %iota3A_1435 = tpu.iota {dimensions = array<i32: 1>} : vector<8x40x128xi32>
    %and3A_1436 = arith.constant 1 : i32
    %and3A_1437 = vector.broadcast %and3A_1436 : i32 to vector<8x40x128xi32>
    %and3A_1438 = arith.andi %iota3A_1435, %and3A_1437 : vector<8x40x128xi32>
    %eq3A_1439 = arith.constant 0 : i32
    %eq3A_1440 = vector.broadcast %eq3A_1439 : i32 to vector<8x40x128xi32>
    %eq3A_1441 = arith.cmpi eq, %and3A_1438, %eq3A_1440 : vector<8x40x128xi32>
    %roll3A_1442 = arith.constant 39 : i32
    %roll3A_1443 = tpu.dynamic_rotate %select_n3A_1429 by %roll3A_1442 dim 1 : vector<8x40x128xi32>, i32 -> vector<8x40x128xi32>
    %roll3A_1444 = arith.constant 1 : i32
    %roll3A_1445 = tpu.dynamic_rotate %select_n3A_1429 by %roll3A_1444 dim 1 : vector<8x40x128xi32>, i32 -> vector<8x40x128xi32>
    %select_n3A_1446 = arith.select %eq3A_1441, %roll3A_1443, %roll3A_1445 : vector<8x40x128xi1>, vector<8x40x128xi32>
    %roll3A_1447 = arith.constant 39 : i32
    %roll3A_1448 = tpu.dynamic_rotate %select_n3A_1430 by %roll3A_1447 dim 1 : vector<8x40x128xi32>, i32 -> vector<8x40x128xi32>
    %roll3A_1449 = arith.constant 1 : i32
    %roll3A_1450 = tpu.dynamic_rotate %select_n3A_1430 by %roll3A_1449 dim 1 : vector<8x40x128xi32>, i32 -> vector<8x40x128xi32>
    %select_n3A_1451 = arith.select %eq3A_1441, %roll3A_1448, %roll3A_1450 : vector<8x40x128xi1>, vector<8x40x128xi32>
    %gt3A_1452 = arith.cmpi sgt, %select_n3A_1429, %select_n3A_1446 : vector<8x40x128xi32>
    %eq3A_1453 = arith.cmpi eq, %select_n3A_1429, %select_n3A_1446 : vector<8x40x128xi32>
    %lt3A_1454 = arith.cmpi slt, %select_n3A_1430, %select_n3A_1451 : vector<8x40x128xi32>
    %and3A_1455 = arith.andi %eq3A_1453, %lt3A_1454 : vector<8x40x128xi1>
    %or3A_1456 = arith.ori %gt3A_1452, %and3A_1455 : vector<8x40x128xi1>
    %eq3A_1457 = arith.xori %eq3A_1441, %lt3A_1434 : vector<8x40x128xi1>
    %eq3A_1458 = arith.constant dense<true> : vector<8x40x128xi1>
    %eq3A_1459 = arith.xori %eq3A_1457, %eq3A_1458 : vector<8x40x128xi1>
    %eq3A_1460 = arith.xori %or3A_1456, %eq3A_1459 : vector<8x40x128xi1>
    %eq3A_1461 = arith.constant dense<true> : vector<8x40x128xi1>
    %eq3A_1462 = arith.xori %eq3A_1460, %eq3A_1461 : vector<8x40x128xi1>
    %select_n3A_1463 = arith.select %eq3A_1462, %select_n3A_1429, %select_n3A_1446 : vector<8x40x128xi1>, vector<8x40x128xi32>
    %select_n3A_1464 = arith.select %eq3A_1462, %select_n3A_1430, %select_n3A_1451 : vector<8x40x128xi1>, vector<8x40x128xi32>
    %iota3A_1465 = tpu.iota {dimensions = array<i32: 2>} : vector<8x40x128xi32>
    %and3A_1466 = arith.constant 64 : i32
    %and3A_1467 = vector.broadcast %and3A_1466 : i32 to vector<8x40x128xi32>
    %and3A_1468 = arith.andi %iota3A_1465, %and3A_1467 : vector<8x40x128xi32>
    %eq3A_1469 = arith.constant 0 : i32
    %eq3A_1470 = vector.broadcast %eq3A_1469 : i32 to vector<8x40x128xi32>
    %eq3A_1471 = arith.cmpi eq, %and3A_1468, %eq3A_1470 : vector<8x40x128xi32>
    %roll3A_1472 = arith.constant 64 : i32
    %roll3A_1473 = tpu.dynamic_rotate %select_n3A_1463 by %roll3A_1472 dim 2 : vector<8x40x128xi32>, i32 -> vector<8x40x128xi32>
    %roll3A_1474 = arith.constant 64 : i32
    %roll3A_1475 = tpu.dynamic_rotate %select_n3A_1463 by %roll3A_1474 dim 2 : vector<8x40x128xi32>, i32 -> vector<8x40x128xi32>
    %select_n3A_1476 = arith.select %eq3A_1471, %roll3A_1473, %roll3A_1475 : vector<8x40x128xi1>, vector<8x40x128xi32>
    %roll3A_1477 = arith.constant 64 : i32
    %roll3A_1478 = tpu.dynamic_rotate %select_n3A_1464 by %roll3A_1477 dim 2 : vector<8x40x128xi32>, i32 -> vector<8x40x128xi32>
    %roll3A_1479 = arith.constant 64 : i32
    %roll3A_1480 = tpu.dynamic_rotate %select_n3A_1464 by %roll3A_1479 dim 2 : vector<8x40x128xi32>, i32 -> vector<8x40x128xi32>
    %select_n3A_1481 = arith.select %eq3A_1471, %roll3A_1478, %roll3A_1480 : vector<8x40x128xi1>, vector<8x40x128xi32>
    %gt3A_1482 = arith.cmpi sgt, %select_n3A_1463, %select_n3A_1476 : vector<8x40x128xi32>
    %eq3A_1483 = arith.cmpi eq, %select_n3A_1463, %select_n3A_1476 : vector<8x40x128xi32>
    %lt3A_1484 = arith.cmpi slt, %select_n3A_1464, %select_n3A_1481 : vector<8x40x128xi32>
    %and3A_1485 = arith.andi %eq3A_1483, %lt3A_1484 : vector<8x40x128xi1>
    %or3A_1486 = arith.ori %gt3A_1482, %and3A_1485 : vector<8x40x128xi1>
    %eq3A_1487 = arith.xori %eq3A_1471, %lt3A_1434 : vector<8x40x128xi1>
    %eq3A_1488 = arith.constant dense<true> : vector<8x40x128xi1>
    %eq3A_1489 = arith.xori %eq3A_1487, %eq3A_1488 : vector<8x40x128xi1>
    %eq3A_1490 = arith.xori %or3A_1486, %eq3A_1489 : vector<8x40x128xi1>
    %eq3A_1491 = arith.constant dense<true> : vector<8x40x128xi1>
    %eq3A_1492 = arith.xori %eq3A_1490, %eq3A_1491 : vector<8x40x128xi1>
    %select_n3A_1493 = arith.select %eq3A_1492, %select_n3A_1463, %select_n3A_1476 : vector<8x40x128xi1>, vector<8x40x128xi32>
    %select_n3A_1494 = arith.select %eq3A_1492, %select_n3A_1464, %select_n3A_1481 : vector<8x40x128xi1>, vector<8x40x128xi32>
    %iota3A_1495 = tpu.iota {dimensions = array<i32: 2>} : vector<8x40x128xi32>
    %and3A_1496 = arith.constant 32 : i32
    %and3A_1497 = vector.broadcast %and3A_1496 : i32 to vector<8x40x128xi32>
    %and3A_1498 = arith.andi %iota3A_1495, %and3A_1497 : vector<8x40x128xi32>
    %eq3A_1499 = arith.constant 0 : i32
    %eq3A_1500 = vector.broadcast %eq3A_1499 : i32 to vector<8x40x128xi32>
    %eq3A_1501 = arith.cmpi eq, %and3A_1498, %eq3A_1500 : vector<8x40x128xi32>
    %roll3A_1502 = arith.constant 96 : i32
    %roll3A_1503 = tpu.dynamic_rotate %select_n3A_1493 by %roll3A_1502 dim 2 : vector<8x40x128xi32>, i32 -> vector<8x40x128xi32>
    %roll3A_1504 = arith.constant 32 : i32
    %roll3A_1505 = tpu.dynamic_rotate %select_n3A_1493 by %roll3A_1504 dim 2 : vector<8x40x128xi32>, i32 -> vector<8x40x128xi32>
    %select_n3A_1506 = arith.select %eq3A_1501, %roll3A_1503, %roll3A_1505 : vector<8x40x128xi1>, vector<8x40x128xi32>
    %roll3A_1507 = arith.constant 96 : i32
    %roll3A_1508 = tpu.dynamic_rotate %select_n3A_1494 by %roll3A_1507 dim 2 : vector<8x40x128xi32>, i32 -> vector<8x40x128xi32>
    %roll3A_1509 = arith.constant 32 : i32
    %roll3A_1510 = tpu.dynamic_rotate %select_n3A_1494 by %roll3A_1509 dim 2 : vector<8x40x128xi32>, i32 -> vector<8x40x128xi32>
    %select_n3A_1511 = arith.select %eq3A_1501, %roll3A_1508, %roll3A_1510 : vector<8x40x128xi1>, vector<8x40x128xi32>
    %gt3A_1512 = arith.cmpi sgt, %select_n3A_1493, %select_n3A_1506 : vector<8x40x128xi32>
    %eq3A_1513 = arith.cmpi eq, %select_n3A_1493, %select_n3A_1506 : vector<8x40x128xi32>
    %lt3A_1514 = arith.cmpi slt, %select_n3A_1494, %select_n3A_1511 : vector<8x40x128xi32>
    %and3A_1515 = arith.andi %eq3A_1513, %lt3A_1514 : vector<8x40x128xi1>
    %or3A_1516 = arith.ori %gt3A_1512, %and3A_1515 : vector<8x40x128xi1>
    %eq3A_1517 = arith.xori %eq3A_1501, %lt3A_1434 : vector<8x40x128xi1>
    %eq3A_1518 = arith.constant dense<true> : vector<8x40x128xi1>
    %eq3A_1519 = arith.xori %eq3A_1517, %eq3A_1518 : vector<8x40x128xi1>
    %eq3A_1520 = arith.xori %or3A_1516, %eq3A_1519 : vector<8x40x128xi1>
    %eq3A_1521 = arith.constant dense<true> : vector<8x40x128xi1>
    %eq3A_1522 = arith.xori %eq3A_1520, %eq3A_1521 : vector<8x40x128xi1>
    %select_n3A_1523 = arith.select %eq3A_1522, %select_n3A_1493, %select_n3A_1506 : vector<8x40x128xi1>, vector<8x40x128xi32>
    %select_n3A_1524 = arith.select %eq3A_1522, %select_n3A_1494, %select_n3A_1511 : vector<8x40x128xi1>, vector<8x40x128xi32>
    %iota3A_1525 = tpu.iota {dimensions = array<i32: 2>} : vector<8x40x128xi32>
    %and3A_1526 = arith.constant 16 : i32
    %and3A_1527 = vector.broadcast %and3A_1526 : i32 to vector<8x40x128xi32>
    %and3A_1528 = arith.andi %iota3A_1525, %and3A_1527 : vector<8x40x128xi32>
    %eq3A_1529 = arith.constant 0 : i32
    %eq3A_1530 = vector.broadcast %eq3A_1529 : i32 to vector<8x40x128xi32>
    %eq3A_1531 = arith.cmpi eq, %and3A_1528, %eq3A_1530 : vector<8x40x128xi32>
    %roll3A_1532 = arith.constant 112 : i32
    %roll3A_1533 = tpu.dynamic_rotate %select_n3A_1523 by %roll3A_1532 dim 2 : vector<8x40x128xi32>, i32 -> vector<8x40x128xi32>
    %roll3A_1534 = arith.constant 16 : i32
    %roll3A_1535 = tpu.dynamic_rotate %select_n3A_1523 by %roll3A_1534 dim 2 : vector<8x40x128xi32>, i32 -> vector<8x40x128xi32>
    %select_n3A_1536 = arith.select %eq3A_1531, %roll3A_1533, %roll3A_1535 : vector<8x40x128xi1>, vector<8x40x128xi32>
    %roll3A_1537 = arith.constant 112 : i32
    %roll3A_1538 = tpu.dynamic_rotate %select_n3A_1524 by %roll3A_1537 dim 2 : vector<8x40x128xi32>, i32 -> vector<8x40x128xi32>
    %roll3A_1539 = arith.constant 16 : i32
    %roll3A_1540 = tpu.dynamic_rotate %select_n3A_1524 by %roll3A_1539 dim 2 : vector<8x40x128xi32>, i32 -> vector<8x40x128xi32>
    %select_n3A_1541 = arith.select %eq3A_1531, %roll3A_1538, %roll3A_1540 : vector<8x40x128xi1>, vector<8x40x128xi32>
    %gt3A_1542 = arith.cmpi sgt, %select_n3A_1523, %select_n3A_1536 : vector<8x40x128xi32>
    %eq3A_1543 = arith.cmpi eq, %select_n3A_1523, %select_n3A_1536 : vector<8x40x128xi32>
    %lt3A_1544 = arith.cmpi slt, %select_n3A_1524, %select_n3A_1541 : vector<8x40x128xi32>
    %and3A_1545 = arith.andi %eq3A_1543, %lt3A_1544 : vector<8x40x128xi1>
    %or3A_1546 = arith.ori %gt3A_1542, %and3A_1545 : vector<8x40x128xi1>
    %eq3A_1547 = arith.xori %eq3A_1531, %lt3A_1434 : vector<8x40x128xi1>
    %eq3A_1548 = arith.constant dense<true> : vector<8x40x128xi1>
    %eq3A_1549 = arith.xori %eq3A_1547, %eq3A_1548 : vector<8x40x128xi1>
    %eq3A_1550 = arith.xori %or3A_1546, %eq3A_1549 : vector<8x40x128xi1>
    %eq3A_1551 = arith.constant dense<true> : vector<8x40x128xi1>
    %eq3A_1552 = arith.xori %eq3A_1550, %eq3A_1551 : vector<8x40x128xi1>
    %select_n3A_1553 = arith.select %eq3A_1552, %select_n3A_1523, %select_n3A_1536 : vector<8x40x128xi1>, vector<8x40x128xi32>
    %select_n3A_1554 = arith.select %eq3A_1552, %select_n3A_1524, %select_n3A_1541 : vector<8x40x128xi1>, vector<8x40x128xi32>
    %iota3A_1555 = tpu.iota {dimensions = array<i32: 2>} : vector<8x40x128xi32>
    %and3A_1556 = arith.constant 8 : i32
    %and3A_1557 = vector.broadcast %and3A_1556 : i32 to vector<8x40x128xi32>
    %and3A_1558 = arith.andi %iota3A_1555, %and3A_1557 : vector<8x40x128xi32>
    %eq3A_1559 = arith.constant 0 : i32
    %eq3A_1560 = vector.broadcast %eq3A_1559 : i32 to vector<8x40x128xi32>
    %eq3A_1561 = arith.cmpi eq, %and3A_1558, %eq3A_1560 : vector<8x40x128xi32>
    %roll3A_1562 = arith.constant 120 : i32
    %roll3A_1563 = tpu.dynamic_rotate %select_n3A_1553 by %roll3A_1562 dim 2 : vector<8x40x128xi32>, i32 -> vector<8x40x128xi32>
    %roll3A_1564 = arith.constant 8 : i32
    %roll3A_1565 = tpu.dynamic_rotate %select_n3A_1553 by %roll3A_1564 dim 2 : vector<8x40x128xi32>, i32 -> vector<8x40x128xi32>
    %select_n3A_1566 = arith.select %eq3A_1561, %roll3A_1563, %roll3A_1565 : vector<8x40x128xi1>, vector<8x40x128xi32>
    %roll3A_1567 = arith.constant 120 : i32
    %roll3A_1568 = tpu.dynamic_rotate %select_n3A_1554 by %roll3A_1567 dim 2 : vector<8x40x128xi32>, i32 -> vector<8x40x128xi32>
    %roll3A_1569 = arith.constant 8 : i32
    %roll3A_1570 = tpu.dynamic_rotate %select_n3A_1554 by %roll3A_1569 dim 2 : vector<8x40x128xi32>, i32 -> vector<8x40x128xi32>
    %select_n3A_1571 = arith.select %eq3A_1561, %roll3A_1568, %roll3A_1570 : vector<8x40x128xi1>, vector<8x40x128xi32>
    %gt3A_1572 = arith.cmpi sgt, %select_n3A_1553, %select_n3A_1566 : vector<8x40x128xi32>
    %eq3A_1573 = arith.cmpi eq, %select_n3A_1553, %select_n3A_1566 : vector<8x40x128xi32>
    %lt3A_1574 = arith.cmpi slt, %select_n3A_1554, %select_n3A_1571 : vector<8x40x128xi32>
    %and3A_1575 = arith.andi %eq3A_1573, %lt3A_1574 : vector<8x40x128xi1>
    %or3A_1576 = arith.ori %gt3A_1572, %and3A_1575 : vector<8x40x128xi1>
    %eq3A_1577 = arith.xori %eq3A_1561, %lt3A_1434 : vector<8x40x128xi1>
    %eq3A_1578 = arith.constant dense<true> : vector<8x40x128xi1>
    %eq3A_1579 = arith.xori %eq3A_1577, %eq3A_1578 : vector<8x40x128xi1>
    %eq3A_1580 = arith.xori %or3A_1576, %eq3A_1579 : vector<8x40x128xi1>
    %eq3A_1581 = arith.constant dense<true> : vector<8x40x128xi1>
    %eq3A_1582 = arith.xori %eq3A_1580, %eq3A_1581 : vector<8x40x128xi1>
    %select_n3A_1583 = arith.select %eq3A_1582, %select_n3A_1553, %select_n3A_1566 : vector<8x40x128xi1>, vector<8x40x128xi32>
    %select_n3A_1584 = arith.select %eq3A_1582, %select_n3A_1554, %select_n3A_1571 : vector<8x40x128xi1>, vector<8x40x128xi32>
    %iota3A_1585 = tpu.iota {dimensions = array<i32: 2>} : vector<8x40x128xi32>
    %and3A_1586 = arith.constant 4 : i32
    %and3A_1587 = vector.broadcast %and3A_1586 : i32 to vector<8x40x128xi32>
    %and3A_1588 = arith.andi %iota3A_1585, %and3A_1587 : vector<8x40x128xi32>
    %eq3A_1589 = arith.constant 0 : i32
    %eq3A_1590 = vector.broadcast %eq3A_1589 : i32 to vector<8x40x128xi32>
    %eq3A_1591 = arith.cmpi eq, %and3A_1588, %eq3A_1590 : vector<8x40x128xi32>
    %roll3A_1592 = arith.constant 124 : i32
    %roll3A_1593 = tpu.dynamic_rotate %select_n3A_1583 by %roll3A_1592 dim 2 : vector<8x40x128xi32>, i32 -> vector<8x40x128xi32>
    %roll3A_1594 = arith.constant 4 : i32
    %roll3A_1595 = tpu.dynamic_rotate %select_n3A_1583 by %roll3A_1594 dim 2 : vector<8x40x128xi32>, i32 -> vector<8x40x128xi32>
    %select_n3A_1596 = arith.select %eq3A_1591, %roll3A_1593, %roll3A_1595 : vector<8x40x128xi1>, vector<8x40x128xi32>
    %roll3A_1597 = arith.constant 124 : i32
    %roll3A_1598 = tpu.dynamic_rotate %select_n3A_1584 by %roll3A_1597 dim 2 : vector<8x40x128xi32>, i32 -> vector<8x40x128xi32>
    %roll3A_1599 = arith.constant 4 : i32
    %roll3A_1600 = tpu.dynamic_rotate %select_n3A_1584 by %roll3A_1599 dim 2 : vector<8x40x128xi32>, i32 -> vector<8x40x128xi32>
    %select_n3A_1601 = arith.select %eq3A_1591, %roll3A_1598, %roll3A_1600 : vector<8x40x128xi1>, vector<8x40x128xi32>
    %gt3A_1602 = arith.cmpi sgt, %select_n3A_1583, %select_n3A_1596 : vector<8x40x128xi32>
    %eq3A_1603 = arith.cmpi eq, %select_n3A_1583, %select_n3A_1596 : vector<8x40x128xi32>
    %lt3A_1604 = arith.cmpi slt, %select_n3A_1584, %select_n3A_1601 : vector<8x40x128xi32>
    %and3A_1605 = arith.andi %eq3A_1603, %lt3A_1604 : vector<8x40x128xi1>
    %or3A_1606 = arith.ori %gt3A_1602, %and3A_1605 : vector<8x40x128xi1>
    %eq3A_1607 = arith.xori %eq3A_1591, %lt3A_1434 : vector<8x40x128xi1>
    %eq3A_1608 = arith.constant dense<true> : vector<8x40x128xi1>
    %eq3A_1609 = arith.xori %eq3A_1607, %eq3A_1608 : vector<8x40x128xi1>
    %eq3A_1610 = arith.xori %or3A_1606, %eq3A_1609 : vector<8x40x128xi1>
    %eq3A_1611 = arith.constant dense<true> : vector<8x40x128xi1>
    %eq3A_1612 = arith.xori %eq3A_1610, %eq3A_1611 : vector<8x40x128xi1>
    %select_n3A_1613 = arith.select %eq3A_1612, %select_n3A_1583, %select_n3A_1596 : vector<8x40x128xi1>, vector<8x40x128xi32>
    %select_n3A_1614 = arith.select %eq3A_1612, %select_n3A_1584, %select_n3A_1601 : vector<8x40x128xi1>, vector<8x40x128xi32>
    %iota3A_1615 = tpu.iota {dimensions = array<i32: 2>} : vector<8x40x128xi32>
    %and3A_1616 = arith.constant 2 : i32
    %and3A_1617 = vector.broadcast %and3A_1616 : i32 to vector<8x40x128xi32>
    %and3A_1618 = arith.andi %iota3A_1615, %and3A_1617 : vector<8x40x128xi32>
    %eq3A_1619 = arith.constant 0 : i32
    %eq3A_1620 = vector.broadcast %eq3A_1619 : i32 to vector<8x40x128xi32>
    %eq3A_1621 = arith.cmpi eq, %and3A_1618, %eq3A_1620 : vector<8x40x128xi32>
    %roll3A_1622 = arith.constant 126 : i32
    %roll3A_1623 = tpu.dynamic_rotate %select_n3A_1613 by %roll3A_1622 dim 2 : vector<8x40x128xi32>, i32 -> vector<8x40x128xi32>
    %roll3A_1624 = arith.constant 2 : i32
    %roll3A_1625 = tpu.dynamic_rotate %select_n3A_1613 by %roll3A_1624 dim 2 : vector<8x40x128xi32>, i32 -> vector<8x40x128xi32>
    %select_n3A_1626 = arith.select %eq3A_1621, %roll3A_1623, %roll3A_1625 : vector<8x40x128xi1>, vector<8x40x128xi32>
    %roll3A_1627 = arith.constant 126 : i32
    %roll3A_1628 = tpu.dynamic_rotate %select_n3A_1614 by %roll3A_1627 dim 2 : vector<8x40x128xi32>, i32 -> vector<8x40x128xi32>
    %roll3A_1629 = arith.constant 2 : i32
    %roll3A_1630 = tpu.dynamic_rotate %select_n3A_1614 by %roll3A_1629 dim 2 : vector<8x40x128xi32>, i32 -> vector<8x40x128xi32>
    %select_n3A_1631 = arith.select %eq3A_1621, %roll3A_1628, %roll3A_1630 : vector<8x40x128xi1>, vector<8x40x128xi32>
    %gt3A_1632 = arith.cmpi sgt, %select_n3A_1613, %select_n3A_1626 : vector<8x40x128xi32>
    %eq3A_1633 = arith.cmpi eq, %select_n3A_1613, %select_n3A_1626 : vector<8x40x128xi32>
    %lt3A_1634 = arith.cmpi slt, %select_n3A_1614, %select_n3A_1631 : vector<8x40x128xi32>
    %and3A_1635 = arith.andi %eq3A_1633, %lt3A_1634 : vector<8x40x128xi1>
    %or3A_1636 = arith.ori %gt3A_1632, %and3A_1635 : vector<8x40x128xi1>
    %eq3A_1637 = arith.xori %eq3A_1621, %lt3A_1434 : vector<8x40x128xi1>
    %eq3A_1638 = arith.constant dense<true> : vector<8x40x128xi1>
    %eq3A_1639 = arith.xori %eq3A_1637, %eq3A_1638 : vector<8x40x128xi1>
    %eq3A_1640 = arith.xori %or3A_1636, %eq3A_1639 : vector<8x40x128xi1>
    %eq3A_1641 = arith.constant dense<true> : vector<8x40x128xi1>
    %eq3A_1642 = arith.xori %eq3A_1640, %eq3A_1641 : vector<8x40x128xi1>
    %select_n3A_1643 = arith.select %eq3A_1642, %select_n3A_1613, %select_n3A_1626 : vector<8x40x128xi1>, vector<8x40x128xi32>
    %select_n3A_1644 = arith.select %eq3A_1642, %select_n3A_1614, %select_n3A_1631 : vector<8x40x128xi1>, vector<8x40x128xi32>
    %iota3A_1645 = tpu.iota {dimensions = array<i32: 2>} : vector<8x40x128xi32>
    %and3A_1646 = arith.constant 1 : i32
    %and3A_1647 = vector.broadcast %and3A_1646 : i32 to vector<8x40x128xi32>
    %and3A_1648 = arith.andi %iota3A_1645, %and3A_1647 : vector<8x40x128xi32>
    %eq3A_1649 = arith.constant 0 : i32
    %eq3A_1650 = vector.broadcast %eq3A_1649 : i32 to vector<8x40x128xi32>
    %eq3A_1651 = arith.cmpi eq, %and3A_1648, %eq3A_1650 : vector<8x40x128xi32>
    %roll3A_1652 = arith.constant 127 : i32
    %roll3A_1653 = tpu.dynamic_rotate %select_n3A_1643 by %roll3A_1652 dim 2 : vector<8x40x128xi32>, i32 -> vector<8x40x128xi32>
    %roll3A_1654 = arith.constant 1 : i32
    %roll3A_1655 = tpu.dynamic_rotate %select_n3A_1643 by %roll3A_1654 dim 2 : vector<8x40x128xi32>, i32 -> vector<8x40x128xi32>
    %select_n3A_1656 = arith.select %eq3A_1651, %roll3A_1653, %roll3A_1655 : vector<8x40x128xi1>, vector<8x40x128xi32>
    %roll3A_1657 = arith.constant 127 : i32
    %roll3A_1658 = tpu.dynamic_rotate %select_n3A_1644 by %roll3A_1657 dim 2 : vector<8x40x128xi32>, i32 -> vector<8x40x128xi32>
    %roll3A_1659 = arith.constant 1 : i32
    %roll3A_1660 = tpu.dynamic_rotate %select_n3A_1644 by %roll3A_1659 dim 2 : vector<8x40x128xi32>, i32 -> vector<8x40x128xi32>
    %select_n3A_1661 = arith.select %eq3A_1651, %roll3A_1658, %roll3A_1660 : vector<8x40x128xi1>, vector<8x40x128xi32>
    %gt3A_1662 = arith.cmpi sgt, %select_n3A_1643, %select_n3A_1656 : vector<8x40x128xi32>
    %eq3A_1663 = arith.cmpi eq, %select_n3A_1643, %select_n3A_1656 : vector<8x40x128xi32>
    %lt3A_1664 = arith.cmpi slt, %select_n3A_1644, %select_n3A_1661 : vector<8x40x128xi32>
    %and3A_1665 = arith.andi %eq3A_1663, %lt3A_1664 : vector<8x40x128xi1>
    %or3A_1666 = arith.ori %gt3A_1662, %and3A_1665 : vector<8x40x128xi1>
    %eq3A_1667 = arith.xori %eq3A_1651, %lt3A_1434 : vector<8x40x128xi1>
    %eq3A_1668 = arith.constant dense<true> : vector<8x40x128xi1>
    %eq3A_1669 = arith.xori %eq3A_1667, %eq3A_1668 : vector<8x40x128xi1>
    %eq3A_1670 = arith.xori %or3A_1666, %eq3A_1669 : vector<8x40x128xi1>
    %eq3A_1671 = arith.constant dense<true> : vector<8x40x128xi1>
    %eq3A_1672 = arith.xori %eq3A_1670, %eq3A_1671 : vector<8x40x128xi1>
    %select_n3A_1673 = arith.select %eq3A_1672, %select_n3A_1643, %select_n3A_1656 : vector<8x40x128xi1>, vector<8x40x128xi32>
    %select_n3A_1674 = arith.select %eq3A_1672, %select_n3A_1644, %select_n3A_1661 : vector<8x40x128xi1>, vector<8x40x128xi32>
    %slice3A_1675 = vector.extract_strided_slice %select_n3A_1673 {offsets = [0, 0, 0], sizes = [8, 20, 128], strides = [1, 1, 1]} : vector<8x40x128xi32> to vector<8x20x128xi32>
    %slice3A_1676 = vector.extract_strided_slice %select_n3A_1674 {offsets = [0, 0, 0], sizes = [8, 20, 128], strides = [1, 1, 1]} : vector<8x40x128xi32> to vector<8x20x128xi32>
    %slice3A_1677 = vector.extract_strided_slice %select_n3A_1673 {offsets = [0, 20, 0], sizes = [8, 20, 128], strides = [1, 1, 1]} : vector<8x40x128xi32> to vector<8x20x128xi32>
    %slice3A_1678 = vector.extract_strided_slice %select_n3A_1674 {offsets = [0, 20, 0], sizes = [8, 20, 128], strides = [1, 1, 1]} : vector<8x40x128xi32> to vector<8x20x128xi32>
    %gt3A_1679 = arith.cmpi sgt, %slice3A_1675, %slice3A_1677 : vector<8x20x128xi32>
    %eq3A_1680 = arith.cmpi eq, %slice3A_1675, %slice3A_1677 : vector<8x20x128xi32>
    %lt3A_1681 = arith.cmpi slt, %slice3A_1676, %slice3A_1678 : vector<8x20x128xi32>
    %and3A_1682 = arith.andi %eq3A_1680, %lt3A_1681 : vector<8x20x128xi1>
    %or3A_1683 = arith.ori %gt3A_1679, %and3A_1682 : vector<8x20x128xi1>
    %select_n3A_1684 = arith.select %or3A_1683, %slice3A_1675, %slice3A_1677 : vector<8x20x128xi1>, vector<8x20x128xi32>
    %select_n3A_1685 = arith.select %or3A_1683, %slice3A_1676, %slice3A_1678 : vector<8x20x128xi1>, vector<8x20x128xi32>
    %iota3A_1686 = tpu.iota {dimensions = array<i32: 1>} : vector<8x20x128xi32>
    %lt3A_1687 = arith.constant 10 : i32
    %lt3A_1688 = vector.broadcast %lt3A_1687 : i32 to vector<8x20x128xi32>
    %lt3A_1689 = arith.cmpi slt, %iota3A_1686, %lt3A_1688 : vector<8x20x128xi32>
    %iota3A_1690 = tpu.iota {dimensions = array<i32: 1>} : vector<8x20x128xi32>
    %and3A_1691 = arith.constant 1 : i32
    %and3A_1692 = vector.broadcast %and3A_1691 : i32 to vector<8x20x128xi32>
    %and3A_1693 = arith.andi %iota3A_1690, %and3A_1692 : vector<8x20x128xi32>
    %eq3A_1694 = arith.constant 0 : i32
    %eq3A_1695 = vector.broadcast %eq3A_1694 : i32 to vector<8x20x128xi32>
    %eq3A_1696 = arith.cmpi eq, %and3A_1693, %eq3A_1695 : vector<8x20x128xi32>
    %roll3A_1697 = arith.constant 19 : i32
    %roll3A_1698 = tpu.dynamic_rotate %select_n3A_1684 by %roll3A_1697 dim 1 : vector<8x20x128xi32>, i32 -> vector<8x20x128xi32>
    %roll3A_1699 = arith.constant 1 : i32
    %roll3A_1700 = tpu.dynamic_rotate %select_n3A_1684 by %roll3A_1699 dim 1 : vector<8x20x128xi32>, i32 -> vector<8x20x128xi32>
    %select_n3A_1701 = arith.select %eq3A_1696, %roll3A_1698, %roll3A_1700 : vector<8x20x128xi1>, vector<8x20x128xi32>
    %roll3A_1702 = arith.constant 19 : i32
    %roll3A_1703 = tpu.dynamic_rotate %select_n3A_1685 by %roll3A_1702 dim 1 : vector<8x20x128xi32>, i32 -> vector<8x20x128xi32>
    %roll3A_1704 = arith.constant 1 : i32
    %roll3A_1705 = tpu.dynamic_rotate %select_n3A_1685 by %roll3A_1704 dim 1 : vector<8x20x128xi32>, i32 -> vector<8x20x128xi32>
    %select_n3A_1706 = arith.select %eq3A_1696, %roll3A_1703, %roll3A_1705 : vector<8x20x128xi1>, vector<8x20x128xi32>
    %gt3A_1707 = arith.cmpi sgt, %select_n3A_1684, %select_n3A_1701 : vector<8x20x128xi32>
    %eq3A_1708 = arith.cmpi eq, %select_n3A_1684, %select_n3A_1701 : vector<8x20x128xi32>
    %lt3A_1709 = arith.cmpi slt, %select_n3A_1685, %select_n3A_1706 : vector<8x20x128xi32>
    %and3A_1710 = arith.andi %eq3A_1708, %lt3A_1709 : vector<8x20x128xi1>
    %or3A_1711 = arith.ori %gt3A_1707, %and3A_1710 : vector<8x20x128xi1>
    %eq3A_1712 = arith.xori %eq3A_1696, %lt3A_1689 : vector<8x20x128xi1>
    %eq3A_1713 = arith.constant dense<true> : vector<8x20x128xi1>
    %eq3A_1714 = arith.xori %eq3A_1712, %eq3A_1713 : vector<8x20x128xi1>
    %eq3A_1715 = arith.xori %or3A_1711, %eq3A_1714 : vector<8x20x128xi1>
    %eq3A_1716 = arith.constant dense<true> : vector<8x20x128xi1>
    %eq3A_1717 = arith.xori %eq3A_1715, %eq3A_1716 : vector<8x20x128xi1>
    %select_n3A_1718 = arith.select %eq3A_1717, %select_n3A_1684, %select_n3A_1701 : vector<8x20x128xi1>, vector<8x20x128xi32>
    %select_n3A_1719 = arith.select %eq3A_1717, %select_n3A_1685, %select_n3A_1706 : vector<8x20x128xi1>, vector<8x20x128xi32>
    %iota3A_1720 = tpu.iota {dimensions = array<i32: 2>} : vector<8x20x128xi32>
    %and3A_1721 = arith.constant 64 : i32
    %and3A_1722 = vector.broadcast %and3A_1721 : i32 to vector<8x20x128xi32>
    %and3A_1723 = arith.andi %iota3A_1720, %and3A_1722 : vector<8x20x128xi32>
    %eq3A_1724 = arith.constant 0 : i32
    %eq3A_1725 = vector.broadcast %eq3A_1724 : i32 to vector<8x20x128xi32>
    %eq3A_1726 = arith.cmpi eq, %and3A_1723, %eq3A_1725 : vector<8x20x128xi32>
    %roll3A_1727 = arith.constant 64 : i32
    %roll3A_1728 = tpu.dynamic_rotate %select_n3A_1718 by %roll3A_1727 dim 2 : vector<8x20x128xi32>, i32 -> vector<8x20x128xi32>
    %roll3A_1729 = arith.constant 64 : i32
    %roll3A_1730 = tpu.dynamic_rotate %select_n3A_1718 by %roll3A_1729 dim 2 : vector<8x20x128xi32>, i32 -> vector<8x20x128xi32>
    %select_n3A_1731 = arith.select %eq3A_1726, %roll3A_1728, %roll3A_1730 : vector<8x20x128xi1>, vector<8x20x128xi32>
    %roll3A_1732 = arith.constant 64 : i32
    %roll3A_1733 = tpu.dynamic_rotate %select_n3A_1719 by %roll3A_1732 dim 2 : vector<8x20x128xi32>, i32 -> vector<8x20x128xi32>
    %roll3A_1734 = arith.constant 64 : i32
    %roll3A_1735 = tpu.dynamic_rotate %select_n3A_1719 by %roll3A_1734 dim 2 : vector<8x20x128xi32>, i32 -> vector<8x20x128xi32>
    %select_n3A_1736 = arith.select %eq3A_1726, %roll3A_1733, %roll3A_1735 : vector<8x20x128xi1>, vector<8x20x128xi32>
    %gt3A_1737 = arith.cmpi sgt, %select_n3A_1718, %select_n3A_1731 : vector<8x20x128xi32>
    %eq3A_1738 = arith.cmpi eq, %select_n3A_1718, %select_n3A_1731 : vector<8x20x128xi32>
    %lt3A_1739 = arith.cmpi slt, %select_n3A_1719, %select_n3A_1736 : vector<8x20x128xi32>
    %and3A_1740 = arith.andi %eq3A_1738, %lt3A_1739 : vector<8x20x128xi1>
    %or3A_1741 = arith.ori %gt3A_1737, %and3A_1740 : vector<8x20x128xi1>
    %eq3A_1742 = arith.xori %eq3A_1726, %lt3A_1689 : vector<8x20x128xi1>
    %eq3A_1743 = arith.constant dense<true> : vector<8x20x128xi1>
    %eq3A_1744 = arith.xori %eq3A_1742, %eq3A_1743 : vector<8x20x128xi1>
    %eq3A_1745 = arith.xori %or3A_1741, %eq3A_1744 : vector<8x20x128xi1>
    %eq3A_1746 = arith.constant dense<true> : vector<8x20x128xi1>
    %eq3A_1747 = arith.xori %eq3A_1745, %eq3A_1746 : vector<8x20x128xi1>
    %select_n3A_1748 = arith.select %eq3A_1747, %select_n3A_1718, %select_n3A_1731 : vector<8x20x128xi1>, vector<8x20x128xi32>
    %select_n3A_1749 = arith.select %eq3A_1747, %select_n3A_1719, %select_n3A_1736 : vector<8x20x128xi1>, vector<8x20x128xi32>
    %iota3A_1750 = tpu.iota {dimensions = array<i32: 2>} : vector<8x20x128xi32>
    %and3A_1751 = arith.constant 32 : i32
    %and3A_1752 = vector.broadcast %and3A_1751 : i32 to vector<8x20x128xi32>
    %and3A_1753 = arith.andi %iota3A_1750, %and3A_1752 : vector<8x20x128xi32>
    %eq3A_1754 = arith.constant 0 : i32
    %eq3A_1755 = vector.broadcast %eq3A_1754 : i32 to vector<8x20x128xi32>
    %eq3A_1756 = arith.cmpi eq, %and3A_1753, %eq3A_1755 : vector<8x20x128xi32>
    %roll3A_1757 = arith.constant 96 : i32
    %roll3A_1758 = tpu.dynamic_rotate %select_n3A_1748 by %roll3A_1757 dim 2 : vector<8x20x128xi32>, i32 -> vector<8x20x128xi32>
    %roll3A_1759 = arith.constant 32 : i32
    %roll3A_1760 = tpu.dynamic_rotate %select_n3A_1748 by %roll3A_1759 dim 2 : vector<8x20x128xi32>, i32 -> vector<8x20x128xi32>
    %select_n3A_1761 = arith.select %eq3A_1756, %roll3A_1758, %roll3A_1760 : vector<8x20x128xi1>, vector<8x20x128xi32>
    %roll3A_1762 = arith.constant 96 : i32
    %roll3A_1763 = tpu.dynamic_rotate %select_n3A_1749 by %roll3A_1762 dim 2 : vector<8x20x128xi32>, i32 -> vector<8x20x128xi32>
    %roll3A_1764 = arith.constant 32 : i32
    %roll3A_1765 = tpu.dynamic_rotate %select_n3A_1749 by %roll3A_1764 dim 2 : vector<8x20x128xi32>, i32 -> vector<8x20x128xi32>
    %select_n3A_1766 = arith.select %eq3A_1756, %roll3A_1763, %roll3A_1765 : vector<8x20x128xi1>, vector<8x20x128xi32>
    %gt3A_1767 = arith.cmpi sgt, %select_n3A_1748, %select_n3A_1761 : vector<8x20x128xi32>
    %eq3A_1768 = arith.cmpi eq, %select_n3A_1748, %select_n3A_1761 : vector<8x20x128xi32>
    %lt3A_1769 = arith.cmpi slt, %select_n3A_1749, %select_n3A_1766 : vector<8x20x128xi32>
    %and3A_1770 = arith.andi %eq3A_1768, %lt3A_1769 : vector<8x20x128xi1>
    %or3A_1771 = arith.ori %gt3A_1767, %and3A_1770 : vector<8x20x128xi1>
    %eq3A_1772 = arith.xori %eq3A_1756, %lt3A_1689 : vector<8x20x128xi1>
    %eq3A_1773 = arith.constant dense<true> : vector<8x20x128xi1>
    %eq3A_1774 = arith.xori %eq3A_1772, %eq3A_1773 : vector<8x20x128xi1>
    %eq3A_1775 = arith.xori %or3A_1771, %eq3A_1774 : vector<8x20x128xi1>
    %eq3A_1776 = arith.constant dense<true> : vector<8x20x128xi1>
    %eq3A_1777 = arith.xori %eq3A_1775, %eq3A_1776 : vector<8x20x128xi1>
    %select_n3A_1778 = arith.select %eq3A_1777, %select_n3A_1748, %select_n3A_1761 : vector<8x20x128xi1>, vector<8x20x128xi32>
    %select_n3A_1779 = arith.select %eq3A_1777, %select_n3A_1749, %select_n3A_1766 : vector<8x20x128xi1>, vector<8x20x128xi32>
    %iota3A_1780 = tpu.iota {dimensions = array<i32: 2>} : vector<8x20x128xi32>
    %and3A_1781 = arith.constant 16 : i32
    %and3A_1782 = vector.broadcast %and3A_1781 : i32 to vector<8x20x128xi32>
    %and3A_1783 = arith.andi %iota3A_1780, %and3A_1782 : vector<8x20x128xi32>
    %eq3A_1784 = arith.constant 0 : i32
    %eq3A_1785 = vector.broadcast %eq3A_1784 : i32 to vector<8x20x128xi32>
    %eq3A_1786 = arith.cmpi eq, %and3A_1783, %eq3A_1785 : vector<8x20x128xi32>
    %roll3A_1787 = arith.constant 112 : i32
    %roll3A_1788 = tpu.dynamic_rotate %select_n3A_1778 by %roll3A_1787 dim 2 : vector<8x20x128xi32>, i32 -> vector<8x20x128xi32>
    %roll3A_1789 = arith.constant 16 : i32
    %roll3A_1790 = tpu.dynamic_rotate %select_n3A_1778 by %roll3A_1789 dim 2 : vector<8x20x128xi32>, i32 -> vector<8x20x128xi32>
    %select_n3A_1791 = arith.select %eq3A_1786, %roll3A_1788, %roll3A_1790 : vector<8x20x128xi1>, vector<8x20x128xi32>
    %roll3A_1792 = arith.constant 112 : i32
    %roll3A_1793 = tpu.dynamic_rotate %select_n3A_1779 by %roll3A_1792 dim 2 : vector<8x20x128xi32>, i32 -> vector<8x20x128xi32>
    %roll3A_1794 = arith.constant 16 : i32
    %roll3A_1795 = tpu.dynamic_rotate %select_n3A_1779 by %roll3A_1794 dim 2 : vector<8x20x128xi32>, i32 -> vector<8x20x128xi32>
    %select_n3A_1796 = arith.select %eq3A_1786, %roll3A_1793, %roll3A_1795 : vector<8x20x128xi1>, vector<8x20x128xi32>
    %gt3A_1797 = arith.cmpi sgt, %select_n3A_1778, %select_n3A_1791 : vector<8x20x128xi32>
    %eq3A_1798 = arith.cmpi eq, %select_n3A_1778, %select_n3A_1791 : vector<8x20x128xi32>
    %lt3A_1799 = arith.cmpi slt, %select_n3A_1779, %select_n3A_1796 : vector<8x20x128xi32>
    %and3A_1800 = arith.andi %eq3A_1798, %lt3A_1799 : vector<8x20x128xi1>
    %or3A_1801 = arith.ori %gt3A_1797, %and3A_1800 : vector<8x20x128xi1>
    %eq3A_1802 = arith.xori %eq3A_1786, %lt3A_1689 : vector<8x20x128xi1>
    %eq3A_1803 = arith.constant dense<true> : vector<8x20x128xi1>
    %eq3A_1804 = arith.xori %eq3A_1802, %eq3A_1803 : vector<8x20x128xi1>
    %eq3A_1805 = arith.xori %or3A_1801, %eq3A_1804 : vector<8x20x128xi1>
    %eq3A_1806 = arith.constant dense<true> : vector<8x20x128xi1>
    %eq3A_1807 = arith.xori %eq3A_1805, %eq3A_1806 : vector<8x20x128xi1>
    %select_n3A_1808 = arith.select %eq3A_1807, %select_n3A_1778, %select_n3A_1791 : vector<8x20x128xi1>, vector<8x20x128xi32>
    %select_n3A_1809 = arith.select %eq3A_1807, %select_n3A_1779, %select_n3A_1796 : vector<8x20x128xi1>, vector<8x20x128xi32>
    %iota3A_1810 = tpu.iota {dimensions = array<i32: 2>} : vector<8x20x128xi32>
    %and3A_1811 = arith.constant 8 : i32
    %and3A_1812 = vector.broadcast %and3A_1811 : i32 to vector<8x20x128xi32>
    %and3A_1813 = arith.andi %iota3A_1810, %and3A_1812 : vector<8x20x128xi32>
    %eq3A_1814 = arith.constant 0 : i32
    %eq3A_1815 = vector.broadcast %eq3A_1814 : i32 to vector<8x20x128xi32>
    %eq3A_1816 = arith.cmpi eq, %and3A_1813, %eq3A_1815 : vector<8x20x128xi32>
    %roll3A_1817 = arith.constant 120 : i32
    %roll3A_1818 = tpu.dynamic_rotate %select_n3A_1808 by %roll3A_1817 dim 2 : vector<8x20x128xi32>, i32 -> vector<8x20x128xi32>
    %roll3A_1819 = arith.constant 8 : i32
    %roll3A_1820 = tpu.dynamic_rotate %select_n3A_1808 by %roll3A_1819 dim 2 : vector<8x20x128xi32>, i32 -> vector<8x20x128xi32>
    %select_n3A_1821 = arith.select %eq3A_1816, %roll3A_1818, %roll3A_1820 : vector<8x20x128xi1>, vector<8x20x128xi32>
    %roll3A_1822 = arith.constant 120 : i32
    %roll3A_1823 = tpu.dynamic_rotate %select_n3A_1809 by %roll3A_1822 dim 2 : vector<8x20x128xi32>, i32 -> vector<8x20x128xi32>
    %roll3A_1824 = arith.constant 8 : i32
    %roll3A_1825 = tpu.dynamic_rotate %select_n3A_1809 by %roll3A_1824 dim 2 : vector<8x20x128xi32>, i32 -> vector<8x20x128xi32>
    %select_n3A_1826 = arith.select %eq3A_1816, %roll3A_1823, %roll3A_1825 : vector<8x20x128xi1>, vector<8x20x128xi32>
    %gt3A_1827 = arith.cmpi sgt, %select_n3A_1808, %select_n3A_1821 : vector<8x20x128xi32>
    %eq3A_1828 = arith.cmpi eq, %select_n3A_1808, %select_n3A_1821 : vector<8x20x128xi32>
    %lt3A_1829 = arith.cmpi slt, %select_n3A_1809, %select_n3A_1826 : vector<8x20x128xi32>
    %and3A_1830 = arith.andi %eq3A_1828, %lt3A_1829 : vector<8x20x128xi1>
    %or3A_1831 = arith.ori %gt3A_1827, %and3A_1830 : vector<8x20x128xi1>
    %eq3A_1832 = arith.xori %eq3A_1816, %lt3A_1689 : vector<8x20x128xi1>
    %eq3A_1833 = arith.constant dense<true> : vector<8x20x128xi1>
    %eq3A_1834 = arith.xori %eq3A_1832, %eq3A_1833 : vector<8x20x128xi1>
    %eq3A_1835 = arith.xori %or3A_1831, %eq3A_1834 : vector<8x20x128xi1>
    %eq3A_1836 = arith.constant dense<true> : vector<8x20x128xi1>
    %eq3A_1837 = arith.xori %eq3A_1835, %eq3A_1836 : vector<8x20x128xi1>
    %select_n3A_1838 = arith.select %eq3A_1837, %select_n3A_1808, %select_n3A_1821 : vector<8x20x128xi1>, vector<8x20x128xi32>
    %select_n3A_1839 = arith.select %eq3A_1837, %select_n3A_1809, %select_n3A_1826 : vector<8x20x128xi1>, vector<8x20x128xi32>
    %iota3A_1840 = tpu.iota {dimensions = array<i32: 2>} : vector<8x20x128xi32>
    %and3A_1841 = arith.constant 4 : i32
    %and3A_1842 = vector.broadcast %and3A_1841 : i32 to vector<8x20x128xi32>
    %and3A_1843 = arith.andi %iota3A_1840, %and3A_1842 : vector<8x20x128xi32>
    %eq3A_1844 = arith.constant 0 : i32
    %eq3A_1845 = vector.broadcast %eq3A_1844 : i32 to vector<8x20x128xi32>
    %eq3A_1846 = arith.cmpi eq, %and3A_1843, %eq3A_1845 : vector<8x20x128xi32>
    %roll3A_1847 = arith.constant 124 : i32
    %roll3A_1848 = tpu.dynamic_rotate %select_n3A_1838 by %roll3A_1847 dim 2 : vector<8x20x128xi32>, i32 -> vector<8x20x128xi32>
    %roll3A_1849 = arith.constant 4 : i32
    %roll3A_1850 = tpu.dynamic_rotate %select_n3A_1838 by %roll3A_1849 dim 2 : vector<8x20x128xi32>, i32 -> vector<8x20x128xi32>
    %select_n3A_1851 = arith.select %eq3A_1846, %roll3A_1848, %roll3A_1850 : vector<8x20x128xi1>, vector<8x20x128xi32>
    %roll3A_1852 = arith.constant 124 : i32
    %roll3A_1853 = tpu.dynamic_rotate %select_n3A_1839 by %roll3A_1852 dim 2 : vector<8x20x128xi32>, i32 -> vector<8x20x128xi32>
    %roll3A_1854 = arith.constant 4 : i32
    %roll3A_1855 = tpu.dynamic_rotate %select_n3A_1839 by %roll3A_1854 dim 2 : vector<8x20x128xi32>, i32 -> vector<8x20x128xi32>
    %select_n3A_1856 = arith.select %eq3A_1846, %roll3A_1853, %roll3A_1855 : vector<8x20x128xi1>, vector<8x20x128xi32>
    %gt3A_1857 = arith.cmpi sgt, %select_n3A_1838, %select_n3A_1851 : vector<8x20x128xi32>
    %eq3A_1858 = arith.cmpi eq, %select_n3A_1838, %select_n3A_1851 : vector<8x20x128xi32>
    %lt3A_1859 = arith.cmpi slt, %select_n3A_1839, %select_n3A_1856 : vector<8x20x128xi32>
    %and3A_1860 = arith.andi %eq3A_1858, %lt3A_1859 : vector<8x20x128xi1>
    %or3A_1861 = arith.ori %gt3A_1857, %and3A_1860 : vector<8x20x128xi1>
    %eq3A_1862 = arith.xori %eq3A_1846, %lt3A_1689 : vector<8x20x128xi1>
    %eq3A_1863 = arith.constant dense<true> : vector<8x20x128xi1>
    %eq3A_1864 = arith.xori %eq3A_1862, %eq3A_1863 : vector<8x20x128xi1>
    %eq3A_1865 = arith.xori %or3A_1861, %eq3A_1864 : vector<8x20x128xi1>
    %eq3A_1866 = arith.constant dense<true> : vector<8x20x128xi1>
    %eq3A_1867 = arith.xori %eq3A_1865, %eq3A_1866 : vector<8x20x128xi1>
    %select_n3A_1868 = arith.select %eq3A_1867, %select_n3A_1838, %select_n3A_1851 : vector<8x20x128xi1>, vector<8x20x128xi32>
    %select_n3A_1869 = arith.select %eq3A_1867, %select_n3A_1839, %select_n3A_1856 : vector<8x20x128xi1>, vector<8x20x128xi32>
    %iota3A_1870 = tpu.iota {dimensions = array<i32: 2>} : vector<8x20x128xi32>
    %and3A_1871 = arith.constant 2 : i32
    %and3A_1872 = vector.broadcast %and3A_1871 : i32 to vector<8x20x128xi32>
    %and3A_1873 = arith.andi %iota3A_1870, %and3A_1872 : vector<8x20x128xi32>
    %eq3A_1874 = arith.constant 0 : i32
    %eq3A_1875 = vector.broadcast %eq3A_1874 : i32 to vector<8x20x128xi32>
    %eq3A_1876 = arith.cmpi eq, %and3A_1873, %eq3A_1875 : vector<8x20x128xi32>
    %roll3A_1877 = arith.constant 126 : i32
    %roll3A_1878 = tpu.dynamic_rotate %select_n3A_1868 by %roll3A_1877 dim 2 : vector<8x20x128xi32>, i32 -> vector<8x20x128xi32>
    %roll3A_1879 = arith.constant 2 : i32
    %roll3A_1880 = tpu.dynamic_rotate %select_n3A_1868 by %roll3A_1879 dim 2 : vector<8x20x128xi32>, i32 -> vector<8x20x128xi32>
    %select_n3A_1881 = arith.select %eq3A_1876, %roll3A_1878, %roll3A_1880 : vector<8x20x128xi1>, vector<8x20x128xi32>
    %roll3A_1882 = arith.constant 126 : i32
    %roll3A_1883 = tpu.dynamic_rotate %select_n3A_1869 by %roll3A_1882 dim 2 : vector<8x20x128xi32>, i32 -> vector<8x20x128xi32>
    %roll3A_1884 = arith.constant 2 : i32
    %roll3A_1885 = tpu.dynamic_rotate %select_n3A_1869 by %roll3A_1884 dim 2 : vector<8x20x128xi32>, i32 -> vector<8x20x128xi32>
    %select_n3A_1886 = arith.select %eq3A_1876, %roll3A_1883, %roll3A_1885 : vector<8x20x128xi1>, vector<8x20x128xi32>
    %gt3A_1887 = arith.cmpi sgt, %select_n3A_1868, %select_n3A_1881 : vector<8x20x128xi32>
    %eq3A_1888 = arith.cmpi eq, %select_n3A_1868, %select_n3A_1881 : vector<8x20x128xi32>
    %lt3A_1889 = arith.cmpi slt, %select_n3A_1869, %select_n3A_1886 : vector<8x20x128xi32>
    %and3A_1890 = arith.andi %eq3A_1888, %lt3A_1889 : vector<8x20x128xi1>
    %or3A_1891 = arith.ori %gt3A_1887, %and3A_1890 : vector<8x20x128xi1>
    %eq3A_1892 = arith.xori %eq3A_1876, %lt3A_1689 : vector<8x20x128xi1>
    %eq3A_1893 = arith.constant dense<true> : vector<8x20x128xi1>
    %eq3A_1894 = arith.xori %eq3A_1892, %eq3A_1893 : vector<8x20x128xi1>
    %eq3A_1895 = arith.xori %or3A_1891, %eq3A_1894 : vector<8x20x128xi1>
    %eq3A_1896 = arith.constant dense<true> : vector<8x20x128xi1>
    %eq3A_1897 = arith.xori %eq3A_1895, %eq3A_1896 : vector<8x20x128xi1>
    %select_n3A_1898 = arith.select %eq3A_1897, %select_n3A_1868, %select_n3A_1881 : vector<8x20x128xi1>, vector<8x20x128xi32>
    %select_n3A_1899 = arith.select %eq3A_1897, %select_n3A_1869, %select_n3A_1886 : vector<8x20x128xi1>, vector<8x20x128xi32>
    %iota3A_1900 = tpu.iota {dimensions = array<i32: 2>} : vector<8x20x128xi32>
    %and3A_1901 = arith.constant 1 : i32
    %and3A_1902 = vector.broadcast %and3A_1901 : i32 to vector<8x20x128xi32>
    %and3A_1903 = arith.andi %iota3A_1900, %and3A_1902 : vector<8x20x128xi32>
    %eq3A_1904 = arith.constant 0 : i32
    %eq3A_1905 = vector.broadcast %eq3A_1904 : i32 to vector<8x20x128xi32>
    %eq3A_1906 = arith.cmpi eq, %and3A_1903, %eq3A_1905 : vector<8x20x128xi32>
    %roll3A_1907 = arith.constant 127 : i32
    %roll3A_1908 = tpu.dynamic_rotate %select_n3A_1898 by %roll3A_1907 dim 2 : vector<8x20x128xi32>, i32 -> vector<8x20x128xi32>
    %roll3A_1909 = arith.constant 1 : i32
    %roll3A_1910 = tpu.dynamic_rotate %select_n3A_1898 by %roll3A_1909 dim 2 : vector<8x20x128xi32>, i32 -> vector<8x20x128xi32>
    %select_n3A_1911 = arith.select %eq3A_1906, %roll3A_1908, %roll3A_1910 : vector<8x20x128xi1>, vector<8x20x128xi32>
    %roll3A_1912 = arith.constant 127 : i32
    %roll3A_1913 = tpu.dynamic_rotate %select_n3A_1899 by %roll3A_1912 dim 2 : vector<8x20x128xi32>, i32 -> vector<8x20x128xi32>
    %roll3A_1914 = arith.constant 1 : i32
    %roll3A_1915 = tpu.dynamic_rotate %select_n3A_1899 by %roll3A_1914 dim 2 : vector<8x20x128xi32>, i32 -> vector<8x20x128xi32>
    %select_n3A_1916 = arith.select %eq3A_1906, %roll3A_1913, %roll3A_1915 : vector<8x20x128xi1>, vector<8x20x128xi32>
    %gt3A_1917 = arith.cmpi sgt, %select_n3A_1898, %select_n3A_1911 : vector<8x20x128xi32>
    %eq3A_1918 = arith.cmpi eq, %select_n3A_1898, %select_n3A_1911 : vector<8x20x128xi32>
    %lt3A_1919 = arith.cmpi slt, %select_n3A_1899, %select_n3A_1916 : vector<8x20x128xi32>
    %and3A_1920 = arith.andi %eq3A_1918, %lt3A_1919 : vector<8x20x128xi1>
    %or3A_1921 = arith.ori %gt3A_1917, %and3A_1920 : vector<8x20x128xi1>
    %eq3A_1922 = arith.xori %eq3A_1906, %lt3A_1689 : vector<8x20x128xi1>
    %eq3A_1923 = arith.constant dense<true> : vector<8x20x128xi1>
    %eq3A_1924 = arith.xori %eq3A_1922, %eq3A_1923 : vector<8x20x128xi1>
    %eq3A_1925 = arith.xori %or3A_1921, %eq3A_1924 : vector<8x20x128xi1>
    %eq3A_1926 = arith.constant dense<true> : vector<8x20x128xi1>
    %eq3A_1927 = arith.xori %eq3A_1925, %eq3A_1926 : vector<8x20x128xi1>
    %select_n3A_1928 = arith.select %eq3A_1927, %select_n3A_1898, %select_n3A_1911 : vector<8x20x128xi1>, vector<8x20x128xi32>
    %select_n3A_1929 = arith.select %eq3A_1927, %select_n3A_1899, %select_n3A_1916 : vector<8x20x128xi1>, vector<8x20x128xi32>
    %slice3A_1930 = vector.extract_strided_slice %select_n3A_1928 {offsets = [0, 0, 0], sizes = [8, 10, 128], strides = [1, 1, 1]} : vector<8x20x128xi32> to vector<8x10x128xi32>
    %slice3A_1931 = vector.extract_strided_slice %select_n3A_1929 {offsets = [0, 0, 0], sizes = [8, 10, 128], strides = [1, 1, 1]} : vector<8x20x128xi32> to vector<8x10x128xi32>
    %slice3A_1932 = vector.extract_strided_slice %select_n3A_1928 {offsets = [0, 10, 0], sizes = [8, 10, 128], strides = [1, 1, 1]} : vector<8x20x128xi32> to vector<8x10x128xi32>
    %slice3A_1933 = vector.extract_strided_slice %select_n3A_1929 {offsets = [0, 10, 0], sizes = [8, 10, 128], strides = [1, 1, 1]} : vector<8x20x128xi32> to vector<8x10x128xi32>
    %gt3A_1934 = arith.cmpi sgt, %slice3A_1930, %slice3A_1932 : vector<8x10x128xi32>
    %eq3A_1935 = arith.cmpi eq, %slice3A_1930, %slice3A_1932 : vector<8x10x128xi32>
    %lt3A_1936 = arith.cmpi slt, %slice3A_1931, %slice3A_1933 : vector<8x10x128xi32>
    %and3A_1937 = arith.andi %eq3A_1935, %lt3A_1936 : vector<8x10x128xi1>
    %or3A_1938 = arith.ori %gt3A_1934, %and3A_1937 : vector<8x10x128xi1>
    %select_n3A_1939 = arith.select %or3A_1938, %slice3A_1930, %slice3A_1932 : vector<8x10x128xi1>, vector<8x10x128xi32>
    %select_n3A_1940 = arith.select %or3A_1938, %slice3A_1931, %slice3A_1933 : vector<8x10x128xi1>, vector<8x10x128xi32>
    %iota3A_1941 = tpu.iota {dimensions = array<i32: 1>} : vector<8x10x128xi32>
    %lt3A_1942 = arith.constant 6 : i32
    %lt3A_1943 = vector.broadcast %lt3A_1942 : i32 to vector<8x10x128xi32>
    %lt3A_1944 = arith.cmpi slt, %iota3A_1941, %lt3A_1943 : vector<8x10x128xi32>
    %iota3A_1945 = tpu.iota {dimensions = array<i32: 1>} : vector<8x10x128xi32>
    %and3A_1946 = arith.constant 1 : i32
    %and3A_1947 = vector.broadcast %and3A_1946 : i32 to vector<8x10x128xi32>
    %and3A_1948 = arith.andi %iota3A_1945, %and3A_1947 : vector<8x10x128xi32>
    %eq3A_1949 = arith.constant 0 : i32
    %eq3A_1950 = vector.broadcast %eq3A_1949 : i32 to vector<8x10x128xi32>
    %eq3A_1951 = arith.cmpi eq, %and3A_1948, %eq3A_1950 : vector<8x10x128xi32>
    %roll3A_1952 = arith.constant 9 : i32
    %roll3A_1953 = tpu.dynamic_rotate %select_n3A_1939 by %roll3A_1952 dim 1 : vector<8x10x128xi32>, i32 -> vector<8x10x128xi32>
    %roll3A_1954 = arith.constant 1 : i32
    %roll3A_1955 = tpu.dynamic_rotate %select_n3A_1939 by %roll3A_1954 dim 1 : vector<8x10x128xi32>, i32 -> vector<8x10x128xi32>
    %select_n3A_1956 = arith.select %eq3A_1951, %roll3A_1953, %roll3A_1955 : vector<8x10x128xi1>, vector<8x10x128xi32>
    %roll3A_1957 = arith.constant 9 : i32
    %roll3A_1958 = tpu.dynamic_rotate %select_n3A_1940 by %roll3A_1957 dim 1 : vector<8x10x128xi32>, i32 -> vector<8x10x128xi32>
    %roll3A_1959 = arith.constant 1 : i32
    %roll3A_1960 = tpu.dynamic_rotate %select_n3A_1940 by %roll3A_1959 dim 1 : vector<8x10x128xi32>, i32 -> vector<8x10x128xi32>
    %select_n3A_1961 = arith.select %eq3A_1951, %roll3A_1958, %roll3A_1960 : vector<8x10x128xi1>, vector<8x10x128xi32>
    %gt3A_1962 = arith.cmpi sgt, %select_n3A_1939, %select_n3A_1956 : vector<8x10x128xi32>
    %eq3A_1963 = arith.cmpi eq, %select_n3A_1939, %select_n3A_1956 : vector<8x10x128xi32>
    %lt3A_1964 = arith.cmpi slt, %select_n3A_1940, %select_n3A_1961 : vector<8x10x128xi32>
    %and3A_1965 = arith.andi %eq3A_1963, %lt3A_1964 : vector<8x10x128xi1>
    %or3A_1966 = arith.ori %gt3A_1962, %and3A_1965 : vector<8x10x128xi1>
    %eq3A_1967 = arith.xori %eq3A_1951, %lt3A_1944 : vector<8x10x128xi1>
    %eq3A_1968 = arith.constant dense<true> : vector<8x10x128xi1>
    %eq3A_1969 = arith.xori %eq3A_1967, %eq3A_1968 : vector<8x10x128xi1>
    %eq3A_1970 = arith.xori %or3A_1966, %eq3A_1969 : vector<8x10x128xi1>
    %eq3A_1971 = arith.constant dense<true> : vector<8x10x128xi1>
    %eq3A_1972 = arith.xori %eq3A_1970, %eq3A_1971 : vector<8x10x128xi1>
    %select_n3A_1973 = arith.select %eq3A_1972, %select_n3A_1939, %select_n3A_1956 : vector<8x10x128xi1>, vector<8x10x128xi32>
    %select_n3A_1974 = arith.select %eq3A_1972, %select_n3A_1940, %select_n3A_1961 : vector<8x10x128xi1>, vector<8x10x128xi32>
    %iota3A_1975 = tpu.iota {dimensions = array<i32: 2>} : vector<8x10x128xi32>
    %and3A_1976 = arith.constant 64 : i32
    %and3A_1977 = vector.broadcast %and3A_1976 : i32 to vector<8x10x128xi32>
    %and3A_1978 = arith.andi %iota3A_1975, %and3A_1977 : vector<8x10x128xi32>
    %eq3A_1979 = arith.constant 0 : i32
    %eq3A_1980 = vector.broadcast %eq3A_1979 : i32 to vector<8x10x128xi32>
    %eq3A_1981 = arith.cmpi eq, %and3A_1978, %eq3A_1980 : vector<8x10x128xi32>
    %roll3A_1982 = arith.constant 64 : i32
    %roll3A_1983 = tpu.dynamic_rotate %select_n3A_1973 by %roll3A_1982 dim 2 : vector<8x10x128xi32>, i32 -> vector<8x10x128xi32>
    %roll3A_1984 = arith.constant 64 : i32
    %roll3A_1985 = tpu.dynamic_rotate %select_n3A_1973 by %roll3A_1984 dim 2 : vector<8x10x128xi32>, i32 -> vector<8x10x128xi32>
    %select_n3A_1986 = arith.select %eq3A_1981, %roll3A_1983, %roll3A_1985 : vector<8x10x128xi1>, vector<8x10x128xi32>
    %roll3A_1987 = arith.constant 64 : i32
    %roll3A_1988 = tpu.dynamic_rotate %select_n3A_1974 by %roll3A_1987 dim 2 : vector<8x10x128xi32>, i32 -> vector<8x10x128xi32>
    %roll3A_1989 = arith.constant 64 : i32
    %roll3A_1990 = tpu.dynamic_rotate %select_n3A_1974 by %roll3A_1989 dim 2 : vector<8x10x128xi32>, i32 -> vector<8x10x128xi32>
    %select_n3A_1991 = arith.select %eq3A_1981, %roll3A_1988, %roll3A_1990 : vector<8x10x128xi1>, vector<8x10x128xi32>
    %gt3A_1992 = arith.cmpi sgt, %select_n3A_1973, %select_n3A_1986 : vector<8x10x128xi32>
    %eq3A_1993 = arith.cmpi eq, %select_n3A_1973, %select_n3A_1986 : vector<8x10x128xi32>
    %lt3A_1994 = arith.cmpi slt, %select_n3A_1974, %select_n3A_1991 : vector<8x10x128xi32>
    %and3A_1995 = arith.andi %eq3A_1993, %lt3A_1994 : vector<8x10x128xi1>
    %or3A_1996 = arith.ori %gt3A_1992, %and3A_1995 : vector<8x10x128xi1>
    %eq3A_1997 = arith.xori %eq3A_1981, %lt3A_1944 : vector<8x10x128xi1>
    %eq3A_1998 = arith.constant dense<true> : vector<8x10x128xi1>
    %eq3A_1999 = arith.xori %eq3A_1997, %eq3A_1998 : vector<8x10x128xi1>
    %eq3A_2000 = arith.xori %or3A_1996, %eq3A_1999 : vector<8x10x128xi1>
    %eq3A_2001 = arith.constant dense<true> : vector<8x10x128xi1>
    %eq3A_2002 = arith.xori %eq3A_2000, %eq3A_2001 : vector<8x10x128xi1>
    %select_n3A_2003 = arith.select %eq3A_2002, %select_n3A_1973, %select_n3A_1986 : vector<8x10x128xi1>, vector<8x10x128xi32>
    %select_n3A_2004 = arith.select %eq3A_2002, %select_n3A_1974, %select_n3A_1991 : vector<8x10x128xi1>, vector<8x10x128xi32>
    %iota3A_2005 = tpu.iota {dimensions = array<i32: 2>} : vector<8x10x128xi32>
    %and3A_2006 = arith.constant 32 : i32
    %and3A_2007 = vector.broadcast %and3A_2006 : i32 to vector<8x10x128xi32>
    %and3A_2008 = arith.andi %iota3A_2005, %and3A_2007 : vector<8x10x128xi32>
    %eq3A_2009 = arith.constant 0 : i32
    %eq3A_2010 = vector.broadcast %eq3A_2009 : i32 to vector<8x10x128xi32>
    %eq3A_2011 = arith.cmpi eq, %and3A_2008, %eq3A_2010 : vector<8x10x128xi32>
    %roll3A_2012 = arith.constant 96 : i32
    %roll3A_2013 = tpu.dynamic_rotate %select_n3A_2003 by %roll3A_2012 dim 2 : vector<8x10x128xi32>, i32 -> vector<8x10x128xi32>
    %roll3A_2014 = arith.constant 32 : i32
    %roll3A_2015 = tpu.dynamic_rotate %select_n3A_2003 by %roll3A_2014 dim 2 : vector<8x10x128xi32>, i32 -> vector<8x10x128xi32>
    %select_n3A_2016 = arith.select %eq3A_2011, %roll3A_2013, %roll3A_2015 : vector<8x10x128xi1>, vector<8x10x128xi32>
    %roll3A_2017 = arith.constant 96 : i32
    %roll3A_2018 = tpu.dynamic_rotate %select_n3A_2004 by %roll3A_2017 dim 2 : vector<8x10x128xi32>, i32 -> vector<8x10x128xi32>
    %roll3A_2019 = arith.constant 32 : i32
    %roll3A_2020 = tpu.dynamic_rotate %select_n3A_2004 by %roll3A_2019 dim 2 : vector<8x10x128xi32>, i32 -> vector<8x10x128xi32>
    %select_n3A_2021 = arith.select %eq3A_2011, %roll3A_2018, %roll3A_2020 : vector<8x10x128xi1>, vector<8x10x128xi32>
    %gt3A_2022 = arith.cmpi sgt, %select_n3A_2003, %select_n3A_2016 : vector<8x10x128xi32>
    %eq3A_2023 = arith.cmpi eq, %select_n3A_2003, %select_n3A_2016 : vector<8x10x128xi32>
    %lt3A_2024 = arith.cmpi slt, %select_n3A_2004, %select_n3A_2021 : vector<8x10x128xi32>
    %and3A_2025 = arith.andi %eq3A_2023, %lt3A_2024 : vector<8x10x128xi1>
    %or3A_2026 = arith.ori %gt3A_2022, %and3A_2025 : vector<8x10x128xi1>
    %eq3A_2027 = arith.xori %eq3A_2011, %lt3A_1944 : vector<8x10x128xi1>
    %eq3A_2028 = arith.constant dense<true> : vector<8x10x128xi1>
    %eq3A_2029 = arith.xori %eq3A_2027, %eq3A_2028 : vector<8x10x128xi1>
    %eq3A_2030 = arith.xori %or3A_2026, %eq3A_2029 : vector<8x10x128xi1>
    %eq3A_2031 = arith.constant dense<true> : vector<8x10x128xi1>
    %eq3A_2032 = arith.xori %eq3A_2030, %eq3A_2031 : vector<8x10x128xi1>
    %select_n3A_2033 = arith.select %eq3A_2032, %select_n3A_2003, %select_n3A_2016 : vector<8x10x128xi1>, vector<8x10x128xi32>
    %select_n3A_2034 = arith.select %eq3A_2032, %select_n3A_2004, %select_n3A_2021 : vector<8x10x128xi1>, vector<8x10x128xi32>
    %iota3A_2035 = tpu.iota {dimensions = array<i32: 2>} : vector<8x10x128xi32>
    %and3A_2036 = arith.constant 16 : i32
    %and3A_2037 = vector.broadcast %and3A_2036 : i32 to vector<8x10x128xi32>
    %and3A_2038 = arith.andi %iota3A_2035, %and3A_2037 : vector<8x10x128xi32>
    %eq3A_2039 = arith.constant 0 : i32
    %eq3A_2040 = vector.broadcast %eq3A_2039 : i32 to vector<8x10x128xi32>
    %eq3A_2041 = arith.cmpi eq, %and3A_2038, %eq3A_2040 : vector<8x10x128xi32>
    %roll3A_2042 = arith.constant 112 : i32
    %roll3A_2043 = tpu.dynamic_rotate %select_n3A_2033 by %roll3A_2042 dim 2 : vector<8x10x128xi32>, i32 -> vector<8x10x128xi32>
    %roll3A_2044 = arith.constant 16 : i32
    %roll3A_2045 = tpu.dynamic_rotate %select_n3A_2033 by %roll3A_2044 dim 2 : vector<8x10x128xi32>, i32 -> vector<8x10x128xi32>
    %select_n3A_2046 = arith.select %eq3A_2041, %roll3A_2043, %roll3A_2045 : vector<8x10x128xi1>, vector<8x10x128xi32>
    %roll3A_2047 = arith.constant 112 : i32
    %roll3A_2048 = tpu.dynamic_rotate %select_n3A_2034 by %roll3A_2047 dim 2 : vector<8x10x128xi32>, i32 -> vector<8x10x128xi32>
    %roll3A_2049 = arith.constant 16 : i32
    %roll3A_2050 = tpu.dynamic_rotate %select_n3A_2034 by %roll3A_2049 dim 2 : vector<8x10x128xi32>, i32 -> vector<8x10x128xi32>
    %select_n3A_2051 = arith.select %eq3A_2041, %roll3A_2048, %roll3A_2050 : vector<8x10x128xi1>, vector<8x10x128xi32>
    %gt3A_2052 = arith.cmpi sgt, %select_n3A_2033, %select_n3A_2046 : vector<8x10x128xi32>
    %eq3A_2053 = arith.cmpi eq, %select_n3A_2033, %select_n3A_2046 : vector<8x10x128xi32>
    %lt3A_2054 = arith.cmpi slt, %select_n3A_2034, %select_n3A_2051 : vector<8x10x128xi32>
    %and3A_2055 = arith.andi %eq3A_2053, %lt3A_2054 : vector<8x10x128xi1>
    %or3A_2056 = arith.ori %gt3A_2052, %and3A_2055 : vector<8x10x128xi1>
    %eq3A_2057 = arith.xori %eq3A_2041, %lt3A_1944 : vector<8x10x128xi1>
    %eq3A_2058 = arith.constant dense<true> : vector<8x10x128xi1>
    %eq3A_2059 = arith.xori %eq3A_2057, %eq3A_2058 : vector<8x10x128xi1>
    %eq3A_2060 = arith.xori %or3A_2056, %eq3A_2059 : vector<8x10x128xi1>
    %eq3A_2061 = arith.constant dense<true> : vector<8x10x128xi1>
    %eq3A_2062 = arith.xori %eq3A_2060, %eq3A_2061 : vector<8x10x128xi1>
    %select_n3A_2063 = arith.select %eq3A_2062, %select_n3A_2033, %select_n3A_2046 : vector<8x10x128xi1>, vector<8x10x128xi32>
    %select_n3A_2064 = arith.select %eq3A_2062, %select_n3A_2034, %select_n3A_2051 : vector<8x10x128xi1>, vector<8x10x128xi32>
    %iota3A_2065 = tpu.iota {dimensions = array<i32: 2>} : vector<8x10x128xi32>
    %and3A_2066 = arith.constant 8 : i32
    %and3A_2067 = vector.broadcast %and3A_2066 : i32 to vector<8x10x128xi32>
    %and3A_2068 = arith.andi %iota3A_2065, %and3A_2067 : vector<8x10x128xi32>
    %eq3A_2069 = arith.constant 0 : i32
    %eq3A_2070 = vector.broadcast %eq3A_2069 : i32 to vector<8x10x128xi32>
    %eq3A_2071 = arith.cmpi eq, %and3A_2068, %eq3A_2070 : vector<8x10x128xi32>
    %roll3A_2072 = arith.constant 120 : i32
    %roll3A_2073 = tpu.dynamic_rotate %select_n3A_2063 by %roll3A_2072 dim 2 : vector<8x10x128xi32>, i32 -> vector<8x10x128xi32>
    %roll3A_2074 = arith.constant 8 : i32
    %roll3A_2075 = tpu.dynamic_rotate %select_n3A_2063 by %roll3A_2074 dim 2 : vector<8x10x128xi32>, i32 -> vector<8x10x128xi32>
    %select_n3A_2076 = arith.select %eq3A_2071, %roll3A_2073, %roll3A_2075 : vector<8x10x128xi1>, vector<8x10x128xi32>
    %roll3A_2077 = arith.constant 120 : i32
    %roll3A_2078 = tpu.dynamic_rotate %select_n3A_2064 by %roll3A_2077 dim 2 : vector<8x10x128xi32>, i32 -> vector<8x10x128xi32>
    %roll3A_2079 = arith.constant 8 : i32
    %roll3A_2080 = tpu.dynamic_rotate %select_n3A_2064 by %roll3A_2079 dim 2 : vector<8x10x128xi32>, i32 -> vector<8x10x128xi32>
    %select_n3A_2081 = arith.select %eq3A_2071, %roll3A_2078, %roll3A_2080 : vector<8x10x128xi1>, vector<8x10x128xi32>
    %gt3A_2082 = arith.cmpi sgt, %select_n3A_2063, %select_n3A_2076 : vector<8x10x128xi32>
    %eq3A_2083 = arith.cmpi eq, %select_n3A_2063, %select_n3A_2076 : vector<8x10x128xi32>
    %lt3A_2084 = arith.cmpi slt, %select_n3A_2064, %select_n3A_2081 : vector<8x10x128xi32>
    %and3A_2085 = arith.andi %eq3A_2083, %lt3A_2084 : vector<8x10x128xi1>
    %or3A_2086 = arith.ori %gt3A_2082, %and3A_2085 : vector<8x10x128xi1>
    %eq3A_2087 = arith.xori %eq3A_2071, %lt3A_1944 : vector<8x10x128xi1>
    %eq3A_2088 = arith.constant dense<true> : vector<8x10x128xi1>
    %eq3A_2089 = arith.xori %eq3A_2087, %eq3A_2088 : vector<8x10x128xi1>
    %eq3A_2090 = arith.xori %or3A_2086, %eq3A_2089 : vector<8x10x128xi1>
    %eq3A_2091 = arith.constant dense<true> : vector<8x10x128xi1>
    %eq3A_2092 = arith.xori %eq3A_2090, %eq3A_2091 : vector<8x10x128xi1>
    %select_n3A_2093 = arith.select %eq3A_2092, %select_n3A_2063, %select_n3A_2076 : vector<8x10x128xi1>, vector<8x10x128xi32>
    %select_n3A_2094 = arith.select %eq3A_2092, %select_n3A_2064, %select_n3A_2081 : vector<8x10x128xi1>, vector<8x10x128xi32>
    %iota3A_2095 = tpu.iota {dimensions = array<i32: 2>} : vector<8x10x128xi32>
    %and3A_2096 = arith.constant 4 : i32
    %and3A_2097 = vector.broadcast %and3A_2096 : i32 to vector<8x10x128xi32>
    %and3A_2098 = arith.andi %iota3A_2095, %and3A_2097 : vector<8x10x128xi32>
    %eq3A_2099 = arith.constant 0 : i32
    %eq3A_2100 = vector.broadcast %eq3A_2099 : i32 to vector<8x10x128xi32>
    %eq3A_2101 = arith.cmpi eq, %and3A_2098, %eq3A_2100 : vector<8x10x128xi32>
    %roll3A_2102 = arith.constant 124 : i32
    %roll3A_2103 = tpu.dynamic_rotate %select_n3A_2093 by %roll3A_2102 dim 2 : vector<8x10x128xi32>, i32 -> vector<8x10x128xi32>
    %roll3A_2104 = arith.constant 4 : i32
    %roll3A_2105 = tpu.dynamic_rotate %select_n3A_2093 by %roll3A_2104 dim 2 : vector<8x10x128xi32>, i32 -> vector<8x10x128xi32>
    %select_n3A_2106 = arith.select %eq3A_2101, %roll3A_2103, %roll3A_2105 : vector<8x10x128xi1>, vector<8x10x128xi32>
    %roll3A_2107 = arith.constant 124 : i32
    %roll3A_2108 = tpu.dynamic_rotate %select_n3A_2094 by %roll3A_2107 dim 2 : vector<8x10x128xi32>, i32 -> vector<8x10x128xi32>
    %roll3A_2109 = arith.constant 4 : i32
    %roll3A_2110 = tpu.dynamic_rotate %select_n3A_2094 by %roll3A_2109 dim 2 : vector<8x10x128xi32>, i32 -> vector<8x10x128xi32>
    %select_n3A_2111 = arith.select %eq3A_2101, %roll3A_2108, %roll3A_2110 : vector<8x10x128xi1>, vector<8x10x128xi32>
    %gt3A_2112 = arith.cmpi sgt, %select_n3A_2093, %select_n3A_2106 : vector<8x10x128xi32>
    %eq3A_2113 = arith.cmpi eq, %select_n3A_2093, %select_n3A_2106 : vector<8x10x128xi32>
    %lt3A_2114 = arith.cmpi slt, %select_n3A_2094, %select_n3A_2111 : vector<8x10x128xi32>
    %and3A_2115 = arith.andi %eq3A_2113, %lt3A_2114 : vector<8x10x128xi1>
    %or3A_2116 = arith.ori %gt3A_2112, %and3A_2115 : vector<8x10x128xi1>
    %eq3A_2117 = arith.xori %eq3A_2101, %lt3A_1944 : vector<8x10x128xi1>
    %eq3A_2118 = arith.constant dense<true> : vector<8x10x128xi1>
    %eq3A_2119 = arith.xori %eq3A_2117, %eq3A_2118 : vector<8x10x128xi1>
    %eq3A_2120 = arith.xori %or3A_2116, %eq3A_2119 : vector<8x10x128xi1>
    %eq3A_2121 = arith.constant dense<true> : vector<8x10x128xi1>
    %eq3A_2122 = arith.xori %eq3A_2120, %eq3A_2121 : vector<8x10x128xi1>
    %select_n3A_2123 = arith.select %eq3A_2122, %select_n3A_2093, %select_n3A_2106 : vector<8x10x128xi1>, vector<8x10x128xi32>
    %select_n3A_2124 = arith.select %eq3A_2122, %select_n3A_2094, %select_n3A_2111 : vector<8x10x128xi1>, vector<8x10x128xi32>
    %iota3A_2125 = tpu.iota {dimensions = array<i32: 2>} : vector<8x10x128xi32>
    %and3A_2126 = arith.constant 2 : i32
    %and3A_2127 = vector.broadcast %and3A_2126 : i32 to vector<8x10x128xi32>
    %and3A_2128 = arith.andi %iota3A_2125, %and3A_2127 : vector<8x10x128xi32>
    %eq3A_2129 = arith.constant 0 : i32
    %eq3A_2130 = vector.broadcast %eq3A_2129 : i32 to vector<8x10x128xi32>
    %eq3A_2131 = arith.cmpi eq, %and3A_2128, %eq3A_2130 : vector<8x10x128xi32>
    %roll3A_2132 = arith.constant 126 : i32
    %roll3A_2133 = tpu.dynamic_rotate %select_n3A_2123 by %roll3A_2132 dim 2 : vector<8x10x128xi32>, i32 -> vector<8x10x128xi32>
    %roll3A_2134 = arith.constant 2 : i32
    %roll3A_2135 = tpu.dynamic_rotate %select_n3A_2123 by %roll3A_2134 dim 2 : vector<8x10x128xi32>, i32 -> vector<8x10x128xi32>
    %select_n3A_2136 = arith.select %eq3A_2131, %roll3A_2133, %roll3A_2135 : vector<8x10x128xi1>, vector<8x10x128xi32>
    %roll3A_2137 = arith.constant 126 : i32
    %roll3A_2138 = tpu.dynamic_rotate %select_n3A_2124 by %roll3A_2137 dim 2 : vector<8x10x128xi32>, i32 -> vector<8x10x128xi32>
    %roll3A_2139 = arith.constant 2 : i32
    %roll3A_2140 = tpu.dynamic_rotate %select_n3A_2124 by %roll3A_2139 dim 2 : vector<8x10x128xi32>, i32 -> vector<8x10x128xi32>
    %select_n3A_2141 = arith.select %eq3A_2131, %roll3A_2138, %roll3A_2140 : vector<8x10x128xi1>, vector<8x10x128xi32>
    %gt3A_2142 = arith.cmpi sgt, %select_n3A_2123, %select_n3A_2136 : vector<8x10x128xi32>
    %eq3A_2143 = arith.cmpi eq, %select_n3A_2123, %select_n3A_2136 : vector<8x10x128xi32>
    %lt3A_2144 = arith.cmpi slt, %select_n3A_2124, %select_n3A_2141 : vector<8x10x128xi32>
    %and3A_2145 = arith.andi %eq3A_2143, %lt3A_2144 : vector<8x10x128xi1>
    %or3A_2146 = arith.ori %gt3A_2142, %and3A_2145 : vector<8x10x128xi1>
    %eq3A_2147 = arith.xori %eq3A_2131, %lt3A_1944 : vector<8x10x128xi1>
    %eq3A_2148 = arith.constant dense<true> : vector<8x10x128xi1>
    %eq3A_2149 = arith.xori %eq3A_2147, %eq3A_2148 : vector<8x10x128xi1>
    %eq3A_2150 = arith.xori %or3A_2146, %eq3A_2149 : vector<8x10x128xi1>
    %eq3A_2151 = arith.constant dense<true> : vector<8x10x128xi1>
    %eq3A_2152 = arith.xori %eq3A_2150, %eq3A_2151 : vector<8x10x128xi1>
    %select_n3A_2153 = arith.select %eq3A_2152, %select_n3A_2123, %select_n3A_2136 : vector<8x10x128xi1>, vector<8x10x128xi32>
    %select_n3A_2154 = arith.select %eq3A_2152, %select_n3A_2124, %select_n3A_2141 : vector<8x10x128xi1>, vector<8x10x128xi32>
    %iota3A_2155 = tpu.iota {dimensions = array<i32: 2>} : vector<8x10x128xi32>
    %and3A_2156 = arith.constant 1 : i32
    %and3A_2157 = vector.broadcast %and3A_2156 : i32 to vector<8x10x128xi32>
    %and3A_2158 = arith.andi %iota3A_2155, %and3A_2157 : vector<8x10x128xi32>
    %eq3A_2159 = arith.constant 0 : i32
    %eq3A_2160 = vector.broadcast %eq3A_2159 : i32 to vector<8x10x128xi32>
    %eq3A_2161 = arith.cmpi eq, %and3A_2158, %eq3A_2160 : vector<8x10x128xi32>
    %roll3A_2162 = arith.constant 127 : i32
    %roll3A_2163 = tpu.dynamic_rotate %select_n3A_2153 by %roll3A_2162 dim 2 : vector<8x10x128xi32>, i32 -> vector<8x10x128xi32>
    %roll3A_2164 = arith.constant 1 : i32
    %roll3A_2165 = tpu.dynamic_rotate %select_n3A_2153 by %roll3A_2164 dim 2 : vector<8x10x128xi32>, i32 -> vector<8x10x128xi32>
    %select_n3A_2166 = arith.select %eq3A_2161, %roll3A_2163, %roll3A_2165 : vector<8x10x128xi1>, vector<8x10x128xi32>
    %roll3A_2167 = arith.constant 127 : i32
    %roll3A_2168 = tpu.dynamic_rotate %select_n3A_2154 by %roll3A_2167 dim 2 : vector<8x10x128xi32>, i32 -> vector<8x10x128xi32>
    %roll3A_2169 = arith.constant 1 : i32
    %roll3A_2170 = tpu.dynamic_rotate %select_n3A_2154 by %roll3A_2169 dim 2 : vector<8x10x128xi32>, i32 -> vector<8x10x128xi32>
    %select_n3A_2171 = arith.select %eq3A_2161, %roll3A_2168, %roll3A_2170 : vector<8x10x128xi1>, vector<8x10x128xi32>
    %gt3A_2172 = arith.cmpi sgt, %select_n3A_2153, %select_n3A_2166 : vector<8x10x128xi32>
    %eq3A_2173 = arith.cmpi eq, %select_n3A_2153, %select_n3A_2166 : vector<8x10x128xi32>
    %lt3A_2174 = arith.cmpi slt, %select_n3A_2154, %select_n3A_2171 : vector<8x10x128xi32>
    %and3A_2175 = arith.andi %eq3A_2173, %lt3A_2174 : vector<8x10x128xi1>
    %or3A_2176 = arith.ori %gt3A_2172, %and3A_2175 : vector<8x10x128xi1>
    %eq3A_2177 = arith.xori %eq3A_2161, %lt3A_1944 : vector<8x10x128xi1>
    %eq3A_2178 = arith.constant dense<true> : vector<8x10x128xi1>
    %eq3A_2179 = arith.xori %eq3A_2177, %eq3A_2178 : vector<8x10x128xi1>
    %eq3A_2180 = arith.xori %or3A_2176, %eq3A_2179 : vector<8x10x128xi1>
    %eq3A_2181 = arith.constant dense<true> : vector<8x10x128xi1>
    %eq3A_2182 = arith.xori %eq3A_2180, %eq3A_2181 : vector<8x10x128xi1>
    %select_n3A_2183 = arith.select %eq3A_2182, %select_n3A_2153, %select_n3A_2166 : vector<8x10x128xi1>, vector<8x10x128xi32>
    %select_n3A_2184 = arith.select %eq3A_2182, %select_n3A_2154, %select_n3A_2171 : vector<8x10x128xi1>, vector<8x10x128xi32>
    %broadcast_in_dim3A_2185 = arith.constant -2147483648 : i32
    %broadcast_in_dim3A_2186 = vector.broadcast %broadcast_in_dim3A_2185 : i32 to vector<8x2x128xi32>
    %concatenate3A = tpu.concatenate %select_n3A_2183, %broadcast_in_dim3A_2186 in 1 : vector<8x10x128xi32>, vector<8x2x128xi32> -> vector<8x12x128xi32>
    %broadcast_in_dim3A_2187 = arith.constant 0 : i32
    %broadcast_in_dim3A_2188 = vector.broadcast %broadcast_in_dim3A_2187 : i32 to vector<8x2x128xi32>
    %concatenate3A_2189 = tpu.concatenate %select_n3A_2184, %broadcast_in_dim3A_2188 in 1 : vector<8x10x128xi32>, vector<8x2x128xi32> -> vector<8x12x128xi32>
    %slice3A_2190 = vector.extract_strided_slice %concatenate3A {offsets = [0, 0, 0], sizes = [8, 6, 128], strides = [1, 1, 1]} : vector<8x12x128xi32> to vector<8x6x128xi32>
    %slice3A_2191 = vector.extract_strided_slice %concatenate3A_2189 {offsets = [0, 0, 0], sizes = [8, 6, 128], strides = [1, 1, 1]} : vector<8x12x128xi32> to vector<8x6x128xi32>
    %slice3A_2192 = vector.extract_strided_slice %concatenate3A {offsets = [0, 6, 0], sizes = [8, 6, 128], strides = [1, 1, 1]} : vector<8x12x128xi32> to vector<8x6x128xi32>
    %slice3A_2193 = vector.extract_strided_slice %concatenate3A_2189 {offsets = [0, 6, 0], sizes = [8, 6, 128], strides = [1, 1, 1]} : vector<8x12x128xi32> to vector<8x6x128xi32>
    %gt3A_2194 = arith.cmpi sgt, %slice3A_2190, %slice3A_2192 : vector<8x6x128xi32>
    %eq3A_2195 = arith.cmpi eq, %slice3A_2190, %slice3A_2192 : vector<8x6x128xi32>
    %lt3A_2196 = arith.cmpi slt, %slice3A_2191, %slice3A_2193 : vector<8x6x128xi32>
    %and3A_2197 = arith.andi %eq3A_2195, %lt3A_2196 : vector<8x6x128xi1>
    %or3A_2198 = arith.ori %gt3A_2194, %and3A_2197 : vector<8x6x128xi1>
    %select_n3A_2199 = arith.select %or3A_2198, %slice3A_2190, %slice3A_2192 : vector<8x6x128xi1>, vector<8x6x128xi32>
    %select_n3A_2200 = arith.select %or3A_2198, %slice3A_2191, %slice3A_2193 : vector<8x6x128xi1>, vector<8x6x128xi32>
    %iota3A_2201 = tpu.iota {dimensions = array<i32: 1>} : vector<8x6x128xi32>
    %lt3A_2202 = arith.constant 4 : i32
    %lt3A_2203 = vector.broadcast %lt3A_2202 : i32 to vector<8x6x128xi32>
    %lt3A_2204 = arith.cmpi slt, %iota3A_2201, %lt3A_2203 : vector<8x6x128xi32>
    %iota3A_2205 = tpu.iota {dimensions = array<i32: 1>} : vector<8x6x128xi32>
    %and3A_2206 = arith.constant 1 : i32
    %and3A_2207 = vector.broadcast %and3A_2206 : i32 to vector<8x6x128xi32>
    %and3A_2208 = arith.andi %iota3A_2205, %and3A_2207 : vector<8x6x128xi32>
    %eq3A_2209 = arith.constant 0 : i32
    %eq3A_2210 = vector.broadcast %eq3A_2209 : i32 to vector<8x6x128xi32>
    %eq3A_2211 = arith.cmpi eq, %and3A_2208, %eq3A_2210 : vector<8x6x128xi32>
    %roll3A_2212 = arith.constant 5 : i32
    %roll3A_2213 = tpu.dynamic_rotate %select_n3A_2199 by %roll3A_2212 dim 1 : vector<8x6x128xi32>, i32 -> vector<8x6x128xi32>
    %roll3A_2214 = arith.constant 1 : i32
    %roll3A_2215 = tpu.dynamic_rotate %select_n3A_2199 by %roll3A_2214 dim 1 : vector<8x6x128xi32>, i32 -> vector<8x6x128xi32>
    %select_n3A_2216 = arith.select %eq3A_2211, %roll3A_2213, %roll3A_2215 : vector<8x6x128xi1>, vector<8x6x128xi32>
    %roll3A_2217 = arith.constant 5 : i32
    %roll3A_2218 = tpu.dynamic_rotate %select_n3A_2200 by %roll3A_2217 dim 1 : vector<8x6x128xi32>, i32 -> vector<8x6x128xi32>
    %roll3A_2219 = arith.constant 1 : i32
    %roll3A_2220 = tpu.dynamic_rotate %select_n3A_2200 by %roll3A_2219 dim 1 : vector<8x6x128xi32>, i32 -> vector<8x6x128xi32>
    %select_n3A_2221 = arith.select %eq3A_2211, %roll3A_2218, %roll3A_2220 : vector<8x6x128xi1>, vector<8x6x128xi32>
    %gt3A_2222 = arith.cmpi sgt, %select_n3A_2199, %select_n3A_2216 : vector<8x6x128xi32>
    %eq3A_2223 = arith.cmpi eq, %select_n3A_2199, %select_n3A_2216 : vector<8x6x128xi32>
    %lt3A_2224 = arith.cmpi slt, %select_n3A_2200, %select_n3A_2221 : vector<8x6x128xi32>
    %and3A_2225 = arith.andi %eq3A_2223, %lt3A_2224 : vector<8x6x128xi1>
    %or3A_2226 = arith.ori %gt3A_2222, %and3A_2225 : vector<8x6x128xi1>
    %eq3A_2227 = arith.xori %eq3A_2211, %lt3A_2204 : vector<8x6x128xi1>
    %eq3A_2228 = arith.constant dense<true> : vector<8x6x128xi1>
    %eq3A_2229 = arith.xori %eq3A_2227, %eq3A_2228 : vector<8x6x128xi1>
    %eq3A_2230 = arith.xori %or3A_2226, %eq3A_2229 : vector<8x6x128xi1>
    %eq3A_2231 = arith.constant dense<true> : vector<8x6x128xi1>
    %eq3A_2232 = arith.xori %eq3A_2230, %eq3A_2231 : vector<8x6x128xi1>
    %select_n3A_2233 = arith.select %eq3A_2232, %select_n3A_2199, %select_n3A_2216 : vector<8x6x128xi1>, vector<8x6x128xi32>
    %select_n3A_2234 = arith.select %eq3A_2232, %select_n3A_2200, %select_n3A_2221 : vector<8x6x128xi1>, vector<8x6x128xi32>
    %iota3A_2235 = tpu.iota {dimensions = array<i32: 2>} : vector<8x6x128xi32>
    %and3A_2236 = arith.constant 64 : i32
    %and3A_2237 = vector.broadcast %and3A_2236 : i32 to vector<8x6x128xi32>
    %and3A_2238 = arith.andi %iota3A_2235, %and3A_2237 : vector<8x6x128xi32>
    %eq3A_2239 = arith.constant 0 : i32
    %eq3A_2240 = vector.broadcast %eq3A_2239 : i32 to vector<8x6x128xi32>
    %eq3A_2241 = arith.cmpi eq, %and3A_2238, %eq3A_2240 : vector<8x6x128xi32>
    %roll3A_2242 = arith.constant 64 : i32
    %roll3A_2243 = tpu.dynamic_rotate %select_n3A_2233 by %roll3A_2242 dim 2 : vector<8x6x128xi32>, i32 -> vector<8x6x128xi32>
    %roll3A_2244 = arith.constant 64 : i32
    %roll3A_2245 = tpu.dynamic_rotate %select_n3A_2233 by %roll3A_2244 dim 2 : vector<8x6x128xi32>, i32 -> vector<8x6x128xi32>
    %select_n3A_2246 = arith.select %eq3A_2241, %roll3A_2243, %roll3A_2245 : vector<8x6x128xi1>, vector<8x6x128xi32>
    %roll3A_2247 = arith.constant 64 : i32
    %roll3A_2248 = tpu.dynamic_rotate %select_n3A_2234 by %roll3A_2247 dim 2 : vector<8x6x128xi32>, i32 -> vector<8x6x128xi32>
    %roll3A_2249 = arith.constant 64 : i32
    %roll3A_2250 = tpu.dynamic_rotate %select_n3A_2234 by %roll3A_2249 dim 2 : vector<8x6x128xi32>, i32 -> vector<8x6x128xi32>
    %select_n3A_2251 = arith.select %eq3A_2241, %roll3A_2248, %roll3A_2250 : vector<8x6x128xi1>, vector<8x6x128xi32>
    %gt3A_2252 = arith.cmpi sgt, %select_n3A_2233, %select_n3A_2246 : vector<8x6x128xi32>
    %eq3A_2253 = arith.cmpi eq, %select_n3A_2233, %select_n3A_2246 : vector<8x6x128xi32>
    %lt3A_2254 = arith.cmpi slt, %select_n3A_2234, %select_n3A_2251 : vector<8x6x128xi32>
    %and3A_2255 = arith.andi %eq3A_2253, %lt3A_2254 : vector<8x6x128xi1>
    %or3A_2256 = arith.ori %gt3A_2252, %and3A_2255 : vector<8x6x128xi1>
    %eq3A_2257 = arith.xori %eq3A_2241, %lt3A_2204 : vector<8x6x128xi1>
    %eq3A_2258 = arith.constant dense<true> : vector<8x6x128xi1>
    %eq3A_2259 = arith.xori %eq3A_2257, %eq3A_2258 : vector<8x6x128xi1>
    %eq3A_2260 = arith.xori %or3A_2256, %eq3A_2259 : vector<8x6x128xi1>
    %eq3A_2261 = arith.constant dense<true> : vector<8x6x128xi1>
    %eq3A_2262 = arith.xori %eq3A_2260, %eq3A_2261 : vector<8x6x128xi1>
    %select_n3A_2263 = arith.select %eq3A_2262, %select_n3A_2233, %select_n3A_2246 : vector<8x6x128xi1>, vector<8x6x128xi32>
    %select_n3A_2264 = arith.select %eq3A_2262, %select_n3A_2234, %select_n3A_2251 : vector<8x6x128xi1>, vector<8x6x128xi32>
    %iota3A_2265 = tpu.iota {dimensions = array<i32: 2>} : vector<8x6x128xi32>
    %and3A_2266 = arith.constant 32 : i32
    %and3A_2267 = vector.broadcast %and3A_2266 : i32 to vector<8x6x128xi32>
    %and3A_2268 = arith.andi %iota3A_2265, %and3A_2267 : vector<8x6x128xi32>
    %eq3A_2269 = arith.constant 0 : i32
    %eq3A_2270 = vector.broadcast %eq3A_2269 : i32 to vector<8x6x128xi32>
    %eq3A_2271 = arith.cmpi eq, %and3A_2268, %eq3A_2270 : vector<8x6x128xi32>
    %roll3A_2272 = arith.constant 96 : i32
    %roll3A_2273 = tpu.dynamic_rotate %select_n3A_2263 by %roll3A_2272 dim 2 : vector<8x6x128xi32>, i32 -> vector<8x6x128xi32>
    %roll3A_2274 = arith.constant 32 : i32
    %roll3A_2275 = tpu.dynamic_rotate %select_n3A_2263 by %roll3A_2274 dim 2 : vector<8x6x128xi32>, i32 -> vector<8x6x128xi32>
    %select_n3A_2276 = arith.select %eq3A_2271, %roll3A_2273, %roll3A_2275 : vector<8x6x128xi1>, vector<8x6x128xi32>
    %roll3A_2277 = arith.constant 96 : i32
    %roll3A_2278 = tpu.dynamic_rotate %select_n3A_2264 by %roll3A_2277 dim 2 : vector<8x6x128xi32>, i32 -> vector<8x6x128xi32>
    %roll3A_2279 = arith.constant 32 : i32
    %roll3A_2280 = tpu.dynamic_rotate %select_n3A_2264 by %roll3A_2279 dim 2 : vector<8x6x128xi32>, i32 -> vector<8x6x128xi32>
    %select_n3A_2281 = arith.select %eq3A_2271, %roll3A_2278, %roll3A_2280 : vector<8x6x128xi1>, vector<8x6x128xi32>
    %gt3A_2282 = arith.cmpi sgt, %select_n3A_2263, %select_n3A_2276 : vector<8x6x128xi32>
    %eq3A_2283 = arith.cmpi eq, %select_n3A_2263, %select_n3A_2276 : vector<8x6x128xi32>
    %lt3A_2284 = arith.cmpi slt, %select_n3A_2264, %select_n3A_2281 : vector<8x6x128xi32>
    %and3A_2285 = arith.andi %eq3A_2283, %lt3A_2284 : vector<8x6x128xi1>
    %or3A_2286 = arith.ori %gt3A_2282, %and3A_2285 : vector<8x6x128xi1>
    %eq3A_2287 = arith.xori %eq3A_2271, %lt3A_2204 : vector<8x6x128xi1>
    %eq3A_2288 = arith.constant dense<true> : vector<8x6x128xi1>
    %eq3A_2289 = arith.xori %eq3A_2287, %eq3A_2288 : vector<8x6x128xi1>
    %eq3A_2290 = arith.xori %or3A_2286, %eq3A_2289 : vector<8x6x128xi1>
    %eq3A_2291 = arith.constant dense<true> : vector<8x6x128xi1>
    %eq3A_2292 = arith.xori %eq3A_2290, %eq3A_2291 : vector<8x6x128xi1>
    %select_n3A_2293 = arith.select %eq3A_2292, %select_n3A_2263, %select_n3A_2276 : vector<8x6x128xi1>, vector<8x6x128xi32>
    %select_n3A_2294 = arith.select %eq3A_2292, %select_n3A_2264, %select_n3A_2281 : vector<8x6x128xi1>, vector<8x6x128xi32>
    %iota3A_2295 = tpu.iota {dimensions = array<i32: 2>} : vector<8x6x128xi32>
    %and3A_2296 = arith.constant 16 : i32
    %and3A_2297 = vector.broadcast %and3A_2296 : i32 to vector<8x6x128xi32>
    %and3A_2298 = arith.andi %iota3A_2295, %and3A_2297 : vector<8x6x128xi32>
    %eq3A_2299 = arith.constant 0 : i32
    %eq3A_2300 = vector.broadcast %eq3A_2299 : i32 to vector<8x6x128xi32>
    %eq3A_2301 = arith.cmpi eq, %and3A_2298, %eq3A_2300 : vector<8x6x128xi32>
    %roll3A_2302 = arith.constant 112 : i32
    %roll3A_2303 = tpu.dynamic_rotate %select_n3A_2293 by %roll3A_2302 dim 2 : vector<8x6x128xi32>, i32 -> vector<8x6x128xi32>
    %roll3A_2304 = arith.constant 16 : i32
    %roll3A_2305 = tpu.dynamic_rotate %select_n3A_2293 by %roll3A_2304 dim 2 : vector<8x6x128xi32>, i32 -> vector<8x6x128xi32>
    %select_n3A_2306 = arith.select %eq3A_2301, %roll3A_2303, %roll3A_2305 : vector<8x6x128xi1>, vector<8x6x128xi32>
    %roll3A_2307 = arith.constant 112 : i32
    %roll3A_2308 = tpu.dynamic_rotate %select_n3A_2294 by %roll3A_2307 dim 2 : vector<8x6x128xi32>, i32 -> vector<8x6x128xi32>
    %roll3A_2309 = arith.constant 16 : i32
    %roll3A_2310 = tpu.dynamic_rotate %select_n3A_2294 by %roll3A_2309 dim 2 : vector<8x6x128xi32>, i32 -> vector<8x6x128xi32>
    %select_n3A_2311 = arith.select %eq3A_2301, %roll3A_2308, %roll3A_2310 : vector<8x6x128xi1>, vector<8x6x128xi32>
    %gt3A_2312 = arith.cmpi sgt, %select_n3A_2293, %select_n3A_2306 : vector<8x6x128xi32>
    %eq3A_2313 = arith.cmpi eq, %select_n3A_2293, %select_n3A_2306 : vector<8x6x128xi32>
    %lt3A_2314 = arith.cmpi slt, %select_n3A_2294, %select_n3A_2311 : vector<8x6x128xi32>
    %and3A_2315 = arith.andi %eq3A_2313, %lt3A_2314 : vector<8x6x128xi1>
    %or3A_2316 = arith.ori %gt3A_2312, %and3A_2315 : vector<8x6x128xi1>
    %eq3A_2317 = arith.xori %eq3A_2301, %lt3A_2204 : vector<8x6x128xi1>
    %eq3A_2318 = arith.constant dense<true> : vector<8x6x128xi1>
    %eq3A_2319 = arith.xori %eq3A_2317, %eq3A_2318 : vector<8x6x128xi1>
    %eq3A_2320 = arith.xori %or3A_2316, %eq3A_2319 : vector<8x6x128xi1>
    %eq3A_2321 = arith.constant dense<true> : vector<8x6x128xi1>
    %eq3A_2322 = arith.xori %eq3A_2320, %eq3A_2321 : vector<8x6x128xi1>
    %select_n3A_2323 = arith.select %eq3A_2322, %select_n3A_2293, %select_n3A_2306 : vector<8x6x128xi1>, vector<8x6x128xi32>
    %select_n3A_2324 = arith.select %eq3A_2322, %select_n3A_2294, %select_n3A_2311 : vector<8x6x128xi1>, vector<8x6x128xi32>
    %iota3A_2325 = tpu.iota {dimensions = array<i32: 2>} : vector<8x6x128xi32>
    %and3A_2326 = arith.constant 8 : i32
    %and3A_2327 = vector.broadcast %and3A_2326 : i32 to vector<8x6x128xi32>
    %and3A_2328 = arith.andi %iota3A_2325, %and3A_2327 : vector<8x6x128xi32>
    %eq3A_2329 = arith.constant 0 : i32
    %eq3A_2330 = vector.broadcast %eq3A_2329 : i32 to vector<8x6x128xi32>
    %eq3A_2331 = arith.cmpi eq, %and3A_2328, %eq3A_2330 : vector<8x6x128xi32>
    %roll3A_2332 = arith.constant 120 : i32
    %roll3A_2333 = tpu.dynamic_rotate %select_n3A_2323 by %roll3A_2332 dim 2 : vector<8x6x128xi32>, i32 -> vector<8x6x128xi32>
    %roll3A_2334 = arith.constant 8 : i32
    %roll3A_2335 = tpu.dynamic_rotate %select_n3A_2323 by %roll3A_2334 dim 2 : vector<8x6x128xi32>, i32 -> vector<8x6x128xi32>
    %select_n3A_2336 = arith.select %eq3A_2331, %roll3A_2333, %roll3A_2335 : vector<8x6x128xi1>, vector<8x6x128xi32>
    %roll3A_2337 = arith.constant 120 : i32
    %roll3A_2338 = tpu.dynamic_rotate %select_n3A_2324 by %roll3A_2337 dim 2 : vector<8x6x128xi32>, i32 -> vector<8x6x128xi32>
    %roll3A_2339 = arith.constant 8 : i32
    %roll3A_2340 = tpu.dynamic_rotate %select_n3A_2324 by %roll3A_2339 dim 2 : vector<8x6x128xi32>, i32 -> vector<8x6x128xi32>
    %select_n3A_2341 = arith.select %eq3A_2331, %roll3A_2338, %roll3A_2340 : vector<8x6x128xi1>, vector<8x6x128xi32>
    %gt3A_2342 = arith.cmpi sgt, %select_n3A_2323, %select_n3A_2336 : vector<8x6x128xi32>
    %eq3A_2343 = arith.cmpi eq, %select_n3A_2323, %select_n3A_2336 : vector<8x6x128xi32>
    %lt3A_2344 = arith.cmpi slt, %select_n3A_2324, %select_n3A_2341 : vector<8x6x128xi32>
    %and3A_2345 = arith.andi %eq3A_2343, %lt3A_2344 : vector<8x6x128xi1>
    %or3A_2346 = arith.ori %gt3A_2342, %and3A_2345 : vector<8x6x128xi1>
    %eq3A_2347 = arith.xori %eq3A_2331, %lt3A_2204 : vector<8x6x128xi1>
    %eq3A_2348 = arith.constant dense<true> : vector<8x6x128xi1>
    %eq3A_2349 = arith.xori %eq3A_2347, %eq3A_2348 : vector<8x6x128xi1>
    %eq3A_2350 = arith.xori %or3A_2346, %eq3A_2349 : vector<8x6x128xi1>
    %eq3A_2351 = arith.constant dense<true> : vector<8x6x128xi1>
    %eq3A_2352 = arith.xori %eq3A_2350, %eq3A_2351 : vector<8x6x128xi1>
    %select_n3A_2353 = arith.select %eq3A_2352, %select_n3A_2323, %select_n3A_2336 : vector<8x6x128xi1>, vector<8x6x128xi32>
    %select_n3A_2354 = arith.select %eq3A_2352, %select_n3A_2324, %select_n3A_2341 : vector<8x6x128xi1>, vector<8x6x128xi32>
    %iota3A_2355 = tpu.iota {dimensions = array<i32: 2>} : vector<8x6x128xi32>
    %and3A_2356 = arith.constant 4 : i32
    %and3A_2357 = vector.broadcast %and3A_2356 : i32 to vector<8x6x128xi32>
    %and3A_2358 = arith.andi %iota3A_2355, %and3A_2357 : vector<8x6x128xi32>
    %eq3A_2359 = arith.constant 0 : i32
    %eq3A_2360 = vector.broadcast %eq3A_2359 : i32 to vector<8x6x128xi32>
    %eq3A_2361 = arith.cmpi eq, %and3A_2358, %eq3A_2360 : vector<8x6x128xi32>
    %roll3A_2362 = arith.constant 124 : i32
    %roll3A_2363 = tpu.dynamic_rotate %select_n3A_2353 by %roll3A_2362 dim 2 : vector<8x6x128xi32>, i32 -> vector<8x6x128xi32>
    %roll3A_2364 = arith.constant 4 : i32
    %roll3A_2365 = tpu.dynamic_rotate %select_n3A_2353 by %roll3A_2364 dim 2 : vector<8x6x128xi32>, i32 -> vector<8x6x128xi32>
    %select_n3A_2366 = arith.select %eq3A_2361, %roll3A_2363, %roll3A_2365 : vector<8x6x128xi1>, vector<8x6x128xi32>
    %roll3A_2367 = arith.constant 124 : i32
    %roll3A_2368 = tpu.dynamic_rotate %select_n3A_2354 by %roll3A_2367 dim 2 : vector<8x6x128xi32>, i32 -> vector<8x6x128xi32>
    %roll3A_2369 = arith.constant 4 : i32
    %roll3A_2370 = tpu.dynamic_rotate %select_n3A_2354 by %roll3A_2369 dim 2 : vector<8x6x128xi32>, i32 -> vector<8x6x128xi32>
    %select_n3A_2371 = arith.select %eq3A_2361, %roll3A_2368, %roll3A_2370 : vector<8x6x128xi1>, vector<8x6x128xi32>
    %gt3A_2372 = arith.cmpi sgt, %select_n3A_2353, %select_n3A_2366 : vector<8x6x128xi32>
    %eq3A_2373 = arith.cmpi eq, %select_n3A_2353, %select_n3A_2366 : vector<8x6x128xi32>
    %lt3A_2374 = arith.cmpi slt, %select_n3A_2354, %select_n3A_2371 : vector<8x6x128xi32>
    %and3A_2375 = arith.andi %eq3A_2373, %lt3A_2374 : vector<8x6x128xi1>
    %or3A_2376 = arith.ori %gt3A_2372, %and3A_2375 : vector<8x6x128xi1>
    %eq3A_2377 = arith.xori %eq3A_2361, %lt3A_2204 : vector<8x6x128xi1>
    %eq3A_2378 = arith.constant dense<true> : vector<8x6x128xi1>
    %eq3A_2379 = arith.xori %eq3A_2377, %eq3A_2378 : vector<8x6x128xi1>
    %eq3A_2380 = arith.xori %or3A_2376, %eq3A_2379 : vector<8x6x128xi1>
    %eq3A_2381 = arith.constant dense<true> : vector<8x6x128xi1>
    %eq3A_2382 = arith.xori %eq3A_2380, %eq3A_2381 : vector<8x6x128xi1>
    %select_n3A_2383 = arith.select %eq3A_2382, %select_n3A_2353, %select_n3A_2366 : vector<8x6x128xi1>, vector<8x6x128xi32>
    %select_n3A_2384 = arith.select %eq3A_2382, %select_n3A_2354, %select_n3A_2371 : vector<8x6x128xi1>, vector<8x6x128xi32>
    %iota3A_2385 = tpu.iota {dimensions = array<i32: 2>} : vector<8x6x128xi32>
    %and3A_2386 = arith.constant 2 : i32
    %and3A_2387 = vector.broadcast %and3A_2386 : i32 to vector<8x6x128xi32>
    %and3A_2388 = arith.andi %iota3A_2385, %and3A_2387 : vector<8x6x128xi32>
    %eq3A_2389 = arith.constant 0 : i32
    %eq3A_2390 = vector.broadcast %eq3A_2389 : i32 to vector<8x6x128xi32>
    %eq3A_2391 = arith.cmpi eq, %and3A_2388, %eq3A_2390 : vector<8x6x128xi32>
    %roll3A_2392 = arith.constant 126 : i32
    %roll3A_2393 = tpu.dynamic_rotate %select_n3A_2383 by %roll3A_2392 dim 2 : vector<8x6x128xi32>, i32 -> vector<8x6x128xi32>
    %roll3A_2394 = arith.constant 2 : i32
    %roll3A_2395 = tpu.dynamic_rotate %select_n3A_2383 by %roll3A_2394 dim 2 : vector<8x6x128xi32>, i32 -> vector<8x6x128xi32>
    %select_n3A_2396 = arith.select %eq3A_2391, %roll3A_2393, %roll3A_2395 : vector<8x6x128xi1>, vector<8x6x128xi32>
    %roll3A_2397 = arith.constant 126 : i32
    %roll3A_2398 = tpu.dynamic_rotate %select_n3A_2384 by %roll3A_2397 dim 2 : vector<8x6x128xi32>, i32 -> vector<8x6x128xi32>
    %roll3A_2399 = arith.constant 2 : i32
    %roll3A_2400 = tpu.dynamic_rotate %select_n3A_2384 by %roll3A_2399 dim 2 : vector<8x6x128xi32>, i32 -> vector<8x6x128xi32>
    %select_n3A_2401 = arith.select %eq3A_2391, %roll3A_2398, %roll3A_2400 : vector<8x6x128xi1>, vector<8x6x128xi32>
    %gt3A_2402 = arith.cmpi sgt, %select_n3A_2383, %select_n3A_2396 : vector<8x6x128xi32>
    %eq3A_2403 = arith.cmpi eq, %select_n3A_2383, %select_n3A_2396 : vector<8x6x128xi32>
    %lt3A_2404 = arith.cmpi slt, %select_n3A_2384, %select_n3A_2401 : vector<8x6x128xi32>
    %and3A_2405 = arith.andi %eq3A_2403, %lt3A_2404 : vector<8x6x128xi1>
    %or3A_2406 = arith.ori %gt3A_2402, %and3A_2405 : vector<8x6x128xi1>
    %eq3A_2407 = arith.xori %eq3A_2391, %lt3A_2204 : vector<8x6x128xi1>
    %eq3A_2408 = arith.constant dense<true> : vector<8x6x128xi1>
    %eq3A_2409 = arith.xori %eq3A_2407, %eq3A_2408 : vector<8x6x128xi1>
    %eq3A_2410 = arith.xori %or3A_2406, %eq3A_2409 : vector<8x6x128xi1>
    %eq3A_2411 = arith.constant dense<true> : vector<8x6x128xi1>
    %eq3A_2412 = arith.xori %eq3A_2410, %eq3A_2411 : vector<8x6x128xi1>
    %select_n3A_2413 = arith.select %eq3A_2412, %select_n3A_2383, %select_n3A_2396 : vector<8x6x128xi1>, vector<8x6x128xi32>
    %select_n3A_2414 = arith.select %eq3A_2412, %select_n3A_2384, %select_n3A_2401 : vector<8x6x128xi1>, vector<8x6x128xi32>
    %iota3A_2415 = tpu.iota {dimensions = array<i32: 2>} : vector<8x6x128xi32>
    %and3A_2416 = arith.constant 1 : i32
    %and3A_2417 = vector.broadcast %and3A_2416 : i32 to vector<8x6x128xi32>
    %and3A_2418 = arith.andi %iota3A_2415, %and3A_2417 : vector<8x6x128xi32>
    %eq3A_2419 = arith.constant 0 : i32
    %eq3A_2420 = vector.broadcast %eq3A_2419 : i32 to vector<8x6x128xi32>
    %eq3A_2421 = arith.cmpi eq, %and3A_2418, %eq3A_2420 : vector<8x6x128xi32>
    %roll3A_2422 = arith.constant 127 : i32
    %roll3A_2423 = tpu.dynamic_rotate %select_n3A_2413 by %roll3A_2422 dim 2 : vector<8x6x128xi32>, i32 -> vector<8x6x128xi32>
    %roll3A_2424 = arith.constant 1 : i32
    %roll3A_2425 = tpu.dynamic_rotate %select_n3A_2413 by %roll3A_2424 dim 2 : vector<8x6x128xi32>, i32 -> vector<8x6x128xi32>
    %select_n3A_2426 = arith.select %eq3A_2421, %roll3A_2423, %roll3A_2425 : vector<8x6x128xi1>, vector<8x6x128xi32>
    %roll3A_2427 = arith.constant 127 : i32
    %roll3A_2428 = tpu.dynamic_rotate %select_n3A_2414 by %roll3A_2427 dim 2 : vector<8x6x128xi32>, i32 -> vector<8x6x128xi32>
    %roll3A_2429 = arith.constant 1 : i32
    %roll3A_2430 = tpu.dynamic_rotate %select_n3A_2414 by %roll3A_2429 dim 2 : vector<8x6x128xi32>, i32 -> vector<8x6x128xi32>
    %select_n3A_2431 = arith.select %eq3A_2421, %roll3A_2428, %roll3A_2430 : vector<8x6x128xi1>, vector<8x6x128xi32>
    %gt3A_2432 = arith.cmpi sgt, %select_n3A_2413, %select_n3A_2426 : vector<8x6x128xi32>
    %eq3A_2433 = arith.cmpi eq, %select_n3A_2413, %select_n3A_2426 : vector<8x6x128xi32>
    %lt3A_2434 = arith.cmpi slt, %select_n3A_2414, %select_n3A_2431 : vector<8x6x128xi32>
    %and3A_2435 = arith.andi %eq3A_2433, %lt3A_2434 : vector<8x6x128xi1>
    %or3A_2436 = arith.ori %gt3A_2432, %and3A_2435 : vector<8x6x128xi1>
    %eq3A_2437 = arith.xori %eq3A_2421, %lt3A_2204 : vector<8x6x128xi1>
    %eq3A_2438 = arith.constant dense<true> : vector<8x6x128xi1>
    %eq3A_2439 = arith.xori %eq3A_2437, %eq3A_2438 : vector<8x6x128xi1>
    %eq3A_2440 = arith.xori %or3A_2436, %eq3A_2439 : vector<8x6x128xi1>
    %eq3A_2441 = arith.constant dense<true> : vector<8x6x128xi1>
    %eq3A_2442 = arith.xori %eq3A_2440, %eq3A_2441 : vector<8x6x128xi1>
    %select_n3A_2443 = arith.select %eq3A_2442, %select_n3A_2413, %select_n3A_2426 : vector<8x6x128xi1>, vector<8x6x128xi32>
    %select_n3A_2444 = arith.select %eq3A_2442, %select_n3A_2414, %select_n3A_2431 : vector<8x6x128xi1>, vector<8x6x128xi32>
    %broadcast_in_dim3A_2445 = arith.constant -2147483648 : i32
    %broadcast_in_dim3A_2446 = vector.broadcast %broadcast_in_dim3A_2445 : i32 to vector<8x2x128xi32>
    %concatenate3A_2447 = tpu.concatenate %select_n3A_2443, %broadcast_in_dim3A_2446 in 1 : vector<8x6x128xi32>, vector<8x2x128xi32> -> vector<8x8x128xi32>
    %broadcast_in_dim3A_2448 = arith.constant 0 : i32
    %broadcast_in_dim3A_2449 = vector.broadcast %broadcast_in_dim3A_2448 : i32 to vector<8x2x128xi32>
    %concatenate3A_2450 = tpu.concatenate %select_n3A_2444, %broadcast_in_dim3A_2449 in 1 : vector<8x6x128xi32>, vector<8x2x128xi32> -> vector<8x8x128xi32>
    %slice3A_2451 = vector.extract_strided_slice %concatenate3A_2447 {offsets = [0, 0, 0], sizes = [8, 4, 128], strides = [1, 1, 1]} : vector<8x8x128xi32> to vector<8x4x128xi32>
    %slice3A_2452 = vector.extract_strided_slice %concatenate3A_2450 {offsets = [0, 0, 0], sizes = [8, 4, 128], strides = [1, 1, 1]} : vector<8x8x128xi32> to vector<8x4x128xi32>
    %slice3A_2453 = vector.extract_strided_slice %concatenate3A_2447 {offsets = [0, 4, 0], sizes = [8, 4, 128], strides = [1, 1, 1]} : vector<8x8x128xi32> to vector<8x4x128xi32>
    %slice3A_2454 = vector.extract_strided_slice %concatenate3A_2450 {offsets = [0, 4, 0], sizes = [8, 4, 128], strides = [1, 1, 1]} : vector<8x8x128xi32> to vector<8x4x128xi32>
    %gt3A_2455 = arith.cmpi sgt, %slice3A_2451, %slice3A_2453 : vector<8x4x128xi32>
    %eq3A_2456 = arith.cmpi eq, %slice3A_2451, %slice3A_2453 : vector<8x4x128xi32>
    %lt3A_2457 = arith.cmpi slt, %slice3A_2452, %slice3A_2454 : vector<8x4x128xi32>
    %and3A_2458 = arith.andi %eq3A_2456, %lt3A_2457 : vector<8x4x128xi1>
    %or3A_2459 = arith.ori %gt3A_2455, %and3A_2458 : vector<8x4x128xi1>
    %select_n3A_2460 = arith.select %or3A_2459, %slice3A_2451, %slice3A_2453 : vector<8x4x128xi1>, vector<8x4x128xi32>
    %select_n3A_2461 = arith.select %or3A_2459, %slice3A_2452, %slice3A_2454 : vector<8x4x128xi1>, vector<8x4x128xi32>
    %iota3A_2462 = tpu.iota {dimensions = array<i32: 1>} : vector<8x4x128xi32>
    %lt3A_2463 = arith.constant 2 : i32
    %lt3A_2464 = vector.broadcast %lt3A_2463 : i32 to vector<8x4x128xi32>
    %lt3A_2465 = arith.cmpi slt, %iota3A_2462, %lt3A_2464 : vector<8x4x128xi32>
    %iota3A_2466 = tpu.iota {dimensions = array<i32: 1>} : vector<8x4x128xi32>
    %and3A_2467 = arith.constant 1 : i32
    %and3A_2468 = vector.broadcast %and3A_2467 : i32 to vector<8x4x128xi32>
    %and3A_2469 = arith.andi %iota3A_2466, %and3A_2468 : vector<8x4x128xi32>
    %eq3A_2470 = arith.constant 0 : i32
    %eq3A_2471 = vector.broadcast %eq3A_2470 : i32 to vector<8x4x128xi32>
    %eq3A_2472 = arith.cmpi eq, %and3A_2469, %eq3A_2471 : vector<8x4x128xi32>
    %roll3A_2473 = arith.constant 3 : i32
    %roll3A_2474 = tpu.dynamic_rotate %select_n3A_2460 by %roll3A_2473 dim 1 : vector<8x4x128xi32>, i32 -> vector<8x4x128xi32>
    %roll3A_2475 = arith.constant 1 : i32
    %roll3A_2476 = tpu.dynamic_rotate %select_n3A_2460 by %roll3A_2475 dim 1 : vector<8x4x128xi32>, i32 -> vector<8x4x128xi32>
    %select_n3A_2477 = arith.select %eq3A_2472, %roll3A_2474, %roll3A_2476 : vector<8x4x128xi1>, vector<8x4x128xi32>
    %roll3A_2478 = arith.constant 3 : i32
    %roll3A_2479 = tpu.dynamic_rotate %select_n3A_2461 by %roll3A_2478 dim 1 : vector<8x4x128xi32>, i32 -> vector<8x4x128xi32>
    %roll3A_2480 = arith.constant 1 : i32
    %roll3A_2481 = tpu.dynamic_rotate %select_n3A_2461 by %roll3A_2480 dim 1 : vector<8x4x128xi32>, i32 -> vector<8x4x128xi32>
    %select_n3A_2482 = arith.select %eq3A_2472, %roll3A_2479, %roll3A_2481 : vector<8x4x128xi1>, vector<8x4x128xi32>
    %gt3A_2483 = arith.cmpi sgt, %select_n3A_2460, %select_n3A_2477 : vector<8x4x128xi32>
    %eq3A_2484 = arith.cmpi eq, %select_n3A_2460, %select_n3A_2477 : vector<8x4x128xi32>
    %lt3A_2485 = arith.cmpi slt, %select_n3A_2461, %select_n3A_2482 : vector<8x4x128xi32>
    %and3A_2486 = arith.andi %eq3A_2484, %lt3A_2485 : vector<8x4x128xi1>
    %or3A_2487 = arith.ori %gt3A_2483, %and3A_2486 : vector<8x4x128xi1>
    %eq3A_2488 = arith.xori %eq3A_2472, %lt3A_2465 : vector<8x4x128xi1>
    %eq3A_2489 = arith.constant dense<true> : vector<8x4x128xi1>
    %eq3A_2490 = arith.xori %eq3A_2488, %eq3A_2489 : vector<8x4x128xi1>
    %eq3A_2491 = arith.xori %or3A_2487, %eq3A_2490 : vector<8x4x128xi1>
    %eq3A_2492 = arith.constant dense<true> : vector<8x4x128xi1>
    %eq3A_2493 = arith.xori %eq3A_2491, %eq3A_2492 : vector<8x4x128xi1>
    %select_n3A_2494 = arith.select %eq3A_2493, %select_n3A_2460, %select_n3A_2477 : vector<8x4x128xi1>, vector<8x4x128xi32>
    %select_n3A_2495 = arith.select %eq3A_2493, %select_n3A_2461, %select_n3A_2482 : vector<8x4x128xi1>, vector<8x4x128xi32>
    %iota3A_2496 = tpu.iota {dimensions = array<i32: 2>} : vector<8x4x128xi32>
    %and3A_2497 = arith.constant 64 : i32
    %and3A_2498 = vector.broadcast %and3A_2497 : i32 to vector<8x4x128xi32>
    %and3A_2499 = arith.andi %iota3A_2496, %and3A_2498 : vector<8x4x128xi32>
    %eq3A_2500 = arith.constant 0 : i32
    %eq3A_2501 = vector.broadcast %eq3A_2500 : i32 to vector<8x4x128xi32>
    %eq3A_2502 = arith.cmpi eq, %and3A_2499, %eq3A_2501 : vector<8x4x128xi32>
    %roll3A_2503 = arith.constant 64 : i32
    %roll3A_2504 = tpu.dynamic_rotate %select_n3A_2494 by %roll3A_2503 dim 2 : vector<8x4x128xi32>, i32 -> vector<8x4x128xi32>
    %roll3A_2505 = arith.constant 64 : i32
    %roll3A_2506 = tpu.dynamic_rotate %select_n3A_2494 by %roll3A_2505 dim 2 : vector<8x4x128xi32>, i32 -> vector<8x4x128xi32>
    %select_n3A_2507 = arith.select %eq3A_2502, %roll3A_2504, %roll3A_2506 : vector<8x4x128xi1>, vector<8x4x128xi32>
    %roll3A_2508 = arith.constant 64 : i32
    %roll3A_2509 = tpu.dynamic_rotate %select_n3A_2495 by %roll3A_2508 dim 2 : vector<8x4x128xi32>, i32 -> vector<8x4x128xi32>
    %roll3A_2510 = arith.constant 64 : i32
    %roll3A_2511 = tpu.dynamic_rotate %select_n3A_2495 by %roll3A_2510 dim 2 : vector<8x4x128xi32>, i32 -> vector<8x4x128xi32>
    %select_n3A_2512 = arith.select %eq3A_2502, %roll3A_2509, %roll3A_2511 : vector<8x4x128xi1>, vector<8x4x128xi32>
    %gt3A_2513 = arith.cmpi sgt, %select_n3A_2494, %select_n3A_2507 : vector<8x4x128xi32>
    %eq3A_2514 = arith.cmpi eq, %select_n3A_2494, %select_n3A_2507 : vector<8x4x128xi32>
    %lt3A_2515 = arith.cmpi slt, %select_n3A_2495, %select_n3A_2512 : vector<8x4x128xi32>
    %and3A_2516 = arith.andi %eq3A_2514, %lt3A_2515 : vector<8x4x128xi1>
    %or3A_2517 = arith.ori %gt3A_2513, %and3A_2516 : vector<8x4x128xi1>
    %eq3A_2518 = arith.xori %eq3A_2502, %lt3A_2465 : vector<8x4x128xi1>
    %eq3A_2519 = arith.constant dense<true> : vector<8x4x128xi1>
    %eq3A_2520 = arith.xori %eq3A_2518, %eq3A_2519 : vector<8x4x128xi1>
    %eq3A_2521 = arith.xori %or3A_2517, %eq3A_2520 : vector<8x4x128xi1>
    %eq3A_2522 = arith.constant dense<true> : vector<8x4x128xi1>
    %eq3A_2523 = arith.xori %eq3A_2521, %eq3A_2522 : vector<8x4x128xi1>
    %select_n3A_2524 = arith.select %eq3A_2523, %select_n3A_2494, %select_n3A_2507 : vector<8x4x128xi1>, vector<8x4x128xi32>
    %select_n3A_2525 = arith.select %eq3A_2523, %select_n3A_2495, %select_n3A_2512 : vector<8x4x128xi1>, vector<8x4x128xi32>
    %iota3A_2526 = tpu.iota {dimensions = array<i32: 2>} : vector<8x4x128xi32>
    %and3A_2527 = arith.constant 32 : i32
    %and3A_2528 = vector.broadcast %and3A_2527 : i32 to vector<8x4x128xi32>
    %and3A_2529 = arith.andi %iota3A_2526, %and3A_2528 : vector<8x4x128xi32>
    %eq3A_2530 = arith.constant 0 : i32
    %eq3A_2531 = vector.broadcast %eq3A_2530 : i32 to vector<8x4x128xi32>
    %eq3A_2532 = arith.cmpi eq, %and3A_2529, %eq3A_2531 : vector<8x4x128xi32>
    %roll3A_2533 = arith.constant 96 : i32
    %roll3A_2534 = tpu.dynamic_rotate %select_n3A_2524 by %roll3A_2533 dim 2 : vector<8x4x128xi32>, i32 -> vector<8x4x128xi32>
    %roll3A_2535 = arith.constant 32 : i32
    %roll3A_2536 = tpu.dynamic_rotate %select_n3A_2524 by %roll3A_2535 dim 2 : vector<8x4x128xi32>, i32 -> vector<8x4x128xi32>
    %select_n3A_2537 = arith.select %eq3A_2532, %roll3A_2534, %roll3A_2536 : vector<8x4x128xi1>, vector<8x4x128xi32>
    %roll3A_2538 = arith.constant 96 : i32
    %roll3A_2539 = tpu.dynamic_rotate %select_n3A_2525 by %roll3A_2538 dim 2 : vector<8x4x128xi32>, i32 -> vector<8x4x128xi32>
    %roll3A_2540 = arith.constant 32 : i32
    %roll3A_2541 = tpu.dynamic_rotate %select_n3A_2525 by %roll3A_2540 dim 2 : vector<8x4x128xi32>, i32 -> vector<8x4x128xi32>
    %select_n3A_2542 = arith.select %eq3A_2532, %roll3A_2539, %roll3A_2541 : vector<8x4x128xi1>, vector<8x4x128xi32>
    %gt3A_2543 = arith.cmpi sgt, %select_n3A_2524, %select_n3A_2537 : vector<8x4x128xi32>
    %eq3A_2544 = arith.cmpi eq, %select_n3A_2524, %select_n3A_2537 : vector<8x4x128xi32>
    %lt3A_2545 = arith.cmpi slt, %select_n3A_2525, %select_n3A_2542 : vector<8x4x128xi32>
    %and3A_2546 = arith.andi %eq3A_2544, %lt3A_2545 : vector<8x4x128xi1>
    %or3A_2547 = arith.ori %gt3A_2543, %and3A_2546 : vector<8x4x128xi1>
    %eq3A_2548 = arith.xori %eq3A_2532, %lt3A_2465 : vector<8x4x128xi1>
    %eq3A_2549 = arith.constant dense<true> : vector<8x4x128xi1>
    %eq3A_2550 = arith.xori %eq3A_2548, %eq3A_2549 : vector<8x4x128xi1>
    %eq3A_2551 = arith.xori %or3A_2547, %eq3A_2550 : vector<8x4x128xi1>
    %eq3A_2552 = arith.constant dense<true> : vector<8x4x128xi1>
    %eq3A_2553 = arith.xori %eq3A_2551, %eq3A_2552 : vector<8x4x128xi1>
    %select_n3A_2554 = arith.select %eq3A_2553, %select_n3A_2524, %select_n3A_2537 : vector<8x4x128xi1>, vector<8x4x128xi32>
    %select_n3A_2555 = arith.select %eq3A_2553, %select_n3A_2525, %select_n3A_2542 : vector<8x4x128xi1>, vector<8x4x128xi32>
    %iota3A_2556 = tpu.iota {dimensions = array<i32: 2>} : vector<8x4x128xi32>
    %and3A_2557 = arith.constant 16 : i32
    %and3A_2558 = vector.broadcast %and3A_2557 : i32 to vector<8x4x128xi32>
    %and3A_2559 = arith.andi %iota3A_2556, %and3A_2558 : vector<8x4x128xi32>
    %eq3A_2560 = arith.constant 0 : i32
    %eq3A_2561 = vector.broadcast %eq3A_2560 : i32 to vector<8x4x128xi32>
    %eq3A_2562 = arith.cmpi eq, %and3A_2559, %eq3A_2561 : vector<8x4x128xi32>
    %roll3A_2563 = arith.constant 112 : i32
    %roll3A_2564 = tpu.dynamic_rotate %select_n3A_2554 by %roll3A_2563 dim 2 : vector<8x4x128xi32>, i32 -> vector<8x4x128xi32>
    %roll3A_2565 = arith.constant 16 : i32
    %roll3A_2566 = tpu.dynamic_rotate %select_n3A_2554 by %roll3A_2565 dim 2 : vector<8x4x128xi32>, i32 -> vector<8x4x128xi32>
    %select_n3A_2567 = arith.select %eq3A_2562, %roll3A_2564, %roll3A_2566 : vector<8x4x128xi1>, vector<8x4x128xi32>
    %roll3A_2568 = arith.constant 112 : i32
    %roll3A_2569 = tpu.dynamic_rotate %select_n3A_2555 by %roll3A_2568 dim 2 : vector<8x4x128xi32>, i32 -> vector<8x4x128xi32>
    %roll3A_2570 = arith.constant 16 : i32
    %roll3A_2571 = tpu.dynamic_rotate %select_n3A_2555 by %roll3A_2570 dim 2 : vector<8x4x128xi32>, i32 -> vector<8x4x128xi32>
    %select_n3A_2572 = arith.select %eq3A_2562, %roll3A_2569, %roll3A_2571 : vector<8x4x128xi1>, vector<8x4x128xi32>
    %gt3A_2573 = arith.cmpi sgt, %select_n3A_2554, %select_n3A_2567 : vector<8x4x128xi32>
    %eq3A_2574 = arith.cmpi eq, %select_n3A_2554, %select_n3A_2567 : vector<8x4x128xi32>
    %lt3A_2575 = arith.cmpi slt, %select_n3A_2555, %select_n3A_2572 : vector<8x4x128xi32>
    %and3A_2576 = arith.andi %eq3A_2574, %lt3A_2575 : vector<8x4x128xi1>
    %or3A_2577 = arith.ori %gt3A_2573, %and3A_2576 : vector<8x4x128xi1>
    %eq3A_2578 = arith.xori %eq3A_2562, %lt3A_2465 : vector<8x4x128xi1>
    %eq3A_2579 = arith.constant dense<true> : vector<8x4x128xi1>
    %eq3A_2580 = arith.xori %eq3A_2578, %eq3A_2579 : vector<8x4x128xi1>
    %eq3A_2581 = arith.xori %or3A_2577, %eq3A_2580 : vector<8x4x128xi1>
    %eq3A_2582 = arith.constant dense<true> : vector<8x4x128xi1>
    %eq3A_2583 = arith.xori %eq3A_2581, %eq3A_2582 : vector<8x4x128xi1>
    %select_n3A_2584 = arith.select %eq3A_2583, %select_n3A_2554, %select_n3A_2567 : vector<8x4x128xi1>, vector<8x4x128xi32>
    %select_n3A_2585 = arith.select %eq3A_2583, %select_n3A_2555, %select_n3A_2572 : vector<8x4x128xi1>, vector<8x4x128xi32>
    %iota3A_2586 = tpu.iota {dimensions = array<i32: 2>} : vector<8x4x128xi32>
    %and3A_2587 = arith.constant 8 : i32
    %and3A_2588 = vector.broadcast %and3A_2587 : i32 to vector<8x4x128xi32>
    %and3A_2589 = arith.andi %iota3A_2586, %and3A_2588 : vector<8x4x128xi32>
    %eq3A_2590 = arith.constant 0 : i32
    %eq3A_2591 = vector.broadcast %eq3A_2590 : i32 to vector<8x4x128xi32>
    %eq3A_2592 = arith.cmpi eq, %and3A_2589, %eq3A_2591 : vector<8x4x128xi32>
    %roll3A_2593 = arith.constant 120 : i32
    %roll3A_2594 = tpu.dynamic_rotate %select_n3A_2584 by %roll3A_2593 dim 2 : vector<8x4x128xi32>, i32 -> vector<8x4x128xi32>
    %roll3A_2595 = arith.constant 8 : i32
    %roll3A_2596 = tpu.dynamic_rotate %select_n3A_2584 by %roll3A_2595 dim 2 : vector<8x4x128xi32>, i32 -> vector<8x4x128xi32>
    %select_n3A_2597 = arith.select %eq3A_2592, %roll3A_2594, %roll3A_2596 : vector<8x4x128xi1>, vector<8x4x128xi32>
    %roll3A_2598 = arith.constant 120 : i32
    %roll3A_2599 = tpu.dynamic_rotate %select_n3A_2585 by %roll3A_2598 dim 2 : vector<8x4x128xi32>, i32 -> vector<8x4x128xi32>
    %roll3A_2600 = arith.constant 8 : i32
    %roll3A_2601 = tpu.dynamic_rotate %select_n3A_2585 by %roll3A_2600 dim 2 : vector<8x4x128xi32>, i32 -> vector<8x4x128xi32>
    %select_n3A_2602 = arith.select %eq3A_2592, %roll3A_2599, %roll3A_2601 : vector<8x4x128xi1>, vector<8x4x128xi32>
    %gt3A_2603 = arith.cmpi sgt, %select_n3A_2584, %select_n3A_2597 : vector<8x4x128xi32>
    %eq3A_2604 = arith.cmpi eq, %select_n3A_2584, %select_n3A_2597 : vector<8x4x128xi32>
    %lt3A_2605 = arith.cmpi slt, %select_n3A_2585, %select_n3A_2602 : vector<8x4x128xi32>
    %and3A_2606 = arith.andi %eq3A_2604, %lt3A_2605 : vector<8x4x128xi1>
    %or3A_2607 = arith.ori %gt3A_2603, %and3A_2606 : vector<8x4x128xi1>
    %eq3A_2608 = arith.xori %eq3A_2592, %lt3A_2465 : vector<8x4x128xi1>
    %eq3A_2609 = arith.constant dense<true> : vector<8x4x128xi1>
    %eq3A_2610 = arith.xori %eq3A_2608, %eq3A_2609 : vector<8x4x128xi1>
    %eq3A_2611 = arith.xori %or3A_2607, %eq3A_2610 : vector<8x4x128xi1>
    %eq3A_2612 = arith.constant dense<true> : vector<8x4x128xi1>
    %eq3A_2613 = arith.xori %eq3A_2611, %eq3A_2612 : vector<8x4x128xi1>
    %select_n3A_2614 = arith.select %eq3A_2613, %select_n3A_2584, %select_n3A_2597 : vector<8x4x128xi1>, vector<8x4x128xi32>
    %select_n3A_2615 = arith.select %eq3A_2613, %select_n3A_2585, %select_n3A_2602 : vector<8x4x128xi1>, vector<8x4x128xi32>
    %iota3A_2616 = tpu.iota {dimensions = array<i32: 2>} : vector<8x4x128xi32>
    %and3A_2617 = arith.constant 4 : i32
    %and3A_2618 = vector.broadcast %and3A_2617 : i32 to vector<8x4x128xi32>
    %and3A_2619 = arith.andi %iota3A_2616, %and3A_2618 : vector<8x4x128xi32>
    %eq3A_2620 = arith.constant 0 : i32
    %eq3A_2621 = vector.broadcast %eq3A_2620 : i32 to vector<8x4x128xi32>
    %eq3A_2622 = arith.cmpi eq, %and3A_2619, %eq3A_2621 : vector<8x4x128xi32>
    %roll3A_2623 = arith.constant 124 : i32
    %roll3A_2624 = tpu.dynamic_rotate %select_n3A_2614 by %roll3A_2623 dim 2 : vector<8x4x128xi32>, i32 -> vector<8x4x128xi32>
    %roll3A_2625 = arith.constant 4 : i32
    %roll3A_2626 = tpu.dynamic_rotate %select_n3A_2614 by %roll3A_2625 dim 2 : vector<8x4x128xi32>, i32 -> vector<8x4x128xi32>
    %select_n3A_2627 = arith.select %eq3A_2622, %roll3A_2624, %roll3A_2626 : vector<8x4x128xi1>, vector<8x4x128xi32>
    %roll3A_2628 = arith.constant 124 : i32
    %roll3A_2629 = tpu.dynamic_rotate %select_n3A_2615 by %roll3A_2628 dim 2 : vector<8x4x128xi32>, i32 -> vector<8x4x128xi32>
    %roll3A_2630 = arith.constant 4 : i32
    %roll3A_2631 = tpu.dynamic_rotate %select_n3A_2615 by %roll3A_2630 dim 2 : vector<8x4x128xi32>, i32 -> vector<8x4x128xi32>
    %select_n3A_2632 = arith.select %eq3A_2622, %roll3A_2629, %roll3A_2631 : vector<8x4x128xi1>, vector<8x4x128xi32>
    %gt3A_2633 = arith.cmpi sgt, %select_n3A_2614, %select_n3A_2627 : vector<8x4x128xi32>
    %eq3A_2634 = arith.cmpi eq, %select_n3A_2614, %select_n3A_2627 : vector<8x4x128xi32>
    %lt3A_2635 = arith.cmpi slt, %select_n3A_2615, %select_n3A_2632 : vector<8x4x128xi32>
    %and3A_2636 = arith.andi %eq3A_2634, %lt3A_2635 : vector<8x4x128xi1>
    %or3A_2637 = arith.ori %gt3A_2633, %and3A_2636 : vector<8x4x128xi1>
    %eq3A_2638 = arith.xori %eq3A_2622, %lt3A_2465 : vector<8x4x128xi1>
    %eq3A_2639 = arith.constant dense<true> : vector<8x4x128xi1>
    %eq3A_2640 = arith.xori %eq3A_2638, %eq3A_2639 : vector<8x4x128xi1>
    %eq3A_2641 = arith.xori %or3A_2637, %eq3A_2640 : vector<8x4x128xi1>
    %eq3A_2642 = arith.constant dense<true> : vector<8x4x128xi1>
    %eq3A_2643 = arith.xori %eq3A_2641, %eq3A_2642 : vector<8x4x128xi1>
    %select_n3A_2644 = arith.select %eq3A_2643, %select_n3A_2614, %select_n3A_2627 : vector<8x4x128xi1>, vector<8x4x128xi32>
    %select_n3A_2645 = arith.select %eq3A_2643, %select_n3A_2615, %select_n3A_2632 : vector<8x4x128xi1>, vector<8x4x128xi32>
    %iota3A_2646 = tpu.iota {dimensions = array<i32: 2>} : vector<8x4x128xi32>
    %and3A_2647 = arith.constant 2 : i32
    %and3A_2648 = vector.broadcast %and3A_2647 : i32 to vector<8x4x128xi32>
    %and3A_2649 = arith.andi %iota3A_2646, %and3A_2648 : vector<8x4x128xi32>
    %eq3A_2650 = arith.constant 0 : i32
    %eq3A_2651 = vector.broadcast %eq3A_2650 : i32 to vector<8x4x128xi32>
    %eq3A_2652 = arith.cmpi eq, %and3A_2649, %eq3A_2651 : vector<8x4x128xi32>
    %roll3A_2653 = arith.constant 126 : i32
    %roll3A_2654 = tpu.dynamic_rotate %select_n3A_2644 by %roll3A_2653 dim 2 : vector<8x4x128xi32>, i32 -> vector<8x4x128xi32>
    %roll3A_2655 = arith.constant 2 : i32
    %roll3A_2656 = tpu.dynamic_rotate %select_n3A_2644 by %roll3A_2655 dim 2 : vector<8x4x128xi32>, i32 -> vector<8x4x128xi32>
    %select_n3A_2657 = arith.select %eq3A_2652, %roll3A_2654, %roll3A_2656 : vector<8x4x128xi1>, vector<8x4x128xi32>
    %roll3A_2658 = arith.constant 126 : i32
    %roll3A_2659 = tpu.dynamic_rotate %select_n3A_2645 by %roll3A_2658 dim 2 : vector<8x4x128xi32>, i32 -> vector<8x4x128xi32>
    %roll3A_2660 = arith.constant 2 : i32
    %roll3A_2661 = tpu.dynamic_rotate %select_n3A_2645 by %roll3A_2660 dim 2 : vector<8x4x128xi32>, i32 -> vector<8x4x128xi32>
    %select_n3A_2662 = arith.select %eq3A_2652, %roll3A_2659, %roll3A_2661 : vector<8x4x128xi1>, vector<8x4x128xi32>
    %gt3A_2663 = arith.cmpi sgt, %select_n3A_2644, %select_n3A_2657 : vector<8x4x128xi32>
    %eq3A_2664 = arith.cmpi eq, %select_n3A_2644, %select_n3A_2657 : vector<8x4x128xi32>
    %lt3A_2665 = arith.cmpi slt, %select_n3A_2645, %select_n3A_2662 : vector<8x4x128xi32>
    %and3A_2666 = arith.andi %eq3A_2664, %lt3A_2665 : vector<8x4x128xi1>
    %or3A_2667 = arith.ori %gt3A_2663, %and3A_2666 : vector<8x4x128xi1>
    %eq3A_2668 = arith.xori %eq3A_2652, %lt3A_2465 : vector<8x4x128xi1>
    %eq3A_2669 = arith.constant dense<true> : vector<8x4x128xi1>
    %eq3A_2670 = arith.xori %eq3A_2668, %eq3A_2669 : vector<8x4x128xi1>
    %eq3A_2671 = arith.xori %or3A_2667, %eq3A_2670 : vector<8x4x128xi1>
    %eq3A_2672 = arith.constant dense<true> : vector<8x4x128xi1>
    %eq3A_2673 = arith.xori %eq3A_2671, %eq3A_2672 : vector<8x4x128xi1>
    %select_n3A_2674 = arith.select %eq3A_2673, %select_n3A_2644, %select_n3A_2657 : vector<8x4x128xi1>, vector<8x4x128xi32>
    %select_n3A_2675 = arith.select %eq3A_2673, %select_n3A_2645, %select_n3A_2662 : vector<8x4x128xi1>, vector<8x4x128xi32>
    %iota3A_2676 = tpu.iota {dimensions = array<i32: 2>} : vector<8x4x128xi32>
    %and3A_2677 = arith.constant 1 : i32
    %and3A_2678 = vector.broadcast %and3A_2677 : i32 to vector<8x4x128xi32>
    %and3A_2679 = arith.andi %iota3A_2676, %and3A_2678 : vector<8x4x128xi32>
    %eq3A_2680 = arith.constant 0 : i32
    %eq3A_2681 = vector.broadcast %eq3A_2680 : i32 to vector<8x4x128xi32>
    %eq3A_2682 = arith.cmpi eq, %and3A_2679, %eq3A_2681 : vector<8x4x128xi32>
    %roll3A_2683 = arith.constant 127 : i32
    %roll3A_2684 = tpu.dynamic_rotate %select_n3A_2674 by %roll3A_2683 dim 2 : vector<8x4x128xi32>, i32 -> vector<8x4x128xi32>
    %roll3A_2685 = arith.constant 1 : i32
    %roll3A_2686 = tpu.dynamic_rotate %select_n3A_2674 by %roll3A_2685 dim 2 : vector<8x4x128xi32>, i32 -> vector<8x4x128xi32>
    %select_n3A_2687 = arith.select %eq3A_2682, %roll3A_2684, %roll3A_2686 : vector<8x4x128xi1>, vector<8x4x128xi32>
    %roll3A_2688 = arith.constant 127 : i32
    %roll3A_2689 = tpu.dynamic_rotate %select_n3A_2675 by %roll3A_2688 dim 2 : vector<8x4x128xi32>, i32 -> vector<8x4x128xi32>
    %roll3A_2690 = arith.constant 1 : i32
    %roll3A_2691 = tpu.dynamic_rotate %select_n3A_2675 by %roll3A_2690 dim 2 : vector<8x4x128xi32>, i32 -> vector<8x4x128xi32>
    %select_n3A_2692 = arith.select %eq3A_2682, %roll3A_2689, %roll3A_2691 : vector<8x4x128xi1>, vector<8x4x128xi32>
    %gt3A_2693 = arith.cmpi sgt, %select_n3A_2674, %select_n3A_2687 : vector<8x4x128xi32>
    %eq3A_2694 = arith.cmpi eq, %select_n3A_2674, %select_n3A_2687 : vector<8x4x128xi32>
    %lt3A_2695 = arith.cmpi slt, %select_n3A_2675, %select_n3A_2692 : vector<8x4x128xi32>
    %and3A_2696 = arith.andi %eq3A_2694, %lt3A_2695 : vector<8x4x128xi1>
    %or3A_2697 = arith.ori %gt3A_2693, %and3A_2696 : vector<8x4x128xi1>
    %eq3A_2698 = arith.xori %eq3A_2682, %lt3A_2465 : vector<8x4x128xi1>
    %eq3A_2699 = arith.constant dense<true> : vector<8x4x128xi1>
    %eq3A_2700 = arith.xori %eq3A_2698, %eq3A_2699 : vector<8x4x128xi1>
    %eq3A_2701 = arith.xori %or3A_2697, %eq3A_2700 : vector<8x4x128xi1>
    %eq3A_2702 = arith.constant dense<true> : vector<8x4x128xi1>
    %eq3A_2703 = arith.xori %eq3A_2701, %eq3A_2702 : vector<8x4x128xi1>
    %select_n3A_2704 = arith.select %eq3A_2703, %select_n3A_2674, %select_n3A_2687 : vector<8x4x128xi1>, vector<8x4x128xi32>
    %select_n3A_2705 = arith.select %eq3A_2703, %select_n3A_2675, %select_n3A_2692 : vector<8x4x128xi1>, vector<8x4x128xi32>
    %slice3A_2706 = vector.extract_strided_slice %select_n3A_2704 {offsets = [0, 0, 0], sizes = [8, 2, 128], strides = [1, 1, 1]} : vector<8x4x128xi32> to vector<8x2x128xi32>
    %slice3A_2707 = vector.extract_strided_slice %select_n3A_2705 {offsets = [0, 0, 0], sizes = [8, 2, 128], strides = [1, 1, 1]} : vector<8x4x128xi32> to vector<8x2x128xi32>
    %slice3A_2708 = vector.extract_strided_slice %select_n3A_2704 {offsets = [0, 2, 0], sizes = [8, 2, 128], strides = [1, 1, 1]} : vector<8x4x128xi32> to vector<8x2x128xi32>
    %slice3A_2709 = vector.extract_strided_slice %select_n3A_2705 {offsets = [0, 2, 0], sizes = [8, 2, 128], strides = [1, 1, 1]} : vector<8x4x128xi32> to vector<8x2x128xi32>
    %gt3A_2710 = arith.cmpi sgt, %slice3A_2706, %slice3A_2708 : vector<8x2x128xi32>
    %eq3A_2711 = arith.cmpi eq, %slice3A_2706, %slice3A_2708 : vector<8x2x128xi32>
    %lt3A_2712 = arith.cmpi slt, %slice3A_2707, %slice3A_2709 : vector<8x2x128xi32>
    %and3A_2713 = arith.andi %eq3A_2711, %lt3A_2712 : vector<8x2x128xi1>
    %or3A_2714 = arith.ori %gt3A_2710, %and3A_2713 : vector<8x2x128xi1>
    %select_n3A_2715 = arith.select %or3A_2714, %slice3A_2706, %slice3A_2708 : vector<8x2x128xi1>, vector<8x2x128xi32>
    %select_n3A_2716 = arith.select %or3A_2714, %slice3A_2707, %slice3A_2709 : vector<8x2x128xi1>, vector<8x2x128xi32>
    %iota3A_2717 = tpu.iota {dimensions = array<i32: 1>} : vector<8x2x128xi32>
    %lt3A_2718 = arith.constant 2 : i32
    %lt3A_2719 = vector.broadcast %lt3A_2718 : i32 to vector<8x2x128xi32>
    %lt3A_2720 = arith.cmpi slt, %iota3A_2717, %lt3A_2719 : vector<8x2x128xi32>
    %iota3A_2721 = tpu.iota {dimensions = array<i32: 1>} : vector<8x2x128xi32>
    %and3A_2722 = arith.constant 1 : i32
    %and3A_2723 = vector.broadcast %and3A_2722 : i32 to vector<8x2x128xi32>
    %and3A_2724 = arith.andi %iota3A_2721, %and3A_2723 : vector<8x2x128xi32>
    %eq3A_2725 = arith.constant 0 : i32
    %eq3A_2726 = vector.broadcast %eq3A_2725 : i32 to vector<8x2x128xi32>
    %eq3A_2727 = arith.cmpi eq, %and3A_2724, %eq3A_2726 : vector<8x2x128xi32>
    %roll3A_2728 = arith.constant 1 : i32
    %roll3A_2729 = tpu.dynamic_rotate %select_n3A_2715 by %roll3A_2728 dim 1 : vector<8x2x128xi32>, i32 -> vector<8x2x128xi32>
    %roll3A_2730 = arith.constant 1 : i32
    %roll3A_2731 = tpu.dynamic_rotate %select_n3A_2715 by %roll3A_2730 dim 1 : vector<8x2x128xi32>, i32 -> vector<8x2x128xi32>
    %select_n3A_2732 = arith.select %eq3A_2727, %roll3A_2729, %roll3A_2731 : vector<8x2x128xi1>, vector<8x2x128xi32>
    %roll3A_2733 = arith.constant 1 : i32
    %roll3A_2734 = tpu.dynamic_rotate %select_n3A_2716 by %roll3A_2733 dim 1 : vector<8x2x128xi32>, i32 -> vector<8x2x128xi32>
    %roll3A_2735 = arith.constant 1 : i32
    %roll3A_2736 = tpu.dynamic_rotate %select_n3A_2716 by %roll3A_2735 dim 1 : vector<8x2x128xi32>, i32 -> vector<8x2x128xi32>
    %select_n3A_2737 = arith.select %eq3A_2727, %roll3A_2734, %roll3A_2736 : vector<8x2x128xi1>, vector<8x2x128xi32>
    %gt3A_2738 = arith.cmpi sgt, %select_n3A_2715, %select_n3A_2732 : vector<8x2x128xi32>
    %eq3A_2739 = arith.cmpi eq, %select_n3A_2715, %select_n3A_2732 : vector<8x2x128xi32>
    %lt3A_2740 = arith.cmpi slt, %select_n3A_2716, %select_n3A_2737 : vector<8x2x128xi32>
    %and3A_2741 = arith.andi %eq3A_2739, %lt3A_2740 : vector<8x2x128xi1>
    %or3A_2742 = arith.ori %gt3A_2738, %and3A_2741 : vector<8x2x128xi1>
    %eq3A_2743 = arith.xori %eq3A_2727, %lt3A_2720 : vector<8x2x128xi1>
    %eq3A_2744 = arith.constant dense<true> : vector<8x2x128xi1>
    %eq3A_2745 = arith.xori %eq3A_2743, %eq3A_2744 : vector<8x2x128xi1>
    %eq3A_2746 = arith.xori %or3A_2742, %eq3A_2745 : vector<8x2x128xi1>
    %eq3A_2747 = arith.constant dense<true> : vector<8x2x128xi1>
    %eq3A_2748 = arith.xori %eq3A_2746, %eq3A_2747 : vector<8x2x128xi1>
    %select_n3A_2749 = arith.select %eq3A_2748, %select_n3A_2715, %select_n3A_2732 : vector<8x2x128xi1>, vector<8x2x128xi32>
    %select_n3A_2750 = arith.select %eq3A_2748, %select_n3A_2716, %select_n3A_2737 : vector<8x2x128xi1>, vector<8x2x128xi32>
    %iota3A_2751 = tpu.iota {dimensions = array<i32: 2>} : vector<8x2x128xi32>
    %and3A_2752 = arith.constant 64 : i32
    %and3A_2753 = vector.broadcast %and3A_2752 : i32 to vector<8x2x128xi32>
    %and3A_2754 = arith.andi %iota3A_2751, %and3A_2753 : vector<8x2x128xi32>
    %eq3A_2755 = arith.constant 0 : i32
    %eq3A_2756 = vector.broadcast %eq3A_2755 : i32 to vector<8x2x128xi32>
    %eq3A_2757 = arith.cmpi eq, %and3A_2754, %eq3A_2756 : vector<8x2x128xi32>
    %roll3A_2758 = arith.constant 64 : i32
    %roll3A_2759 = tpu.dynamic_rotate %select_n3A_2749 by %roll3A_2758 dim 2 : vector<8x2x128xi32>, i32 -> vector<8x2x128xi32>
    %roll3A_2760 = arith.constant 64 : i32
    %roll3A_2761 = tpu.dynamic_rotate %select_n3A_2749 by %roll3A_2760 dim 2 : vector<8x2x128xi32>, i32 -> vector<8x2x128xi32>
    %select_n3A_2762 = arith.select %eq3A_2757, %roll3A_2759, %roll3A_2761 : vector<8x2x128xi1>, vector<8x2x128xi32>
    %roll3A_2763 = arith.constant 64 : i32
    %roll3A_2764 = tpu.dynamic_rotate %select_n3A_2750 by %roll3A_2763 dim 2 : vector<8x2x128xi32>, i32 -> vector<8x2x128xi32>
    %roll3A_2765 = arith.constant 64 : i32
    %roll3A_2766 = tpu.dynamic_rotate %select_n3A_2750 by %roll3A_2765 dim 2 : vector<8x2x128xi32>, i32 -> vector<8x2x128xi32>
    %select_n3A_2767 = arith.select %eq3A_2757, %roll3A_2764, %roll3A_2766 : vector<8x2x128xi1>, vector<8x2x128xi32>
    %gt3A_2768 = arith.cmpi sgt, %select_n3A_2749, %select_n3A_2762 : vector<8x2x128xi32>
    %eq3A_2769 = arith.cmpi eq, %select_n3A_2749, %select_n3A_2762 : vector<8x2x128xi32>
    %lt3A_2770 = arith.cmpi slt, %select_n3A_2750, %select_n3A_2767 : vector<8x2x128xi32>
    %and3A_2771 = arith.andi %eq3A_2769, %lt3A_2770 : vector<8x2x128xi1>
    %or3A_2772 = arith.ori %gt3A_2768, %and3A_2771 : vector<8x2x128xi1>
    %eq3A_2773 = arith.xori %eq3A_2757, %lt3A_2720 : vector<8x2x128xi1>
    %eq3A_2774 = arith.constant dense<true> : vector<8x2x128xi1>
    %eq3A_2775 = arith.xori %eq3A_2773, %eq3A_2774 : vector<8x2x128xi1>
    %eq3A_2776 = arith.xori %or3A_2772, %eq3A_2775 : vector<8x2x128xi1>
    %eq3A_2777 = arith.constant dense<true> : vector<8x2x128xi1>
    %eq3A_2778 = arith.xori %eq3A_2776, %eq3A_2777 : vector<8x2x128xi1>
    %select_n3A_2779 = arith.select %eq3A_2778, %select_n3A_2749, %select_n3A_2762 : vector<8x2x128xi1>, vector<8x2x128xi32>
    %select_n3A_2780 = arith.select %eq3A_2778, %select_n3A_2750, %select_n3A_2767 : vector<8x2x128xi1>, vector<8x2x128xi32>
    %iota3A_2781 = tpu.iota {dimensions = array<i32: 2>} : vector<8x2x128xi32>
    %and3A_2782 = arith.constant 32 : i32
    %and3A_2783 = vector.broadcast %and3A_2782 : i32 to vector<8x2x128xi32>
    %and3A_2784 = arith.andi %iota3A_2781, %and3A_2783 : vector<8x2x128xi32>
    %eq3A_2785 = arith.constant 0 : i32
    %eq3A_2786 = vector.broadcast %eq3A_2785 : i32 to vector<8x2x128xi32>
    %eq3A_2787 = arith.cmpi eq, %and3A_2784, %eq3A_2786 : vector<8x2x128xi32>
    %roll3A_2788 = arith.constant 96 : i32
    %roll3A_2789 = tpu.dynamic_rotate %select_n3A_2779 by %roll3A_2788 dim 2 : vector<8x2x128xi32>, i32 -> vector<8x2x128xi32>
    %roll3A_2790 = arith.constant 32 : i32
    %roll3A_2791 = tpu.dynamic_rotate %select_n3A_2779 by %roll3A_2790 dim 2 : vector<8x2x128xi32>, i32 -> vector<8x2x128xi32>
    %select_n3A_2792 = arith.select %eq3A_2787, %roll3A_2789, %roll3A_2791 : vector<8x2x128xi1>, vector<8x2x128xi32>
    %roll3A_2793 = arith.constant 96 : i32
    %roll3A_2794 = tpu.dynamic_rotate %select_n3A_2780 by %roll3A_2793 dim 2 : vector<8x2x128xi32>, i32 -> vector<8x2x128xi32>
    %roll3A_2795 = arith.constant 32 : i32
    %roll3A_2796 = tpu.dynamic_rotate %select_n3A_2780 by %roll3A_2795 dim 2 : vector<8x2x128xi32>, i32 -> vector<8x2x128xi32>
    %select_n3A_2797 = arith.select %eq3A_2787, %roll3A_2794, %roll3A_2796 : vector<8x2x128xi1>, vector<8x2x128xi32>
    %gt3A_2798 = arith.cmpi sgt, %select_n3A_2779, %select_n3A_2792 : vector<8x2x128xi32>
    %eq3A_2799 = arith.cmpi eq, %select_n3A_2779, %select_n3A_2792 : vector<8x2x128xi32>
    %lt3A_2800 = arith.cmpi slt, %select_n3A_2780, %select_n3A_2797 : vector<8x2x128xi32>
    %and3A_2801 = arith.andi %eq3A_2799, %lt3A_2800 : vector<8x2x128xi1>
    %or3A_2802 = arith.ori %gt3A_2798, %and3A_2801 : vector<8x2x128xi1>
    %eq3A_2803 = arith.xori %eq3A_2787, %lt3A_2720 : vector<8x2x128xi1>
    %eq3A_2804 = arith.constant dense<true> : vector<8x2x128xi1>
    %eq3A_2805 = arith.xori %eq3A_2803, %eq3A_2804 : vector<8x2x128xi1>
    %eq3A_2806 = arith.xori %or3A_2802, %eq3A_2805 : vector<8x2x128xi1>
    %eq3A_2807 = arith.constant dense<true> : vector<8x2x128xi1>
    %eq3A_2808 = arith.xori %eq3A_2806, %eq3A_2807 : vector<8x2x128xi1>
    %select_n3A_2809 = arith.select %eq3A_2808, %select_n3A_2779, %select_n3A_2792 : vector<8x2x128xi1>, vector<8x2x128xi32>
    %select_n3A_2810 = arith.select %eq3A_2808, %select_n3A_2780, %select_n3A_2797 : vector<8x2x128xi1>, vector<8x2x128xi32>
    %iota3A_2811 = tpu.iota {dimensions = array<i32: 2>} : vector<8x2x128xi32>
    %and3A_2812 = arith.constant 16 : i32
    %and3A_2813 = vector.broadcast %and3A_2812 : i32 to vector<8x2x128xi32>
    %and3A_2814 = arith.andi %iota3A_2811, %and3A_2813 : vector<8x2x128xi32>
    %eq3A_2815 = arith.constant 0 : i32
    %eq3A_2816 = vector.broadcast %eq3A_2815 : i32 to vector<8x2x128xi32>
    %eq3A_2817 = arith.cmpi eq, %and3A_2814, %eq3A_2816 : vector<8x2x128xi32>
    %roll3A_2818 = arith.constant 112 : i32
    %roll3A_2819 = tpu.dynamic_rotate %select_n3A_2809 by %roll3A_2818 dim 2 : vector<8x2x128xi32>, i32 -> vector<8x2x128xi32>
    %roll3A_2820 = arith.constant 16 : i32
    %roll3A_2821 = tpu.dynamic_rotate %select_n3A_2809 by %roll3A_2820 dim 2 : vector<8x2x128xi32>, i32 -> vector<8x2x128xi32>
    %select_n3A_2822 = arith.select %eq3A_2817, %roll3A_2819, %roll3A_2821 : vector<8x2x128xi1>, vector<8x2x128xi32>
    %roll3A_2823 = arith.constant 112 : i32
    %roll3A_2824 = tpu.dynamic_rotate %select_n3A_2810 by %roll3A_2823 dim 2 : vector<8x2x128xi32>, i32 -> vector<8x2x128xi32>
    %roll3A_2825 = arith.constant 16 : i32
    %roll3A_2826 = tpu.dynamic_rotate %select_n3A_2810 by %roll3A_2825 dim 2 : vector<8x2x128xi32>, i32 -> vector<8x2x128xi32>
    %select_n3A_2827 = arith.select %eq3A_2817, %roll3A_2824, %roll3A_2826 : vector<8x2x128xi1>, vector<8x2x128xi32>
    %gt3A_2828 = arith.cmpi sgt, %select_n3A_2809, %select_n3A_2822 : vector<8x2x128xi32>
    %eq3A_2829 = arith.cmpi eq, %select_n3A_2809, %select_n3A_2822 : vector<8x2x128xi32>
    %lt3A_2830 = arith.cmpi slt, %select_n3A_2810, %select_n3A_2827 : vector<8x2x128xi32>
    %and3A_2831 = arith.andi %eq3A_2829, %lt3A_2830 : vector<8x2x128xi1>
    %or3A_2832 = arith.ori %gt3A_2828, %and3A_2831 : vector<8x2x128xi1>
    %eq3A_2833 = arith.xori %eq3A_2817, %lt3A_2720 : vector<8x2x128xi1>
    %eq3A_2834 = arith.constant dense<true> : vector<8x2x128xi1>
    %eq3A_2835 = arith.xori %eq3A_2833, %eq3A_2834 : vector<8x2x128xi1>
    %eq3A_2836 = arith.xori %or3A_2832, %eq3A_2835 : vector<8x2x128xi1>
    %eq3A_2837 = arith.constant dense<true> : vector<8x2x128xi1>
    %eq3A_2838 = arith.xori %eq3A_2836, %eq3A_2837 : vector<8x2x128xi1>
    %select_n3A_2839 = arith.select %eq3A_2838, %select_n3A_2809, %select_n3A_2822 : vector<8x2x128xi1>, vector<8x2x128xi32>
    %select_n3A_2840 = arith.select %eq3A_2838, %select_n3A_2810, %select_n3A_2827 : vector<8x2x128xi1>, vector<8x2x128xi32>
    %iota3A_2841 = tpu.iota {dimensions = array<i32: 2>} : vector<8x2x128xi32>
    %and3A_2842 = arith.constant 8 : i32
    %and3A_2843 = vector.broadcast %and3A_2842 : i32 to vector<8x2x128xi32>
    %and3A_2844 = arith.andi %iota3A_2841, %and3A_2843 : vector<8x2x128xi32>
    %eq3A_2845 = arith.constant 0 : i32
    %eq3A_2846 = vector.broadcast %eq3A_2845 : i32 to vector<8x2x128xi32>
    %eq3A_2847 = arith.cmpi eq, %and3A_2844, %eq3A_2846 : vector<8x2x128xi32>
    %roll3A_2848 = arith.constant 120 : i32
    %roll3A_2849 = tpu.dynamic_rotate %select_n3A_2839 by %roll3A_2848 dim 2 : vector<8x2x128xi32>, i32 -> vector<8x2x128xi32>
    %roll3A_2850 = arith.constant 8 : i32
    %roll3A_2851 = tpu.dynamic_rotate %select_n3A_2839 by %roll3A_2850 dim 2 : vector<8x2x128xi32>, i32 -> vector<8x2x128xi32>
    %select_n3A_2852 = arith.select %eq3A_2847, %roll3A_2849, %roll3A_2851 : vector<8x2x128xi1>, vector<8x2x128xi32>
    %roll3A_2853 = arith.constant 120 : i32
    %roll3A_2854 = tpu.dynamic_rotate %select_n3A_2840 by %roll3A_2853 dim 2 : vector<8x2x128xi32>, i32 -> vector<8x2x128xi32>
    %roll3A_2855 = arith.constant 8 : i32
    %roll3A_2856 = tpu.dynamic_rotate %select_n3A_2840 by %roll3A_2855 dim 2 : vector<8x2x128xi32>, i32 -> vector<8x2x128xi32>
    %select_n3A_2857 = arith.select %eq3A_2847, %roll3A_2854, %roll3A_2856 : vector<8x2x128xi1>, vector<8x2x128xi32>
    %gt3A_2858 = arith.cmpi sgt, %select_n3A_2839, %select_n3A_2852 : vector<8x2x128xi32>
    %eq3A_2859 = arith.cmpi eq, %select_n3A_2839, %select_n3A_2852 : vector<8x2x128xi32>
    %lt3A_2860 = arith.cmpi slt, %select_n3A_2840, %select_n3A_2857 : vector<8x2x128xi32>
    %and3A_2861 = arith.andi %eq3A_2859, %lt3A_2860 : vector<8x2x128xi1>
    %or3A_2862 = arith.ori %gt3A_2858, %and3A_2861 : vector<8x2x128xi1>
    %eq3A_2863 = arith.xori %eq3A_2847, %lt3A_2720 : vector<8x2x128xi1>
    %eq3A_2864 = arith.constant dense<true> : vector<8x2x128xi1>
    %eq3A_2865 = arith.xori %eq3A_2863, %eq3A_2864 : vector<8x2x128xi1>
    %eq3A_2866 = arith.xori %or3A_2862, %eq3A_2865 : vector<8x2x128xi1>
    %eq3A_2867 = arith.constant dense<true> : vector<8x2x128xi1>
    %eq3A_2868 = arith.xori %eq3A_2866, %eq3A_2867 : vector<8x2x128xi1>
    %select_n3A_2869 = arith.select %eq3A_2868, %select_n3A_2839, %select_n3A_2852 : vector<8x2x128xi1>, vector<8x2x128xi32>
    %select_n3A_2870 = arith.select %eq3A_2868, %select_n3A_2840, %select_n3A_2857 : vector<8x2x128xi1>, vector<8x2x128xi32>
    %iota3A_2871 = tpu.iota {dimensions = array<i32: 2>} : vector<8x2x128xi32>
    %and3A_2872 = arith.constant 4 : i32
    %and3A_2873 = vector.broadcast %and3A_2872 : i32 to vector<8x2x128xi32>
    %and3A_2874 = arith.andi %iota3A_2871, %and3A_2873 : vector<8x2x128xi32>
    %eq3A_2875 = arith.constant 0 : i32
    %eq3A_2876 = vector.broadcast %eq3A_2875 : i32 to vector<8x2x128xi32>
    %eq3A_2877 = arith.cmpi eq, %and3A_2874, %eq3A_2876 : vector<8x2x128xi32>
    %roll3A_2878 = arith.constant 124 : i32
    %roll3A_2879 = tpu.dynamic_rotate %select_n3A_2869 by %roll3A_2878 dim 2 : vector<8x2x128xi32>, i32 -> vector<8x2x128xi32>
    %roll3A_2880 = arith.constant 4 : i32
    %roll3A_2881 = tpu.dynamic_rotate %select_n3A_2869 by %roll3A_2880 dim 2 : vector<8x2x128xi32>, i32 -> vector<8x2x128xi32>
    %select_n3A_2882 = arith.select %eq3A_2877, %roll3A_2879, %roll3A_2881 : vector<8x2x128xi1>, vector<8x2x128xi32>
    %roll3A_2883 = arith.constant 124 : i32
    %roll3A_2884 = tpu.dynamic_rotate %select_n3A_2870 by %roll3A_2883 dim 2 : vector<8x2x128xi32>, i32 -> vector<8x2x128xi32>
    %roll3A_2885 = arith.constant 4 : i32
    %roll3A_2886 = tpu.dynamic_rotate %select_n3A_2870 by %roll3A_2885 dim 2 : vector<8x2x128xi32>, i32 -> vector<8x2x128xi32>
    %select_n3A_2887 = arith.select %eq3A_2877, %roll3A_2884, %roll3A_2886 : vector<8x2x128xi1>, vector<8x2x128xi32>
    %gt3A_2888 = arith.cmpi sgt, %select_n3A_2869, %select_n3A_2882 : vector<8x2x128xi32>
    %eq3A_2889 = arith.cmpi eq, %select_n3A_2869, %select_n3A_2882 : vector<8x2x128xi32>
    %lt3A_2890 = arith.cmpi slt, %select_n3A_2870, %select_n3A_2887 : vector<8x2x128xi32>
    %and3A_2891 = arith.andi %eq3A_2889, %lt3A_2890 : vector<8x2x128xi1>
    %or3A_2892 = arith.ori %gt3A_2888, %and3A_2891 : vector<8x2x128xi1>
    %eq3A_2893 = arith.xori %eq3A_2877, %lt3A_2720 : vector<8x2x128xi1>
    %eq3A_2894 = arith.constant dense<true> : vector<8x2x128xi1>
    %eq3A_2895 = arith.xori %eq3A_2893, %eq3A_2894 : vector<8x2x128xi1>
    %eq3A_2896 = arith.xori %or3A_2892, %eq3A_2895 : vector<8x2x128xi1>
    %eq3A_2897 = arith.constant dense<true> : vector<8x2x128xi1>
    %eq3A_2898 = arith.xori %eq3A_2896, %eq3A_2897 : vector<8x2x128xi1>
    %select_n3A_2899 = arith.select %eq3A_2898, %select_n3A_2869, %select_n3A_2882 : vector<8x2x128xi1>, vector<8x2x128xi32>
    %select_n3A_2900 = arith.select %eq3A_2898, %select_n3A_2870, %select_n3A_2887 : vector<8x2x128xi1>, vector<8x2x128xi32>
    %iota3A_2901 = tpu.iota {dimensions = array<i32: 2>} : vector<8x2x128xi32>
    %and3A_2902 = arith.constant 2 : i32
    %and3A_2903 = vector.broadcast %and3A_2902 : i32 to vector<8x2x128xi32>
    %and3A_2904 = arith.andi %iota3A_2901, %and3A_2903 : vector<8x2x128xi32>
    %eq3A_2905 = arith.constant 0 : i32
    %eq3A_2906 = vector.broadcast %eq3A_2905 : i32 to vector<8x2x128xi32>
    %eq3A_2907 = arith.cmpi eq, %and3A_2904, %eq3A_2906 : vector<8x2x128xi32>
    %roll3A_2908 = arith.constant 126 : i32
    %roll3A_2909 = tpu.dynamic_rotate %select_n3A_2899 by %roll3A_2908 dim 2 : vector<8x2x128xi32>, i32 -> vector<8x2x128xi32>
    %roll3A_2910 = arith.constant 2 : i32
    %roll3A_2911 = tpu.dynamic_rotate %select_n3A_2899 by %roll3A_2910 dim 2 : vector<8x2x128xi32>, i32 -> vector<8x2x128xi32>
    %select_n3A_2912 = arith.select %eq3A_2907, %roll3A_2909, %roll3A_2911 : vector<8x2x128xi1>, vector<8x2x128xi32>
    %roll3A_2913 = arith.constant 126 : i32
    %roll3A_2914 = tpu.dynamic_rotate %select_n3A_2900 by %roll3A_2913 dim 2 : vector<8x2x128xi32>, i32 -> vector<8x2x128xi32>
    %roll3A_2915 = arith.constant 2 : i32
    %roll3A_2916 = tpu.dynamic_rotate %select_n3A_2900 by %roll3A_2915 dim 2 : vector<8x2x128xi32>, i32 -> vector<8x2x128xi32>
    %select_n3A_2917 = arith.select %eq3A_2907, %roll3A_2914, %roll3A_2916 : vector<8x2x128xi1>, vector<8x2x128xi32>
    %gt3A_2918 = arith.cmpi sgt, %select_n3A_2899, %select_n3A_2912 : vector<8x2x128xi32>
    %eq3A_2919 = arith.cmpi eq, %select_n3A_2899, %select_n3A_2912 : vector<8x2x128xi32>
    %lt3A_2920 = arith.cmpi slt, %select_n3A_2900, %select_n3A_2917 : vector<8x2x128xi32>
    %and3A_2921 = arith.andi %eq3A_2919, %lt3A_2920 : vector<8x2x128xi1>
    %or3A_2922 = arith.ori %gt3A_2918, %and3A_2921 : vector<8x2x128xi1>
    %eq3A_2923 = arith.xori %eq3A_2907, %lt3A_2720 : vector<8x2x128xi1>
    %eq3A_2924 = arith.constant dense<true> : vector<8x2x128xi1>
    %eq3A_2925 = arith.xori %eq3A_2923, %eq3A_2924 : vector<8x2x128xi1>
    %eq3A_2926 = arith.xori %or3A_2922, %eq3A_2925 : vector<8x2x128xi1>
    %eq3A_2927 = arith.constant dense<true> : vector<8x2x128xi1>
    %eq3A_2928 = arith.xori %eq3A_2926, %eq3A_2927 : vector<8x2x128xi1>
    %select_n3A_2929 = arith.select %eq3A_2928, %select_n3A_2899, %select_n3A_2912 : vector<8x2x128xi1>, vector<8x2x128xi32>
    %select_n3A_2930 = arith.select %eq3A_2928, %select_n3A_2900, %select_n3A_2917 : vector<8x2x128xi1>, vector<8x2x128xi32>
    %iota3A_2931 = tpu.iota {dimensions = array<i32: 2>} : vector<8x2x128xi32>
    %and3A_2932 = arith.constant 1 : i32
    %and3A_2933 = vector.broadcast %and3A_2932 : i32 to vector<8x2x128xi32>
    %and3A_2934 = arith.andi %iota3A_2931, %and3A_2933 : vector<8x2x128xi32>
    %eq3A_2935 = arith.constant 0 : i32
    %eq3A_2936 = vector.broadcast %eq3A_2935 : i32 to vector<8x2x128xi32>
    %eq3A_2937 = arith.cmpi eq, %and3A_2934, %eq3A_2936 : vector<8x2x128xi32>
    %roll3A_2938 = arith.constant 127 : i32
    %roll3A_2939 = tpu.dynamic_rotate %select_n3A_2929 by %roll3A_2938 dim 2 : vector<8x2x128xi32>, i32 -> vector<8x2x128xi32>
    %roll3A_2940 = arith.constant 1 : i32
    %roll3A_2941 = tpu.dynamic_rotate %select_n3A_2929 by %roll3A_2940 dim 2 : vector<8x2x128xi32>, i32 -> vector<8x2x128xi32>
    %select_n3A_2942 = arith.select %eq3A_2937, %roll3A_2939, %roll3A_2941 : vector<8x2x128xi1>, vector<8x2x128xi32>
    %roll3A_2943 = arith.constant 127 : i32
    %roll3A_2944 = tpu.dynamic_rotate %select_n3A_2930 by %roll3A_2943 dim 2 : vector<8x2x128xi32>, i32 -> vector<8x2x128xi32>
    %roll3A_2945 = arith.constant 1 : i32
    %roll3A_2946 = tpu.dynamic_rotate %select_n3A_2930 by %roll3A_2945 dim 2 : vector<8x2x128xi32>, i32 -> vector<8x2x128xi32>
    %select_n3A_2947 = arith.select %eq3A_2937, %roll3A_2944, %roll3A_2946 : vector<8x2x128xi1>, vector<8x2x128xi32>
    %gt3A_2948 = arith.cmpi sgt, %select_n3A_2929, %select_n3A_2942 : vector<8x2x128xi32>
    %eq3A_2949 = arith.cmpi eq, %select_n3A_2929, %select_n3A_2942 : vector<8x2x128xi32>
    %lt3A_2950 = arith.cmpi slt, %select_n3A_2930, %select_n3A_2947 : vector<8x2x128xi32>
    %and3A_2951 = arith.andi %eq3A_2949, %lt3A_2950 : vector<8x2x128xi1>
    %or3A_2952 = arith.ori %gt3A_2948, %and3A_2951 : vector<8x2x128xi1>
    %eq3A_2953 = arith.xori %eq3A_2937, %lt3A_2720 : vector<8x2x128xi1>
    %eq3A_2954 = arith.constant dense<true> : vector<8x2x128xi1>
    %eq3A_2955 = arith.xori %eq3A_2953, %eq3A_2954 : vector<8x2x128xi1>
    %eq3A_2956 = arith.xori %or3A_2952, %eq3A_2955 : vector<8x2x128xi1>
    %eq3A_2957 = arith.constant dense<true> : vector<8x2x128xi1>
    %eq3A_2958 = arith.xori %eq3A_2956, %eq3A_2957 : vector<8x2x128xi1>
    %select_n3A_2959 = arith.select %eq3A_2958, %select_n3A_2929, %select_n3A_2942 : vector<8x2x128xi1>, vector<8x2x128xi32>
    %select_n3A_2960 = arith.select %eq3A_2958, %select_n3A_2930, %select_n3A_2947 : vector<8x2x128xi1>, vector<8x2x128xi32>
    %reshape3A = vector.shape_cast %select_n3A_2959 : vector<8x2x128xi32> to vector<8x256xi32>
    %reshape3A_2961 = vector.shape_cast %select_n3A_2960 : vector<8x2x128xi32> to vector<8x256xi32>
    %shift_right_arithmetic3A_2962 = arith.constant 31 : i32
    %shift_right_arithmetic3A_2963 = vector.broadcast %shift_right_arithmetic3A_2962 : i32 to vector<8x256xi32>
    %shift_right_arithmetic3A_2964 = arith.shrsi %reshape3A, %shift_right_arithmetic3A_2963 : vector<8x256xi32>
    %and3A_2965 = arith.constant 2147483647 : i32
    %and3A_2966 = vector.broadcast %and3A_2965 : i32 to vector<8x256xi32>
    %and3A_2967 = arith.andi %shift_right_arithmetic3A_2964, %and3A_2966 : vector<8x256xi32>
    %xor3A_2968 = arith.xori %reshape3A, %and3A_2967 : vector<8x256xi32>
    %bitcast_convert_type3A_2969 = tpu.bitcast %xor3A_2968 : vector<8x256xi32> -> vector<8x256xf32>
    %swap3A = arith.constant 0 : index
    %swap3A_2970 = arith.constant 0 : index
    %swap3A_2971 = vector.load %arg3[%swap3A, %swap3A_2970] : memref<8x256xf32, #tpu.memory_space<vmem>>, vector<8x256xf32>
    tpu.vector_store %arg3[%swap3A, %swap3A_2970], %bitcast_convert_type3A_2969 {strides = array<i32>} : memref<8x256xf32, #tpu.memory_space<vmem>>, vector<8x256xf32>,
    %mul3A_2972 = arith.constant 8 : i32
    %mul3A_2973 = arith.muli %arg0, %mul3A_2972 : i32
    %iota3A_2974 = tpu.iota {dimensions = array<i32: 0>} : vector<8x256xi32>
    %add3A_2975 = vector.broadcast %mul3A_2973 : i32 to vector<8x256xi32>
    %add3A_2976 = arith.addi %add3A_2975, %iota3A_2974 : vector<8x256xi32>
    %mul3A_2977 = arith.constant 20000 : i32
    %mul3A_2978 = vector.broadcast %mul3A_2977 : i32 to vector<8x256xi32>
    %mul3A_2979 = arith.muli %add3A_2976, %mul3A_2978 : vector<8x256xi32>
    %add3A_2980 = arith.addi %mul3A_2979, %reshape3A_2961 : vector<8x256xi32>
    %swap3A_2981 = arith.constant 0 : index
    %swap3A_2982 = arith.constant 0 : index
    %swap3A_2983 = vector.load %arg4[%swap3A_2981, %swap3A_2982] : memref<8x256xi32, #tpu.memory_space<vmem>>, vector<8x256xi32>
    tpu.vector_store %arg4[%swap3A_2981, %swap3A_2982], %add3A_2980 {strides = array<i32>} : memref<8x256xi32, #tpu.memory_space<vmem>>, vector<8x256xi32>,
    return
  }
  func.func @transform_0(%arg0: i32) -> (i32, i32, i32) {
    %c0_i32 = arith.constant 0 : i32
    %c0_i32_0 = arith.constant 0 : i32
    %c0_i32_1 = arith.constant 0 : i32
    return %arg0, %c0_i32, %c0_i32_0 : i32, i32, i32
  }
  func.func @transform_1(%arg0: i32) -> (i32, i32, i32) {
    %c0_i32 = arith.constant 0 : i32
    %c0_i32_0 = arith.constant 0 : i32
    %c0_i32_1 = arith.constant 0 : i32
    return %arg0, %c0_i32, %c0_i32_0 : i32, i32, i32
  }
  func.func @transform_2(%arg0: i32) -> (i32, i32) {
    %c0_i32 = arith.constant 0 : i32
    %c0_i32_0 = arith.constant 0 : i32
    return %arg0, %c0_i32 : i32, i32
  }
  func.func @transform_3(%arg0: i32) -> (i32, i32) {
    %c0_i32 = arith.constant 0 : i32
    %c0_i32_0 = arith.constant 0 : i32
    return %arg0, %c0_i32 : i32, i32
  }
}

module attributes {stable_mosaic.version = 14 : i64} {
  func.func @_mlp_body(%arg0: i32, %arg1: memref<8x256x16xf32, #tpu.memory_space<vmem>>, %arg2: memref<20x256xf32, #tpu.memory_space<vmem>>, %arg3: memref<1x256xf32, #tpu.memory_space<vmem>>, %arg4: memref<256x256xf32, #tpu.memory_space<vmem>>, %arg5: memref<1x256xf32, #tpu.memory_space<vmem>>, %arg6: memref<8x200x256xf32, #tpu.memory_space<vmem>>, %arg7: memref<8x200x3xf32, #tpu.memory_space<vmem>>) attributes {dimension_semantics = [#tpu.dimension_semantics<arbitrary>], iteration_bounds = array<i64: 8>, scalar_prefetch = 0 : i64, scratch_operands = 0 : i64, tpu.core_type = #tpu.core_type<tc>, window_params = [{transform_indices = @transform_0, window_bounds = array<i64: 8, 256, 16>}, {pipeline_mode = #tpu.pipeline_mode<synchronous>, transform_indices = @transform_1, window_bounds = array<i64: 20, 256>}, {pipeline_mode = #tpu.pipeline_mode<synchronous>, transform_indices = @transform_2, window_bounds = array<i64: 1, 256>}, {pipeline_mode = #tpu.pipeline_mode<synchronous>, transform_indices = @transform_3, window_bounds = array<i64: 256, 256>}, {pipeline_mode = #tpu.pipeline_mode<synchronous>, transform_indices = @transform_4, window_bounds = array<i64: 1, 256>}, {transform_indices = @transform_5, window_bounds = array<i64: 8, 200, 256>}, {transform_indices = @transform_6, window_bounds = array<i64: 8, 200, 3>}]} {
    %get3A = arith.constant 0 : index
    %get3A_0 = arith.constant 0 : index
    %get3A_1 = arith.constant 0 : index
    %get3A_2 = vector.load %arg1[%get3A, %get3A_0, %get3A_1] : memref<8x256x16xf32, #tpu.memory_space<vmem>>, vector<8x256x16xf32>
    %reshape3A = vector.shape_cast %get3A_2 : vector<8x256x16xf32> to vector<2048x16xf32>
    %slice3A = vector.extract_strided_slice %reshape3A {offsets = [0, 0], sizes = [2048, 9], strides = [1, 1]} : vector<2048x16xf32> to vector<2048x9xf32>
    %slice3A_3 = vector.extract_strided_slice %reshape3A {offsets = [0, 9], sizes = [2048, 1], strides = [1, 1]} : vector<2048x16xf32> to vector<2048x1xf32>
    %slice3A_4 = vector.extract_strided_slice %reshape3A {offsets = [0, 10], sizes = [2048, 1], strides = [1, 1]} : vector<2048x16xf32> to vector<2048x1xf32>
    %convert_element_type3A = arith.fptosi %slice3A_4 : vector<2048x1xf32> to vector<2048x1xi32>
    %iota3A = tpu.iota {dimensions = array<i32: 1>} : vector<2048x10xi32>
    %eq3A = vector.broadcast %convert_element_type3A : vector<2048x1xi32> to vector<2048x10xi32>
    %eq3A_5 = arith.cmpi eq, %eq3A, %iota3A : vector<2048x10xi32>
    %jit3A = arith.constant 1.000000e+00 : f32
    %jit3A_6 = arith.constant 0.000000e+00 : f32
    %broadcast_in_dim3A = vector.broadcast %jit3A : f32 to vector<2048x10xf32>
    %broadcast_in_dim3A_7 = vector.broadcast %jit3A_6 : f32 to vector<2048x10xf32>
    %select_n3A = arith.select %eq3A_5, %broadcast_in_dim3A, %broadcast_in_dim3A_7 : vector<2048x10xi1>, vector<2048x10xf32>
    %concatenate3A = tpu.concatenate %slice3A, %slice3A_3, %select_n3A in 1 : vector<2048x9xf32>, vector<2048x1xf32>, vector<2048x10xf32> -> vector<2048x20xf32>
    %get3A_8 = arith.constant 0 : index
    %get3A_9 = arith.constant 0 : index
    %get3A_10 = vector.load %arg2[%get3A_8, %get3A_9] : memref<20x256xf32, #tpu.memory_space<vmem>>, vector<20x256xf32>
    %dot_general3A = arith.constant dense<0.000000e+00> : vector<2048x256xf32>
    %dot_general3A_11 = tpu.matmul %concatenate3A, %get3A_10, %dot_general3A {dimension_numbers = #tpu.dot_dimension_numbers<[1], [0], [0], [1], [0, 0, 1, 1], [], []>, transpose_lhs_hint = false} : vector<2048x20xf32>, vector<20x256xf32>, vector<2048x256xf32> -> vector<2048x256xf32>
    %get3A_12 = arith.constant 0 : index
    %get3A_13 = arith.constant 0 : index
    %get3A_14 = vector.load %arg3[%get3A_12, %get3A_13] : memref<1x256xf32, #tpu.memory_space<vmem>>, vector<1x256xf32>
    %add3A = vector.broadcast %get3A_14 : vector<1x256xf32> to vector<2048x256xf32>
    %add3A_15 = arith.addf %dot_general3A_11, %add3A : vector<2048x256xf32>
    %max3A = arith.constant 0.000000e+00 : f32
    %max3A_16 = vector.broadcast %max3A : f32 to vector<2048x256xf32>
    %max3A_17 = arith.maximumf %add3A_15, %max3A_16 : vector<2048x256xf32>
    %get3A_18 = arith.constant 0 : index
    %get3A_19 = arith.constant 0 : index
    %get3A_20 = vector.load %arg4[%get3A_18, %get3A_19] : memref<256x256xf32, #tpu.memory_space<vmem>>, vector<256x256xf32>
    %dot_general3A_21 = arith.constant dense<0.000000e+00> : vector<2048x256xf32>
    %dot_general3A_22 = tpu.matmul %max3A_17, %get3A_20, %dot_general3A_21 {dimension_numbers = #tpu.dot_dimension_numbers<[1], [0], [0], [1], [0, 0, 1, 1], [], []>, transpose_lhs_hint = false} : vector<2048x256xf32>, vector<256x256xf32>, vector<2048x256xf32> -> vector<2048x256xf32>
    %get3A_23 = arith.constant 0 : index
    %get3A_24 = arith.constant 0 : index
    %get3A_25 = vector.load %arg5[%get3A_23, %get3A_24] : memref<1x256xf32, #tpu.memory_space<vmem>>, vector<1x256xf32>
    %add3A_26 = vector.broadcast %get3A_25 : vector<1x256xf32> to vector<2048x256xf32>
    %add3A_27 = arith.addf %dot_general3A_22, %add3A_26 : vector<2048x256xf32>
    %reshape3A_28 = vector.shape_cast %add3A_27 : vector<2048x256xf32> to vector<8x256x256xf32>
    %slice3A_29 = vector.extract_strided_slice %reshape3A_28 {offsets = [0, 0, 0], sizes = [8, 200, 256], strides = [1, 1, 1]} : vector<8x256x256xf32> to vector<8x200x256xf32>
    %swap3A = arith.constant 0 : index
    %swap3A_30 = arith.constant 0 : index
    %swap3A_31 = arith.constant 0 : index
    %swap3A_32 = vector.load %arg6[%swap3A, %swap3A_30, %swap3A_31] : memref<8x200x256xf32, #tpu.memory_space<vmem>>, vector<8x200x256xf32>
    tpu.vector_store %arg6[%swap3A, %swap3A_30, %swap3A_31], %slice3A_29 {strides = array<i32>} : memref<8x200x256xf32, #tpu.memory_space<vmem>>, vector<8x200x256xf32>,
    %reshape3A_33 = vector.shape_cast %slice3A : vector<2048x9xf32> to vector<8x256x9xf32>
    %slice3A_34 = vector.extract_strided_slice %reshape3A_33 {offsets = [0, 0, 0], sizes = [8, 200, 3], strides = [1, 1, 1]} : vector<8x256x9xf32> to vector<8x200x3xf32>
    %swap3A_35 = arith.constant 0 : index
    %swap3A_36 = arith.constant 0 : index
    %swap3A_37 = arith.constant 0 : index
    %swap3A_38 = vector.load %arg7[%swap3A_35, %swap3A_36, %swap3A_37] : memref<8x200x3xf32, #tpu.memory_space<vmem>>, vector<8x200x3xf32>
    tpu.vector_store %arg7[%swap3A_35, %swap3A_36, %swap3A_37], %slice3A_34 {strides = array<i32>} : memref<8x200x3xf32, #tpu.memory_space<vmem>>, vector<8x200x3xf32>,
    return
  }
  func.func @transform_0(%arg0: i32) -> (i32, i32, i32) {
    %c0_i32 = arith.constant 0 : i32
    %c0_i32_0 = arith.constant 0 : i32
    %c0_i32_1 = arith.constant 0 : i32
    return %arg0, %c0_i32, %c0_i32_0 : i32, i32, i32
  }
  func.func @transform_1(%arg0: i32) -> (i32, i32) {
    %c0_i32 = arith.constant 0 : i32
    %c0_i32_0 = arith.constant 0 : i32
    %c0_i32_1 = arith.constant 0 : i32
    return %c0_i32, %c0_i32_0 : i32, i32
  }
  func.func @transform_2(%arg0: i32) -> (i32, i32) {
    %c0_i32 = arith.constant 0 : i32
    %c0_i32_0 = arith.constant 0 : i32
    %c0_i32_1 = arith.constant 0 : i32
    return %c0_i32, %c0_i32_0 : i32, i32
  }
  func.func @transform_3(%arg0: i32) -> (i32, i32) {
    %c0_i32 = arith.constant 0 : i32
    %c0_i32_0 = arith.constant 0 : i32
    %c0_i32_1 = arith.constant 0 : i32
    return %c0_i32, %c0_i32_0 : i32, i32
  }
  func.func @transform_4(%arg0: i32) -> (i32, i32) {
    %c0_i32 = arith.constant 0 : i32
    %c0_i32_0 = arith.constant 0 : i32
    %c0_i32_1 = arith.constant 0 : i32
    return %c0_i32, %c0_i32_0 : i32, i32
  }
  func.func @transform_5(%arg0: i32) -> (i32, i32, i32) {
    %c0_i32 = arith.constant 0 : i32
    %c0_i32_0 = arith.constant 0 : i32
    %c0_i32_1 = arith.constant 0 : i32
    return %arg0, %c0_i32, %c0_i32_0 : i32, i32, i32
  }
  func.func @transform_6(%arg0: i32) -> (i32, i32, i32) {
    %c0_i32 = arith.constant 0 : i32
    %c0_i32_0 = arith.constant 0 : i32
    %c0_i32_1 = arith.constant 0 : i32
    return %arg0, %c0_i32, %c0_i32_0 : i32, i32, i32
  }
}

</mosaic_0001>

<sc_bundles>
// kernel: kernel.5.cloned.1.call-start
scs
__scs_entry_jumppad:
0x0: {  	(pc) =	sbr.rel $0x88, $3  }
0x1: {  	(tag) =	ssettag $0x0;
	lr =	simm.s32 $0x1  }
0x2: {  	[smem:$0x3F99] =	sst lr;
	_ =	strace $0xD0000000  }
0x3: {  	_ = 	snop  }
0x4: {  	_ = 	snop  }
0x5: {  	_ = 	snop  }
0x6: {  	_ = 	snop  }
0x7: {  	_ = 	snop  }
__scs_overlays_trampoline_lowered:
0x8: {  	[smem:$0x3FA8] =	sst s0  }
0x9: {  	[smem:$0x3FA9] =	sst s1  }
0xa: {  	[smem:$0x3FAA] =	sst s2  }
0xb: {  	[smem:$0x3FAB] =	sst s3  }
0xc: {  	[smem:$0x3FAC] =	sst s4  }
0xd: {  	[smem:$0x3FAD] =	sst s5  }
0xe: {  	[smem:$0x3FAE] =	sst s6  }
0xf: {  	[smem:$0x3FAF] =	sst s7  }
0x10: {  	[smem:$0x3FB0] =	sst s8  }
0x11: {  	[smem:$0x3FB1] =	sst s9;
	s0 =	simm.s32 @!p0 $0x0  }
0x12: {  	s1 =	sld [smem:$0x3F97];
	s0 =	simm.s32 @p0 $0x1  }
0x13: {  	[smem:$0x3FB2] =	sst s0;
	s0 =	simm.s32 @!p1 $0x0  }
0x14: {  	s2 =	sld [smem:$0x3F96];
	s0 =	simm.s32 @p1 $0x1  }
0x15: {  	[smem:$0x3FB3] =	sst s0;
	s0 =	simm.s32 @!p2 $0x0  }
0x16: {  	s3 =	sld [smem:$0x3FDB];
	s0 =	simm.s32 @p2 $0x1  }
0x17: {  	s4 =	simm.s32 $0x1BF5;
	[smem:$0x3FB5] =	sst s0  }
0x18: {  	s0 =	sld [smem:$0x3F98];
	_ =	swait.ge [sflag:s4], $0x0  }
0x19: {  	s7 =	sld [smem:$0x3F99]  }
0x1a: {  	s8 =	sadd.s32 $0xFFFFE003, lr  }
0x1b: {  	s9 =	sadd.s32 $0xFFFFFEF7, lr;
	s5 =	simm.s32 $0xFFFFFFFF;
	p2 =	slt.u32 s8, $0xFFFFF086  }
0x1c: {  	p1 =	slt.u32 s9, $0xF7A;
	s5 =	simm.s32 @!p2 $0x0  }
0x1d: {  	s5 =	simm.s32 @p1 $0x1;
	p0 =	seq.s32 s7, s2  }
0x1e: {  	s7 =	smul.u32 @!p0 $0xF7A, s2;
	p2 =	seq.s32 @!p0 s5, $0x0  }
0x1f: {  	s9 =	smul.u32 $0xF7A, s1;
	s8 =	simm.s32 @!p0 $0x1BF5;
	p2 =	por !p2, p0  }
0x20: {  	[sflag:s8] =	ssyncset.s32 @!p0 $0xFFFFF086;
	s6 =	sadd.s32 @!p0 s3, s7;
	s7 =	simm.s32 @!p0 $0x108  }
0x21: {  	s3 =	sadd.s32 s3, s9;
	s6 =	sadd.s32 @!p0 $0x88, s6;
	s7 =	simm.s32 @p2 $0x1082  }
0x22: {  	[simem:s7], [sflag:s8] =	dma.local @!p0 [hbm:s6], $0xF7A  }
0x23: {  	s9 =	sor.u32 $0xD0000000, s2;
	s6 =	simm.s32 $0x108;
	_ =	swait.ge @!p0 [sflag:s8], $0x0  }
0x24: {  	s3 =	sadd.s32 $0x88, s3;
	s6 =	simm.s32 @!p1 $0x1082;
	[sflag:s4] =	ssyncset.s32 $0xFFFFF086  }
0x25: {  	[simem:s6], [sflag:s4] =	dma.local [hbm:s3], $0xF7A  }
0x26: {  	[smem:$0x3F99] =	sst s1;
	(tag) =	ssettag s2;
	_ =	strace s9  }
0x27: {  	s1 =	sld [smem:$0x3FA9]  }
0x28: {  	s2 =	sld [smem:$0x3FAA]  }
0x29: {  	s4 =	sld [smem:$0x3FAC]  }
0x2a: {  	p0 =	seq.s32 s5, $0x0;
	s5 =	sld [smem:$0x3FAD]  }
0x2b: {  	s6 =	sld [smem:$0x3FAE]  }
0x2c: {  	s7 =	sld [smem:$0x3FAF]  }
0x2d: {  	s3 =	simm.s32 $0x108;
	s8 =	sld [smem:$0x3FB0]  }
0x2e: {  	s3 =	simm.s32 @!p0 $0x1082;
	s9 =	sld [smem:$0x3FB1]  }
0x2f: {  	lr =	sadd.s32 s0, s3;
	s0 =	sld [smem:$0x3FA8]  }
0x30: {  	s3 =	sld [smem:$0x3FAB]  }
0x31: {  	[smem:$0x3FB4] =	sst s10  }
0x32: {  	s10 =	sld [smem:$0x3FB2];
	_ =	sdelay $0x3  }
0x33: {  	p0 =	seq.s32 s10, $0x1;
	s10 =	sld [smem:$0x3FB4];
	_ =	sdelay $0x3  }
0x34: {  	[smem:$0x3FB4] =	sst s10  }
0x35: {  	s10 =	sld [smem:$0x3FB3];
	_ =	sdelay $0x3  }
0x36: {  	p1 =	seq.s32 s10, $0x1;
	s10 =	sld [smem:$0x3FB4];
	_ =	sdelay $0x3  }
0x37: {  	[smem:$0x3FB4] =	sst s10  }
0x38: {  	s10 =	sld [smem:$0x3FB5]  }
0x39: {  	_ = 	snop;
	(pc) =	sbr.ind lr, $3  }
0x3a: {  	_ = 	snop  }
0x3b: {  	_ = 	snop  }
0x3c: {  	p2 =	seq.s32 s10, $0x1;
	s10 =	sld [smem:$0x3FB4]  }
0x3d: {  	_ =	shalt  }
0x3e: {  	_ =	shalt  }
0x3f: {  	_ =	shalt  }
0x40: {  	_ =	shalt  }
0x41: {  	_ =	shalt  }
0x42: {  	_ =	shalt  }
0x43: {  	_ =	shalt  }
0x44: {  	_ =	shalt  }
0x45: {  	_ =	shalt  }
0x46: {  	_ =	shalt  }
0x47: {  	_ =	shalt  }
0x48: {  	_ =	shalt  }
0x49: {  	_ =	shalt  }
0x4a: {  	_ =	shalt  }
0x4b: {  	_ =	shalt  }
0x4c: {  	_ =	shalt  }
0x4d: {  	_ =	shalt  }
0x4e: {  	_ =	shalt  }
0x4f: {  	_ =	shalt  }
0x50: {  	_ =	shalt  }
0x51: {  	_ =	shalt  }
0x52: {  	_ =	shalt  }
0x53: {  	_ =	shalt  }
0x54: {  	_ =	shalt  }
0x55: {  	_ =	shalt  }
0x56: {  	_ =	shalt  }
0x57: {  	_ =	shalt  }
0x58: {  	_ =	shalt  }
0x59: {  	_ =	shalt  }
0x5a: {  	_ =	shalt  }
0x5b: {  	_ =	shalt  }
0x5c: {  	_ =	shalt  }
0x5d: {  	_ =	shalt  }
0x5e: {  	_ =	shalt  }
0x5f: {  	_ =	shalt  }
0x60: {  	_ =	shalt  }
0x61: {  	_ =	shalt  }
0x62: {  	_ =	shalt  }
0x63: {  	_ =	shalt  }
0x64: {  	_ =	shalt  }
0x65: {  	_ =	shalt  }
0x66: {  	_ =	shalt  }
0x67: {  	_ =	shalt  }
0x68: {  	_ =	shalt  }
0x69: {  	_ =	shalt  }
0x6a: {  	_ =	shalt  }
0x6b: {  	_ =	shalt  }
0x6c: {  	_ =	shalt  }
0x6d: {  	_ =	shalt  }
0x6e: {  	_ =	shalt  }
0x6f: {  	_ =	shalt  }
0x70: {  	_ =	shalt  }
0x71: {  	_ =	shalt  }
0x72: {  	_ =	shalt  }
0x73: {  	_ =	shalt  }
0x74: {  	_ =	shalt  }
0x75: {  	_ =	shalt  }
0x76: {  	_ =	shalt  }
0x77: {  	_ =	shalt  }
0x78: {  	_ =	shalt  }
0x79: {  	_ =	shalt  }
0x7a: {  	_ =	shalt  }
0x7b: {  	_ =	shalt  }
0x7c: {  	_ =	shalt  }
0x7d: {  	_ =	shalt  }
0x7e: {  	_ =	shalt  }
0x7f: {  	_ =	shalt  }
0x80: {  	_ =	shalt  }
0x81: {  	_ =	shalt  }
0x82: {  	_ =	shalt  }
0x83: {  	_ =	shalt  }
0x84: {  	_ =	shalt  }
0x85: {  	_ =	shalt  }
0x86: {  	_ =	shalt  }
0x87: {  	_ =	shalt  }
.Lfunc_end0:
.L_simem_size_0:
called_computation.1_lowered:
.L_overlay_start_0:
0x88: {  	s2 =	sld [smem:$0x3FD9]  }
0x89: {  	s3 =	sld [smem:$0x3FFE];
	_ =	sdelay $0x1  }
0x8a: {  	s1 =	srdreg.scid  }
0x8b: {  	s0 =	sand.u32 $0x1, s1  }
0x8c: {  	s14 =	sshll.u32 s0, $0xA;
	s2 =	sadd.s32 s3, s2  }
0x8d: {  	s2 =	sadd.s32 s2, s14  }
0x8e: {  	[smem:$0x3FC0] =	sst s2  }
0x8f: {  	_ = 	snop  }
0x90: {  	s2 =	sld [smem:$0x3FD0];
	_ =	sdelay $0x2  }
0x91: {  	s15 =	simm.s32 $0xA;
	s4 =	simm.s32 $0x10  }
0x92: {  	[smem:s4], [sflag:s15] =	dma.local [hbm:s2], $0x1  }
0x93: {  	_ =	swait.eq [sflag:s15], $0x1  }
0x94: {  	[sflag:s15] =	ssyncset.done $0x0  }
0x95: {  	s16 =	sld [smem:$0x10];
	[sflag:s15] =	ssyncadd.s32 $0xFFFFFFFF  }
0x96: {  	s17 =	sld [smem:$0x11];
	(tm) =	ssettm $0x1  }
0x97: {  	s18 =	sld [smem:$0x3FFB];
	_ =	sdelay $0x3  }
0x98: {  	_ =	strace s18  }
0x99: {  	s4 =	sld [smem:$0x3FFC];
	_ =	sdelay $0x3  }
0x9a: {  	_ =	strace s4  }
0x9b: {  	s4 =	sld [smem:$0x3FFD];
	_ =	sdelay $0x3  }
0x9c: {  	_ =	strace s4  }
0x9d: {  	_ =	strace $0x8FFFFFFF  }
0x9e: {  	s19 =	sld [smem:$0x3FDB];
	_ =	sdelay $0x1  }
0x9f: {  	s5 =	simm.s32 $_scs_section_size  }
0xa0: {  	s6 =	simm.s32 $_size__tile_overlayer_lowered;
	s7 =	simm.s32 $_tile_overlayer_lowered  }
0xa1: {  	s22 =	simm.s32 $0x1BFF;
	s21 =	sshll.u32 s7, $0x1;
	s4 =	sadd.s32 s5, s19  }
0xa2: {  	s8 =	simm.s32 $0x0;
	s20 =	sshll.u32 s6, $0x1;
	s6 =	sadd.s32 s21, s4  }
0xa3: {  	[timem:s8], [sflag:s22] =	dma.local [hbm:s6], s20  }
0xa4: {  	_ =	swait.ge [sflag:s22], s20  }
0xa5: {  	s5 =	ssub.s32 $0x0, s20;
	[sflag:s22] =	ssyncset.done $0x0  }
0xa6: {  	[sflag:s22] =	ssyncadd.s32 s5;
	_ =	sdelay $0x1  }
0xa7: {  	s23 =	simm.s32 $0x1B8B  }
0xa8: {  	_ =	swait.ge [sflag:s23], $0x1  }
0xa9: {  	[sflag:s23] =	ssyncset.done $0x0  }
0xaa: {  	s25 =	simm.s32 $0x1B8E;
	s24 =	sld [smem:$0x3FFE];
	[sflag:s23] =	ssyncadd.s32 $0xFFFFFFFF  }
0xab: {  	s26 =	simm.s32 $execute0_lowered;
	[smem:$0x3FD2] =	sst s25  }
0xac: {  	s6 =	sshll.u32 s26, $0x1;
	_ =	strace $0x80000049;
	[dreg:$0x1] =	wrdreg $0xFFFFFFFF  }
0xad: {  	s28 =	simm.s32 $_size_execute0_lowered;
	s4 =	sadd.s32 s4, s6;
	[dreg:$0x0] =	wrdreg $0x0  }
0xae: {  	s6 =	sshll.u32 s28, $0x1;
	[dreg:$0x2] =	wrdreg s4  }
0xaf: {  	[dreg:$0x3] =	wrdreg s6  }
0xb0: {  	[dreg:$0x4] =	wrdreg $0xC0  }
0xb1: {  	_ =	task [dreg:s8], $0x5FFFF  }
0xb2: {  	[dreg:$0x1] =	wrdreg $0xFFFFFFFF  }
0xb3: {  	[dreg:$0x0] =	wrdreg $0x60  }
0xb4: {  	[dreg:$0x2] =	wrdreg s24  }
0xb5: {  	[dreg:$0x3] =	wrdreg s17  }
0xb6: {  	[dreg:$0x4] =	wrdreg s16  }
0xb7: {  	[dreg:$0x5] =	wrdreg $0x9  }
0xb8: {  	_ =	task.clear_ibuf [dreg:s8], $0x6FFFF;
	_ =	strace $0x90000049  }
0xb9: {  	s29 =	simm.s32 $0x9;
	_ =	strace $0x8000004B  }
0xba: {  	_ =	swait.ge [sflag:s29], $0x1  }
0xbb: {  	[sflag:s29] =	ssyncadd.s32 $0xFFFFFFFF  }
0xbc: {  	_ =	strace $0x9000004B  }
0xbd: {  	_ =	sfence  }
0xbe: {  	s30 =	sld [smem:$0x0];
	_ =	sdelay $0x2  }
0xbf: {  	s31 =	sshll.u32 s1, $0xD;
	s1 =	sshrl.u32 s1, $0x2  }
0xc0: {  	s3 =	sand.u32 $0x4000, s31;
	s1 =	sadd.s32 s1, s30  }
0xc1: {  	s0 =	sor.u32 s3, s0;
	s1 =	sshll.u32 s1, $0x11  }
0xc2: {  	s0 =	sor.u32 s1, s0  }
0xc3: {  	s0 =	sadd.s32 $0x8F2B, s0  }
0xc4: {  	[sflag:s0] =	ssyncadd.remote.s32 $0x1  }
0xc5: {  	_ =	sfence.sel $0xFFFF  }
0xc6: {  	[dreg:$0x0] =	wrdreg $0xFFFFFFFF;
	(pc) =	sbr.abs _section_cstart, $3  }
0xc7: {  	[dreg:$0x1] =	wrdreg $0xFFFFFFFF  }
0xc8: {  	_ =	task.clear_ibuf [dreg:s8], $0x2FFFF;
	_ =	strace $0x9FFFFFFF  }
0xc9: {  	(tm) =	ssettm $0x7FFFFFFF  }
tec
execute0_lowered:
.L_overlay_start_1:
0x0: {  	(tag) =	ssettag $0x1  }
0x1: {  	s5 =	rddreg [dreg:$0x0];
	s1 =	srdreg.scid  }
0x2: {  	s3 =	rddreg [dreg:$0x1];
	s0 =	stileid.u32;
	s14 =	sand.u32 $0x1, s1  }
0x3: {  	s15 =	rddreg [dreg:$0x2];
	s4 =	sshll.u32 s0, $0xA;
	s6 =	sshll.u32 s14, $0x9  }
0x4: {  	s2 =	simm.s32 $0x0;
	s1 =	rddreg [dreg:$0x3];
	s16 =	sor.u32 s6, s4  }
0x5: {  	[smem:$0x7FF] =	sst s2;
	s4 =	sshrl.u32 s16, $0x3  }
0x6: {  	_ =	strace $0x8000004A;
	s4 =	sadd.s32 s3, s4;
	s3 =	simm.s32 $0x2  }
0x7: {  	[tilespmem:s2], [sflag:$0x2] =	stream.linear.gather [hbm4b:s4+s2], $0x200, $0x38;
	[tilespmem:$0x2200] =	vst v63  }
0x8: {  	_ =	swait.ge [sflag:s3], $0x200  }
0x9: {  	s7 =	simm.s32 $0x200;
	[sflag:s3] =	ssyncset.done $0x0  }
0xa: {  	s5 =	sadd.s32 $0x1C00, s5;
	s6 =	simm.s32 $0x80;
	[sflag:s3] =	ssyncadd.s32 $0xFFFFFE00  }
0xb: {  	[tilespmem:s7], [sflag:$0x1] =	stream.indirect.gather [hbm4b:s5+s6], $0x10, s2, s6, $0xb8;
	[tilespmem:$0x2200] =	vst v63  }
0xc: {  	s8 =	simm.s32 $0xA00  }
0xd: {  	[tilespmem:s8], [sflag:$0x1] =	stream.indirect.gather [hbm4b:s5+s6], $0x10, s6, s6, $0xb8;
	[tilespmem:$0x2200] =	vst v63  }
0xe: {  	s9 =	simm.s32 $0x100;
	s10 =	simm.s32 $0x1200  }
0xf: {  	[tilespmem:s10], [sflag:$0x1] =	stream.indirect.gather [hbm4b:s5+s6], $0x10, s9, s6, $0xb8;
	[tilespmem:$0x2200] =	vst v63  }
0x10: {  	s11 =	simm.s32 $0x180;
	s12 =	simm.s32 $0x1A00;
	s13 =	simm.s32 $0x1  }
0x11: {  	[tilespmem:s12], [sflag:$0x1] =	stream.indirect.gather [hbm4b:s5+s6], $0x10, s11, s6, $0xb8;
	[tilespmem:$0x2200] =	vst v63  }
0x12: {  	_ =	swait.ge [sflag:s13], $0x800  }
0x13: {  	[sflag:s13] =	ssyncset.done $0x0  }
0x14: {  	[sflag:s13] =	ssyncadd.s32 $0xFFFFF800  }
0x15: {  	_ =	swait.ge [sflag:s13], $0x800  }
0x16: {  	[sflag:s13] =	ssyncset.done $0x0  }
0x17: {  	s14 =	ssub.s32 $0x2, s14;
	[sflag:s13] =	ssyncadd.s32 $0xFFFFF800  }
0x18: {  	s17 =	sshrl.u32 s14, $0x1;
	_ =	swait.ge [sflag:s13], $0x800  }
0x19: {  	s17 =	ssub.s32 s14, s17;
	[sflag:s13] =	ssyncset.done $0x0  }
0x1a: {  	s31 =	smax.u32 s17, $0x1;
	[sflag:s13] =	ssyncadd.s32 $0xFFFFF800  }
0x1b: {  	p0 =	sne.s32 s31, $0x1;
	_ =	swait.ge [sflag:s13], $0x800  }
.Ltmp0:
0x1c: {  	s30 =	sshll.u32 s16, $0x1;
	[sflag:s13] =	ssyncset.done $0x0;
	(pc) =	sbr.rel @!p0 .LBB2_2-.Ltmp0, $4  }
0x1d: {  	s14 =	sadd.s32 s15, s30;
	[sflag:s13] =	ssyncadd.s32 $0xFFFFF800  }
0x1e: {  	[hbm4b:s14+s2] =	stream.linear.scatter [tilespmem:s7], [sflag:$0x2], $0x2000, $0x38;
	[tilespmem:$0x2200] =	vst v63  }
0x1f: {  	_ =	swait.ge [sflag:s3], $0x2000  }
0x20: {  	s15 =	sadd.s32 $0xFFFFFFFF, s31;
	[sflag:s3] =	ssyncset.done $0x0  }
.LBB2_1:
0x21: {  	p0 =	sne.s32 s15, $0x1;
	s15 =	sadd.s32 $0xFFFFFFFF, s15;
	[sflag:s3] =	ssyncadd.s32 $0xFFFFE000  }
0x22: {  	[tilespmem:s2], [sflag:$0x2] =	stream.linear.gather [hbm4b:s4+s2], $0x200, $0x38;
	[tilespmem:$0x2200] =	vst v63  }
0x23: {  	_ =	swait.ge [sflag:s3], $0x200  }
0x24: {  	[sflag:s3] =	ssyncset.done $0x0  }
0x25: {  	[sflag:s3] =	ssyncadd.s32 $0xFFFFFE00  }
0x26: {  	[tilespmem:s7], [sflag:$0x1] =	stream.indirect.gather [hbm4b:s5+s6], $0x10, s2, s6, $0xb8;
	[tilespmem:$0x2200] =	vst v63  }
0x27: {  	_ = 	snop  }
0x28: {  	[tilespmem:s8], [sflag:$0x1] =	stream.indirect.gather [hbm4b:s5+s6], $0x10, s6, s6, $0xb8;
	[tilespmem:$0x2200] =	vst v63  }
0x29: {  	_ = 	snop  }
0x2a: {  	[tilespmem:s10], [sflag:$0x1] =	stream.indirect.gather [hbm4b:s5+s6], $0x10, s9, s6, $0xb8;
	[tilespmem:$0x2200] =	vst v63  }
0x2b: {  	_ = 	snop  }
0x2c: {  	[tilespmem:s12], [sflag:$0x1] =	stream.indirect.gather [hbm4b:s5+s6], $0x10, s11, s6, $0xb8;
	[tilespmem:$0x2200] =	vst v63  }
0x2d: {  	_ =	swait.ge [sflag:s13], $0x800  }
0x2e: {  	[sflag:s13] =	ssyncset.done $0x0  }
0x2f: {  	[sflag:s13] =	ssyncadd.s32 $0xFFFFF800  }
0x30: {  	_ =	swait.ge [sflag:s13], $0x800  }
0x31: {  	[sflag:s13] =	ssyncset.done $0x0  }
0x32: {  	[sflag:s13] =	ssyncadd.s32 $0xFFFFF800  }
0x33: {  	_ =	swait.ge [sflag:s13], $0x800  }
0x34: {  	[sflag:s13] =	ssyncset.done $0x0  }
0x35: {  	[sflag:s13] =	ssyncadd.s32 $0xFFFFF800  }
0x36: {  	_ =	swait.ge [sflag:s13], $0x800  }
.Ltmp1:
0x37: {  	[sflag:s13] =	ssyncset.done $0x0;
	(pc) =	sbr.rel @p0 .LBB2_1-.Ltmp1, $4  }
0x38: {  	[sflag:s13] =	ssyncadd.s32 $0xFFFFF800  }
0x39: {  	[hbm4b:s14+s2] =	stream.linear.scatter [tilespmem:s7], [sflag:$0x2], $0x2000, $0x38;
	[tilespmem:$0x2200] =	vst v63  }
0x3a: {  	_ =	swait.ge [sflag:s3], $0x2000  }
0x3b: {  	[sflag:s3] =	ssyncset.done $0x0  }
.LBB2_2:
0x3c: {  	[sflag:s3] =	ssyncadd.s32 $0xFFFFE000  }
0x3d: {  	_ =	sfence.sel $0x180000  }
0x3e: {  	[bflag:$0x0] =	sbarrier.arrive $0xFFFF  }
0x3f: {  	p0 =	sne.s32 s0, $0x0;
	_ =	strace $0x9000004A  }
0x40: {  	s0 =	sadd.s32 @!p0 $0x100000, s1;
	[bflag:$0x2] =	sbarrier.arrive $0xFFFF  }
0x41: {  	[sflag:s0] =	ssyncadd.tile.s32 @!p0 $0x1;
	_ =	shalt  }
.Lfunc_end2:
_tile_overlayer_lowered:
.L_overlay_start_2:
0x42: {  	(tag) =	ssettag $0x2  }
0x43: {  	s0 =	rddreg [dreg:$0x0];
	s2 =	stileid.u32  }
0x44: {  	s1 =	rddreg [dreg:$0x1];
	p0 =	sne.s32 s2, $0x0  }
0x45: {  	s3 =	rddreg [dreg:$0x2];
	[bflag:$0x3] =	sbarrier.arrive $0xFFFF;
	s2 =	simm.s32 @!p0 $0x1C02  }
0x46: {  	[timem:s3], [sflag:s2] =	dma.local @!p0 [hbm:s0], s1  }
0x47: {  	s0 =	simm.s32 @!p0 $0x2  }
0x48: {  	_ =	swait.ge @!p0 [sflag:s0], s1  }
0x49: {  	s1 =	ssub.s32 @!p0 $0x0, s1;
	[sflag:s0] =	ssyncset.done @!p0 $0x0  }
0x4a: {  	[sflag:s0] =	ssyncadd.s32 @!p0 s1  }
0x4b: {  	[bflag:$0x3] =	sbarrier.arrive $0xFFFF  }
0x4c: {  	_ =	shalt  }

// kernel: sparse-core-data-format-call.cloned.1.call-start
scs
called_computation_lowered:
.L_overlay_start_0:
0x0: {  	s1 =	sld [smem:$0x3FD9]  }
0x1: {  	s2 =	sld [smem:$0x3FFE];
	_ =	sdelay $0x1  }
0x2: {  	s3 =	srdreg.scid  }
0x3: {  	s0 =	sand.u32 $0x1, s3  }
0x4: {  	s17 =	sshll.u32 s0, $0xA;
	s1 =	sadd.s32 s2, s1  }
0x5: {  	s1 =	sadd.s32 s1, s17  }
0x6: {  	[smem:$0x3FC0] =	sst s1  }
0x7: {  	_ = 	snop  }
0x8: {  	(tm) =	ssettm $0x1  }
0x9: {  	s18 =	sld [smem:$0x3FFB];
	_ =	sdelay $0x3  }
0xa: {  	_ =	strace s18  }
0xb: {  	s1 =	sld [smem:$0x3FFC];
	_ =	sdelay $0x3  }
0xc: {  	_ =	strace s1  }
0xd: {  	s1 =	sld [smem:$0x3FFD];
	_ =	sdelay $0x3  }
0xe: {  	_ =	strace s1  }
0xf: {  	_ =	strace $0x8FFFFFFF  }
0x10: {  	s19 =	sld [smem:$0x3FDB];
	_ =	sdelay $0x1  }
0x11: {  	s20 =	simm.s32 $_scs_section_size  }
0x12: {  	s4 =	simm.s32 $_size__tile_overlayer_lowered;
	s5 =	simm.s32 $_tile_overlayer_lowered  }
0x13: {  	s23 =	simm.s32 $0x1BFF;
	s22 =	sshll.u32 s5, $0x1;
	s1 =	sadd.s32 s20, s19  }
0x14: {  	s6 =	simm.s32 $0x0;
	s21 =	sshll.u32 s4, $0x1;
	s4 =	sadd.s32 s22, s1  }
0x15: {  	[timem:s6], [sflag:s23] =	dma.local [hbm:s4], s21  }
0x16: {  	_ =	swait.ge [sflag:s23], s21  }
0x17: {  	s2 =	ssub.s32 $0x0, s21;
	[sflag:s23] =	ssyncset.done $0x0  }
0x18: {  	[sflag:s23] =	ssyncadd.s32 s2;
	_ =	sdelay $0x1  }
0x19: {  	s24 =	simm.s32 $0x1B8B  }
0x1a: {  	_ =	swait.ge [sflag:s24], $0x1  }
0x1b: {  	[sflag:s24] =	ssyncset.done $0x0  }
0x1c: {  	s26 =	simm.s32 $0x1B8E;
	s25 =	sld [smem:$0x3FFE];
	[sflag:s24] =	ssyncadd.s32 $0xFFFFFFFF  }
0x1d: {  	s27 =	simm.s32 $execute0_lowered;
	[smem:$0x3FD2] =	sst s26  }
0x1e: {  	s4 =	sshll.u32 s27, $0x1;
	_ =	strace $0x80000046;
	[dreg:$0x1] =	wrdreg $0xFFFFFFFF  }
0x1f: {  	s28 =	simm.s32 $_size_execute0_lowered;
	s1 =	sadd.s32 s1, s4;
	[dreg:$0x0] =	wrdreg $0x0  }
0x20: {  	s4 =	sshll.u32 s28, $0x1;
	[dreg:$0x2] =	wrdreg s1  }
0x21: {  	[dreg:$0x3] =	wrdreg s4  }
0x22: {  	[dreg:$0x4] =	wrdreg $0xC0  }
0x23: {  	_ =	task [dreg:s6], $0x5FFFF  }
0x24: {  	[dreg:$0x1] =	wrdreg $0xFFFFFFFF  }
0x25: {  	[dreg:$0x0] =	wrdreg $0x60  }
0x26: {  	[dreg:$0x2] =	wrdreg s25  }
0x27: {  	[dreg:$0x3] =	wrdreg $0x9  }
0x28: {  	_ =	task.clear_ibuf [dreg:s6], $0x4FFFF;
	_ =	strace $0x90000046  }
0x29: {  	s29 =	simm.s32 $0x9;
	_ =	strace $0x80000048  }
0x2a: {  	_ =	swait.ge [sflag:s29], $0x1  }
0x2b: {  	[sflag:s29] =	ssyncadd.s32 $0xFFFFFFFF  }
0x2c: {  	_ =	strace $0x90000048  }
0x2d: {  	_ =	sfence  }
0x2e: {  	s30 =	sld [smem:$0x0];
	_ =	sdelay $0x2  }
0x2f: {  	s31 =	sshll.u32 s3, $0xD;
	s3 =	sshrl.u32 s3, $0x2  }
0x30: {  	s2 =	sand.u32 $0x4000, s31;
	s1 =	sadd.s32 s3, s30  }
0x31: {  	s0 =	sor.u32 s2, s0;
	s1 =	sshll.u32 s1, $0x11  }
0x32: {  	s0 =	sor.u32 s1, s0  }
0x33: {  	s0 =	sadd.s32 $0x8F2B, s0  }
0x34: {  	[sflag:s0] =	ssyncadd.remote.s32 $0x1  }
0x35: {  	_ =	sfence.sel $0xFFFF  }
0x36: {  	[dreg:$0x0] =	wrdreg $0xFFFFFFFF;
	(pc) =	sbr.abs _section_cstart, $3  }
0x37: {  	[dreg:$0x1] =	wrdreg $0xFFFFFFFF  }
0x38: {  	_ =	task.clear_ibuf [dreg:s6], $0x2FFFF;
	_ =	strace $0x9FFFFFFF  }
0x39: {  	(tm) =	ssettm $0x7FFFFFFF  }
tec
execute0_lowered:
.L_overlay_start_1:
0x0: {  	(tag) =	ssettag $0x1  }
0x1: {  	s0 =	srdreg.scid  }
0x2: {  	s2 =	stileid.u32;
	s0 =	sshll.u32 s0, $0x4  }
0x3: {  	s1 =	rddreg [dreg:$0x0];
	_ =	strace $0x80000047;
	s0 =	sand.u32 $0x10, s0  }
0x4: {  	s31 =	simm.s32 $0x1;
	s5 =	simm.s32 $0x2;
	s0 =	sor.u32 s2, s0  }
0x5: {  	s13 =	simm.s32 $0x0;
	s7 =	sadd.s32 $0x272C00, s1;
	s6 =	sshll.u32 s0, $0xA  }
0x6: {  	s10 =	simm.s32 $0x0;
	s1 =	sadd.s32 $0x4E3C00, s1;
	s0 =	ssub.s32 $0x138800, s6  }
0x7: {  	s11 =	simm.s32 $0x0;
	[dreg:$0x4] =	wrdreg s1;
	s4 =	sand.u32 $0x7C00, s0  }
.Ltmp0:
0x8: {  	p0 =	sne.s32 s4, $0x0;
	s4 =	simm.s32 $0x1;
	(pc) =	sbr.rel .LBB1_1-.Ltmp0, $4  }
0x9: {  	[dreg:$0x3] =	wrdreg s7;
	s0 =	sshrl.u32 s0, $0xF;
	s4 =	simm.s32 @!p0 $0x0  }
0xa: {  	[sflag:s31] =	ssyncpa.u1 $0x0;
	[dreg:$0x2] =	wrdreg s6;
	s8 =	sadd.s32 s4, s0  }
0xb: {  	[sflag:s5] =	ssyncpa.u1 $0x0;
	s9 =	sadd.s32 $0x1, s8;
	[dreg:$0x5] =	wrdreg s8  }
0xc: {  	s2 =	simm.s32 $0x0;
	s12 =	smov.u32 s6;
	[dreg:$0x6] =	wrdreg s9  }
.LBB1_7:
0xd: {  	s0 =	sadd.s32 $0x8000, s12  }
0xe: {  	s2 =	sadd.s32 $0x10, s10;
	s3 =	smov.u32 s10;
	p1 =	sgt.s32 s0, $0x1387FF  }
0xf: {  	s3 =	smov.u32 @p1 s2  }
0x10: {  	s0 =	smov.u32 @p1 s6;
	p1 =	sgt.s32 s3, $0xF  }
0x11: {  	s3 =	simm.s32 @p1 $0x0;
	p1 =	sne.s32 s11, s9  }
.Ltmp1:
0x12: {  	p0 =	slt.u32 s11, $0x2;
	(pc) =	sbr.rel @!p1 .LBB1_8-.Ltmp1, $4  }
0x13: {  	s1 =	simm.s32 @!p0 $0x2  }
0x14: {  	s13 =	smov.u32 s12;
	_ =	swait.ge @!p0 [sflag:s1], $0x4000  }
0x15: {  	s2 =	smov.u32 s10;
	[sflag:s1] =	ssyncset.done @!p0 $0x0;
	s12 =	smov.u32 s0  }
0x16: {  	s11 =	sadd.s32 $0x1, s11;
	[sflag:s1] =	ssyncadd.s32 @!p0 $0xFFFFC000;
	s10 =	smov.u32 s3  }
.LBB1_1:
0x17: {  	p0 =	sge.u32 s11, s8  }
0x18: {  	s0 =	sshrl.u32 @!p0 s10, $0x3  }
0x19: {  	s1 =	sshll.u32 @!p0 s12, $0x3;
	s4 =	sshll.u32 @!p0 s10, $0x7;
	s0 =	smul.u32 @!p0 $0x9C4000, s0  }
0x1a: {  	s5 =	sand.u32 @!p0 $0x7F, s12;
	s1 =	sand.u32 @!p0 $0xFFFFFC00, s1;
	s4 =	sand.u32 @!p0 $0x380, s4  }
0x1b: {  	s0 =	sadd.s32 @!p0 s0, s1;
	s1 =	sor.u32 @!p0 s5, s4  }
0x1c: {  	s1 =	sor.u32 @!p0 s0, s1  }
0x1d: {  	s4 =	smulhi.u32 @!p0 $0xD1B71759, s1;
	_ =	sdelay $0x1  }
0x1e: {  	s0 =	smulhi.u32 @!p0 $0xD1B71759, s0;
	s4 =	sshrl.u32 @!p0 s4, $0x14  }
0x1f: {  	s4 =	smul.u32 @!p0 $0x138800, s4  }
0x20: {  	s31 =	sadd.s32 $0xFFFFFFFF, s11;
	s5 =	sxor.u32 @!p0 $0xFFFFFFFF, s11;
	s0 =	sshrl.u32 @!p0 s0, $0x14  }
0x21: {  	s5 =	sshll.u32 @!p0 s5, $0xE;
	s0 =	sand.u32 @!p0 $0xF, s0;
	s1 =	ssub.s32 @!p0 s1, s4  }
0x22: {  	s0 =	smul.u32 @!p0 $0x27100, s0;
	s4 =	sshrl.u32 @!p0 s1, $0x3;
	s1 =	sand.u32 @!p0 $0x7, s1  }
0x23: {  	s5 =	sand.u32 @!p0 $0x4000, s5;
	s4 =	sadd.s32 @!p0 s7, s4;
	s1 =	sshll.u32 @!p0 s1, $0x12  }
0x24: {  	s0 =	sadd.s32 @!p0 s0, s4;
	s1 =	sor.u32 @!p0 $0x2000, s1;
	s4 =	simm.s32 @!p0 $0x9C4000  }
0x25: {  	[tilespmem:s5], [sflag:$0x1] =	stream.strided.gather @!p0 [hbm4b:s0+s1], $0x4000, s4, s1, $0x38;
	[tilespmem:$0x10800] =	vst v63  }
0x26: {  	p0 =	sge.u32 s31, s8  }
.Ltmp2:
0x27: {  	_ = 	snop;
	(pc) =	sbr.rel @p0 .LBB1_7-.Ltmp2, $1  }
0x28: {  	_ =	sdelay $0x3  }
0x29: {  	[dreg:$0x9] =	wrdreg s13  }
0x2a: {  	[dreg:$0x8] =	wrdreg s2;
	s0 =	sand.u32 $0x1, s11  }
0x2b: {  	[dreg:$0x7] =	wrdreg s12;
	s31 =	simm.s32 $0x1;
	s1 =	smul.u32 $0x11000, s0  }
0x2c: {  	_ =	swait.ge [sflag:s31], $0x4000  }
0x2d: {  	s16 =	simm.s32 $0x0;
	[sflag:s31] =	ssyncset.done $0x0;
	s1 =	sshrl.u32 s1, $0x2  }
0x2e: {  	s15 =	sshll.u32 s0, $0xE;
	[sflag:s31] =	ssyncadd.s32 $0xFFFFC000;
	s14 =	sor.u32 $0x8000, s1  }
.LBB1_3:
0x2f: {  	s0 =	sshll.u32 s16, $0xA  }
0x30: {  	s1 =	sshll.u32 s16, $0x7;
	s0 =	sand.u32 $0x2000, s0  }
0x31: {  	s1 =	sand.u32 $0x380, s1;
	s0 =	sadd.s32 s0, s15  }
0x32: {  	s0 =	sadd.s32 s1, s0  }
0x33: {  	s17 =	sadd.s32 s16, s14;
	p0 =	por $0x1, $0x1;
	s18 =	simm.s32 $0x0;
	v0 =	vmov s0  }
.LBB1_4:
0x34: {  	s0 =	smul.u32 $0x44, s18;
	s1 =	sshll.u32 s18, $0x3;
	s4 =	sor.u32 $0x80, s18  }
0x35: {  	s9 =	sor.u32 $0x90, s18;
	s22 =	sor.u32 $0xA0, s18;
	s25 =	sor.u32 $0xB0, s18  }
0x36: {  	s2 =	sor.u32 $0xC0, s18;
	s3 =	sor.u32 $0xD0, s18;
	s7 =	smul.u32 $0x44, s4  }
0x37: {  	p1 =	por p0, p0;
	s29 =	sand.u32 $0x3FFFFFF8, s1;
	s13 =	smul.u32 $0x44, s9  }
0x38: {  	s8 =	sshll.u32 s4, $0x3;
	s21 =	sshll.u32 s9, $0x3;
	s5 =	smul.u32 $0x44, s22  }
0x39: {  	s24 =	sshll.u32 s22, $0x3;
	s27 =	smul.u32 $0x44, s25;
	s28 =	sshll.u32 s25, $0x3  }
0x3a: {  	s4 =	sshll.u32 s2, $0x3;
	s25 =	smul.u32 $0x44, s3;
	s0 =	sshra.s32 s0, $0x2  }
0x3b: {  	s30 =	sand.u32 $0x3FFFFFF8, s8;
	s31 =	sand.u32 $0x1400, s21;
	s1 =	sand.u32 $0x1400, s24  }
0x3c: {  	s24 =	smul.u32 $0x44, s2;
	s8 =	sand.u32 $0x1400, s4;
	s0 =	sadd.s32 s0, s14  }
0x3d: {  	s12 =	sshra.s32 s7, $0x2;
	s23 =	sshra.s32 s13, $0x2;
	s26 =	sshra.s32 s5, $0x2  }
0x3e: {  	s5 =	sshra.s32 s27, $0x2;
	s7 =	sshll.u32 s3, $0x3;
	s9 =	sshra.s32 s25, $0x2  }
0x3f: {  	s3 =	sor.u32 $0x100, s18;
	v55 =	vld.idx.msk [tilespmem:v0+s31+$0x10 ss:$0x1], $0xffff;
	s31 =	sor.u32 $0x140, s18;
	s19 =	sadd.s32 s16, s0  }
0x40: {  	s20 =	sadd.s32 s12, s17;
	s21 =	sadd.s32 s23, s17;
	s22 =	sadd.s32 s26, s17  }
0x41: {  	s0 =	sand.u32 $0x1400, s28;
	s23 =	sadd.s32 s5, s17;
	s6 =	sshra.s32 s24, $0x2  }
0x42: {  	v1 =	vld.idx.msk [tilespmem:v0+s29+$0x0 ss:$0x1], $0xffff;
	s26 =	sor.u32 $0xE0, s18;
	s5 =	sand.u32 $0x1400, s7;
	s25 =	sadd.s32 s9, s17  }
0x43: {  	v2 =	vld.idx.msk [tilespmem:v0+s29+$0x10 ss:$0x1], $0xffff;
	s28 =	sor.u32 $0xF0, s18;
	s24 =	sadd.s32 s6, s17;
	s27 =	smul.u32 $0x44, s26  }
0x44: {  	v3 =	vld.idx.msk [tilespmem:v0+s29+$0x20 ss:$0x1], $0xffff;
	s12 =	sshll.u32 s26, $0x3;
	s2 =	smul.u32 $0x44, s28;
	s28 =	sshll.u32 s28, $0x3  }
0x45: {  	s6 =	smul.u32 $0x44, s3;
	s3 =	sshll.u32 s3, $0x3;
	s4 =	sand.u32 $0x1400, s12  }
0x46: {  	v4 =	vld.idx.msk [tilespmem:v0+s29+$0x30 ss:$0x1], $0xffff;
	s7 =	sand.u32 $0x1400, s28;
	s3 =	sand.u32 $0x3FFFFFF8, s3;
	s13 =	sshra.s32 s27, $0x2  }
0x47: {  	v5 =	vld.idx.msk [tilespmem:v0+s29+$0x40 ss:$0x1], $0xffff;
	s27 =	sshra.s32 s2, $0x2;
	s2 =	sor.u32 $0x110, s18;
	s28 =	sshra.s32 s6, $0x2;
	[tilespmem:s19+$0x0 ss:$0x11] =	vst.msk $0xffff, v1  }
0x48: {  	v1 =	vld.idx.msk [tilespmem:v0+s29+$0x50 ss:$0x1], $0xffff;
	[tilespmem:s19+$0x110 ss:$0x11] =	vst.msk $0xffff, v2;
	s26 =	sadd.s32 s13, s17;
	s27 =	sadd.s32 s27, s17;
	s6 =	smul.u32 $0x44, s2  }
0x49: {  	v2 =	vld.idx.msk [tilespmem:v0+s29+$0x60 ss:$0x1], $0xffff;
	[tilespmem:s19+$0x220 ss:$0x11] =	vst.msk $0xffff, v3;
	s28 =	sadd.s32 s28, s17;
	s2 =	sshll.u32 s2, $0x3;
	s13 =	sor.u32 $0x120, s18  }
0x4a: {  	v3 =	vld.idx.msk [tilespmem:v0+s29+$0x70 ss:$0x1], $0xffff;
	[tilespmem:s21+$0x0 ss:$0x11] =	vst.msk $0xffff, v55;
	s21 =	sor.u32 $0x170, s18;
	s2 =	sand.u32 $0x1800, s2;
	s12 =	smul.u32 $0x44, s13  }
0x4b: {  	v54 =	vld.idx.msk [tilespmem:v0+s30+$0x0 ss:$0x1], $0xffff;
	[tilespmem:s19+$0x330 ss:$0x11] =	vst.msk $0xffff, v4;
	s9 =	sshll.u32 s13, $0x3;
	s13 =	sor.u32 $0x130, s18;
	s6 =	sshra.s32 s6, $0x2  }
0x4c: {  	[tilespmem:s19+$0x440 ss:$0x11] =	vst.msk $0xffff, v5;
	s29 =	sadd.s32 s6, s17;
	s6 =	sand.u32 $0x1800, s9;
	s12 =	sshra.s32 s12, $0x2  }
0x4d: {  	s9 =	smul.u32 $0x44, s13;
	s13 =	sshll.u32 s13, $0x3;
	s30 =	sadd.s32 s12, s17;
	[tilespmem:s19+$0x550 ss:$0x11] =	vst.msk $0xffff, v1;
	v1 =	vld.idx.msk [tilespmem:v0+s1+$0x20 ss:$0x1], $0xffff  }
0x4e: {  	s1 =	sand.u32 $0x1800, s13;
	s12 =	smul.u32 $0x44, s31;
	[tilespmem:s19+$0x660 ss:$0x11] =	vst.msk $0xffff, v2;
	v2 =	vld.idx.msk [tilespmem:v0+s0+$0x30 ss:$0x1], $0xffff;
	s13 =	sshll.u32 s31, $0x3  }
0x4f: {  	s31 =	sor.u32 $0x150, s18;
	[tilespmem:s19+$0x770 ss:$0x11] =	vst.msk $0xffff, v3;
	v3 =	vld.idx.msk [tilespmem:v0+s8+$0x40 ss:$0x1], $0xffff;
	s9 =	sshra.s32 s9, $0x2;
	s8 =	sand.u32 $0x1800, s13  }
0x50: {  	v56 =	vld.idx.msk [tilespmem:v0+s5+$0x50 ss:$0x1], $0xffff;
	[tilespmem:s20+$0x0 ss:$0x11] =	vst.msk $0xffff, v54;
	s19 =	smul.u32 $0x44, s31;
	s20 =	sshll.u32 s31, $0x3;
	s31 =	sor.u32 $0x160, s18  }
0x51: {  	v57 =	vld.idx.msk [tilespmem:v0+s4+$0x60 ss:$0x1], $0xffff;
	s0 =	sadd.s32 s9, s17;
	s12 =	sshra.s32 s12, $0x2;
	s4 =	sand.u32 $0x1800, s20  }
0x52: {  	s5 =	sadd.s32 s12, s17;
	s12 =	sshra.s32 s19, $0x2;
	s19 =	smul.u32 $0x44, s31  }
0x53: {  	s20 =	sshll.u32 s31, $0x3;
	s31 =	sor.u32 $0x180, s18;
	[tilespmem:s22+$0x0 ss:$0x11] =	vst.msk $0xffff, v1;
	v1 =	vld.idx.msk [tilespmem:v0+s7+$0x70 ss:$0x1], $0xffff;
	s7 =	sadd.s32 s12, s17  }
0x54: {  	[tilespmem:s23+$0x0 ss:$0x11] =	vst.msk $0xffff, v2;
	v2 =	vld.idx.msk [tilespmem:v0+s3+$0x0 ss:$0x1], $0xffff;
	s3 =	sand.u32 $0x1800, s20;
	s22 =	sshra.s32 s19, $0x2;
	s23 =	smul.u32 $0x44, s21  }
0x55: {  	[tilespmem:s24+$0x0 ss:$0x11] =	vst.msk $0xffff, v3;
	v3 =	vld.idx.msk [tilespmem:v0+s2+$0x10 ss:$0x1], $0xffff;
	s24 =	sshll.u32 s21, $0x3;
	s20 =	smul.u32 $0x44, s31;
	s21 =	sshll.u32 s31, $0x3  }
0x56: {  	[tilespmem:s25+$0x0 ss:$0x11] =	vst.msk $0xffff, v56;
	v58 =	vld.idx.msk [tilespmem:v0+s6+$0x20 ss:$0x1], $0xffff;
	s2 =	sadd.s32 s22, s17;
	s6 =	sand.u32 $0x1800, s24;
	s22 =	sor.u32 $0x190, s18  }
0x57: {  	[tilespmem:s26+$0x0 ss:$0x11] =	vst.msk $0xffff, v57;
	v59 =	vld.idx.msk [tilespmem:v0+s1+$0x30 ss:$0x1], $0xffff;
	s19 =	sshra.s32 s23, $0x2;
	s23 =	sand.u32 $0x3FFFFFF8, s21;
	s24 =	sshra.s32 s20, $0x2  }
0x58: {  	s25 =	smul.u32 $0x44, s22;
	s1 =	sadd.s32 s19, s17;
	s19 =	sor.u32 $0x1B0, s18;
	[tilespmem:s27+$0x0 ss:$0x11] =	vst.msk $0xffff, v1;
	v1 =	vld.idx.msk [tilespmem:v0+s8+$0x40 ss:$0x1], $0xffff  }
0x59: {  	s26 =	sshll.u32 s22, $0x3;
	s22 =	sshll.u32 s19, $0x3;
	[tilespmem:s28+$0x0 ss:$0x11] =	vst.msk $0xffff, v2;
	v2 =	vld.idx.msk [tilespmem:v0+s4+$0x50 ss:$0x1], $0xffff;
	s4 =	sadd.s32 s24, s17  }
0x5a: {  	s27 =	sor.u32 $0x1A0, s18;
	[tilespmem:s29+$0x0 ss:$0x11] =	vst.msk $0xffff, v3;
	v3 =	vld.idx.msk [tilespmem:v0+s3+$0x60 ss:$0x1], $0xffff;
	s28 =	sand.u32 $0x1C00, s26;
	s29 =	sshra.s32 s25, $0x2  }
0x5b: {  	[tilespmem:s30+$0x0 ss:$0x11] =	vst.msk $0xffff, v58;
	v60 =	vld.idx.msk [tilespmem:v0+s6+$0x70 ss:$0x1], $0xffff;
	s24 =	sand.u32 $0x1C00, s22;
	s25 =	sor.u32 $0x1C0, s18;
	s26 =	smul.u32 $0x44, s19  }
0x5c: {  	[tilespmem:s0+$0x0 ss:$0x11] =	vst.msk $0xffff, v59;
	v61 =	vld.idx.msk [tilespmem:v0+s23+$0x0 ss:$0x1], $0xffff;
	s31 =	smul.u32 $0x44, s27;
	s6 =	sadd.s32 s29, s17;
	s13 =	sshll.u32 s27, $0x3  }
0x5d: {  	s27 =	sshll.u32 s25, $0x3;
	s19 =	smul.u32 $0x44, s25;
	s20 =	sand.u32 $0x1C00, s13;
	[tilespmem:s5+$0x0 ss:$0x11] =	vst.msk $0xffff, v1;
	v1 =	vld.idx.msk [tilespmem:v0+s28+$0x10 ss:$0x1], $0xffff  }
0x5e: {  	s29 =	sand.u32 $0x1C00, s27;
	s21 =	sshra.s32 s31, $0x2;
	[tilespmem:s7+$0x0 ss:$0x11] =	vst.msk $0xffff, v2;
	v2 =	vld.idx.msk [tilespmem:v0+s20+$0x20 ss:$0x1], $0xffff;
	s28 =	sor.u32 $0x1D0, s18  }
0x5f: {  	s31 =	sor.u32 $0x1E0, s18;
	s23 =	sadd.s32 s21, s17;
	[tilespmem:s2+$0x0 ss:$0x11] =	vst.msk $0xffff, v3;
	v3 =	vld.idx.msk [tilespmem:v0+s24+$0x30 ss:$0x1], $0xffff;
	s30 =	sshll.u32 s28, $0x3  }
0x60: {  	[tilespmem:s1+$0x0 ss:$0x11] =	vst.msk $0xffff, v60;
	v62 =	vld.idx.msk [tilespmem:v0+s29+$0x40 ss:$0x1], $0xffff;
	s13 =	sshll.u32 s31, $0x3;
	s18 =	sor.u32 $0x1F0, s18;
	s12 =	sand.u32 $0x1C00, s30  }
0x61: {  	[tilespmem:s4+$0x0 ss:$0x11] =	vst.msk $0xffff, v61;
	s20 =	sand.u32 $0x1C00, s13;
	s24 =	smul.u32 $0x44, s31;
	s21 =	sshll.u32 s18, $0x3;
	v63 =	vld.idx.msk [tilespmem:v0+s12+$0x50 ss:$0x1], $0xffff  }
0x62: {  	s0 =	sshra.s32 s26, $0x2;
	s22 =	smul.u32 $0x44, s28;
	s2 =	sand.u32 $0x1C00, s21;
	[tilespmem:s6+$0x0 ss:$0x11] =	vst.msk $0xffff, v1;
	v1 =	vld.idx.msk [tilespmem:v0+s20+$0x60 ss:$0x1], $0xffff  }
0x63: {  	s0 =	sadd.s32 s0, s17;
	s26 =	smul.u32 $0x44, s18;
	[tilespmem:s23+$0x0 ss:$0x11] =	vst.msk $0xffff, v2;
	v2 =	vld.idx.msk [tilespmem:v0+s2+$0x70 ss:$0x1], $0xffff;
	s23 =	sshra.s32 s19, $0x2  }
.Ltmp3:
0x64: {  	s1 =	sshra.s32 s22, $0x2;
	[tilespmem:s0+$0x0 ss:$0x11] =	vst.msk $0xffff, v3;
	s25 =	sadd.s32 s23, s17;
	(pc) =	sbr.rel @p1 .LBB1_4-.Ltmp3, $4  }
0x65: {  	s28 =	sshra.s32 s24, $0x2;
	s27 =	sadd.s32 s1, s17;
	[tilespmem:s25+$0x0 ss:$0x11] =	vst.msk $0xffff, v62  }
0x66: {  	s29 =	sadd.s32 s28, s17;
	s30 =	sshra.s32 s26, $0x2;
	[tilespmem:s27+$0x0 ss:$0x11] =	vst.msk $0xffff, v63  }
0x67: {  	s31 =	sadd.s32 s30, s17;
	[tilespmem:s29+$0x0 ss:$0x11] =	vst.msk $0xffff, v1  }
0x68: {  	p0 =	por $0x0, $0x0;
	s18 =	simm.s32 $0x200;
	[tilespmem:s31+$0x0 ss:$0x11] =	vst.msk $0xffff, v2  }
0x69: {  	s16 =	sadd.s32 $0x1, s16  }
0x6a: {  	p0 =	sne.s32 s16, $0x10  }
.Ltmp4:
0x6b: {  	_ = 	snop;
	(pc) =	sbr.rel @p0 .LBB1_3-.Ltmp4, $1  }
0x6c: {  	_ =	sdelay $0x3  }
0x6d: {  	s0 =	rddreg [dreg:$0x9]  }
0x6e: {  	s3 =	rddreg [dreg:$0x8]  }
0x6f: {  	s0 =	sshll.u32 s0, $0x7;
	s1 =	sshll.u32 s3, $0x3  }
0x70: {  	s2 =	sand.u32 $0xFFFFFC00, s0;
	s1 =	sand.u32 $0xFFFFFC00, s1  }
0x71: {  	s0 =	sand.u32 $0x380, s0;
	s1 =	sadd.s32 s1, s2  }
0x72: {  	s0 =	sor.u32 s0, s1  }
0x73: {  	s0 =	sshrl.u32 s0, $0x7  }
0x74: {  	s29 =	rddreg [dreg:$0x4];
	s25 =	smulhi.u32 $0x1A36E2F, s0  }
0x75: {  	s6 =	rddreg [dreg:$0x2]  }
0x76: {  	s7 =	rddreg [dreg:$0x3];
	s1 =	sshrl.u32 s25, $0xD  }
0x77: {  	s31 =	simm.s32 $0x80;
	s8 =	rddreg [dreg:$0x5];
	s1 =	smul.u32 $0x138800, s1  }
.Ltmp5:
0x78: {  	s9 =	rddreg [dreg:$0x6];
	s26 =	sshrl.u32 s3, $0x3;
	(pc) =	sbr.rel .LBB1_7-.Ltmp5, $4  }
0x79: {  	s28 =	sand.u32 $0x7, s3;
	s27 =	sand.u32 $0xF, s26;
	s0 =	ssub.s32 s0, s1  }
0x7a: {  	s2 =	sshll.u32 s28, $0x12;
	s1 =	sadd.s32 s29, s27;
	s0 =	sshll.u32 s0, $0x4  }
0x7b: {  	s12 =	rddreg [dreg:$0x7];
	s30 =	sor.u32 $0x10, s2;
	s0 =	sadd.s32 s0, s1  }
0x7c: {  	[hbm4b:s0+s30] =	stream.strided.scatter [tilespmem:s14], [sflag:$0x2], $0x4000, s31, s30, $0x8;
	[tilespmem:$0x10800] =	vst v63  }
.LBB1_8:
0x7d: {  	_ =	sfence.sel $0x180000  }
0x7e: {  	s0 =	simm.s32 $0x1;
	[bflag:$0x0] =	sbarrier.arrive $0xFFFF  }
0x7f: {  	s30 =	simm.s32 $0x2;
	[sflag:s0] =	ssyncpa.u1 $0x1  }
0x80: {  	[sflag:s30] =	ssyncpa.u1 $0x1  }
0x81: {  	_ =	strace $0x90000047  }
0x82: {  	s31 =	stileid.u32;
	[bflag:$0x2] =	sbarrier.arrive $0xFFFF  }
0x83: {  	p0 =	sne.s32 s31, $0x0;
	s0 =	rddreg [dreg:$0x1]  }
0x84: {  	s0 =	sadd.s32 @!p0 $0x100000, s0  }
0x85: {  	[sflag:s0] =	ssyncadd.tile.s32 @!p0 $0x1;
	_ =	shalt  }
.Lfunc_end1:
_tile_overlayer_lowered:
.L_overlay_start_2:
0x86: {  	(tag) =	ssettag $0x2  }
0x87: {  	s0 =	rddreg [dreg:$0x0];
	s2 =	stileid.u32  }
0x88: {  	s1 =	rddreg [dreg:$0x1];
	p0 =	sne.s32 s2, $0x0  }
0x89: {  	s3 =	rddreg [dreg:$0x2];
	[bflag:$0x3] =	sbarrier.arrive $0xFFFF;
	s2 =	simm.s32 @!p0 $0x1C01  }
0x8a: {  	[timem:s3], [sflag:s2] =	dma.local @!p0 [hbm:s0], s1  }
0x8b: {  	s0 =	simm.s32 @!p0 $0x1  }
0x8c: {  	_ =	swait.ge @!p0 [sflag:s0], s1  }
0x8d: {  	s1 =	ssub.s32 @!p0 $0x0, s1;
	[sflag:s0] =	ssyncset.done @!p0 $0x0  }
0x8e: {  	[sflag:s0] =	ssyncadd.s32 @!p0 s1  }
0x8f: {  	[bflag:$0x3] =	sbarrier.arrive $0xFFFF  }
0x90: {  	_ =	shalt  }

</sc_bundles>
